<compile_context>
chip_gen: v7x
topology: tpu7x:2x2x1
jax: 0.10.2.dev20260603
libtpu: 0.0.44.dev20260713+nightly
codegen_flags: <defaults>
</compile_context>

<pallas_src>
import functools

import jax
import jax.numpy as jnp
from jax import lax
from jax.experimental import pallas as pl
from jax.experimental.pallas import tpu as pltpu
from jax.experimental.pallas import tpu_sc as plsc

_N = 10000
_E = 320000
_D = 128
_NC = 2
_NS = 16
_NW = _NC * _NS
_EPW = _E // _NW
_GCH = 80
_NCH = _EPW // _GCH
_RPW = 624

_mesh = plsc.VectorSubcoreMesh(core_axis_name="c", subcore_axis_name="s")



def _mlp2_body(x_ref, w1_ref, b1_ref, w2_ref, b2_ref, o_ref, *, residual):
    x = x_ref[...]
    h = jnp.dot(x, w1_ref[...], preferred_element_type=jnp.float32) + b1_ref[...]
    o = jnp.dot(h, w2_ref[...], preferred_element_type=jnp.float32) + b2_ref[...]
    if residual:
        o = o + x
    o_ref[...] = o


def _mlp2(x, W1, b1, W2, b2, blk, residual=False):
    R, K = x.shape
    Kh = W1.shape[1]
    Ko = W2.shape[1]
    return pl.pallas_call(
        functools.partial(_mlp2_body, residual=residual),
        grid=(R // blk,),
        in_specs=[
            pl.BlockSpec((blk, K), lambda i: (i, 0)),
            pl.BlockSpec((K, Kh), lambda i: (0, 0)),
            pl.BlockSpec((1, Kh), lambda i: (0, 0)),
            pl.BlockSpec((Kh, Ko), lambda i: (0, 0)),
            pl.BlockSpec((1, Ko), lambda i: (0, 0)),
        ],
        out_specs=pl.BlockSpec((blk, Ko), lambda i: (i, 0)),
        out_shape=jax.ShapeDtypeStruct((R, Ko), jnp.float32),
    )(x, W1, b1.reshape(1, -1), W2, b2.reshape(1, -1))


def _ab_body(x_ref, ws_ref, wd_ref, a_ref, b_ref):
    x = x_ref[...]
    a_ref[...] = jnp.dot(x, ws_ref[...], preferred_element_type=jnp.float32)
    b_ref[...] = jnp.dot(x, wd_ref[...], preferred_element_type=jnp.float32)


def _ab(h_n, Ws, Wd, blk=2000):
    return pl.pallas_call(
        _ab_body,
        grid=(_N // blk,),
        in_specs=[
            pl.BlockSpec((blk, _D), lambda i: (i, 0)),
            pl.BlockSpec((_D, _D), lambda i: (0, 0)),
            pl.BlockSpec((_D, _D), lambda i: (0, 0)),
        ],
        out_specs=[pl.BlockSpec((blk, _D), lambda i: (i, 0))] * 2,
        out_shape=[jax.ShapeDtypeStruct((_N, _D), jnp.float32)] * 2,
    )(h_n, Ws, Wd)


def _edge_body(ra_ref, rb_ref, he_ref, we_ref, w2_ref, b1_ref, b2_ref, o_ref):
    he = he_ref[...]
    h1 = (ra_ref[...] + rb_ref[...] + b1_ref[...]
          + jnp.dot(he, we_ref[...], preferred_element_type=jnp.float32))
    o_ref[...] = (jnp.dot(h1, w2_ref[...], preferred_element_type=jnp.float32)
                  + b2_ref[...] + he)


def _edge_step(ra, rb, h_e, We, W2, b1, b2, blk=4000):
    return pl.pallas_call(
        _edge_body,
        grid=(_E // blk,),
        in_specs=[
            pl.BlockSpec((blk, _D), lambda i: (i, 0)),
            pl.BlockSpec((blk, _D), lambda i: (i, 0)),
            pl.BlockSpec((blk, _D), lambda i: (i, 0)),
            pl.BlockSpec((_D, _D), lambda i: (0, 0)),
            pl.BlockSpec((_D, _D), lambda i: (0, 0)),
            pl.BlockSpec((1, _D), lambda i: (0, 0)),
            pl.BlockSpec((1, _D), lambda i: (0, 0)),
        ],
        out_specs=pl.BlockSpec((blk, _D), lambda i: (i, 0)),
        out_shape=jax.ShapeDtypeStruct((_E, _D), jnp.float32),
    )(ra, rb, h_e, We, W2, b1.reshape(1, -1), b2.reshape(1, -1))


def _node_body(hn_ref, p0_ref, p1_ref, w1a_ref, w1b_ref, b1_ref, w2_ref,
               b2_ref, o_ref):
    hn = hn_ref[...]
    agg = p0_ref[...] + p1_ref[...]
    h = (jnp.dot(hn, w1a_ref[...], preferred_element_type=jnp.float32)
         + jnp.dot(agg, w1b_ref[...], preferred_element_type=jnp.float32)
         + b1_ref[...])
    o_ref[...] = (jnp.dot(h, w2_ref[...], preferred_element_type=jnp.float32)
                  + b2_ref[...] + hn)


def _node_step(h_n, parts, W1a, W1b, b1, W2, b2, blk=1000):
    nb = _N // blk
    return pl.pallas_call(
        _node_body,
        grid=(nb,),
        in_specs=[
            pl.BlockSpec((blk, _D), lambda i: (i, 0)),
            pl.BlockSpec((blk, _D), lambda i: (i, 0)),
            pl.BlockSpec((blk, _D), lambda i, nb=nb: (i + nb, 0)),
            pl.BlockSpec((_D, _D), lambda i: (0, 0)),
            pl.BlockSpec((_D, _D), lambda i: (0, 0)),
            pl.BlockSpec((1, _D), lambda i: (0, 0)),
            pl.BlockSpec((_D, _D), lambda i: (0, 0)),
            pl.BlockSpec((1, _D), lambda i: (0, 0)),
        ],
        out_specs=pl.BlockSpec((blk, _D), lambda i: (i, 0)),
        out_shape=jax.ShapeDtypeStruct((_N, _D), jnp.float32),
    )(h_n, parts, parts, W1a, W1b, b1.reshape(1, -1), W2, b2.reshape(1, -1))



_GSLOT = 4
_SSLOT = 2


@functools.partial(
    pl.kernel,
    out_type=(jax.ShapeDtypeStruct((_E, _D), jnp.float32),
              jax.ShapeDtypeStruct((_E, _D), jnp.float32)),
    mesh=_mesh,
    scratch_types=(
        [pltpu.VMEM((_NCH, _GCH), jnp.int32)] * 2
        + [pltpu.VMEM((_GCH, _D), jnp.float32)] * (2 * _GSLOT)
        + [pltpu.SemaphoreType.DMA] * (2 * _GSLOT)
    ),
)
def _gather_ab(a_hbm, b_hbm, src3_hbm, dst3_hbm, oa_hbm, ob_hbm,
               sidx, didx, *bufs):
    ras = bufs[0:_GSLOT]
    rbs = bufs[_GSLOT:2 * _GSLOT]
    gsem = bufs[2 * _GSLOT:3 * _GSLOT]
    wsem = bufs[3 * _GSLOT:4 * _GSLOT]
    wid = lax.axis_index("s") * _NC + lax.axis_index("c")
    base = wid * _EPW
    pltpu.sync_copy(src3_hbm.at[wid], sidx)
    pltpu.sync_copy(dst3_hbm.at[wid], didx)

    def issue(j, slot):
        pltpu.async_copy(a_hbm.at[sidx.at[j]], ras[slot], gsem[slot])
        pltpu.async_copy(b_hbm.at[didx.at[j]], rbs[slot], gsem[slot])

    def wait_gathers(slot):
        pltpu.make_async_copy(a_hbm.at[sidx.at[0]], ras[slot],
                              gsem[slot]).wait()
        pltpu.make_async_copy(b_hbm.at[didx.at[0]], rbs[slot],
                              gsem[slot]).wait()

    for s in range(_GSLOT):
        issue(s, s)

    def body(jj, carry):
        for s in range(_GSLOT):
            j = jj * _GSLOT + s
            wait_gathers(s)
            off = base + j * _GCH
            pltpu.async_copy(ras[s], oa_hbm.at[pl.ds(off, _GCH)], wsem[s])
            pltpu.async_copy(rbs[s], ob_hbm.at[pl.ds(off, _GCH)], wsem[s])
        for s in range(_GSLOT):
            j = jj * _GSLOT + _GSLOT + s
            pltpu.make_async_copy(ras[s], oa_hbm.at[pl.ds(0, _GCH)],
                                  wsem[s]).wait()
            pltpu.make_async_copy(rbs[s], ob_hbm.at[pl.ds(0, _GCH)],
                                  wsem[s]).wait()

            @pl.when(j <= _NCH - 1)
            def _():
                issue(j, s)
        return carry

    lax.fori_loop(0, (_NCH - 1) // _GSLOT, body, 0)
    wait_gathers(0)
    off = base + (_NCH - 1) * _GCH
    pltpu.sync_copy(ras[0], oa_hbm.at[pl.ds(off, _GCH)])
    pltpu.sync_copy(rbs[0], ob_hbm.at[pl.ds(off, _GCH)])


@functools.partial(
    pl.kernel,
    out_type=jax.ShapeDtypeStruct((2 * _N, _D), jnp.float32),
    mesh=_mesh,
    scratch_types=(
        [pltpu.VMEM((_NCH, _GCH), jnp.int32)]
        + [pltpu.VMEM((_GCH, _D), jnp.float32)] * _SSLOT
        + [pltpu.VMEM_SHARED((_N, _D), jnp.float32)]
        + [pltpu.SemaphoreType.DMA] * _SSLOT
    ),
)
def _scatter_dst(x_hbm, dst3_hbm, zeros_hbm, out_hbm, didx, *bufs):
    rs = bufs[0:_SSLOT]
    acc = bufs[_SSLOT]
    lsem = bufs[_SSLOT + 1:2 * _SSLOT + 1]
    c = lax.axis_index("c")
    s = lax.axis_index("s")
    wid = s * _NC + c
    base = wid * _EPW

    @pl.when(s == 0)
    def _():
        pltpu.sync_copy(zeros_hbm, acc)

    pltpu.sync_copy(dst3_hbm.at[wid], didx)
    plsc.subcore_barrier()

    def issue(j, slot):
        pltpu.async_copy(x_hbm.at[pl.ds(base + j * _GCH, _GCH)], rs[slot],
                         lsem[slot])

    def drain_scatter(j, slot):
        pltpu.make_async_copy(x_hbm.at[pl.ds(0, _GCH)], rs[slot],
                              lsem[slot]).wait()
        pltpu.sync_copy(rs[slot], acc.at[didx.at[j]], add=True)

    for s2 in range(_SSLOT):
        issue(s2, s2)

    def body(jj, carry):
        for s2 in range(_SSLOT):
            j = jj * _SSLOT + s2
            drain_scatter(j, s2)
            nxt = j + _SSLOT

            @pl.when(nxt <= _NCH - 1)
            def _():
                issue(nxt, s2)
        return carry

    lax.fori_loop(0, (_NCH - 1) // _SSLOT, body, 0)
    drain_scatter(_NCH - 1, 0)

    plsc.subcore_barrier()

    @pl.when(s < _NS - 1)
    def _():
        pltpu.sync_copy(acc.at[pl.ds(s * _RPW, _RPW)],
                        out_hbm.at[pl.ds(c * _N + s * _RPW, _RPW)])

    @pl.when(s == _NS - 1)
    def _():
        tail = _N - (_NS - 1) * _RPW
        pltpu.sync_copy(acc.at[pl.ds((_NS - 1) * _RPW, tail)],
                        out_hbm.at[pl.ds(c * _N + (_NS - 1) * _RPW, tail)])



def kernel(node_features_in, edge_features_in, edges_indexes,
           enc_n_W1, enc_n_b1, enc_n_W2, enc_n_b2,
           enc_e_W1, enc_e_b1, enc_e_W2, enc_e_b2,
           proc_e_W1, proc_e_b1, proc_e_W2, proc_e_b2,
           proc_n_W1, proc_n_b1, proc_n_W2, proc_n_b2,
           dec_n_W1, dec_n_b1, dec_n_W2, dec_n_b2):
    src3 = edges_indexes[0].reshape(_NW, _NCH, _GCH)
    dst3 = edges_indexes[1].reshape(_NW, _NCH, _GCH)
    zeros = jnp.zeros((_N, _D), jnp.float32)

    h_n = _mlp2(node_features_in, enc_n_W1, enc_n_b1, enc_n_W2, enc_n_b2,
                blk=1000)
    h_e = _mlp2(edge_features_in, enc_e_W1, enc_e_b1, enc_e_W2, enc_e_b2,
                blk=4000)

    for t in range(4):
        Ws = proc_e_W1[t, :_D]
        Wd = proc_e_W1[t, _D:2 * _D]
        We = proc_e_W1[t, 2 * _D:]
        A, B = _ab(h_n, Ws, Wd)
        ra, rb = _gather_ab(A, B, src3, dst3)
        e_new = _edge_step(ra, rb, h_e, We, proc_e_W2[t], proc_e_b1[t],
                           proc_e_b2[t])
        parts = _scatter_dst(e_new, dst3, zeros)
        h_n = _node_step(h_n, parts, proc_n_W1[t, :_D], proc_n_W1[t, _D:],
                         proc_n_b1[t], proc_n_W2[t], proc_n_b2[t])
        h_e = e_new

    return _mlp2(h_n, dec_n_W1, dec_n_b1, dec_n_W2, dec_n_b2, blk=1000)

# --- scband reference (transcript-rebuilt; emitter-appended) ---
"""Pipeline reference for scband-encode-process-decode-28862180229753 (READ-ONLY COPY).

The authoritative reference and input builder live on the scoring server;
editing this copy changes nothing except your own understanding.
"""

import jax, jax.numpy as jnp
import numpy as np

N = 10000
E = 320000
D = 128
DE = 16
H = 128
T = 4


def _mlp(x, W1, b1, W2, b2):
    h = jnp.dot(x, W1) + b1
    return jnp.dot(h, W2) + b2


def setup_inputs(seed: int = 0) -> dict:
    key = jax.random.key(seed)
    ks = jax.random.split(key, 16)
    s = 0.05
    inp = {}
    inp["node_features_in"] = jax.random.normal(ks[0], (N, D), dtype=jnp.float32)
    inp["edge_features_in"] = jax.random.normal(ks[1], (E, DE), dtype=jnp.float32)
    inp["edges_indexes"] = jax.random.randint(ks[2], (2, E), 0, N, dtype=jnp.int32)
    inp["enc_n_W1"] = jax.random.normal(ks[3], (D, H), dtype=jnp.float32) * s
    inp["enc_n_b1"] = jnp.zeros((H,), jnp.float32)
    inp["enc_n_W2"] = jax.random.normal(ks[4], (H, D), dtype=jnp.float32) * s
    inp["enc_n_b2"] = jnp.zeros((D,), jnp.float32)
    inp["enc_e_W1"] = jax.random.normal(ks[5], (DE, H), dtype=jnp.float32) * s
    inp["enc_e_b1"] = jnp.zeros((H,), jnp.float32)
    inp["enc_e_W2"] = jax.random.normal(ks[6], (H, D), dtype=jnp.float32) * s
    inp["enc_e_b2"] = jnp.zeros((D,), jnp.float32)
    inp["proc_e_W1"] = jax.random.normal(ks[7], (T, 3 * D, H), dtype=jnp.float32) * s
    inp["proc_e_b1"] = jnp.zeros((T, H), jnp.float32)
    inp["proc_e_W2"] = jax.random.normal(ks[8], (T, H, D), dtype=jnp.float32) * s
    inp["proc_e_b2"] = jnp.zeros((T, D), jnp.float32)
    inp["proc_n_W1"] = jax.random.normal(ks[9], (T, 2 * D, H), dtype=jnp.float32) * s
    inp["proc_n_b1"] = jnp.zeros((T, H), jnp.float32)
    inp["proc_n_W2"] = jax.random.normal(ks[10], (T, H, D), dtype=jnp.float32) * s
    inp["proc_n_b2"] = jnp.zeros((T, D), jnp.float32)
    inp["dec_n_W1"] = jax.random.normal(ks[11], (D, H), dtype=jnp.float32) * s
    inp["dec_n_b1"] = jnp.zeros((H,), jnp.float32)
    inp["dec_n_W2"] = jax.random.normal(ks[12], (H, D), dtype=jnp.float32) * s
    inp["dec_n_b2"] = jnp.zeros((D,), jnp.float32)
    return inp


def reference(node_features_in, edge_features_in, edges_indexes, enc_n_W1, enc_n_b1, enc_n_W2, enc_n_b2, enc_e_W1, enc_e_b1, enc_e_W2, enc_e_b2, proc_e_W1, proc_e_b1, proc_e_W2, proc_e_b2, proc_n_W1, proc_n_b1, proc_n_W2, proc_n_b2, dec_n_W1, dec_n_b1, dec_n_W2, dec_n_b2):
    src = edges_indexes[0]
    dst = edges_indexes[1]
    # Encoder: graph-independent MLPs (identity activations -> linear chain)
    h_n = _mlp(node_features_in, enc_n_W1, enc_n_b1, enc_n_W2, enc_n_b2)
    h_e = _mlp(edge_features_in, enc_e_W1, enc_e_b1, enc_e_W2, enc_e_b2)
    # Processor: T unshared interaction-network steps with residual connections
    for t in range(T):
        m_in = jnp.concatenate([h_n[src], h_n[dst], h_e], axis=-1)
        e_new = _mlp(m_in, proc_e_W1[t], proc_e_b1[t], proc_e_W2[t], proc_e_b2[t]) + h_e
        agg = jax.ops.segment_sum(e_new, dst, num_segments=N)
        n_in = jnp.concatenate([h_n, agg], axis=-1)
        h_n = _mlp(n_in, proc_n_W1[t], proc_n_b1[t], proc_n_W2[t], proc_n_b2[t]) + h_n
        h_e = e_new
    # Decoder: graph-independent node MLP
    node_out = _mlp(h_n, dec_n_W1, dec_n_b1, dec_n_W2, dec_n_b2)
    return node_out

if __name__ == "__main__":
    import jax
    _d = setup_inputs()
    print(jax.jit(kernel)(*tuple(_d.values())))

</pallas_src>

<mosaic_0001>
#map = affine_map<(d0, d1) -> (0, 0)>
#map1 = affine_map<(d0, d1) -> (0, 0, 0)>
module attributes {stable_mosaic.version = 14 : i64} {
  func.func @_gather_ab(%arg0: i32, %arg1: i32, %arg2: memref<10000x128xf32, #tpu.memory_space<hbm>>, %arg3: memref<10000x128xf32, #tpu.memory_space<hbm>>, %arg4: memref<32x125x80xi32, #tpu.memory_space<hbm>>, %arg5: memref<32x125x80xi32, #tpu.memory_space<hbm>>, %arg6: memref<320000x128xf32, #tpu.memory_space<hbm>>, %arg7: memref<320000x128xf32, #tpu.memory_space<hbm>>, %arg8: memref<125x80xi32, #tpu.memory_space<vmem>>, %arg9: memref<125x80xi32, #tpu.memory_space<vmem>>, %arg10: memref<80x128xf32, #tpu.memory_space<vmem>>, %arg11: memref<80x128xf32, #tpu.memory_space<vmem>>, %arg12: memref<80x128xf32, #tpu.memory_space<vmem>>, %arg13: memref<80x128xf32, #tpu.memory_space<vmem>>, %arg14: memref<80x128xf32, #tpu.memory_space<vmem>>, %arg15: memref<80x128xf32, #tpu.memory_space<vmem>>, %arg16: memref<80x128xf32, #tpu.memory_space<vmem>>, %arg17: memref<80x128xf32, #tpu.memory_space<vmem>>, %arg18: memref<!tpu.dma_semaphore, #tpu.memory_space<semaphore_mem>>, %arg19: memref<!tpu.dma_semaphore, #tpu.memory_space<semaphore_mem>>, %arg20: memref<!tpu.dma_semaphore, #tpu.memory_space<semaphore_mem>>, %arg21: memref<!tpu.dma_semaphore, #tpu.memory_space<semaphore_mem>>, %arg22: memref<!tpu.dma_semaphore, #tpu.memory_space<semaphore_mem>>, %arg23: memref<!tpu.dma_semaphore, #tpu.memory_space<semaphore_mem>>, %arg24: memref<!tpu.dma_semaphore, #tpu.memory_space<semaphore_mem>>, %arg25: memref<!tpu.dma_semaphore, #tpu.memory_space<semaphore_mem>>) attributes {dimension_semantics = [#tpu.dimension_semantics<core_parallel>, #tpu.dimension_semantics<subcore_parallel>], iteration_bounds = array<i64: 2, 16>, scalar_prefetch = 0 : i64, scratch_operands = 18 : i64, tpu.core_type = #tpu.core_type<sc_vector_subcore>, window_params = [{transform_indices = #map}, {transform_indices = #map}, {transform_indices = #map1}, {transform_indices = #map1}, {transform_indices = #map}, {transform_indices = #map}]} {
    %mul3A = arith.constant 2 : i32
    %mul3A_0 = arith.muli %arg1, %mul3A : i32
    %add3A = arith.addi %mul3A_0, %arg0 : i32
    %mul3A_1 = arith.constant 10000 : i32
    %mul3A_2 = arith.muli %add3A, %mul3A_1 : i32
    "tpu.region"() ({
      %run_scoped3A = tpu.sem_alloc : memref<!tpu.dma_semaphore, #tpu.memory_space<semaphore_mem>>
      %dma_start3A_78 = arith.constant 0 : i32
      %dma_start3A_79 = arith.constant 0 : i32
      %dma_start3A_80 = tpu.memref_slice %arg4[%add3A, %dma_start3A_78, %dma_start3A_79] : memref<32x125x80xi32, #tpu.memory_space<hbm>> -> memref<1x125x80xi32, #tpu.memory_space<hbm>>
      %dma_start3A_81 = tpu.memref_squeeze %dma_start3A_80 : memref<1x125x80xi32, #tpu.memory_space<hbm>> -> memref<125x80xi32, #tpu.memory_space<hbm>>
      %dma_start3A_82 = arith.constant 0 : i32
      %dma_start3A_83 = arith.constant 0 : i32
      %dma_start3A_84 = tpu.memref_slice %arg4[%add3A, %dma_start3A_82, %dma_start3A_83] : memref<32x125x80xi32, #tpu.memory_space<hbm>> -> memref<1x125x80xi32, #tpu.memory_space<hbm>>
      %dma_start3A_85 = tpu.memref_squeeze %dma_start3A_84 : memref<1x125x80xi32, #tpu.memory_space<hbm>> -> memref<125x80xi32, #tpu.memory_space<hbm>>
      tpu.enqueue_dma source(%dma_start3A_85 : memref<125x80xi32, #tpu.memory_space<hbm>>) target(%arg8 : memref<125x80xi32, #tpu.memory_space<vmem>>) target_semaphore(%run_scoped3A : memref<!tpu.dma_semaphore, #tpu.memory_space<semaphore_mem>>)
      %dma_wait3A_86 = arith.constant 0 : i32
      %dma_wait3A_87 = arith.constant 0 : i32
      %dma_wait3A_88 = tpu.memref_slice %arg4[%add3A, %dma_wait3A_86, %dma_wait3A_87] : memref<32x125x80xi32, #tpu.memory_space<hbm>> -> memref<1x125x80xi32, #tpu.memory_space<hbm>>
      %dma_wait3A_89 = tpu.memref_squeeze %dma_wait3A_88 : memref<1x125x80xi32, #tpu.memory_space<hbm>> -> memref<125x80xi32, #tpu.memory_space<hbm>>
      %dma_wait3A_90 = arith.constant 0 : i32
      %dma_wait3A_91 = arith.constant 0 : i32
      %dma_wait3A_92 = tpu.memref_slice %arg4[%add3A, %dma_wait3A_90, %dma_wait3A_91] : memref<32x125x80xi32, #tpu.memory_space<hbm>> -> memref<1x125x80xi32, #tpu.memory_space<hbm>>
      %dma_wait3A_93 = tpu.memref_squeeze %dma_wait3A_92 : memref<1x125x80xi32, #tpu.memory_space<hbm>> -> memref<125x80xi32, #tpu.memory_space<hbm>>
      tpu.wait_dma2 semaphore(%run_scoped3A : memref<!tpu.dma_semaphore, #tpu.memory_space<semaphore_mem>>) src(%dma_wait3A_93 : memref<125x80xi32, #tpu.memory_space<hbm>>) dst(%arg8 : memref<125x80xi32, #tpu.memory_space<vmem>>)
      tpu.yield
    }) : () -> ()
    "tpu.region"() ({
      %run_scoped3A = tpu.sem_alloc : memref<!tpu.dma_semaphore, #tpu.memory_space<semaphore_mem>>
      %dma_start3A_78 = arith.constant 0 : i32
      %dma_start3A_79 = arith.constant 0 : i32
      %dma_start3A_80 = tpu.memref_slice %arg5[%add3A, %dma_start3A_78, %dma_start3A_79] : memref<32x125x80xi32, #tpu.memory_space<hbm>> -> memref<1x125x80xi32, #tpu.memory_space<hbm>>
      %dma_start3A_81 = tpu.memref_squeeze %dma_start3A_80 : memref<1x125x80xi32, #tpu.memory_space<hbm>> -> memref<125x80xi32, #tpu.memory_space<hbm>>
      %dma_start3A_82 = arith.constant 0 : i32
      %dma_start3A_83 = arith.constant 0 : i32
      %dma_start3A_84 = tpu.memref_slice %arg5[%add3A, %dma_start3A_82, %dma_start3A_83] : memref<32x125x80xi32, #tpu.memory_space<hbm>> -> memref<1x125x80xi32, #tpu.memory_space<hbm>>
      %dma_start3A_85 = tpu.memref_squeeze %dma_start3A_84 : memref<1x125x80xi32, #tpu.memory_space<hbm>> -> memref<125x80xi32, #tpu.memory_space<hbm>>
      tpu.enqueue_dma source(%dma_start3A_85 : memref<125x80xi32, #tpu.memory_space<hbm>>) target(%arg9 : memref<125x80xi32, #tpu.memory_space<vmem>>) target_semaphore(%run_scoped3A : memref<!tpu.dma_semaphore, #tpu.memory_space<semaphore_mem>>)
      %dma_wait3A_86 = arith.constant 0 : i32
      %dma_wait3A_87 = arith.constant 0 : i32
      %dma_wait3A_88 = tpu.memref_slice %arg5[%add3A, %dma_wait3A_86, %dma_wait3A_87] : memref<32x125x80xi32, #tpu.memory_space<hbm>> -> memref<1x125x80xi32, #tpu.memory_space<hbm>>
      %dma_wait3A_89 = tpu.memref_squeeze %dma_wait3A_88 : memref<1x125x80xi32, #tpu.memory_space<hbm>> -> memref<125x80xi32, #tpu.memory_space<hbm>>
      %dma_wait3A_90 = arith.constant 0 : i32
      %dma_wait3A_91 = arith.constant 0 : i32
      %dma_wait3A_92 = tpu.memref_slice %arg5[%add3A, %dma_wait3A_90, %dma_wait3A_91] : memref<32x125x80xi32, #tpu.memory_space<hbm>> -> memref<1x125x80xi32, #tpu.memory_space<hbm>>
      %dma_wait3A_93 = tpu.memref_squeeze %dma_wait3A_92 : memref<1x125x80xi32, #tpu.memory_space<hbm>> -> memref<125x80xi32, #tpu.memory_space<hbm>>
      tpu.wait_dma2 semaphore(%run_scoped3A : memref<!tpu.dma_semaphore, #tpu.memory_space<semaphore_mem>>) src(%dma_wait3A_93 : memref<125x80xi32, #tpu.memory_space<hbm>>) dst(%arg9 : memref<125x80xi32, #tpu.memory_space<vmem>>)
      tpu.yield
    }) : () -> ()
    %dma_start3A = arith.constant 0 : i32
    %dma_start3A_3 = arith.constant 0 : i32
    %dma_start3A_4 = tpu.memref_slice %arg8[%dma_start3A, %dma_start3A_3] : memref<125x80xi32, #tpu.memory_space<vmem>> -> memref<1x80xi32, #tpu.memory_space<vmem>>
    %dma_start3A_5 = tpu.memref_squeeze %dma_start3A_4 : memref<1x80xi32, #tpu.memory_space<vmem>> -> memref<80xi32, #tpu.memory_space<vmem>>
    %dma_start3A_6 = arith.constant 0 : i32
    %dma_start3A_7 = arith.constant 0 : i32
    %dma_start3A_8 = tpu.memref_slice %arg2[%dma_start3A_6, %dma_start3A_7] : memref<10000x128xf32, #tpu.memory_space<hbm>> -> memref<10000x128xf32, #tpu.memory_space<hbm>>
    tpu.enqueue_indirect_dma source(%dma_start3A_8 : memref<10000x128xf32, #tpu.memory_space<hbm>>) target(%arg10 : memref<80x128xf32, #tpu.memory_space<vmem>>) offsets(%dma_start3A_5 : memref<80xi32, #tpu.memory_space<vmem>>) semaphore(%arg18 : memref<!tpu.dma_semaphore, #tpu.memory_space<semaphore_mem>>)
    %dma_start3A_9 = arith.constant 0 : i32
    %dma_start3A_10 = arith.constant 0 : i32
    %dma_start3A_11 = tpu.memref_slice %arg9[%dma_start3A_9, %dma_start3A_10] : memref<125x80xi32, #tpu.memory_space<vmem>> -> memref<1x80xi32, #tpu.memory_space<vmem>>
    %dma_start3A_12 = tpu.memref_squeeze %dma_start3A_11 : memref<1x80xi32, #tpu.memory_space<vmem>> -> memref<80xi32, #tpu.memory_space<vmem>>
    %dma_start3A_13 = arith.constant 0 : i32
    %dma_start3A_14 = arith.constant 0 : i32
    %dma_start3A_15 = tpu.memref_slice %arg3[%dma_start3A_13, %dma_start3A_14] : memref<10000x128xf32, #tpu.memory_space<hbm>> -> memref<10000x128xf32, #tpu.memory_space<hbm>>
    tpu.enqueue_indirect_dma source(%dma_start3A_15 : memref<10000x128xf32, #tpu.memory_space<hbm>>) target(%arg14 : memref<80x128xf32, #tpu.memory_space<vmem>>) offsets(%dma_start3A_12 : memref<80xi32, #tpu.memory_space<vmem>>) semaphore(%arg18 : memref<!tpu.dma_semaphore, #tpu.memory_space<semaphore_mem>>)
    %dma_start3A_16 = arith.constant 1 : i32
    %dma_start3A_17 = arith.constant 0 : i32
    %dma_start3A_18 = tpu.memref_slice %arg8[%dma_start3A_16, %dma_start3A_17] : memref<125x80xi32, #tpu.memory_space<vmem>> -> memref<1x80xi32, #tpu.memory_space<vmem>>
    %dma_start3A_19 = tpu.memref_squeeze %dma_start3A_18 : memref<1x80xi32, #tpu.memory_space<vmem>> -> memref<80xi32, #tpu.memory_space<vmem>>
    %dma_start3A_20 = arith.constant 0 : i32
    %dma_start3A_21 = arith.constant 0 : i32
    %dma_start3A_22 = tpu.memref_slice %arg2[%dma_start3A_20, %dma_start3A_21] : memref<10000x128xf32, #tpu.memory_space<hbm>> -> memref<10000x128xf32, #tpu.memory_space<hbm>>
    tpu.enqueue_indirect_dma source(%dma_start3A_22 : memref<10000x128xf32, #tpu.memory_space<hbm>>) target(%arg11 : memref<80x128xf32, #tpu.memory_space<vmem>>) offsets(%dma_start3A_19 : memref<80xi32, #tpu.memory_space<vmem>>) semaphore(%arg19 : memref<!tpu.dma_semaphore, #tpu.memory_space<semaphore_mem>>)
    %dma_start3A_23 = arith.constant 1 : i32
    %dma_start3A_24 = arith.constant 0 : i32
    %dma_start3A_25 = tpu.memref_slice %arg9[%dma_start3A_23, %dma_start3A_24] : memref<125x80xi32, #tpu.memory_space<vmem>> -> memref<1x80xi32, #tpu.memory_space<vmem>>
    %dma_start3A_26 = tpu.memref_squeeze %dma_start3A_25 : memref<1x80xi32, #tpu.memory_space<vmem>> -> memref<80xi32, #tpu.memory_space<vmem>>
    %dma_start3A_27 = arith.constant 0 : i32
    %dma_start3A_28 = arith.constant 0 : i32
    %dma_start3A_29 = tpu.memref_slice %arg3[%dma_start3A_27, %dma_start3A_28] : memref<10000x128xf32, #tpu.memory_space<hbm>> -> memref<10000x128xf32, #tpu.memory_space<hbm>>
    tpu.enqueue_indirect_dma source(%dma_start3A_29 : memref<10000x128xf32, #tpu.memory_space<hbm>>) target(%arg15 : memref<80x128xf32, #tpu.memory_space<vmem>>) offsets(%dma_start3A_26 : memref<80xi32, #tpu.memory_space<vmem>>) semaphore(%arg19 : memref<!tpu.dma_semaphore, #tpu.memory_space<semaphore_mem>>)
    %dma_start3A_30 = arith.constant 2 : i32
    %dma_start3A_31 = arith.constant 0 : i32
    %dma_start3A_32 = tpu.memref_slice %arg8[%dma_start3A_30, %dma_start3A_31] : memref<125x80xi32, #tpu.memory_space<vmem>> -> memref<1x80xi32, #tpu.memory_space<vmem>>
    %dma_start3A_33 = tpu.memref_squeeze %dma_start3A_32 : memref<1x80xi32, #tpu.memory_space<vmem>> -> memref<80xi32, #tpu.memory_space<vmem>>
    %dma_start3A_34 = arith.constant 0 : i32
    %dma_start3A_35 = arith.constant 0 : i32
    %dma_start3A_36 = tpu.memref_slice %arg2[%dma_start3A_34, %dma_start3A_35] : memref<10000x128xf32, #tpu.memory_space<hbm>> -> memref<10000x128xf32, #tpu.memory_space<hbm>>
    tpu.enqueue_indirect_dma source(%dma_start3A_36 : memref<10000x128xf32, #tpu.memory_space<hbm>>) target(%arg12 : memref<80x128xf32, #tpu.memory_space<vmem>>) offsets(%dma_start3A_33 : memref<80xi32, #tpu.memory_space<vmem>>) semaphore(%arg20 : memref<!tpu.dma_semaphore, #tpu.memory_space<semaphore_mem>>)
    %dma_start3A_37 = arith.constant 2 : i32
    %dma_start3A_38 = arith.constant 0 : i32
    %dma_start3A_39 = tpu.memref_slice %arg9[%dma_start3A_37, %dma_start3A_38] : memref<125x80xi32, #tpu.memory_space<vmem>> -> memref<1x80xi32, #tpu.memory_space<vmem>>
    %dma_start3A_40 = tpu.memref_squeeze %dma_start3A_39 : memref<1x80xi32, #tpu.memory_space<vmem>> -> memref<80xi32, #tpu.memory_space<vmem>>
    %dma_start3A_41 = arith.constant 0 : i32
    %dma_start3A_42 = arith.constant 0 : i32
    %dma_start3A_43 = tpu.memref_slice %arg3[%dma_start3A_41, %dma_start3A_42] : memref<10000x128xf32, #tpu.memory_space<hbm>> -> memref<10000x128xf32, #tpu.memory_space<hbm>>
    tpu.enqueue_indirect_dma source(%dma_start3A_43 : memref<10000x128xf32, #tpu.memory_space<hbm>>) target(%arg16 : memref<80x128xf32, #tpu.memory_space<vmem>>) offsets(%dma_start3A_40 : memref<80xi32, #tpu.memory_space<vmem>>) semaphore(%arg20 : memref<!tpu.dma_semaphore, #tpu.memory_space<semaphore_mem>>)
    %dma_start3A_44 = arith.constant 3 : i32
    %dma_start3A_45 = arith.constant 0 : i32
    %dma_start3A_46 = tpu.memref_slice %arg8[%dma_start3A_44, %dma_start3A_45] : memref<125x80xi32, #tpu.memory_space<vmem>> -> memref<1x80xi32, #tpu.memory_space<vmem>>
    %dma_start3A_47 = tpu.memref_squeeze %dma_start3A_46 : memref<1x80xi32, #tpu.memory_space<vmem>> -> memref<80xi32, #tpu.memory_space<vmem>>
    %dma_start3A_48 = arith.constant 0 : i32
    %dma_start3A_49 = arith.constant 0 : i32
    %dma_start3A_50 = tpu.memref_slice %arg2[%dma_start3A_48, %dma_start3A_49] : memref<10000x128xf32, #tpu.memory_space<hbm>> -> memref<10000x128xf32, #tpu.memory_space<hbm>>
    tpu.enqueue_indirect_dma source(%dma_start3A_50 : memref<10000x128xf32, #tpu.memory_space<hbm>>) target(%arg13 : memref<80x128xf32, #tpu.memory_space<vmem>>) offsets(%dma_start3A_47 : memref<80xi32, #tpu.memory_space<vmem>>) semaphore(%arg21 : memref<!tpu.dma_semaphore, #tpu.memory_space<semaphore_mem>>)
    %dma_start3A_51 = arith.constant 3 : i32
    %dma_start3A_52 = arith.constant 0 : i32
    %dma_start3A_53 = tpu.memref_slice %arg9[%dma_start3A_51, %dma_start3A_52] : memref<125x80xi32, #tpu.memory_space<vmem>> -> memref<1x80xi32, #tpu.memory_space<vmem>>
    %dma_start3A_54 = tpu.memref_squeeze %dma_start3A_53 : memref<1x80xi32, #tpu.memory_space<vmem>> -> memref<80xi32, #tpu.memory_space<vmem>>
    %dma_start3A_55 = arith.constant 0 : i32
    %dma_start3A_56 = arith.constant 0 : i32
    %dma_start3A_57 = tpu.memref_slice %arg3[%dma_start3A_55, %dma_start3A_56] : memref<10000x128xf32, #tpu.memory_space<hbm>> -> memref<10000x128xf32, #tpu.memory_space<hbm>>
    tpu.enqueue_indirect_dma source(%dma_start3A_57 : memref<10000x128xf32, #tpu.memory_space<hbm>>) target(%arg17 : memref<80x128xf32, #tpu.memory_space<vmem>>) offsets(%dma_start3A_54 : memref<80xi32, #tpu.memory_space<vmem>>) semaphore(%arg21 : memref<!tpu.dma_semaphore, #tpu.memory_space<semaphore_mem>>)
    %scan3A = arith.constant 0 : i32
    %scan3A_58 = arith.constant 0 : i32
    %scan3A_59 = arith.constant 31 : i32
    %scan3A_60 = arith.addi %scan3A_58, %scan3A_59 : i32
    %scan3A_61 = arith.constant 1 : i32
    scf.for %scan3A_78 = %scan3A_58 to %scan3A_60 step %scan3A_61  : i32 {
      %mul3A_79 = arith.constant 4 : i32
      %mul3A_80 = arith.muli %scan3A_78, %mul3A_79 : i32
      %add3A_81 = arith.constant 0 : i32
      %add3A_82 = arith.addi %mul3A_80, %add3A_81 : i32
      %dma_wait3A_83 = arith.constant 0 : i32
      %dma_wait3A_84 = arith.constant 0 : i32
      %dma_wait3A_85 = tpu.memref_slice %arg8[%dma_wait3A_83, %dma_wait3A_84] : memref<125x80xi32, #tpu.memory_space<vmem>> -> memref<1x80xi32, #tpu.memory_space<vmem>>
      %dma_wait3A_86 = tpu.memref_squeeze %dma_wait3A_85 : memref<1x80xi32, #tpu.memory_space<vmem>> -> memref<80xi32, #tpu.memory_space<vmem>>
      %dma_wait3A_87 = arith.constant 0 : i32
      %dma_wait3A_88 = arith.constant 0 : i32
      %dma_wait3A_89 = tpu.memref_slice %arg2[%dma_wait3A_87, %dma_wait3A_88] : memref<10000x128xf32, #tpu.memory_space<hbm>> -> memref<10000x128xf32, #tpu.memory_space<hbm>>
      tpu.wait_indirect_dma semaphore(%arg18 : memref<!tpu.dma_semaphore, #tpu.memory_space<semaphore_mem>>) src(%dma_wait3A_89 : memref<10000x128xf32, #tpu.memory_space<hbm>>) dst(%arg10 : memref<80x128xf32, #tpu.memory_space<vmem>>)
      %dma_wait3A_90 = arith.constant 0 : i32
      %dma_wait3A_91 = arith.constant 0 : i32
      %dma_wait3A_92 = tpu.memref_slice %arg9[%dma_wait3A_90, %dma_wait3A_91] : memref<125x80xi32, #tpu.memory_space<vmem>> -> memref<1x80xi32, #tpu.memory_space<vmem>>
      %dma_wait3A_93 = tpu.memref_squeeze %dma_wait3A_92 : memref<1x80xi32, #tpu.memory_space<vmem>> -> memref<80xi32, #tpu.memory_space<vmem>>
      %dma_wait3A_94 = arith.constant 0 : i32
      %dma_wait3A_95 = arith.constant 0 : i32
      %dma_wait3A_96 = tpu.memref_slice %arg3[%dma_wait3A_94, %dma_wait3A_95] : memref<10000x128xf32, #tpu.memory_space<hbm>> -> memref<10000x128xf32, #tpu.memory_space<hbm>>
      tpu.wait_indirect_dma semaphore(%arg18 : memref<!tpu.dma_semaphore, #tpu.memory_space<semaphore_mem>>) src(%dma_wait3A_96 : memref<10000x128xf32, #tpu.memory_space<hbm>>) dst(%arg14 : memref<80x128xf32, #tpu.memory_space<vmem>>)
      %mul3A_97 = arith.constant 80 : i32
      %mul3A_98 = arith.muli %add3A_82, %mul3A_97 : i32
      %add3A_99 = arith.addi %mul3A_2, %mul3A_98 : i32
      %dma_start3A_100 = arith.constant 0 : i32
      %dma_start3A_101 = tpu.memref_slice %arg6[%add3A_99, %dma_start3A_100] : memref<320000x128xf32, #tpu.memory_space<hbm>> -> memref<80x128xf32, #tpu.memory_space<hbm>>
      %dma_start3A_102 = arith.constant 0 : i32
      %dma_start3A_103 = tpu.memref_slice %arg6[%add3A_99, %dma_start3A_102] : memref<320000x128xf32, #tpu.memory_space<hbm>> -> memref<80x128xf32, #tpu.memory_space<hbm>>
      tpu.enqueue_dma source(%arg10 : memref<80x128xf32, #tpu.memory_space<vmem>>) target(%dma_start3A_103 : memref<80x128xf32, #tpu.memory_space<hbm>>) target_semaphore(%arg22 : memref<!tpu.dma_semaphore, #tpu.memory_space<semaphore_mem>>)
      %dma_start3A_104 = arith.constant 0 : i32
      %dma_start3A_105 = tpu.memref_slice %arg7[%add3A_99, %dma_start3A_104] : memref<320000x128xf32, #tpu.memory_space<hbm>> -> memref<80x128xf32, #tpu.memory_space<hbm>>
      %dma_start3A_106 = arith.constant 0 : i32
      %dma_start3A_107 = tpu.memref_slice %arg7[%add3A_99, %dma_start3A_106] : memref<320000x128xf32, #tpu.memory_space<hbm>> -> memref<80x128xf32, #tpu.memory_space<hbm>>
      tpu.enqueue_dma source(%arg14 : memref<80x128xf32, #tpu.memory_space<vmem>>) target(%dma_start3A_107 : memref<80x128xf32, #tpu.memory_space<hbm>>) target_semaphore(%arg22 : memref<!tpu.dma_semaphore, #tpu.memory_space<semaphore_mem>>)
      %mul3A_108 = arith.constant 4 : i32
      %mul3A_109 = arith.muli %scan3A_78, %mul3A_108 : i32
      %add3A_110 = arith.constant 1 : i32
      %add3A_111 = arith.addi %mul3A_109, %add3A_110 : i32
      %dma_wait3A_112 = arith.constant 0 : i32
      %dma_wait3A_113 = arith.constant 0 : i32
      %dma_wait3A_114 = tpu.memref_slice %arg8[%dma_wait3A_112, %dma_wait3A_113] : memref<125x80xi32, #tpu.memory_space<vmem>> -> memref<1x80xi32, #tpu.memory_space<vmem>>
      %dma_wait3A_115 = tpu.memref_squeeze %dma_wait3A_114 : memref<1x80xi32, #tpu.memory_space<vmem>> -> memref<80xi32, #tpu.memory_space<vmem>>
      %dma_wait3A_116 = arith.constant 0 : i32
      %dma_wait3A_117 = arith.constant 0 : i32
      %dma_wait3A_118 = tpu.memref_slice %arg2[%dma_wait3A_116, %dma_wait3A_117] : memref<10000x128xf32, #tpu.memory_space<hbm>> -> memref<10000x128xf32, #tpu.memory_space<hbm>>
      tpu.wait_indirect_dma semaphore(%arg19 : memref<!tpu.dma_semaphore, #tpu.memory_space<semaphore_mem>>) src(%dma_wait3A_118 : memref<10000x128xf32, #tpu.memory_space<hbm>>) dst(%arg11 : memref<80x128xf32, #tpu.memory_space<vmem>>)
      %dma_wait3A_119 = arith.constant 0 : i32
      %dma_wait3A_120 = arith.constant 0 : i32
      %dma_wait3A_121 = tpu.memref_slice %arg9[%dma_wait3A_119, %dma_wait3A_120] : memref<125x80xi32, #tpu.memory_space<vmem>> -> memref<1x80xi32, #tpu.memory_space<vmem>>
      %dma_wait3A_122 = tpu.memref_squeeze %dma_wait3A_121 : memref<1x80xi32, #tpu.memory_space<vmem>> -> memref<80xi32, #tpu.memory_space<vmem>>
      %dma_wait3A_123 = arith.constant 0 : i32
      %dma_wait3A_124 = arith.constant 0 : i32
      %dma_wait3A_125 = tpu.memref_slice %arg3[%dma_wait3A_123, %dma_wait3A_124] : memref<10000x128xf32, #tpu.memory_space<hbm>> -> memref<10000x128xf32, #tpu.memory_space<hbm>>
      tpu.wait_indirect_dma semaphore(%arg19 : memref<!tpu.dma_semaphore, #tpu.memory_space<semaphore_mem>>) src(%dma_wait3A_125 : memref<10000x128xf32, #tpu.memory_space<hbm>>) dst(%arg15 : memref<80x128xf32, #tpu.memory_space<vmem>>)
      %mul3A_126 = arith.constant 80 : i32
      %mul3A_127 = arith.muli %add3A_111, %mul3A_126 : i32
      %add3A_128 = arith.addi %mul3A_2, %mul3A_127 : i32
      %dma_start3A_129 = arith.constant 0 : i32
      %dma_start3A_130 = tpu.memref_slice %arg6[%add3A_128, %dma_start3A_129] : memref<320000x128xf32, #tpu.memory_space<hbm>> -> memref<80x128xf32, #tpu.memory_space<hbm>>
      %dma_start3A_131 = arith.constant 0 : i32
      %dma_start3A_132 = tpu.memref_slice %arg6[%add3A_128, %dma_start3A_131] : memref<320000x128xf32, #tpu.memory_space<hbm>> -> memref<80x128xf32, #tpu.memory_space<hbm>>
      tpu.enqueue_dma source(%arg11 : memref<80x128xf32, #tpu.memory_space<vmem>>) target(%dma_start3A_132 : memref<80x128xf32, #tpu.memory_space<hbm>>) target_semaphore(%arg23 : memref<!tpu.dma_semaphore, #tpu.memory_space<semaphore_mem>>)
      %dma_start3A_133 = arith.constant 0 : i32
      %dma_start3A_134 = tpu.memref_slice %arg7[%add3A_128, %dma_start3A_133] : memref<320000x128xf32, #tpu.memory_space<hbm>> -> memref<80x128xf32, #tpu.memory_space<hbm>>
      %dma_start3A_135 = arith.constant 0 : i32
      %dma_start3A_136 = tpu.memref_slice %arg7[%add3A_128, %dma_start3A_135] : memref<320000x128xf32, #tpu.memory_space<hbm>> -> memref<80x128xf32, #tpu.memory_space<hbm>>
      tpu.enqueue_dma source(%arg15 : memref<80x128xf32, #tpu.memory_space<vmem>>) target(%dma_start3A_136 : memref<80x128xf32, #tpu.memory_space<hbm>>) target_semaphore(%arg23 : memref<!tpu.dma_semaphore, #tpu.memory_space<semaphore_mem>>)
      %mul3A_137 = arith.constant 4 : i32
      %mul3A_138 = arith.muli %scan3A_78, %mul3A_137 : i32
      %add3A_139 = arith.constant 2 : i32
      %add3A_140 = arith.addi %mul3A_138, %add3A_139 : i32
      %dma_wait3A_141 = arith.constant 0 : i32
      %dma_wait3A_142 = arith.constant 0 : i32
      %dma_wait3A_143 = tpu.memref_slice %arg8[%dma_wait3A_141, %dma_wait3A_142] : memref<125x80xi32, #tpu.memory_space<vmem>> -> memref<1x80xi32, #tpu.memory_space<vmem>>
      %dma_wait3A_144 = tpu.memref_squeeze %dma_wait3A_143 : memref<1x80xi32, #tpu.memory_space<vmem>> -> memref<80xi32, #tpu.memory_space<vmem>>
      %dma_wait3A_145 = arith.constant 0 : i32
      %dma_wait3A_146 = arith.constant 0 : i32
      %dma_wait3A_147 = tpu.memref_slice %arg2[%dma_wait3A_145, %dma_wait3A_146] : memref<10000x128xf32, #tpu.memory_space<hbm>> -> memref<10000x128xf32, #tpu.memory_space<hbm>>
      tpu.wait_indirect_dma semaphore(%arg20 : memref<!tpu.dma_semaphore, #tpu.memory_space<semaphore_mem>>) src(%dma_wait3A_147 : memref<10000x128xf32, #tpu.memory_space<hbm>>) dst(%arg12 : memref<80x128xf32, #tpu.memory_space<vmem>>)
      %dma_wait3A_148 = arith.constant 0 : i32
      %dma_wait3A_149 = arith.constant 0 : i32
      %dma_wait3A_150 = tpu.memref_slice %arg9[%dma_wait3A_148, %dma_wait3A_149] : memref<125x80xi32, #tpu.memory_space<vmem>> -> memref<1x80xi32, #tpu.memory_space<vmem>>
      %dma_wait3A_151 = tpu.memref_squeeze %dma_wait3A_150 : memref<1x80xi32, #tpu.memory_space<vmem>> -> memref<80xi32, #tpu.memory_space<vmem>>
      %dma_wait3A_152 = arith.constant 0 : i32
      %dma_wait3A_153 = arith.constant 0 : i32
      %dma_wait3A_154 = tpu.memref_slice %arg3[%dma_wait3A_152, %dma_wait3A_153] : memref<10000x128xf32, #tpu.memory_space<hbm>> -> memref<10000x128xf32, #tpu.memory_space<hbm>>
      tpu.wait_indirect_dma semaphore(%arg20 : memref<!tpu.dma_semaphore, #tpu.memory_space<semaphore_mem>>) src(%dma_wait3A_154 : memref<10000x128xf32, #tpu.memory_space<hbm>>) dst(%arg16 : memref<80x128xf32, #tpu.memory_space<vmem>>)
      %mul3A_155 = arith.constant 80 : i32
      %mul3A_156 = arith.muli %add3A_140, %mul3A_155 : i32
      %add3A_157 = arith.addi %mul3A_2, %mul3A_156 : i32
      %dma_start3A_158 = arith.constant 0 : i32
      %dma_start3A_159 = tpu.memref_slice %arg6[%add3A_157, %dma_start3A_158] : memref<320000x128xf32, #tpu.memory_space<hbm>> -> memref<80x128xf32, #tpu.memory_space<hbm>>
      %dma_start3A_160 = arith.constant 0 : i32
      %dma_start3A_161 = tpu.memref_slice %arg6[%add3A_157, %dma_start3A_160] : memref<320000x128xf32, #tpu.memory_space<hbm>> -> memref<80x128xf32, #tpu.memory_space<hbm>>
      tpu.enqueue_dma source(%arg12 : memref<80x128xf32, #tpu.memory_space<vmem>>) target(%dma_start3A_161 : memref<80x128xf32, #tpu.memory_space<hbm>>) target_semaphore(%arg24 : memref<!tpu.dma_semaphore, #tpu.memory_space<semaphore_mem>>)
      %dma_start3A_162 = arith.constant 0 : i32
      %dma_start3A_163 = tpu.memref_slice %arg7[%add3A_157, %dma_start3A_162] : memref<320000x128xf32, #tpu.memory_space<hbm>> -> memref<80x128xf32, #tpu.memory_space<hbm>>
      %dma_start3A_164 = arith.constant 0 : i32
      %dma_start3A_165 = tpu.memref_slice %arg7[%add3A_157, %dma_start3A_164] : memref<320000x128xf32, #tpu.memory_space<hbm>> -> memref<80x128xf32, #tpu.memory_space<hbm>>
      tpu.enqueue_dma source(%arg16 : memref<80x128xf32, #tpu.memory_space<vmem>>) target(%dma_start3A_165 : memref<80x128xf32, #tpu.memory_space<hbm>>) target_semaphore(%arg24 : memref<!tpu.dma_semaphore, #tpu.memory_space<semaphore_mem>>)
      %mul3A_166 = arith.constant 4 : i32
      %mul3A_167 = arith.muli %scan3A_78, %mul3A_166 : i32
      %add3A_168 = arith.constant 3 : i32
      %add3A_169 = arith.addi %mul3A_167, %add3A_168 : i32
      %dma_wait3A_170 = arith.constant 0 : i32
      %dma_wait3A_171 = arith.constant 0 : i32
      %dma_wait3A_172 = tpu.memref_slice %arg8[%dma_wait3A_170, %dma_wait3A_171] : memref<125x80xi32, #tpu.memory_space<vmem>> -> memref<1x80xi32, #tpu.memory_space<vmem>>
      %dma_wait3A_173 = tpu.memref_squeeze %dma_wait3A_172 : memref<1x80xi32, #tpu.memory_space<vmem>> -> memref<80xi32, #tpu.memory_space<vmem>>
      %dma_wait3A_174 = arith.constant 0 : i32
      %dma_wait3A_175 = arith.constant 0 : i32
      %dma_wait3A_176 = tpu.memref_slice %arg2[%dma_wait3A_174, %dma_wait3A_175] : memref<10000x128xf32, #tpu.memory_space<hbm>> -> memref<10000x128xf32, #tpu.memory_space<hbm>>
      tpu.wait_indirect_dma semaphore(%arg21 : memref<!tpu.dma_semaphore, #tpu.memory_space<semaphore_mem>>) src(%dma_wait3A_176 : memref<10000x128xf32, #tpu.memory_space<hbm>>) dst(%arg13 : memref<80x128xf32, #tpu.memory_space<vmem>>)
      %dma_wait3A_177 = arith.constant 0 : i32
      %dma_wait3A_178 = arith.constant 0 : i32
      %dma_wait3A_179 = tpu.memref_slice %arg9[%dma_wait3A_177, %dma_wait3A_178] : memref<125x80xi32, #tpu.memory_space<vmem>> -> memref<1x80xi32, #tpu.memory_space<vmem>>
      %dma_wait3A_180 = tpu.memref_squeeze %dma_wait3A_179 : memref<1x80xi32, #tpu.memory_space<vmem>> -> memref<80xi32, #tpu.memory_space<vmem>>
      %dma_wait3A_181 = arith.constant 0 : i32
      %dma_wait3A_182 = arith.constant 0 : i32
      %dma_wait3A_183 = tpu.memref_slice %arg3[%dma_wait3A_181, %dma_wait3A_182] : memref<10000x128xf32, #tpu.memory_space<hbm>> -> memref<10000x128xf32, #tpu.memory_space<hbm>>
      tpu.wait_indirect_dma semaphore(%arg21 : memref<!tpu.dma_semaphore, #tpu.memory_space<semaphore_mem>>) src(%dma_wait3A_183 : memref<10000x128xf32, #tpu.memory_space<hbm>>) dst(%arg17 : memref<80x128xf32, #tpu.memory_space<vmem>>)
      %mul3A_184 = arith.constant 80 : i32
      %mul3A_185 = arith.muli %add3A_169, %mul3A_184 : i32
      %add3A_186 = arith.addi %mul3A_2, %mul3A_185 : i32
      %dma_start3A_187 = arith.constant 0 : i32
      %dma_start3A_188 = tpu.memref_slice %arg6[%add3A_186, %dma_start3A_187] : memref<320000x128xf32, #tpu.memory_space<hbm>> -> memref<80x128xf32, #tpu.memory_space<hbm>>
      %dma_start3A_189 = arith.constant 0 : i32
      %dma_start3A_190 = tpu.memref_slice %arg6[%add3A_186, %dma_start3A_189] : memref<320000x128xf32, #tpu.memory_space<hbm>> -> memref<80x128xf32, #tpu.memory_space<hbm>>
      tpu.enqueue_dma source(%arg13 : memref<80x128xf32, #tpu.memory_space<vmem>>) target(%dma_start3A_190 : memref<80x128xf32, #tpu.memory_space<hbm>>) target_semaphore(%arg25 : memref<!tpu.dma_semaphore, #tpu.memory_space<semaphore_mem>>)
      %dma_start3A_191 = arith.constant 0 : i32
      %dma_start3A_192 = tpu.memref_slice %arg7[%add3A_186, %dma_start3A_191] : memref<320000x128xf32, #tpu.memory_space<hbm>> -> memref<80x128xf32, #tpu.memory_space<hbm>>
      %dma_start3A_193 = arith.constant 0 : i32
      %dma_start3A_194 = tpu.memref_slice %arg7[%add3A_186, %dma_start3A_193] : memref<320000x128xf32, #tpu.memory_space<hbm>> -> memref<80x128xf32, #tpu.memory_space<hbm>>
      tpu.enqueue_dma source(%arg17 : memref<80x128xf32, #tpu.memory_space<vmem>>) target(%dma_start3A_194 : memref<80x128xf32, #tpu.memory_space<hbm>>) target_semaphore(%arg25 : memref<!tpu.dma_semaphore, #tpu.memory_space<semaphore_mem>>)
      %mul3A_195 = arith.constant 4 : i32
      %mul3A_196 = arith.muli %scan3A_78, %mul3A_195 : i32
      %add3A_197 = arith.constant 4 : i32
      %add3A_198 = arith.addi %mul3A_196, %add3A_197 : i32
      %add3A_199 = arith.constant 0 : i32
      %add3A_200 = arith.addi %add3A_198, %add3A_199 : i32
      %dma_wait3A_201 = arith.constant 0 : i32
      %dma_wait3A_202 = arith.constant 0 : i32
      %dma_wait3A_203 = tpu.memref_slice %arg6[%dma_wait3A_201, %dma_wait3A_202] : memref<320000x128xf32, #tpu.memory_space<hbm>> -> memref<80x128xf32, #tpu.memory_space<hbm>>
      %dma_wait3A_204 = arith.constant 0 : i32
      %dma_wait3A_205 = arith.constant 0 : i32
      %dma_wait3A_206 = tpu.memref_slice %arg6[%dma_wait3A_204, %dma_wait3A_205] : memref<320000x128xf32, #tpu.memory_space<hbm>> -> memref<80x128xf32, #tpu.memory_space<hbm>>
      tpu.wait_dma2 semaphore(%arg22 : memref<!tpu.dma_semaphore, #tpu.memory_space<semaphore_mem>>) src(%arg10 : memref<80x128xf32, #tpu.memory_space<vmem>>) dst(%dma_wait3A_206 : memref<80x128xf32, #tpu.memory_space<hbm>>)
      %dma_wait3A_207 = arith.constant 0 : i32
      %dma_wait3A_208 = arith.constant 0 : i32
      %dma_wait3A_209 = tpu.memref_slice %arg7[%dma_wait3A_207, %dma_wait3A_208] : memref<320000x128xf32, #tpu.memory_space<hbm>> -> memref<80x128xf32, #tpu.memory_space<hbm>>
      %dma_wait3A_210 = arith.constant 0 : i32
      %dma_wait3A_211 = arith.constant 0 : i32
      %dma_wait3A_212 = tpu.memref_slice %arg7[%dma_wait3A_210, %dma_wait3A_211] : memref<320000x128xf32, #tpu.memory_space<hbm>> -> memref<80x128xf32, #tpu.memory_space<hbm>>
      tpu.wait_dma2 semaphore(%arg22 : memref<!tpu.dma_semaphore, #tpu.memory_space<semaphore_mem>>) src(%arg14 : memref<80x128xf32, #tpu.memory_space<vmem>>) dst(%dma_wait3A_212 : memref<80x128xf32, #tpu.memory_space<hbm>>)
      %le3A = arith.constant 124 : i32
      %le3A_213 = arith.cmpi sle, %add3A_200, %le3A : i32
      %convert_element_type3A = arith.extui %le3A_213 : i1 to i32
      %cond3A = arith.constant 0 : i32
      %cond3A_214 = arith.cmpi ne, %convert_element_type3A, %cond3A : i32
      scf.if %cond3A_214 {
        %dma_start3A_284 = arith.constant 0 : i32
        %dma_start3A_285 = tpu.memref_slice %arg8[%add3A_200, %dma_start3A_284] : memref<125x80xi32, #tpu.memory_space<vmem>> -> memref<1x80xi32, #tpu.memory_space<vmem>>
        %dma_start3A_286 = tpu.memref_squeeze %dma_start3A_285 : memref<1x80xi32, #tpu.memory_space<vmem>> -> memref<80xi32, #tpu.memory_space<vmem>>
        %dma_start3A_287 = arith.constant 0 : i32
        %dma_start3A_288 = arith.constant 0 : i32
        %dma_start3A_289 = tpu.memref_slice %arg2[%dma_start3A_287, %dma_start3A_288] : memref<10000x128xf32, #tpu.memory_space<hbm>> -> memref<10000x128xf32, #tpu.memory_space<hbm>>
        tpu.enqueue_indirect_dma source(%dma_start3A_289 : memref<10000x128xf32, #tpu.memory_space<hbm>>) target(%arg10 : memref<80x128xf32, #tpu.memory_space<vmem>>) offsets(%dma_start3A_286 : memref<80xi32, #tpu.memory_space<vmem>>) semaphore(%arg18 : memref<!tpu.dma_semaphore, #tpu.memory_space<semaphore_mem>>)
        %dma_start3A_290 = arith.constant 0 : i32
        %dma_start3A_291 = tpu.memref_slice %arg9[%add3A_200, %dma_start3A_290] : memref<125x80xi32, #tpu.memory_space<vmem>> -> memref<1x80xi32, #tpu.memory_space<vmem>>
        %dma_start3A_292 = tpu.memref_squeeze %dma_start3A_291 : memref<1x80xi32, #tpu.memory_space<vmem>> -> memref<80xi32, #tpu.memory_space<vmem>>
        %dma_start3A_293 = arith.constant 0 : i32
        %dma_start3A_294 = arith.constant 0 : i32
        %dma_start3A_295 = tpu.memref_slice %arg3[%dma_start3A_293, %dma_start3A_294] : memref<10000x128xf32, #tpu.memory_space<hbm>> -> memref<10000x128xf32, #tpu.memory_space<hbm>>
        tpu.enqueue_indirect_dma source(%dma_start3A_295 : memref<10000x128xf32, #tpu.memory_space<hbm>>) target(%arg14 : memref<80x128xf32, #tpu.memory_space<vmem>>) offsets(%dma_start3A_292 : memref<80xi32, #tpu.memory_space<vmem>>) semaphore(%arg18 : memref<!tpu.dma_semaphore, #tpu.memory_space<semaphore_mem>>)
      } else {
      }
      %mul3A_215 = arith.constant 4 : i32
      %mul3A_216 = arith.muli %scan3A_78, %mul3A_215 : i32
      %add3A_217 = arith.constant 4 : i32
      %add3A_218 = arith.addi %mul3A_216, %add3A_217 : i32
      %add3A_219 = arith.constant 1 : i32
      %add3A_220 = arith.addi %add3A_218, %add3A_219 : i32
      %dma_wait3A_221 = arith.constant 0 : i32
      %dma_wait3A_222 = arith.constant 0 : i32
      %dma_wait3A_223 = tpu.memref_slice %arg6[%dma_wait3A_221, %dma_wait3A_222] : memref<320000x128xf32, #tpu.memory_space<hbm>> -> memref<80x128xf32, #tpu.memory_space<hbm>>
      %dma_wait3A_224 = arith.constant 0 : i32
      %dma_wait3A_225 = arith.constant 0 : i32
      %dma_wait3A_226 = tpu.memref_slice %arg6[%dma_wait3A_224, %dma_wait3A_225] : memref<320000x128xf32, #tpu.memory_space<hbm>> -> memref<80x128xf32, #tpu.memory_space<hbm>>
      tpu.wait_dma2 semaphore(%arg23 : memref<!tpu.dma_semaphore, #tpu.memory_space<semaphore_mem>>) src(%arg11 : memref<80x128xf32, #tpu.memory_space<vmem>>) dst(%dma_wait3A_226 : memref<80x128xf32, #tpu.memory_space<hbm>>)
      %dma_wait3A_227 = arith.constant 0 : i32
      %dma_wait3A_228 = arith.constant 0 : i32
      %dma_wait3A_229 = tpu.memref_slice %arg7[%dma_wait3A_227, %dma_wait3A_228] : memref<320000x128xf32, #tpu.memory_space<hbm>> -> memref<80x128xf32, #tpu.memory_space<hbm>>
      %dma_wait3A_230 = arith.constant 0 : i32
      %dma_wait3A_231 = arith.constant 0 : i32
      %dma_wait3A_232 = tpu.memref_slice %arg7[%dma_wait3A_230, %dma_wait3A_231] : memref<320000x128xf32, #tpu.memory_space<hbm>> -> memref<80x128xf32, #tpu.memory_space<hbm>>
      tpu.wait_dma2 semaphore(%arg23 : memref<!tpu.dma_semaphore, #tpu.memory_space<semaphore_mem>>) src(%arg15 : memref<80x128xf32, #tpu.memory_space<vmem>>) dst(%dma_wait3A_232 : memref<80x128xf32, #tpu.memory_space<hbm>>)
      %le3A_233 = arith.constant 124 : i32
      %le3A_234 = arith.cmpi sle, %add3A_220, %le3A_233 : i32
      %convert_element_type3A_235 = arith.extui %le3A_234 : i1 to i32
      %cond3A_236 = arith.constant 0 : i32
      %cond3A_237 = arith.cmpi ne, %convert_element_type3A_235, %cond3A_236 : i32
      scf.if %cond3A_237 {
        %dma_start3A_284 = arith.constant 0 : i32
        %dma_start3A_285 = tpu.memref_slice %arg8[%add3A_220, %dma_start3A_284] : memref<125x80xi32, #tpu.memory_space<vmem>> -> memref<1x80xi32, #tpu.memory_space<vmem>>
        %dma_start3A_286 = tpu.memref_squeeze %dma_start3A_285 : memref<1x80xi32, #tpu.memory_space<vmem>> -> memref<80xi32, #tpu.memory_space<vmem>>
        %dma_start3A_287 = arith.constant 0 : i32
        %dma_start3A_288 = arith.constant 0 : i32
        %dma_start3A_289 = tpu.memref_slice %arg2[%dma_start3A_287, %dma_start3A_288] : memref<10000x128xf32, #tpu.memory_space<hbm>> -> memref<10000x128xf32, #tpu.memory_space<hbm>>
        tpu.enqueue_indirect_dma source(%dma_start3A_289 : memref<10000x128xf32, #tpu.memory_space<hbm>>) target(%arg11 : memref<80x128xf32, #tpu.memory_space<vmem>>) offsets(%dma_start3A_286 : memref<80xi32, #tpu.memory_space<vmem>>) semaphore(%arg19 : memref<!tpu.dma_semaphore, #tpu.memory_space<semaphore_mem>>)
        %dma_start3A_290 = arith.constant 0 : i32
        %dma_start3A_291 = tpu.memref_slice %arg9[%add3A_220, %dma_start3A_290] : memref<125x80xi32, #tpu.memory_space<vmem>> -> memref<1x80xi32, #tpu.memory_space<vmem>>
        %dma_start3A_292 = tpu.memref_squeeze %dma_start3A_291 : memref<1x80xi32, #tpu.memory_space<vmem>> -> memref<80xi32, #tpu.memory_space<vmem>>
        %dma_start3A_293 = arith.constant 0 : i32
        %dma_start3A_294 = arith.constant 0 : i32
        %dma_start3A_295 = tpu.memref_slice %arg3[%dma_start3A_293, %dma_start3A_294] : memref<10000x128xf32, #tpu.memory_space<hbm>> -> memref<10000x128xf32, #tpu.memory_space<hbm>>
        tpu.enqueue_indirect_dma source(%dma_start3A_295 : memref<10000x128xf32, #tpu.memory_space<hbm>>) target(%arg15 : memref<80x128xf32, #tpu.memory_space<vmem>>) offsets(%dma_start3A_292 : memref<80xi32, #tpu.memory_space<vmem>>) semaphore(%arg19 : memref<!tpu.dma_semaphore, #tpu.memory_space<semaphore_mem>>)
      } else {
      }
      %mul3A_238 = arith.constant 4 : i32
      %mul3A_239 = arith.muli %scan3A_78, %mul3A_238 : i32
      %add3A_240 = arith.constant 4 : i32
      %add3A_241 = arith.addi %mul3A_239, %add3A_240 : i32
      %add3A_242 = arith.constant 2 : i32
      %add3A_243 = arith.addi %add3A_241, %add3A_242 : i32
      %dma_wait3A_244 = arith.constant 0 : i32
      %dma_wait3A_245 = arith.constant 0 : i32
      %dma_wait3A_246 = tpu.memref_slice %arg6[%dma_wait3A_244, %dma_wait3A_245] : memref<320000x128xf32, #tpu.memory_space<hbm>> -> memref<80x128xf32, #tpu.memory_space<hbm>>
      %dma_wait3A_247 = arith.constant 0 : i32
      %dma_wait3A_248 = arith.constant 0 : i32
      %dma_wait3A_249 = tpu.memref_slice %arg6[%dma_wait3A_247, %dma_wait3A_248] : memref<320000x128xf32, #tpu.memory_space<hbm>> -> memref<80x128xf32, #tpu.memory_space<hbm>>
      tpu.wait_dma2 semaphore(%arg24 : memref<!tpu.dma_semaphore, #tpu.memory_space<semaphore_mem>>) src(%arg12 : memref<80x128xf32, #tpu.memory_space<vmem>>) dst(%dma_wait3A_249 : memref<80x128xf32, #tpu.memory_space<hbm>>)
      %dma_wait3A_250 = arith.constant 0 : i32
      %dma_wait3A_251 = arith.constant 0 : i32
      %dma_wait3A_252 = tpu.memref_slice %arg7[%dma_wait3A_250, %dma_wait3A_251] : memref<320000x128xf32, #tpu.memory_space<hbm>> -> memref<80x128xf32, #tpu.memory_space<hbm>>
      %dma_wait3A_253 = arith.constant 0 : i32
      %dma_wait3A_254 = arith.constant 0 : i32
      %dma_wait3A_255 = tpu.memref_slice %arg7[%dma_wait3A_253, %dma_wait3A_254] : memref<320000x128xf32, #tpu.memory_space<hbm>> -> memref<80x128xf32, #tpu.memory_space<hbm>>
      tpu.wait_dma2 semaphore(%arg24 : memref<!tpu.dma_semaphore, #tpu.memory_space<semaphore_mem>>) src(%arg16 : memref<80x128xf32, #tpu.memory_space<vmem>>) dst(%dma_wait3A_255 : memref<80x128xf32, #tpu.memory_space<hbm>>)
      %le3A_256 = arith.constant 124 : i32
      %le3A_257 = arith.cmpi sle, %add3A_243, %le3A_256 : i32
      %convert_element_type3A_258 = arith.extui %le3A_257 : i1 to i32
      %cond3A_259 = arith.constant 0 : i32
      %cond3A_260 = arith.cmpi ne, %convert_element_type3A_258, %cond3A_259 : i32
      scf.if %cond3A_260 {
        %dma_start3A_284 = arith.constant 0 : i32
        %dma_start3A_285 = tpu.memref_slice %arg8[%add3A_243, %dma_start3A_284] : memref<125x80xi32, #tpu.memory_space<vmem>> -> memref<1x80xi32, #tpu.memory_space<vmem>>
        %dma_start3A_286 = tpu.memref_squeeze %dma_start3A_285 : memref<1x80xi32, #tpu.memory_space<vmem>> -> memref<80xi32, #tpu.memory_space<vmem>>
        %dma_start3A_287 = arith.constant 0 : i32
        %dma_start3A_288 = arith.constant 0 : i32
        %dma_start3A_289 = tpu.memref_slice %arg2[%dma_start3A_287, %dma_start3A_288] : memref<10000x128xf32, #tpu.memory_space<hbm>> -> memref<10000x128xf32, #tpu.memory_space<hbm>>
        tpu.enqueue_indirect_dma source(%dma_start3A_289 : memref<10000x128xf32, #tpu.memory_space<hbm>>) target(%arg12 : memref<80x128xf32, #tpu.memory_space<vmem>>) offsets(%dma_start3A_286 : memref<80xi32, #tpu.memory_space<vmem>>) semaphore(%arg20 : memref<!tpu.dma_semaphore, #tpu.memory_space<semaphore_mem>>)
        %dma_start3A_290 = arith.constant 0 : i32
        %dma_start3A_291 = tpu.memref_slice %arg9[%add3A_243, %dma_start3A_290] : memref<125x80xi32, #tpu.memory_space<vmem>> -> memref<1x80xi32, #tpu.memory_space<vmem>>
        %dma_start3A_292 = tpu.memref_squeeze %dma_start3A_291 : memref<1x80xi32, #tpu.memory_space<vmem>> -> memref<80xi32, #tpu.memory_space<vmem>>
        %dma_start3A_293 = arith.constant 0 : i32
        %dma_start3A_294 = arith.constant 0 : i32
        %dma_start3A_295 = tpu.memref_slice %arg3[%dma_start3A_293, %dma_start3A_294] : memref<10000x128xf32, #tpu.memory_space<hbm>> -> memref<10000x128xf32, #tpu.memory_space<hbm>>
        tpu.enqueue_indirect_dma source(%dma_start3A_295 : memref<10000x128xf32, #tpu.memory_space<hbm>>) target(%arg16 : memref<80x128xf32, #tpu.memory_space<vmem>>) offsets(%dma_start3A_292 : memref<80xi32, #tpu.memory_space<vmem>>) semaphore(%arg20 : memref<!tpu.dma_semaphore, #tpu.memory_space<semaphore_mem>>)
      } else {
      }
      %mul3A_261 = arith.constant 4 : i32
      %mul3A_262 = arith.muli %scan3A_78, %mul3A_261 : i32
      %add3A_263 = arith.constant 4 : i32
      %add3A_264 = arith.addi %mul3A_262, %add3A_263 : i32
      %add3A_265 = arith.constant 3 : i32
      %add3A_266 = arith.addi %add3A_264, %add3A_265 : i32
      %dma_wait3A_267 = arith.constant 0 : i32
      %dma_wait3A_268 = arith.constant 0 : i32
      %dma_wait3A_269 = tpu.memref_slice %arg6[%dma_wait3A_267, %dma_wait3A_268] : memref<320000x128xf32, #tpu.memory_space<hbm>> -> memref<80x128xf32, #tpu.memory_space<hbm>>
      %dma_wait3A_270 = arith.constant 0 : i32
      %dma_wait3A_271 = arith.constant 0 : i32
      %dma_wait3A_272 = tpu.memref_slice %arg6[%dma_wait3A_270, %dma_wait3A_271] : memref<320000x128xf32, #tpu.memory_space<hbm>> -> memref<80x128xf32, #tpu.memory_space<hbm>>
      tpu.wait_dma2 semaphore(%arg25 : memref<!tpu.dma_semaphore, #tpu.memory_space<semaphore_mem>>) src(%arg13 : memref<80x128xf32, #tpu.memory_space<vmem>>) dst(%dma_wait3A_272 : memref<80x128xf32, #tpu.memory_space<hbm>>)
      %dma_wait3A_273 = arith.constant 0 : i32
      %dma_wait3A_274 = arith.constant 0 : i32
      %dma_wait3A_275 = tpu.memref_slice %arg7[%dma_wait3A_273, %dma_wait3A_274] : memref<320000x128xf32, #tpu.memory_space<hbm>> -> memref<80x128xf32, #tpu.memory_space<hbm>>
      %dma_wait3A_276 = arith.constant 0 : i32
      %dma_wait3A_277 = arith.constant 0 : i32
      %dma_wait3A_278 = tpu.memref_slice %arg7[%dma_wait3A_276, %dma_wait3A_277] : memref<320000x128xf32, #tpu.memory_space<hbm>> -> memref<80x128xf32, #tpu.memory_space<hbm>>
      tpu.wait_dma2 semaphore(%arg25 : memref<!tpu.dma_semaphore, #tpu.memory_space<semaphore_mem>>) src(%arg17 : memref<80x128xf32, #tpu.memory_space<vmem>>) dst(%dma_wait3A_278 : memref<80x128xf32, #tpu.memory_space<hbm>>)
      %le3A_279 = arith.constant 124 : i32
      %le3A_280 = arith.cmpi sle, %add3A_266, %le3A_279 : i32
      %convert_element_type3A_281 = arith.extui %le3A_280 : i1 to i32
      %cond3A_282 = arith.constant 0 : i32
      %cond3A_283 = arith.cmpi ne, %convert_element_type3A_281, %cond3A_282 : i32
      scf.if %cond3A_283 {
        %dma_start3A_284 = arith.constant 0 : i32
        %dma_start3A_285 = tpu.memref_slice %arg8[%add3A_266, %dma_start3A_284] : memref<125x80xi32, #tpu.memory_space<vmem>> -> memref<1x80xi32, #tpu.memory_space<vmem>>
        %dma_start3A_286 = tpu.memref_squeeze %dma_start3A_285 : memref<1x80xi32, #tpu.memory_space<vmem>> -> memref<80xi32, #tpu.memory_space<vmem>>
        %dma_start3A_287 = arith.constant 0 : i32
        %dma_start3A_288 = arith.constant 0 : i32
        %dma_start3A_289 = tpu.memref_slice %arg2[%dma_start3A_287, %dma_start3A_288] : memref<10000x128xf32, #tpu.memory_space<hbm>> -> memref<10000x128xf32, #tpu.memory_space<hbm>>
        tpu.enqueue_indirect_dma source(%dma_start3A_289 : memref<10000x128xf32, #tpu.memory_space<hbm>>) target(%arg13 : memref<80x128xf32, #tpu.memory_space<vmem>>) offsets(%dma_start3A_286 : memref<80xi32, #tpu.memory_space<vmem>>) semaphore(%arg21 : memref<!tpu.dma_semaphore, #tpu.memory_space<semaphore_mem>>)
        %dma_start3A_290 = arith.constant 0 : i32
        %dma_start3A_291 = tpu.memref_slice %arg9[%add3A_266, %dma_start3A_290] : memref<125x80xi32, #tpu.memory_space<vmem>> -> memref<1x80xi32, #tpu.memory_space<vmem>>
        %dma_start3A_292 = tpu.memref_squeeze %dma_start3A_291 : memref<1x80xi32, #tpu.memory_space<vmem>> -> memref<80xi32, #tpu.memory_space<vmem>>
        %dma_start3A_293 = arith.constant 0 : i32
        %dma_start3A_294 = arith.constant 0 : i32
        %dma_start3A_295 = tpu.memref_slice %arg3[%dma_start3A_293, %dma_start3A_294] : memref<10000x128xf32, #tpu.memory_space<hbm>> -> memref<10000x128xf32, #tpu.memory_space<hbm>>
        tpu.enqueue_indirect_dma source(%dma_start3A_295 : memref<10000x128xf32, #tpu.memory_space<hbm>>) target(%arg17 : memref<80x128xf32, #tpu.memory_space<vmem>>) offsets(%dma_start3A_292 : memref<80xi32, #tpu.memory_space<vmem>>) semaphore(%arg21 : memref<!tpu.dma_semaphore, #tpu.memory_space<semaphore_mem>>)
      } else {
      }
    }
    %scan3A_62 = arith.constant 31 : i32
    %dma_wait3A = arith.constant 0 : i32
    %dma_wait3A_63 = arith.constant 0 : i32
    %dma_wait3A_64 = tpu.memref_slice %arg8[%dma_wait3A, %dma_wait3A_63] : memref<125x80xi32, #tpu.memory_space<vmem>> -> memref<1x80xi32, #tpu.memory_space<vmem>>
    %dma_wait3A_65 = tpu.memref_squeeze %dma_wait3A_64 : memref<1x80xi32, #tpu.memory_space<vmem>> -> memref<80xi32, #tpu.memory_space<vmem>>
    %dma_wait3A_66 = arith.constant 0 : i32
    %dma_wait3A_67 = arith.constant 0 : i32
    %dma_wait3A_68 = tpu.memref_slice %arg2[%dma_wait3A_66, %dma_wait3A_67] : memref<10000x128xf32, #tpu.memory_space<hbm>> -> memref<10000x128xf32, #tpu.memory_space<hbm>>
    tpu.wait_indirect_dma semaphore(%arg18 : memref<!tpu.dma_semaphore, #tpu.memory_space<semaphore_mem>>) src(%dma_wait3A_68 : memref<10000x128xf32, #tpu.memory_space<hbm>>) dst(%arg10 : memref<80x128xf32, #tpu.memory_space<vmem>>)
    %dma_wait3A_69 = arith.constant 0 : i32
    %dma_wait3A_70 = arith.constant 0 : i32
    %dma_wait3A_71 = tpu.memref_slice %arg9[%dma_wait3A_69, %dma_wait3A_70] : memref<125x80xi32, #tpu.memory_space<vmem>> -> memref<1x80xi32, #tpu.memory_space<vmem>>
    %dma_wait3A_72 = tpu.memref_squeeze %dma_wait3A_71 : memref<1x80xi32, #tpu.memory_space<vmem>> -> memref<80xi32, #tpu.memory_space<vmem>>
    %dma_wait3A_73 = arith.constant 0 : i32
    %dma_wait3A_74 = arith.constant 0 : i32
    %dma_wait3A_75 = tpu.memref_slice %arg3[%dma_wait3A_73, %dma_wait3A_74] : memref<10000x128xf32, #tpu.memory_space<hbm>> -> memref<10000x128xf32, #tpu.memory_space<hbm>>
    tpu.wait_indirect_dma semaphore(%arg18 : memref<!tpu.dma_semaphore, #tpu.memory_space<semaphore_mem>>) src(%dma_wait3A_75 : memref<10000x128xf32, #tpu.memory_space<hbm>>) dst(%arg14 : memref<80x128xf32, #tpu.memory_space<vmem>>)
    %add3A_76 = arith.constant 9920 : i32
    %add3A_77 = arith.addi %mul3A_2, %add3A_76 : i32
    "tpu.region"() ({
      %run_scoped3A = tpu.sem_alloc : memref<!tpu.dma_semaphore, #tpu.memory_space<semaphore_mem>>
      %dma_start3A_78 = arith.constant 0 : i32
      %dma_start3A_79 = tpu.memref_slice %arg6[%add3A_77, %dma_start3A_78] : memref<320000x128xf32, #tpu.memory_space<hbm>> -> memref<80x128xf32, #tpu.memory_space<hbm>>
      %dma_start3A_80 = arith.constant 0 : i32
      %dma_start3A_81 = tpu.memref_slice %arg6[%add3A_77, %dma_start3A_80] : memref<320000x128xf32, #tpu.memory_space<hbm>> -> memref<80x128xf32, #tpu.memory_space<hbm>>
      tpu.enqueue_dma source(%arg10 : memref<80x128xf32, #tpu.memory_space<vmem>>) target(%dma_start3A_81 : memref<80x128xf32, #tpu.memory_space<hbm>>) target_semaphore(%run_scoped3A : memref<!tpu.dma_semaphore, #tpu.memory_space<semaphore_mem>>)
      %dma_wait3A_82 = arith.constant 0 : i32
      %dma_wait3A_83 = tpu.memref_slice %arg6[%add3A_77, %dma_wait3A_82] : memref<320000x128xf32, #tpu.memory_space<hbm>> -> memref<80x128xf32, #tpu.memory_space<hbm>>
      %dma_wait3A_84 = arith.constant 0 : i32
      %dma_wait3A_85 = tpu.memref_slice %arg6[%add3A_77, %dma_wait3A_84] : memref<320000x128xf32, #tpu.memory_space<hbm>> -> memref<80x128xf32, #tpu.memory_space<hbm>>
      tpu.wait_dma2 semaphore(%run_scoped3A : memref<!tpu.dma_semaphore, #tpu.memory_space<semaphore_mem>>) src(%arg10 : memref<80x128xf32, #tpu.memory_space<vmem>>) dst(%dma_wait3A_85 : memref<80x128xf32, #tpu.memory_space<hbm>>)
      tpu.yield
    }) : () -> ()
    "tpu.region"() ({
      %run_scoped3A = tpu.sem_alloc : memref<!tpu.dma_semaphore, #tpu.memory_space<semaphore_mem>>
      %dma_start3A_78 = arith.constant 0 : i32
      %dma_start3A_79 = tpu.memref_slice %arg7[%add3A_77, %dma_start3A_78] : memref<320000x128xf32, #tpu.memory_space<hbm>> -> memref<80x128xf32, #tpu.memory_space<hbm>>
      %dma_start3A_80 = arith.constant 0 : i32
      %dma_start3A_81 = tpu.memref_slice %arg7[%add3A_77, %dma_start3A_80] : memref<320000x128xf32, #tpu.memory_space<hbm>> -> memref<80x128xf32, #tpu.memory_space<hbm>>
      tpu.enqueue_dma source(%arg14 : memref<80x128xf32, #tpu.memory_space<vmem>>) target(%dma_start3A_81 : memref<80x128xf32, #tpu.memory_space<hbm>>) target_semaphore(%run_scoped3A : memref<!tpu.dma_semaphore, #tpu.memory_space<semaphore_mem>>)
      %dma_wait3A_82 = arith.constant 0 : i32
      %dma_wait3A_83 = tpu.memref_slice %arg7[%add3A_77, %dma_wait3A_82] : memref<320000x128xf32, #tpu.memory_space<hbm>> -> memref<80x128xf32, #tpu.memory_space<hbm>>
      %dma_wait3A_84 = arith.constant 0 : i32
      %dma_wait3A_85 = tpu.memref_slice %arg7[%add3A_77, %dma_wait3A_84] : memref<320000x128xf32, #tpu.memory_space<hbm>> -> memref<80x128xf32, #tpu.memory_space<hbm>>
      tpu.wait_dma2 semaphore(%run_scoped3A : memref<!tpu.dma_semaphore, #tpu.memory_space<semaphore_mem>>) src(%arg14 : memref<80x128xf32, #tpu.memory_space<vmem>>) dst(%dma_wait3A_85 : memref<80x128xf32, #tpu.memory_space<hbm>>)
      tpu.yield
    }) : () -> ()
    return
  }
}

#map = affine_map<(d0, d1) -> (0, 0)>
#map1 = affine_map<(d0, d1) -> (0, 0, 0)>
module attributes {stable_mosaic.version = 14 : i64} {
  func.func @_scatter_dst(%arg0: i32, %arg1: i32, %arg2: memref<320000x128xf32, #tpu.memory_space<hbm>>, %arg3: memref<32x125x80xi32, #tpu.memory_space<hbm>>, %arg4: memref<10000x128xf32, #tpu.memory_space<hbm>>, %arg5: memref<20000x128xf32, #tpu.memory_space<hbm>>, %arg6: memref<125x80xi32, #tpu.memory_space<vmem>>, %arg7: memref<80x128xf32, #tpu.memory_space<vmem>>, %arg8: memref<80x128xf32, #tpu.memory_space<vmem>>, %arg9: memref<10000x128xf32, #tpu.memory_space<vmem_shared>>, %arg10: memref<!tpu.dma_semaphore, #tpu.memory_space<semaphore_mem>>, %arg11: memref<!tpu.dma_semaphore, #tpu.memory_space<semaphore_mem>>) attributes {dimension_semantics = [#tpu.dimension_semantics<core_parallel>, #tpu.dimension_semantics<subcore_parallel>], iteration_bounds = array<i64: 2, 16>, scalar_prefetch = 0 : i64, scratch_operands = 6 : i64, tpu.core_type = #tpu.core_type<sc_vector_subcore>, window_params = [{transform_indices = #map}, {transform_indices = #map1}, {transform_indices = #map}, {transform_indices = #map}]} {
    %mul3A = arith.constant 2 : i32
    %mul3A_0 = arith.muli %arg1, %mul3A : i32
    %add3A = arith.addi %mul3A_0, %arg0 : i32
    %mul3A_1 = arith.constant 10000 : i32
    %mul3A_2 = arith.muli %add3A, %mul3A_1 : i32
    %eq3A = arith.constant 0 : i32
    %eq3A_3 = arith.cmpi eq, %arg1, %eq3A : i32
    %convert_element_type3A = arith.extui %eq3A_3 : i1 to i32
    %cond3A = arith.constant 0 : i32
    %cond3A_4 = arith.cmpi ne, %convert_element_type3A, %cond3A : i32
    scf.if %cond3A_4 {
      "tpu.region"() ({
        %run_scoped3A_36 = tpu.sem_alloc : memref<!tpu.dma_semaphore, #tpu.memory_space<semaphore_mem>>
        tpu.enqueue_dma source(%arg4 : memref<10000x128xf32, #tpu.memory_space<hbm>>) target(%arg9 : memref<10000x128xf32, #tpu.memory_space<vmem_shared>>) target_semaphore(%run_scoped3A_36 : memref<!tpu.dma_semaphore, #tpu.memory_space<semaphore_mem>>)
        tpu.wait_dma2 semaphore(%run_scoped3A_36 : memref<!tpu.dma_semaphore, #tpu.memory_space<semaphore_mem>>) src(%arg4 : memref<10000x128xf32, #tpu.memory_space<hbm>>) dst(%arg9 : memref<10000x128xf32, #tpu.memory_space<vmem_shared>>)
        tpu.yield
      }) : () -> ()
    } else {
    }
    "tpu.region"() ({
      %run_scoped3A_36 = tpu.sem_alloc : memref<!tpu.dma_semaphore, #tpu.memory_space<semaphore_mem>>
      %dma_start3A_37 = arith.constant 0 : i32
      %dma_start3A_38 = arith.constant 0 : i32
      %dma_start3A_39 = tpu.memref_slice %arg3[%add3A, %dma_start3A_37, %dma_start3A_38] : memref<32x125x80xi32, #tpu.memory_space<hbm>> -> memref<1x125x80xi32, #tpu.memory_space<hbm>>
      %dma_start3A_40 = tpu.memref_squeeze %dma_start3A_39 : memref<1x125x80xi32, #tpu.memory_space<hbm>> -> memref<125x80xi32, #tpu.memory_space<hbm>>
      %dma_start3A_41 = arith.constant 0 : i32
      %dma_start3A_42 = arith.constant 0 : i32
      %dma_start3A_43 = tpu.memref_slice %arg3[%add3A, %dma_start3A_41, %dma_start3A_42] : memref<32x125x80xi32, #tpu.memory_space<hbm>> -> memref<1x125x80xi32, #tpu.memory_space<hbm>>
      %dma_start3A_44 = tpu.memref_squeeze %dma_start3A_43 : memref<1x125x80xi32, #tpu.memory_space<hbm>> -> memref<125x80xi32, #tpu.memory_space<hbm>>
      tpu.enqueue_dma source(%dma_start3A_44 : memref<125x80xi32, #tpu.memory_space<hbm>>) target(%arg6 : memref<125x80xi32, #tpu.memory_space<vmem>>) target_semaphore(%run_scoped3A_36 : memref<!tpu.dma_semaphore, #tpu.memory_space<semaphore_mem>>)
      %dma_wait3A_45 = arith.constant 0 : i32
      %dma_wait3A_46 = arith.constant 0 : i32
      %dma_wait3A_47 = tpu.memref_slice %arg3[%add3A, %dma_wait3A_45, %dma_wait3A_46] : memref<32x125x80xi32, #tpu.memory_space<hbm>> -> memref<1x125x80xi32, #tpu.memory_space<hbm>>
      %dma_wait3A_48 = tpu.memref_squeeze %dma_wait3A_47 : memref<1x125x80xi32, #tpu.memory_space<hbm>> -> memref<125x80xi32, #tpu.memory_space<hbm>>
      %dma_wait3A_49 = arith.constant 0 : i32
      %dma_wait3A_50 = arith.constant 0 : i32
      %dma_wait3A_51 = tpu.memref_slice %arg3[%add3A, %dma_wait3A_49, %dma_wait3A_50] : memref<32x125x80xi32, #tpu.memory_space<hbm>> -> memref<1x125x80xi32, #tpu.memory_space<hbm>>
      %dma_wait3A_52 = tpu.memref_squeeze %dma_wait3A_51 : memref<1x125x80xi32, #tpu.memory_space<hbm>> -> memref<125x80xi32, #tpu.memory_space<hbm>>
      tpu.wait_dma2 semaphore(%run_scoped3A_36 : memref<!tpu.dma_semaphore, #tpu.memory_space<semaphore_mem>>) src(%dma_wait3A_52 : memref<125x80xi32, #tpu.memory_space<hbm>>) dst(%arg6 : memref<125x80xi32, #tpu.memory_space<vmem>>)
      tpu.yield
    }) : () -> ()
    %barrier3A = arith.constant 0 : index
    tpu.barrier barrier_id(%barrier3A)
    %add3A_5 = arith.constant 0 : i32
    %add3A_6 = arith.addi %mul3A_2, %add3A_5 : i32
    %dma_start3A = arith.constant 0 : i32
    %dma_start3A_7 = tpu.memref_slice %arg2[%add3A_6, %dma_start3A] : memref<320000x128xf32, #tpu.memory_space<hbm>> -> memref<80x128xf32, #tpu.memory_space<hbm>>
    %dma_start3A_8 = arith.constant 0 : i32
    %dma_start3A_9 = tpu.memref_slice %arg2[%add3A_6, %dma_start3A_8] : memref<320000x128xf32, #tpu.memory_space<hbm>> -> memref<80x128xf32, #tpu.memory_space<hbm>>
    tpu.enqueue_dma source(%dma_start3A_9 : memref<80x128xf32, #tpu.memory_space<hbm>>) target(%arg7 : memref<80x128xf32, #tpu.memory_space<vmem>>) target_semaphore(%arg10 : memref<!tpu.dma_semaphore, #tpu.memory_space<semaphore_mem>>)
    %add3A_10 = arith.constant 80 : i32
    %add3A_11 = arith.addi %mul3A_2, %add3A_10 : i32
    %dma_start3A_12 = arith.constant 0 : i32
    %dma_start3A_13 = tpu.memref_slice %arg2[%add3A_11, %dma_start3A_12] : memref<320000x128xf32, #tpu.memory_space<hbm>> -> memref<80x128xf32, #tpu.memory_space<hbm>>
    %dma_start3A_14 = arith.constant 0 : i32
    %dma_start3A_15 = tpu.memref_slice %arg2[%add3A_11, %dma_start3A_14] : memref<320000x128xf32, #tpu.memory_space<hbm>> -> memref<80x128xf32, #tpu.memory_space<hbm>>
    tpu.enqueue_dma source(%dma_start3A_15 : memref<80x128xf32, #tpu.memory_space<hbm>>) target(%arg8 : memref<80x128xf32, #tpu.memory_space<vmem>>) target_semaphore(%arg11 : memref<!tpu.dma_semaphore, #tpu.memory_space<semaphore_mem>>)
    %scan3A = arith.constant 0 : i32
    %scan3A_16 = arith.constant 0 : i32
    %scan3A_17 = arith.constant 62 : i32
    %scan3A_18 = arith.addi %scan3A_16, %scan3A_17 : i32
    %scan3A_19 = arith.constant 1 : i32
    scf.for %scan3A_36 = %scan3A_16 to %scan3A_18 step %scan3A_19  : i32 {
      %mul3A_37 = arith.constant 2 : i32
      %mul3A_38 = arith.muli %scan3A_36, %mul3A_37 : i32
      %add3A_39 = arith.constant 0 : i32
      %add3A_40 = arith.addi %mul3A_38, %add3A_39 : i32
      %dma_wait3A_41 = arith.constant 0 : i32
      %dma_wait3A_42 = arith.constant 0 : i32
      %dma_wait3A_43 = tpu.memref_slice %arg2[%dma_wait3A_41, %dma_wait3A_42] : memref<320000x128xf32, #tpu.memory_space<hbm>> -> memref<80x128xf32, #tpu.memory_space<hbm>>
      %dma_wait3A_44 = arith.constant 0 : i32
      %dma_wait3A_45 = arith.constant 0 : i32
      %dma_wait3A_46 = tpu.memref_slice %arg2[%dma_wait3A_44, %dma_wait3A_45] : memref<320000x128xf32, #tpu.memory_space<hbm>> -> memref<80x128xf32, #tpu.memory_space<hbm>>
      tpu.wait_dma2 semaphore(%arg10 : memref<!tpu.dma_semaphore, #tpu.memory_space<semaphore_mem>>) src(%dma_wait3A_46 : memref<80x128xf32, #tpu.memory_space<hbm>>) dst(%arg7 : memref<80x128xf32, #tpu.memory_space<vmem>>)
      "tpu.region"() ({
        %run_scoped3A_70 = tpu.sem_alloc : memref<!tpu.dma_semaphore, #tpu.memory_space<semaphore_mem>>
        %dma_start3A_71 = arith.constant 0 : i32
        %dma_start3A_72 = tpu.memref_slice %arg6[%add3A_40, %dma_start3A_71] : memref<125x80xi32, #tpu.memory_space<vmem>> -> memref<1x80xi32, #tpu.memory_space<vmem>>
        %dma_start3A_73 = tpu.memref_squeeze %dma_start3A_72 : memref<1x80xi32, #tpu.memory_space<vmem>> -> memref<80xi32, #tpu.memory_space<vmem>>
        %dma_start3A_74 = arith.constant 0 : i32
        %dma_start3A_75 = arith.constant 0 : i32
        %dma_start3A_76 = tpu.memref_slice %arg9[%dma_start3A_74, %dma_start3A_75] : memref<10000x128xf32, #tpu.memory_space<vmem_shared>> -> memref<10000x128xf32, #tpu.memory_space<vmem_shared>>
        tpu.enqueue_indirect_dma source(%arg7 : memref<80x128xf32, #tpu.memory_space<vmem>>) target(%dma_start3A_76 : memref<10000x128xf32, #tpu.memory_space<vmem_shared>>) offsets(%dma_start3A_73 : memref<80xi32, #tpu.memory_space<vmem>>) semaphore(%run_scoped3A_70 : memref<!tpu.dma_semaphore, #tpu.memory_space<semaphore_mem>>) {add = true}
        %dma_wait3A_77 = arith.constant 0 : i32
        %dma_wait3A_78 = tpu.memref_slice %arg6[%add3A_40, %dma_wait3A_77] : memref<125x80xi32, #tpu.memory_space<vmem>> -> memref<1x80xi32, #tpu.memory_space<vmem>>
        %dma_wait3A_79 = tpu.memref_squeeze %dma_wait3A_78 : memref<1x80xi32, #tpu.memory_space<vmem>> -> memref<80xi32, #tpu.memory_space<vmem>>
        %dma_wait3A_80 = arith.constant 0 : i32
        %dma_wait3A_81 = arith.constant 0 : i32
        %dma_wait3A_82 = tpu.memref_slice %arg9[%dma_wait3A_80, %dma_wait3A_81] : memref<10000x128xf32, #tpu.memory_space<vmem_shared>> -> memref<10000x128xf32, #tpu.memory_space<vmem_shared>>
        tpu.wait_indirect_dma semaphore(%run_scoped3A_70 : memref<!tpu.dma_semaphore, #tpu.memory_space<semaphore_mem>>) src(%arg7 : memref<80x128xf32, #tpu.memory_space<vmem>>) dst(%dma_wait3A_82 : memref<10000x128xf32, #tpu.memory_space<vmem_shared>>)
        tpu.yield
      }) : () -> ()
      %add3A_47 = arith.constant 2 : i32
      %add3A_48 = arith.addi %add3A_40, %add3A_47 : i32
      %le3A = arith.constant 124 : i32
      %le3A_49 = arith.cmpi sle, %add3A_48, %le3A : i32
      %convert_element_type3A_50 = arith.extui %le3A_49 : i1 to i32
      %cond3A_51 = arith.constant 0 : i32
      %cond3A_52 = arith.cmpi ne, %convert_element_type3A_50, %cond3A_51 : i32
      scf.if %cond3A_52 {
        %mul3A_70 = arith.constant 80 : i32
        %mul3A_71 = arith.muli %add3A_48, %mul3A_70 : i32
        %add3A_72 = arith.addi %mul3A_2, %mul3A_71 : i32
        %dma_start3A_73 = arith.constant 0 : i32
        %dma_start3A_74 = tpu.memref_slice %arg2[%add3A_72, %dma_start3A_73] : memref<320000x128xf32, #tpu.memory_space<hbm>> -> memref<80x128xf32, #tpu.memory_space<hbm>>
        %dma_start3A_75 = arith.constant 0 : i32
        %dma_start3A_76 = tpu.memref_slice %arg2[%add3A_72, %dma_start3A_75] : memref<320000x128xf32, #tpu.memory_space<hbm>> -> memref<80x128xf32, #tpu.memory_space<hbm>>
        tpu.enqueue_dma source(%dma_start3A_76 : memref<80x128xf32, #tpu.memory_space<hbm>>) target(%arg7 : memref<80x128xf32, #tpu.memory_space<vmem>>) target_semaphore(%arg10 : memref<!tpu.dma_semaphore, #tpu.memory_space<semaphore_mem>>)
      } else {
      }
      %mul3A_53 = arith.constant 2 : i32
      %mul3A_54 = arith.muli %scan3A_36, %mul3A_53 : i32
      %add3A_55 = arith.constant 1 : i32
      %add3A_56 = arith.addi %mul3A_54, %add3A_55 : i32
      %dma_wait3A_57 = arith.constant 0 : i32
      %dma_wait3A_58 = arith.constant 0 : i32
      %dma_wait3A_59 = tpu.memref_slice %arg2[%dma_wait3A_57, %dma_wait3A_58] : memref<320000x128xf32, #tpu.memory_space<hbm>> -> memref<80x128xf32, #tpu.memory_space<hbm>>
      %dma_wait3A_60 = arith.constant 0 : i32
      %dma_wait3A_61 = arith.constant 0 : i32
      %dma_wait3A_62 = tpu.memref_slice %arg2[%dma_wait3A_60, %dma_wait3A_61] : memref<320000x128xf32, #tpu.memory_space<hbm>> -> memref<80x128xf32, #tpu.memory_space<hbm>>
      tpu.wait_dma2 semaphore(%arg11 : memref<!tpu.dma_semaphore, #tpu.memory_space<semaphore_mem>>) src(%dma_wait3A_62 : memref<80x128xf32, #tpu.memory_space<hbm>>) dst(%arg8 : memref<80x128xf32, #tpu.memory_space<vmem>>)
      "tpu.region"() ({
        %run_scoped3A_70 = tpu.sem_alloc : memref<!tpu.dma_semaphore, #tpu.memory_space<semaphore_mem>>
        %dma_start3A_71 = arith.constant 0 : i32
        %dma_start3A_72 = tpu.memref_slice %arg6[%add3A_56, %dma_start3A_71] : memref<125x80xi32, #tpu.memory_space<vmem>> -> memref<1x80xi32, #tpu.memory_space<vmem>>
        %dma_start3A_73 = tpu.memref_squeeze %dma_start3A_72 : memref<1x80xi32, #tpu.memory_space<vmem>> -> memref<80xi32, #tpu.memory_space<vmem>>
        %dma_start3A_74 = arith.constant 0 : i32
        %dma_start3A_75 = arith.constant 0 : i32
        %dma_start3A_76 = tpu.memref_slice %arg9[%dma_start3A_74, %dma_start3A_75] : memref<10000x128xf32, #tpu.memory_space<vmem_shared>> -> memref<10000x128xf32, #tpu.memory_space<vmem_shared>>
        tpu.enqueue_indirect_dma source(%arg8 : memref<80x128xf32, #tpu.memory_space<vmem>>) target(%dma_start3A_76 : memref<10000x128xf32, #tpu.memory_space<vmem_shared>>) offsets(%dma_start3A_73 : memref<80xi32, #tpu.memory_space<vmem>>) semaphore(%run_scoped3A_70 : memref<!tpu.dma_semaphore, #tpu.memory_space<semaphore_mem>>) {add = true}
        %dma_wait3A_77 = arith.constant 0 : i32
        %dma_wait3A_78 = tpu.memref_slice %arg6[%add3A_56, %dma_wait3A_77] : memref<125x80xi32, #tpu.memory_space<vmem>> -> memref<1x80xi32, #tpu.memory_space<vmem>>
        %dma_wait3A_79 = tpu.memref_squeeze %dma_wait3A_78 : memref<1x80xi32, #tpu.memory_space<vmem>> -> memref<80xi32, #tpu.memory_space<vmem>>
        %dma_wait3A_80 = arith.constant 0 : i32
        %dma_wait3A_81 = arith.constant 0 : i32
        %dma_wait3A_82 = tpu.memref_slice %arg9[%dma_wait3A_80, %dma_wait3A_81] : memref<10000x128xf32, #tpu.memory_space<vmem_shared>> -> memref<10000x128xf32, #tpu.memory_space<vmem_shared>>
        tpu.wait_indirect_dma semaphore(%run_scoped3A_70 : memref<!tpu.dma_semaphore, #tpu.memory_space<semaphore_mem>>) src(%arg8 : memref<80x128xf32, #tpu.memory_space<vmem>>) dst(%dma_wait3A_82 : memref<10000x128xf32, #tpu.memory_space<vmem_shared>>)
        tpu.yield
      }) : () -> ()
      %add3A_63 = arith.constant 2 : i32
      %add3A_64 = arith.addi %add3A_56, %add3A_63 : i32
      %le3A_65 = arith.constant 124 : i32
      %le3A_66 = arith.cmpi sle, %add3A_64, %le3A_65 : i32
      %convert_element_type3A_67 = arith.extui %le3A_66 : i1 to i32
      %cond3A_68 = arith.constant 0 : i32
      %cond3A_69 = arith.cmpi ne, %convert_element_type3A_67, %cond3A_68 : i32
      scf.if %cond3A_69 {
        %mul3A_70 = arith.constant 80 : i32
        %mul3A_71 = arith.muli %add3A_64, %mul3A_70 : i32
        %add3A_72 = arith.addi %mul3A_2, %mul3A_71 : i32
        %dma_start3A_73 = arith.constant 0 : i32
        %dma_start3A_74 = tpu.memref_slice %arg2[%add3A_72, %dma_start3A_73] : memref<320000x128xf32, #tpu.memory_space<hbm>> -> memref<80x128xf32, #tpu.memory_space<hbm>>
        %dma_start3A_75 = arith.constant 0 : i32
        %dma_start3A_76 = tpu.memref_slice %arg2[%add3A_72, %dma_start3A_75] : memref<320000x128xf32, #tpu.memory_space<hbm>> -> memref<80x128xf32, #tpu.memory_space<hbm>>
        tpu.enqueue_dma source(%dma_start3A_76 : memref<80x128xf32, #tpu.memory_space<hbm>>) target(%arg8 : memref<80x128xf32, #tpu.memory_space<vmem>>) target_semaphore(%arg11 : memref<!tpu.dma_semaphore, #tpu.memory_space<semaphore_mem>>)
      } else {
      }
    }
    %scan3A_20 = arith.constant 62 : i32
    %dma_wait3A = arith.constant 0 : i32
    %dma_wait3A_21 = arith.constant 0 : i32
    %dma_wait3A_22 = tpu.memref_slice %arg2[%dma_wait3A, %dma_wait3A_21] : memref<320000x128xf32, #tpu.memory_space<hbm>> -> memref<80x128xf32, #tpu.memory_space<hbm>>
    %dma_wait3A_23 = arith.constant 0 : i32
    %dma_wait3A_24 = arith.constant 0 : i32
    %dma_wait3A_25 = tpu.memref_slice %arg2[%dma_wait3A_23, %dma_wait3A_24] : memref<320000x128xf32, #tpu.memory_space<hbm>> -> memref<80x128xf32, #tpu.memory_space<hbm>>
    tpu.wait_dma2 semaphore(%arg10 : memref<!tpu.dma_semaphore, #tpu.memory_space<semaphore_mem>>) src(%dma_wait3A_25 : memref<80x128xf32, #tpu.memory_space<hbm>>) dst(%arg7 : memref<80x128xf32, #tpu.memory_space<vmem>>)
    %run_scoped3A = arith.constant 124 : i32
    "tpu.region"() ({
      %run_scoped3A_36 = tpu.sem_alloc : memref<!tpu.dma_semaphore, #tpu.memory_space<semaphore_mem>>
      %dma_start3A_37 = arith.constant 0 : i32
      %dma_start3A_38 = tpu.memref_slice %arg6[%run_scoped3A, %dma_start3A_37] : memref<125x80xi32, #tpu.memory_space<vmem>> -> memref<1x80xi32, #tpu.memory_space<vmem>>
      %dma_start3A_39 = tpu.memref_squeeze %dma_start3A_38 : memref<1x80xi32, #tpu.memory_space<vmem>> -> memref<80xi32, #tpu.memory_space<vmem>>
      %dma_start3A_40 = arith.constant 0 : i32
      %dma_start3A_41 = arith.constant 0 : i32
      %dma_start3A_42 = tpu.memref_slice %arg9[%dma_start3A_40, %dma_start3A_41] : memref<10000x128xf32, #tpu.memory_space<vmem_shared>> -> memref<10000x128xf32, #tpu.memory_space<vmem_shared>>
      tpu.enqueue_indirect_dma source(%arg7 : memref<80x128xf32, #tpu.memory_space<vmem>>) target(%dma_start3A_42 : memref<10000x128xf32, #tpu.memory_space<vmem_shared>>) offsets(%dma_start3A_39 : memref<80xi32, #tpu.memory_space<vmem>>) semaphore(%run_scoped3A_36 : memref<!tpu.dma_semaphore, #tpu.memory_space<semaphore_mem>>) {add = true}
      %dma_wait3A_43 = arith.constant 0 : i32
      %dma_wait3A_44 = tpu.memref_slice %arg6[%run_scoped3A, %dma_wait3A_43] : memref<125x80xi32, #tpu.memory_space<vmem>> -> memref<1x80xi32, #tpu.memory_space<vmem>>
      %dma_wait3A_45 = tpu.memref_squeeze %dma_wait3A_44 : memref<1x80xi32, #tpu.memory_space<vmem>> -> memref<80xi32, #tpu.memory_space<vmem>>
      %dma_wait3A_46 = arith.constant 0 : i32
      %dma_wait3A_47 = arith.constant 0 : i32
      %dma_wait3A_48 = tpu.memref_slice %arg9[%dma_wait3A_46, %dma_wait3A_47] : memref<10000x128xf32, #tpu.memory_space<vmem_shared>> -> memref<10000x128xf32, #tpu.memory_space<vmem_shared>>
      tpu.wait_indirect_dma semaphore(%run_scoped3A_36 : memref<!tpu.dma_semaphore, #tpu.memory_space<semaphore_mem>>) src(%arg7 : memref<80x128xf32, #tpu.memory_space<vmem>>) dst(%dma_wait3A_48 : memref<10000x128xf32, #tpu.memory_space<vmem_shared>>)
      tpu.yield
    }) : () -> ()
    %barrier3A_26 = arith.constant 0 : index
    tpu.barrier barrier_id(%barrier3A_26)
    %lt3A = arith.constant 15 : i32
    %lt3A_27 = arith.cmpi slt, %arg1, %lt3A : i32
    %convert_element_type3A_28 = arith.extui %lt3A_27 : i1 to i32
    %cond3A_29 = arith.constant 0 : i32
    %cond3A_30 = arith.cmpi ne, %convert_element_type3A_28, %cond3A_29 : i32
    scf.if %cond3A_30 {
      %mul3A_36 = arith.constant 624 : i32
      %mul3A_37 = arith.muli %arg1, %mul3A_36 : i32
      %mul3A_38 = arith.constant 10000 : i32
      %mul3A_39 = arith.muli %arg0, %mul3A_38 : i32
      %mul3A_40 = arith.constant 624 : i32
      %mul3A_41 = arith.muli %arg1, %mul3A_40 : i32
      %add3A_42 = arith.addi %mul3A_39, %mul3A_41 : i32
      "tpu.region"() ({
        %run_scoped3A_43 = tpu.sem_alloc : memref<!tpu.dma_semaphore, #tpu.memory_space<semaphore_mem>>
        %dma_start3A_44 = arith.constant 0 : i32
        %dma_start3A_45 = tpu.memref_slice %arg5[%add3A_42, %dma_start3A_44] : memref<20000x128xf32, #tpu.memory_space<hbm>> -> memref<624x128xf32, #tpu.memory_space<hbm>>
        %dma_start3A_46 = arith.constant 0 : i32
        %dma_start3A_47 = tpu.memref_slice %arg9[%mul3A_37, %dma_start3A_46] : memref<10000x128xf32, #tpu.memory_space<vmem_shared>> -> memref<624x128xf32, #tpu.memory_space<vmem_shared>>
        tpu.enqueue_dma source(%dma_start3A_47 : memref<624x128xf32, #tpu.memory_space<vmem_shared>>) target(%dma_start3A_45 : memref<624x128xf32, #tpu.memory_space<hbm>>) target_semaphore(%run_scoped3A_43 : memref<!tpu.dma_semaphore, #tpu.memory_space<semaphore_mem>>)
        %dma_wait3A_48 = arith.constant 0 : i32
        %dma_wait3A_49 = tpu.memref_slice %arg5[%add3A_42, %dma_wait3A_48] : memref<20000x128xf32, #tpu.memory_space<hbm>> -> memref<624x128xf32, #tpu.memory_space<hbm>>
        %dma_wait3A_50 = arith.constant 0 : i32
        %dma_wait3A_51 = tpu.memref_slice %arg9[%mul3A_37, %dma_wait3A_50] : memref<10000x128xf32, #tpu.memory_space<vmem_shared>> -> memref<624x128xf32, #tpu.memory_space<vmem_shared>>
        tpu.wait_dma2 semaphore(%run_scoped3A_43 : memref<!tpu.dma_semaphore, #tpu.memory_space<semaphore_mem>>) src(%dma_wait3A_51 : memref<624x128xf32, #tpu.memory_space<vmem_shared>>) dst(%dma_wait3A_49 : memref<624x128xf32, #tpu.memory_space<hbm>>)
        tpu.yield
      }) : () -> ()
    } else {
    }
    %eq3A_31 = arith.constant 15 : i32
    %eq3A_32 = arith.cmpi eq, %arg1, %eq3A_31 : i32
    %convert_element_type3A_33 = arith.extui %eq3A_32 : i1 to i32
    %cond3A_34 = arith.constant 0 : i32
    %cond3A_35 = arith.cmpi ne, %convert_element_type3A_33, %cond3A_34 : i32
    scf.if %cond3A_35 {
      %mul3A_36 = arith.constant 10000 : i32
      %mul3A_37 = arith.muli %arg0, %mul3A_36 : i32
      %add3A_38 = arith.constant 9360 : i32
      %add3A_39 = arith.addi %mul3A_37, %add3A_38 : i32
      "tpu.region"() ({
        %run_scoped3A_40 = tpu.sem_alloc : memref<!tpu.dma_semaphore, #tpu.memory_space<semaphore_mem>>
        %dma_start3A_41 = arith.constant 0 : i32
        %dma_start3A_42 = tpu.memref_slice %arg5[%add3A_39, %dma_start3A_41] : memref<20000x128xf32, #tpu.memory_space<hbm>> -> memref<640x128xf32, #tpu.memory_space<hbm>>
        %dma_start3A_43 = arith.constant 9360 : i32
        %dma_start3A_44 = arith.constant 0 : i32
        %dma_start3A_45 = tpu.memref_slice %arg9[%dma_start3A_43, %dma_start3A_44] : memref<10000x128xf32, #tpu.memory_space<vmem_shared>> -> memref<640x128xf32, #tpu.memory_space<vmem_shared>>
        tpu.enqueue_dma source(%dma_start3A_45 : memref<640x128xf32, #tpu.memory_space<vmem_shared>>) target(%dma_start3A_42 : memref<640x128xf32, #tpu.memory_space<hbm>>) target_semaphore(%run_scoped3A_40 : memref<!tpu.dma_semaphore, #tpu.memory_space<semaphore_mem>>)
        %dma_wait3A_46 = arith.constant 0 : i32
        %dma_wait3A_47 = tpu.memref_slice %arg5[%add3A_39, %dma_wait3A_46] : memref<20000x128xf32, #tpu.memory_space<hbm>> -> memref<640x128xf32, #tpu.memory_space<hbm>>
        %dma_wait3A_48 = arith.constant 9360 : i32
        %dma_wait3A_49 = arith.constant 0 : i32
        %dma_wait3A_50 = tpu.memref_slice %arg9[%dma_wait3A_48, %dma_wait3A_49] : memref<10000x128xf32, #tpu.memory_space<vmem_shared>> -> memref<640x128xf32, #tpu.memory_space<vmem_shared>>
        tpu.wait_dma2 semaphore(%run_scoped3A_40 : memref<!tpu.dma_semaphore, #tpu.memory_space<semaphore_mem>>) src(%dma_wait3A_50 : memref<640x128xf32, #tpu.memory_space<vmem_shared>>) dst(%dma_wait3A_47 : memref<640x128xf32, #tpu.memory_space<hbm>>)
        tpu.yield
      }) : () -> ()
    } else {
    }
    return
  }
}

#map = affine_map<(d0, d1) -> (0, 0)>
#map1 = affine_map<(d0, d1) -> (0, 0, 0)>
module attributes {stable_mosaic.version = 14 : i64} {
  func.func @_gather_ab(%arg0: i32, %arg1: i32, %arg2: memref<10000x128xf32, #tpu.memory_space<hbm>>, %arg3: memref<10000x128xf32, #tpu.memory_space<hbm>>, %arg4: memref<32x125x80xi32, #tpu.memory_space<hbm>>, %arg5: memref<32x125x80xi32, #tpu.memory_space<hbm>>, %arg6: memref<320000x128xf32, #tpu.memory_space<hbm>>, %arg7: memref<320000x128xf32, #tpu.memory_space<hbm>>, %arg8: memref<125x80xi32, #tpu.memory_space<vmem>>, %arg9: memref<125x80xi32, #tpu.memory_space<vmem>>, %arg10: memref<80x128xf32, #tpu.memory_space<vmem>>, %arg11: memref<80x128xf32, #tpu.memory_space<vmem>>, %arg12: memref<80x128xf32, #tpu.memory_space<vmem>>, %arg13: memref<80x128xf32, #tpu.memory_space<vmem>>, %arg14: memref<80x128xf32, #tpu.memory_space<vmem>>, %arg15: memref<80x128xf32, #tpu.memory_space<vmem>>, %arg16: memref<80x128xf32, #tpu.memory_space<vmem>>, %arg17: memref<80x128xf32, #tpu.memory_space<vmem>>, %arg18: memref<!tpu.dma_semaphore, #tpu.memory_space<semaphore_mem>>, %arg19: memref<!tpu.dma_semaphore, #tpu.memory_space<semaphore_mem>>, %arg20: memref<!tpu.dma_semaphore, #tpu.memory_space<semaphore_mem>>, %arg21: memref<!tpu.dma_semaphore, #tpu.memory_space<semaphore_mem>>, %arg22: memref<!tpu.dma_semaphore, #tpu.memory_space<semaphore_mem>>, %arg23: memref<!tpu.dma_semaphore, #tpu.memory_space<semaphore_mem>>, %arg24: memref<!tpu.dma_semaphore, #tpu.memory_space<semaphore_mem>>, %arg25: memref<!tpu.dma_semaphore, #tpu.memory_space<semaphore_mem>>) attributes {dimension_semantics = [#tpu.dimension_semantics<core_parallel>, #tpu.dimension_semantics<subcore_parallel>], iteration_bounds = array<i64: 2, 16>, scalar_prefetch = 0 : i64, scratch_operands = 18 : i64, tpu.core_type = #tpu.core_type<sc_vector_subcore>, window_params = [{transform_indices = #map}, {transform_indices = #map}, {transform_indices = #map1}, {transform_indices = #map1}, {transform_indices = #map}, {transform_indices = #map}]} {
    %mul3A = arith.constant 2 : i32
    %mul3A_0 = arith.muli %arg1, %mul3A : i32
    %add3A = arith.addi %mul3A_0, %arg0 : i32
    %mul3A_1 = arith.constant 10000 : i32
    %mul3A_2 = arith.muli %add3A, %mul3A_1 : i32
    "tpu.region"() ({
      %run_scoped3A = tpu.sem_alloc : memref<!tpu.dma_semaphore, #tpu.memory_space<semaphore_mem>>
      %dma_start3A_78 = arith.constant 0 : i32
      %dma_start3A_79 = arith.constant 0 : i32
      %dma_start3A_80 = tpu.memref_slice %arg4[%add3A, %dma_start3A_78, %dma_start3A_79] : memref<32x125x80xi32, #tpu.memory_space<hbm>> -> memref<1x125x80xi32, #tpu.memory_space<hbm>>
      %dma_start3A_81 = tpu.memref_squeeze %dma_start3A_80 : memref<1x125x80xi32, #tpu.memory_space<hbm>> -> memref<125x80xi32, #tpu.memory_space<hbm>>
      %dma_start3A_82 = arith.constant 0 : i32
      %dma_start3A_83 = arith.constant 0 : i32
      %dma_start3A_84 = tpu.memref_slice %arg4[%add3A, %dma_start3A_82, %dma_start3A_83] : memref<32x125x80xi32, #tpu.memory_space<hbm>> -> memref<1x125x80xi32, #tpu.memory_space<hbm>>
      %dma_start3A_85 = tpu.memref_squeeze %dma_start3A_84 : memref<1x125x80xi32, #tpu.memory_space<hbm>> -> memref<125x80xi32, #tpu.memory_space<hbm>>
      tpu.enqueue_dma source(%dma_start3A_85 : memref<125x80xi32, #tpu.memory_space<hbm>>) target(%arg8 : memref<125x80xi32, #tpu.memory_space<vmem>>) target_semaphore(%run_scoped3A : memref<!tpu.dma_semaphore, #tpu.memory_space<semaphore_mem>>)
      %dma_wait3A_86 = arith.constant 0 : i32
      %dma_wait3A_87 = arith.constant 0 : i32
      %dma_wait3A_88 = tpu.memref_slice %arg4[%add3A, %dma_wait3A_86, %dma_wait3A_87] : memref<32x125x80xi32, #tpu.memory_space<hbm>> -> memref<1x125x80xi32, #tpu.memory_space<hbm>>
      %dma_wait3A_89 = tpu.memref_squeeze %dma_wait3A_88 : memref<1x125x80xi32, #tpu.memory_space<hbm>> -> memref<125x80xi32, #tpu.memory_space<hbm>>
      %dma_wait3A_90 = arith.constant 0 : i32
      %dma_wait3A_91 = arith.constant 0 : i32
      %dma_wait3A_92 = tpu.memref_slice %arg4[%add3A, %dma_wait3A_90, %dma_wait3A_91] : memref<32x125x80xi32, #tpu.memory_space<hbm>> -> memref<1x125x80xi32, #tpu.memory_space<hbm>>
      %dma_wait3A_93 = tpu.memref_squeeze %dma_wait3A_92 : memref<1x125x80xi32, #tpu.memory_space<hbm>> -> memref<125x80xi32, #tpu.memory_space<hbm>>
      tpu.wait_dma2 semaphore(%run_scoped3A : memref<!tpu.dma_semaphore, #tpu.memory_space<semaphore_mem>>) src(%dma_wait3A_93 : memref<125x80xi32, #tpu.memory_space<hbm>>) dst(%arg8 : memref<125x80xi32, #tpu.memory_space<vmem>>)
      tpu.yield
    }) : () -> ()
    "tpu.region"() ({
      %run_scoped3A = tpu.sem_alloc : memref<!tpu.dma_semaphore, #tpu.memory_space<semaphore_mem>>
      %dma_start3A_78 = arith.constant 0 : i32
      %dma_start3A_79 = arith.constant 0 : i32
      %dma_start3A_80 = tpu.memref_slice %arg5[%add3A, %dma_start3A_78, %dma_start3A_79] : memref<32x125x80xi32, #tpu.memory_space<hbm>> -> memref<1x125x80xi32, #tpu.memory_space<hbm>>
      %dma_start3A_81 = tpu.memref_squeeze %dma_start3A_80 : memref<1x125x80xi32, #tpu.memory_space<hbm>> -> memref<125x80xi32, #tpu.memory_space<hbm>>
      %dma_start3A_82 = arith.constant 0 : i32
      %dma_start3A_83 = arith.constant 0 : i32
      %dma_start3A_84 = tpu.memref_slice %arg5[%add3A, %dma_start3A_82, %dma_start3A_83] : memref<32x125x80xi32, #tpu.memory_space<hbm>> -> memref<1x125x80xi32, #tpu.memory_space<hbm>>
      %dma_start3A_85 = tpu.memref_squeeze %dma_start3A_84 : memref<1x125x80xi32, #tpu.memory_space<hbm>> -> memref<125x80xi32, #tpu.memory_space<hbm>>
      tpu.enqueue_dma source(%dma_start3A_85 : memref<125x80xi32, #tpu.memory_space<hbm>>) target(%arg9 : memref<125x80xi32, #tpu.memory_space<vmem>>) target_semaphore(%run_scoped3A : memref<!tpu.dma_semaphore, #tpu.memory_space<semaphore_mem>>)
      %dma_wait3A_86 = arith.constant 0 : i32
      %dma_wait3A_87 = arith.constant 0 : i32
      %dma_wait3A_88 = tpu.memref_slice %arg5[%add3A, %dma_wait3A_86, %dma_wait3A_87] : memref<32x125x80xi32, #tpu.memory_space<hbm>> -> memref<1x125x80xi32, #tpu.memory_space<hbm>>
      %dma_wait3A_89 = tpu.memref_squeeze %dma_wait3A_88 : memref<1x125x80xi32, #tpu.memory_space<hbm>> -> memref<125x80xi32, #tpu.memory_space<hbm>>
      %dma_wait3A_90 = arith.constant 0 : i32
      %dma_wait3A_91 = arith.constant 0 : i32
      %dma_wait3A_92 = tpu.memref_slice %arg5[%add3A, %dma_wait3A_90, %dma_wait3A_91] : memref<32x125x80xi32, #tpu.memory_space<hbm>> -> memref<1x125x80xi32, #tpu.memory_space<hbm>>
      %dma_wait3A_93 = tpu.memref_squeeze %dma_wait3A_92 : memref<1x125x80xi32, #tpu.memory_space<hbm>> -> memref<125x80xi32, #tpu.memory_space<hbm>>
      tpu.wait_dma2 semaphore(%run_scoped3A : memref<!tpu.dma_semaphore, #tpu.memory_space<semaphore_mem>>) src(%dma_wait3A_93 : memref<125x80xi32, #tpu.memory_space<hbm>>) dst(%arg9 : memref<125x80xi32, #tpu.memory_space<vmem>>)
      tpu.yield
    }) : () -> ()
    %dma_start3A = arith.constant 0 : i32
    %dma_start3A_3 = arith.constant 0 : i32
    %dma_start3A_4 = tpu.memref_slice %arg8[%dma_start3A, %dma_start3A_3] : memref<125x80xi32, #tpu.memory_space<vmem>> -> memref<1x80xi32, #tpu.memory_space<vmem>>
    %dma_start3A_5 = tpu.memref_squeeze %dma_start3A_4 : memref<1x80xi32, #tpu.memory_space<vmem>> -> memref<80xi32, #tpu.memory_space<vmem>>
    %dma_start3A_6 = arith.constant 0 : i32
    %dma_start3A_7 = arith.constant 0 : i32
    %dma_start3A_8 = tpu.memref_slice %arg2[%dma_start3A_6, %dma_start3A_7] : memref<10000x128xf32, #tpu.memory_space<hbm>> -> memref<10000x128xf32, #tpu.memory_space<hbm>>
    tpu.enqueue_indirect_dma source(%dma_start3A_8 : memref<10000x128xf32, #tpu.memory_space<hbm>>) target(%arg10 : memref<80x128xf32, #tpu.memory_space<vmem>>) offsets(%dma_start3A_5 : memref<80xi32, #tpu.memory_space<vmem>>) semaphore(%arg18 : memref<!tpu.dma_semaphore, #tpu.memory_space<semaphore_mem>>)
    %dma_start3A_9 = arith.constant 0 : i32
    %dma_start3A_10 = arith.constant 0 : i32
    %dma_start3A_11 = tpu.memref_slice %arg9[%dma_start3A_9, %dma_start3A_10] : memref<125x80xi32, #tpu.memory_space<vmem>> -> memref<1x80xi32, #tpu.memory_space<vmem>>
    %dma_start3A_12 = tpu.memref_squeeze %dma_start3A_11 : memref<1x80xi32, #tpu.memory_space<vmem>> -> memref<80xi32, #tpu.memory_space<vmem>>
    %dma_start3A_13 = arith.constant 0 : i32
    %dma_start3A_14 = arith.constant 0 : i32
    %dma_start3A_15 = tpu.memref_slice %arg3[%dma_start3A_13, %dma_start3A_14] : memref<10000x128xf32, #tpu.memory_space<hbm>> -> memref<10000x128xf32, #tpu.memory_space<hbm>>
    tpu.enqueue_indirect_dma source(%dma_start3A_15 : memref<10000x128xf32, #tpu.memory_space<hbm>>) target(%arg14 : memref<80x128xf32, #tpu.memory_space<vmem>>) offsets(%dma_start3A_12 : memref<80xi32, #tpu.memory_space<vmem>>) semaphore(%arg18 : memref<!tpu.dma_semaphore, #tpu.memory_space<semaphore_mem>>)
    %dma_start3A_16 = arith.constant 1 : i32
    %dma_start3A_17 = arith.constant 0 : i32
    %dma_start3A_18 = tpu.memref_slice %arg8[%dma_start3A_16, %dma_start3A_17] : memref<125x80xi32, #tpu.memory_space<vmem>> -> memref<1x80xi32, #tpu.memory_space<vmem>>
    %dma_start3A_19 = tpu.memref_squeeze %dma_start3A_18 : memref<1x80xi32, #tpu.memory_space<vmem>> -> memref<80xi32, #tpu.memory_space<vmem>>
    %dma_start3A_20 = arith.constant 0 : i32
    %dma_start3A_21 = arith.constant 0 : i32
    %dma_start3A_22 = tpu.memref_slice %arg2[%dma_start3A_20, %dma_start3A_21] : memref<10000x128xf32, #tpu.memory_space<hbm>> -> memref<10000x128xf32, #tpu.memory_space<hbm>>
    tpu.enqueue_indirect_dma source(%dma_start3A_22 : memref<10000x128xf32, #tpu.memory_space<hbm>>) target(%arg11 : memref<80x128xf32, #tpu.memory_space<vmem>>) offsets(%dma_start3A_19 : memref<80xi32, #tpu.memory_space<vmem>>) semaphore(%arg19 : memref<!tpu.dma_semaphore, #tpu.memory_space<semaphore_mem>>)
    %dma_start3A_23 = arith.constant 1 : i32
    %dma_start3A_24 = arith.constant 0 : i32
    %dma_start3A_25 = tpu.memref_slice %arg9[%dma_start3A_23, %dma_start3A_24] : memref<125x80xi32, #tpu.memory_space<vmem>> -> memref<1x80xi32, #tpu.memory_space<vmem>>
    %dma_start3A_26 = tpu.memref_squeeze %dma_start3A_25 : memref<1x80xi32, #tpu.memory_space<vmem>> -> memref<80xi32, #tpu.memory_space<vmem>>
    %dma_start3A_27 = arith.constant 0 : i32
    %dma_start3A_28 = arith.constant 0 : i32
    %dma_start3A_29 = tpu.memref_slice %arg3[%dma_start3A_27, %dma_start3A_28] : memref<10000x128xf32, #tpu.memory_space<hbm>> -> memref<10000x128xf32, #tpu.memory_space<hbm>>
    tpu.enqueue_indirect_dma source(%dma_start3A_29 : memref<10000x128xf32, #tpu.memory_space<hbm>>) target(%arg15 : memref<80x128xf32, #tpu.memory_space<vmem>>) offsets(%dma_start3A_26 : memref<80xi32, #tpu.memory_space<vmem>>) semaphore(%arg19 : memref<!tpu.dma_semaphore, #tpu.memory_space<semaphore_mem>>)
    %dma_start3A_30 = arith.constant 2 : i32
    %dma_start3A_31 = arith.constant 0 : i32
    %dma_start3A_32 = tpu.memref_slice %arg8[%dma_start3A_30, %dma_start3A_31] : memref<125x80xi32, #tpu.memory_space<vmem>> -> memref<1x80xi32, #tpu.memory_space<vmem>>
    %dma_start3A_33 = tpu.memref_squeeze %dma_start3A_32 : memref<1x80xi32, #tpu.memory_space<vmem>> -> memref<80xi32, #tpu.memory_space<vmem>>
    %dma_start3A_34 = arith.constant 0 : i32
    %dma_start3A_35 = arith.constant 0 : i32
    %dma_start3A_36 = tpu.memref_slice %arg2[%dma_start3A_34, %dma_start3A_35] : memref<10000x128xf32, #tpu.memory_space<hbm>> -> memref<10000x128xf32, #tpu.memory_space<hbm>>
    tpu.enqueue_indirect_dma source(%dma_start3A_36 : memref<10000x128xf32, #tpu.memory_space<hbm>>) target(%arg12 : memref<80x128xf32, #tpu.memory_space<vmem>>) offsets(%dma_start3A_33 : memref<80xi32, #tpu.memory_space<vmem>>) semaphore(%arg20 : memref<!tpu.dma_semaphore, #tpu.memory_space<semaphore_mem>>)
    %dma_start3A_37 = arith.constant 2 : i32
    %dma_start3A_38 = arith.constant 0 : i32
    %dma_start3A_39 = tpu.memref_slice %arg9[%dma_start3A_37, %dma_start3A_38] : memref<125x80xi32, #tpu.memory_space<vmem>> -> memref<1x80xi32, #tpu.memory_space<vmem>>
    %dma_start3A_40 = tpu.memref_squeeze %dma_start3A_39 : memref<1x80xi32, #tpu.memory_space<vmem>> -> memref<80xi32, #tpu.memory_space<vmem>>
    %dma_start3A_41 = arith.constant 0 : i32
    %dma_start3A_42 = arith.constant 0 : i32
    %dma_start3A_43 = tpu.memref_slice %arg3[%dma_start3A_41, %dma_start3A_42] : memref<10000x128xf32, #tpu.memory_space<hbm>> -> memref<10000x128xf32, #tpu.memory_space<hbm>>
    tpu.enqueue_indirect_dma source(%dma_start3A_43 : memref<10000x128xf32, #tpu.memory_space<hbm>>) target(%arg16 : memref<80x128xf32, #tpu.memory_space<vmem>>) offsets(%dma_start3A_40 : memref<80xi32, #tpu.memory_space<vmem>>) semaphore(%arg20 : memref<!tpu.dma_semaphore, #tpu.memory_space<semaphore_mem>>)
    %dma_start3A_44 = arith.constant 3 : i32
    %dma_start3A_45 = arith.constant 0 : i32
    %dma_start3A_46 = tpu.memref_slice %arg8[%dma_start3A_44, %dma_start3A_45] : memref<125x80xi32, #tpu.memory_space<vmem>> -> memref<1x80xi32, #tpu.memory_space<vmem>>
    %dma_start3A_47 = tpu.memref_squeeze %dma_start3A_46 : memref<1x80xi32, #tpu.memory_space<vmem>> -> memref<80xi32, #tpu.memory_space<vmem>>
    %dma_start3A_48 = arith.constant 0 : i32
    %dma_start3A_49 = arith.constant 0 : i32
    %dma_start3A_50 = tpu.memref_slice %arg2[%dma_start3A_48, %dma_start3A_49] : memref<10000x128xf32, #tpu.memory_space<hbm>> -> memref<10000x128xf32, #tpu.memory_space<hbm>>
    tpu.enqueue_indirect_dma source(%dma_start3A_50 : memref<10000x128xf32, #tpu.memory_space<hbm>>) target(%arg13 : memref<80x128xf32, #tpu.memory_space<vmem>>) offsets(%dma_start3A_47 : memref<80xi32, #tpu.memory_space<vmem>>) semaphore(%arg21 : memref<!tpu.dma_semaphore, #tpu.memory_space<semaphore_mem>>)
    %dma_start3A_51 = arith.constant 3 : i32
    %dma_start3A_52 = arith.constant 0 : i32
    %dma_start3A_53 = tpu.memref_slice %arg9[%dma_start3A_51, %dma_start3A_52] : memref<125x80xi32, #tpu.memory_space<vmem>> -> memref<1x80xi32, #tpu.memory_space<vmem>>
    %dma_start3A_54 = tpu.memref_squeeze %dma_start3A_53 : memref<1x80xi32, #tpu.memory_space<vmem>> -> memref<80xi32, #tpu.memory_space<vmem>>
    %dma_start3A_55 = arith.constant 0 : i32
    %dma_start3A_56 = arith.constant 0 : i32
    %dma_start3A_57 = tpu.memref_slice %arg3[%dma_start3A_55, %dma_start3A_56] : memref<10000x128xf32, #tpu.memory_space<hbm>> -> memref<10000x128xf32, #tpu.memory_space<hbm>>
    tpu.enqueue_indirect_dma source(%dma_start3A_57 : memref<10000x128xf32, #tpu.memory_space<hbm>>) target(%arg17 : memref<80x128xf32, #tpu.memory_space<vmem>>) offsets(%dma_start3A_54 : memref<80xi32, #tpu.memory_space<vmem>>) semaphore(%arg21 : memref<!tpu.dma_semaphore, #tpu.memory_space<semaphore_mem>>)
    %scan3A = arith.constant 0 : i32
    %scan3A_58 = arith.constant 0 : i32
    %scan3A_59 = arith.constant 31 : i32
    %scan3A_60 = arith.addi %scan3A_58, %scan3A_59 : i32
    %scan3A_61 = arith.constant 1 : i32
    scf.for %scan3A_78 = %scan3A_58 to %scan3A_60 step %scan3A_61  : i32 {
      %mul3A_79 = arith.constant 4 : i32
      %mul3A_80 = arith.muli %scan3A_78, %mul3A_79 : i32
      %add3A_81 = arith.constant 0 : i32
      %add3A_82 = arith.addi %mul3A_80, %add3A_81 : i32
      %dma_wait3A_83 = arith.constant 0 : i32
      %dma_wait3A_84 = arith.constant 0 : i32
      %dma_wait3A_85 = tpu.memref_slice %arg8[%dma_wait3A_83, %dma_wait3A_84] : memref<125x80xi32, #tpu.memory_space<vmem>> -> memref<1x80xi32, #tpu.memory_space<vmem>>
      %dma_wait3A_86 = tpu.memref_squeeze %dma_wait3A_85 : memref<1x80xi32, #tpu.memory_space<vmem>> -> memref<80xi32, #tpu.memory_space<vmem>>
      %dma_wait3A_87 = arith.constant 0 : i32
      %dma_wait3A_88 = arith.constant 0 : i32
      %dma_wait3A_89 = tpu.memref_slice %arg2[%dma_wait3A_87, %dma_wait3A_88] : memref<10000x128xf32, #tpu.memory_space<hbm>> -> memref<10000x128xf32, #tpu.memory_space<hbm>>
      tpu.wait_indirect_dma semaphore(%arg18 : memref<!tpu.dma_semaphore, #tpu.memory_space<semaphore_mem>>) src(%dma_wait3A_89 : memref<10000x128xf32, #tpu.memory_space<hbm>>) dst(%arg10 : memref<80x128xf32, #tpu.memory_space<vmem>>)
      %dma_wait3A_90 = arith.constant 0 : i32
      %dma_wait3A_91 = arith.constant 0 : i32
      %dma_wait3A_92 = tpu.memref_slice %arg9[%dma_wait3A_90, %dma_wait3A_91] : memref<125x80xi32, #tpu.memory_space<vmem>> -> memref<1x80xi32, #tpu.memory_space<vmem>>
      %dma_wait3A_93 = tpu.memref_squeeze %dma_wait3A_92 : memref<1x80xi32, #tpu.memory_space<vmem>> -> memref<80xi32, #tpu.memory_space<vmem>>
      %dma_wait3A_94 = arith.constant 0 : i32
      %dma_wait3A_95 = arith.constant 0 : i32
      %dma_wait3A_96 = tpu.memref_slice %arg3[%dma_wait3A_94, %dma_wait3A_95] : memref<10000x128xf32, #tpu.memory_space<hbm>> -> memref<10000x128xf32, #tpu.memory_space<hbm>>
      tpu.wait_indirect_dma semaphore(%arg18 : memref<!tpu.dma_semaphore, #tpu.memory_space<semaphore_mem>>) src(%dma_wait3A_96 : memref<10000x128xf32, #tpu.memory_space<hbm>>) dst(%arg14 : memref<80x128xf32, #tpu.memory_space<vmem>>)
      %mul3A_97 = arith.constant 80 : i32
      %mul3A_98 = arith.muli %add3A_82, %mul3A_97 : i32
      %add3A_99 = arith.addi %mul3A_2, %mul3A_98 : i32
      %dma_start3A_100 = arith.constant 0 : i32
      %dma_start3A_101 = tpu.memref_slice %arg6[%add3A_99, %dma_start3A_100] : memref<320000x128xf32, #tpu.memory_space<hbm>> -> memref<80x128xf32, #tpu.memory_space<hbm>>
      %dma_start3A_102 = arith.constant 0 : i32
      %dma_start3A_103 = tpu.memref_slice %arg6[%add3A_99, %dma_start3A_102] : memref<320000x128xf32, #tpu.memory_space<hbm>> -> memref<80x128xf32, #tpu.memory_space<hbm>>
      tpu.enqueue_dma source(%arg10 : memref<80x128xf32, #tpu.memory_space<vmem>>) target(%dma_start3A_103 : memref<80x128xf32, #tpu.memory_space<hbm>>) target_semaphore(%arg22 : memref<!tpu.dma_semaphore, #tpu.memory_space<semaphore_mem>>)
      %dma_start3A_104 = arith.constant 0 : i32
      %dma_start3A_105 = tpu.memref_slice %arg7[%add3A_99, %dma_start3A_104] : memref<320000x128xf32, #tpu.memory_space<hbm>> -> memref<80x128xf32, #tpu.memory_space<hbm>>
      %dma_start3A_106 = arith.constant 0 : i32
      %dma_start3A_107 = tpu.memref_slice %arg7[%add3A_99, %dma_start3A_106] : memref<320000x128xf32, #tpu.memory_space<hbm>> -> memref<80x128xf32, #tpu.memory_space<hbm>>
      tpu.enqueue_dma source(%arg14 : memref<80x128xf32, #tpu.memory_space<vmem>>) target(%dma_start3A_107 : memref<80x128xf32, #tpu.memory_space<hbm>>) target_semaphore(%arg22 : memref<!tpu.dma_semaphore, #tpu.memory_space<semaphore_mem>>)
      %mul3A_108 = arith.constant 4 : i32
      %mul3A_109 = arith.muli %scan3A_78, %mul3A_108 : i32
      %add3A_110 = arith.constant 1 : i32
      %add3A_111 = arith.addi %mul3A_109, %add3A_110 : i32
      %dma_wait3A_112 = arith.constant 0 : i32
      %dma_wait3A_113 = arith.constant 0 : i32
      %dma_wait3A_114 = tpu.memref_slice %arg8[%dma_wait3A_112, %dma_wait3A_113] : memref<125x80xi32, #tpu.memory_space<vmem>> -> memref<1x80xi32, #tpu.memory_space<vmem>>
      %dma_wait3A_115 = tpu.memref_squeeze %dma_wait3A_114 : memref<1x80xi32, #tpu.memory_space<vmem>> -> memref<80xi32, #tpu.memory_space<vmem>>
      %dma_wait3A_116 = arith.constant 0 : i32
      %dma_wait3A_117 = arith.constant 0 : i32
      %dma_wait3A_118 = tpu.memref_slice %arg2[%dma_wait3A_116, %dma_wait3A_117] : memref<10000x128xf32, #tpu.memory_space<hbm>> -> memref<10000x128xf32, #tpu.memory_space<hbm>>
      tpu.wait_indirect_dma semaphore(%arg19 : memref<!tpu.dma_semaphore, #tpu.memory_space<semaphore_mem>>) src(%dma_wait3A_118 : memref<10000x128xf32, #tpu.memory_space<hbm>>) dst(%arg11 : memref<80x128xf32, #tpu.memory_space<vmem>>)
      %dma_wait3A_119 = arith.constant 0 : i32
      %dma_wait3A_120 = arith.constant 0 : i32
      %dma_wait3A_121 = tpu.memref_slice %arg9[%dma_wait3A_119, %dma_wait3A_120] : memref<125x80xi32, #tpu.memory_space<vmem>> -> memref<1x80xi32, #tpu.memory_space<vmem>>
      %dma_wait3A_122 = tpu.memref_squeeze %dma_wait3A_121 : memref<1x80xi32, #tpu.memory_space<vmem>> -> memref<80xi32, #tpu.memory_space<vmem>>
      %dma_wait3A_123 = arith.constant 0 : i32
      %dma_wait3A_124 = arith.constant 0 : i32
      %dma_wait3A_125 = tpu.memref_slice %arg3[%dma_wait3A_123, %dma_wait3A_124] : memref<10000x128xf32, #tpu.memory_space<hbm>> -> memref<10000x128xf32, #tpu.memory_space<hbm>>
      tpu.wait_indirect_dma semaphore(%arg19 : memref<!tpu.dma_semaphore, #tpu.memory_space<semaphore_mem>>) src(%dma_wait3A_125 : memref<10000x128xf32, #tpu.memory_space<hbm>>) dst(%arg15 : memref<80x128xf32, #tpu.memory_space<vmem>>)
      %mul3A_126 = arith.constant 80 : i32
      %mul3A_127 = arith.muli %add3A_111, %mul3A_126 : i32
      %add3A_128 = arith.addi %mul3A_2, %mul3A_127 : i32
      %dma_start3A_129 = arith.constant 0 : i32
      %dma_start3A_130 = tpu.memref_slice %arg6[%add3A_128, %dma_start3A_129] : memref<320000x128xf32, #tpu.memory_space<hbm>> -> memref<80x128xf32, #tpu.memory_space<hbm>>
      %dma_start3A_131 = arith.constant 0 : i32
      %dma_start3A_132 = tpu.memref_slice %arg6[%add3A_128, %dma_start3A_131] : memref<320000x128xf32, #tpu.memory_space<hbm>> -> memref<80x128xf32, #tpu.memory_space<hbm>>
      tpu.enqueue_dma source(%arg11 : memref<80x128xf32, #tpu.memory_space<vmem>>) target(%dma_start3A_132 : memref<80x128xf32, #tpu.memory_space<hbm>>) target_semaphore(%arg23 : memref<!tpu.dma_semaphore, #tpu.memory_space<semaphore_mem>>)
      %dma_start3A_133 = arith.constant 0 : i32
      %dma_start3A_134 = tpu.memref_slice %arg7[%add3A_128, %dma_start3A_133] : memref<320000x128xf32, #tpu.memory_space<hbm>> -> memref<80x128xf32, #tpu.memory_space<hbm>>
      %dma_start3A_135 = arith.constant 0 : i32
      %dma_start3A_136 = tpu.memref_slice %arg7[%add3A_128, %dma_start3A_135] : memref<320000x128xf32, #tpu.memory_space<hbm>> -> memref<80x128xf32, #tpu.memory_space<hbm>>
      tpu.enqueue_dma source(%arg15 : memref<80x128xf32, #tpu.memory_space<vmem>>) target(%dma_start3A_136 : memref<80x128xf32, #tpu.memory_space<hbm>>) target_semaphore(%arg23 : memref<!tpu.dma_semaphore, #tpu.memory_space<semaphore_mem>>)
      %mul3A_137 = arith.constant 4 : i32
      %mul3A_138 = arith.muli %scan3A_78, %mul3A_137 : i32
      %add3A_139 = arith.constant 2 : i32
      %add3A_140 = arith.addi %mul3A_138, %add3A_139 : i32
      %dma_wait3A_141 = arith.constant 0 : i32
      %dma_wait3A_142 = arith.constant 0 : i32
      %dma_wait3A_143 = tpu.memref_slice %arg8[%dma_wait3A_141, %dma_wait3A_142] : memref<125x80xi32, #tpu.memory_space<vmem>> -> memref<1x80xi32, #tpu.memory_space<vmem>>
      %dma_wait3A_144 = tpu.memref_squeeze %dma_wait3A_143 : memref<1x80xi32, #tpu.memory_space<vmem>> -> memref<80xi32, #tpu.memory_space<vmem>>
      %dma_wait3A_145 = arith.constant 0 : i32
      %dma_wait3A_146 = arith.constant 0 : i32
      %dma_wait3A_147 = tpu.memref_slice %arg2[%dma_wait3A_145, %dma_wait3A_146] : memref<10000x128xf32, #tpu.memory_space<hbm>> -> memref<10000x128xf32, #tpu.memory_space<hbm>>
      tpu.wait_indirect_dma semaphore(%arg20 : memref<!tpu.dma_semaphore, #tpu.memory_space<semaphore_mem>>) src(%dma_wait3A_147 : memref<10000x128xf32, #tpu.memory_space<hbm>>) dst(%arg12 : memref<80x128xf32, #tpu.memory_space<vmem>>)
      %dma_wait3A_148 = arith.constant 0 : i32
      %dma_wait3A_149 = arith.constant 0 : i32
      %dma_wait3A_150 = tpu.memref_slice %arg9[%dma_wait3A_148, %dma_wait3A_149] : memref<125x80xi32, #tpu.memory_space<vmem>> -> memref<1x80xi32, #tpu.memory_space<vmem>>
      %dma_wait3A_151 = tpu.memref_squeeze %dma_wait3A_150 : memref<1x80xi32, #tpu.memory_space<vmem>> -> memref<80xi32, #tpu.memory_space<vmem>>
      %dma_wait3A_152 = arith.constant 0 : i32
      %dma_wait3A_153 = arith.constant 0 : i32
      %dma_wait3A_154 = tpu.memref_slice %arg3[%dma_wait3A_152, %dma_wait3A_153] : memref<10000x128xf32, #tpu.memory_space<hbm>> -> memref<10000x128xf32, #tpu.memory_space<hbm>>
      tpu.wait_indirect_dma semaphore(%arg20 : memref<!tpu.dma_semaphore, #tpu.memory_space<semaphore_mem>>) src(%dma_wait3A_154 : memref<10000x128xf32, #tpu.memory_space<hbm>>) dst(%arg16 : memref<80x128xf32, #tpu.memory_space<vmem>>)
      %mul3A_155 = arith.constant 80 : i32
      %mul3A_156 = arith.muli %add3A_140, %mul3A_155 : i32
      %add3A_157 = arith.addi %mul3A_2, %mul3A_156 : i32
      %dma_start3A_158 = arith.constant 0 : i32
      %dma_start3A_159 = tpu.memref_slice %arg6[%add3A_157, %dma_start3A_158] : memref<320000x128xf32, #tpu.memory_space<hbm>> -> memref<80x128xf32, #tpu.memory_space<hbm>>
      %dma_start3A_160 = arith.constant 0 : i32
      %dma_start3A_161 = tpu.memref_slice %arg6[%add3A_157, %dma_start3A_160] : memref<320000x128xf32, #tpu.memory_space<hbm>> -> memref<80x128xf32, #tpu.memory_space<hbm>>
      tpu.enqueue_dma source(%arg12 : memref<80x128xf32, #tpu.memory_space<vmem>>) target(%dma_start3A_161 : memref<80x128xf32, #tpu.memory_space<hbm>>) target_semaphore(%arg24 : memref<!tpu.dma_semaphore, #tpu.memory_space<semaphore_mem>>)
      %dma_start3A_162 = arith.constant 0 : i32
      %dma_start3A_163 = tpu.memref_slice %arg7[%add3A_157, %dma_start3A_162] : memref<320000x128xf32, #tpu.memory_space<hbm>> -> memref<80x128xf32, #tpu.memory_space<hbm>>
      %dma_start3A_164 = arith.constant 0 : i32
      %dma_start3A_165 = tpu.memref_slice %arg7[%add3A_157, %dma_start3A_164] : memref<320000x128xf32, #tpu.memory_space<hbm>> -> memref<80x128xf32, #tpu.memory_space<hbm>>
      tpu.enqueue_dma source(%arg16 : memref<80x128xf32, #tpu.memory_space<vmem>>) target(%dma_start3A_165 : memref<80x128xf32, #tpu.memory_space<hbm>>) target_semaphore(%arg24 : memref<!tpu.dma_semaphore, #tpu.memory_space<semaphore_mem>>)
      %mul3A_166 = arith.constant 4 : i32
      %mul3A_167 = arith.muli %scan3A_78, %mul3A_166 : i32
      %add3A_168 = arith.constant 3 : i32
      %add3A_169 = arith.addi %mul3A_167, %add3A_168 : i32
      %dma_wait3A_170 = arith.constant 0 : i32
      %dma_wait3A_171 = arith.constant 0 : i32
      %dma_wait3A_172 = tpu.memref_slice %arg8[%dma_wait3A_170, %dma_wait3A_171] : memref<125x80xi32, #tpu.memory_space<vmem>> -> memref<1x80xi32, #tpu.memory_space<vmem>>
      %dma_wait3A_173 = tpu.memref_squeeze %dma_wait3A_172 : memref<1x80xi32, #tpu.memory_space<vmem>> -> memref<80xi32, #tpu.memory_space<vmem>>
      %dma_wait3A_174 = arith.constant 0 : i32
      %dma_wait3A_175 = arith.constant 0 : i32
      %dma_wait3A_176 = tpu.memref_slice %arg2[%dma_wait3A_174, %dma_wait3A_175] : memref<10000x128xf32, #tpu.memory_space<hbm>> -> memref<10000x128xf32, #tpu.memory_space<hbm>>
      tpu.wait_indirect_dma semaphore(%arg21 : memref<!tpu.dma_semaphore, #tpu.memory_space<semaphore_mem>>) src(%dma_wait3A_176 : memref<10000x128xf32, #tpu.memory_space<hbm>>) dst(%arg13 : memref<80x128xf32, #tpu.memory_space<vmem>>)
      %dma_wait3A_177 = arith.constant 0 : i32
      %dma_wait3A_178 = arith.constant 0 : i32
      %dma_wait3A_179 = tpu.memref_slice %arg9[%dma_wait3A_177, %dma_wait3A_178] : memref<125x80xi32, #tpu.memory_space<vmem>> -> memref<1x80xi32, #tpu.memory_space<vmem>>
      %dma_wait3A_180 = tpu.memref_squeeze %dma_wait3A_179 : memref<1x80xi32, #tpu.memory_space<vmem>> -> memref<80xi32, #tpu.memory_space<vmem>>
      %dma_wait3A_181 = arith.constant 0 : i32
      %dma_wait3A_182 = arith.constant 0 : i32
      %dma_wait3A_183 = tpu.memref_slice %arg3[%dma_wait3A_181, %dma_wait3A_182] : memref<10000x128xf32, #tpu.memory_space<hbm>> -> memref<10000x128xf32, #tpu.memory_space<hbm>>
      tpu.wait_indirect_dma semaphore(%arg21 : memref<!tpu.dma_semaphore, #tpu.memory_space<semaphore_mem>>) src(%dma_wait3A_183 : memref<10000x128xf32, #tpu.memory_space<hbm>>) dst(%arg17 : memref<80x128xf32, #tpu.memory_space<vmem>>)
      %mul3A_184 = arith.constant 80 : i32
      %mul3A_185 = arith.muli %add3A_169, %mul3A_184 : i32
      %add3A_186 = arith.addi %mul3A_2, %mul3A_185 : i32
      %dma_start3A_187 = arith.constant 0 : i32
      %dma_start3A_188 = tpu.memref_slice %arg6[%add3A_186, %dma_start3A_187] : memref<320000x128xf32, #tpu.memory_space<hbm>> -> memref<80x128xf32, #tpu.memory_space<hbm>>
      %dma_start3A_189 = arith.constant 0 : i32
      %dma_start3A_190 = tpu.memref_slice %arg6[%add3A_186, %dma_start3A_189] : memref<320000x128xf32, #tpu.memory_space<hbm>> -> memref<80x128xf32, #tpu.memory_space<hbm>>
      tpu.enqueue_dma source(%arg13 : memref<80x128xf32, #tpu.memory_space<vmem>>) target(%dma_start3A_190 : memref<80x128xf32, #tpu.memory_space<hbm>>) target_semaphore(%arg25 : memref<!tpu.dma_semaphore, #tpu.memory_space<semaphore_mem>>)
      %dma_start3A_191 = arith.constant 0 : i32
      %dma_start3A_192 = tpu.memref_slice %arg7[%add3A_186, %dma_start3A_191] : memref<320000x128xf32, #tpu.memory_space<hbm>> -> memref<80x128xf32, #tpu.memory_space<hbm>>
      %dma_start3A_193 = arith.constant 0 : i32
      %dma_start3A_194 = tpu.memref_slice %arg7[%add3A_186, %dma_start3A_193] : memref<320000x128xf32, #tpu.memory_space<hbm>> -> memref<80x128xf32, #tpu.memory_space<hbm>>
      tpu.enqueue_dma source(%arg17 : memref<80x128xf32, #tpu.memory_space<vmem>>) target(%dma_start3A_194 : memref<80x128xf32, #tpu.memory_space<hbm>>) target_semaphore(%arg25 : memref<!tpu.dma_semaphore, #tpu.memory_space<semaphore_mem>>)
      %mul3A_195 = arith.constant 4 : i32
      %mul3A_196 = arith.muli %scan3A_78, %mul3A_195 : i32
      %add3A_197 = arith.constant 4 : i32
      %add3A_198 = arith.addi %mul3A_196, %add3A_197 : i32
      %add3A_199 = arith.constant 0 : i32
      %add3A_200 = arith.addi %add3A_198, %add3A_199 : i32
      %dma_wait3A_201 = arith.constant 0 : i32
      %dma_wait3A_202 = arith.constant 0 : i32
      %dma_wait3A_203 = tpu.memref_slice %arg6[%dma_wait3A_201, %dma_wait3A_202] : memref<320000x128xf32, #tpu.memory_space<hbm>> -> memref<80x128xf32, #tpu.memory_space<hbm>>
      %dma_wait3A_204 = arith.constant 0 : i32
      %dma_wait3A_205 = arith.constant 0 : i32
      %dma_wait3A_206 = tpu.memref_slice %arg6[%dma_wait3A_204, %dma_wait3A_205] : memref<320000x128xf32, #tpu.memory_space<hbm>> -> memref<80x128xf32, #tpu.memory_space<hbm>>
      tpu.wait_dma2 semaphore(%arg22 : memref<!tpu.dma_semaphore, #tpu.memory_space<semaphore_mem>>) src(%arg10 : memref<80x128xf32, #tpu.memory_space<vmem>>) dst(%dma_wait3A_206 : memref<80x128xf32, #tpu.memory_space<hbm>>)
      %dma_wait3A_207 = arith.constant 0 : i32
      %dma_wait3A_208 = arith.constant 0 : i32
      %dma_wait3A_209 = tpu.memref_slice %arg7[%dma_wait3A_207, %dma_wait3A_208] : memref<320000x128xf32, #tpu.memory_space<hbm>> -> memref<80x128xf32, #tpu.memory_space<hbm>>
      %dma_wait3A_210 = arith.constant 0 : i32
      %dma_wait3A_211 = arith.constant 0 : i32
      %dma_wait3A_212 = tpu.memref_slice %arg7[%dma_wait3A_210, %dma_wait3A_211] : memref<320000x128xf32, #tpu.memory_space<hbm>> -> memref<80x128xf32, #tpu.memory_space<hbm>>
      tpu.wait_dma2 semaphore(%arg22 : memref<!tpu.dma_semaphore, #tpu.memory_space<semaphore_mem>>) src(%arg14 : memref<80x128xf32, #tpu.memory_space<vmem>>) dst(%dma_wait3A_212 : memref<80x128xf32, #tpu.memory_space<hbm>>)
      %le3A = arith.constant 124 : i32
      %le3A_213 = arith.cmpi sle, %add3A_200, %le3A : i32
      %convert_element_type3A = arith.extui %le3A_213 : i1 to i32
      %cond3A = arith.constant 0 : i32
      %cond3A_214 = arith.cmpi ne, %convert_element_type3A, %cond3A : i32
      scf.if %cond3A_214 {
        %dma_start3A_284 = arith.constant 0 : i32
        %dma_start3A_285 = tpu.memref_slice %arg8[%add3A_200, %dma_start3A_284] : memref<125x80xi32, #tpu.memory_space<vmem>> -> memref<1x80xi32, #tpu.memory_space<vmem>>
        %dma_start3A_286 = tpu.memref_squeeze %dma_start3A_285 : memref<1x80xi32, #tpu.memory_space<vmem>> -> memref<80xi32, #tpu.memory_space<vmem>>
        %dma_start3A_287 = arith.constant 0 : i32
        %dma_start3A_288 = arith.constant 0 : i32
        %dma_start3A_289 = tpu.memref_slice %arg2[%dma_start3A_287, %dma_start3A_288] : memref<10000x128xf32, #tpu.memory_space<hbm>> -> memref<10000x128xf32, #tpu.memory_space<hbm>>
        tpu.enqueue_indirect_dma source(%dma_start3A_289 : memref<10000x128xf32, #tpu.memory_space<hbm>>) target(%arg10 : memref<80x128xf32, #tpu.memory_space<vmem>>) offsets(%dma_start3A_286 : memref<80xi32, #tpu.memory_space<vmem>>) semaphore(%arg18 : memref<!tpu.dma_semaphore, #tpu.memory_space<semaphore_mem>>)
        %dma_start3A_290 = arith.constant 0 : i32
        %dma_start3A_291 = tpu.memref_slice %arg9[%add3A_200, %dma_start3A_290] : memref<125x80xi32, #tpu.memory_space<vmem>> -> memref<1x80xi32, #tpu.memory_space<vmem>>
        %dma_start3A_292 = tpu.memref_squeeze %dma_start3A_291 : memref<1x80xi32, #tpu.memory_space<vmem>> -> memref<80xi32, #tpu.memory_space<vmem>>
        %dma_start3A_293 = arith.constant 0 : i32
        %dma_start3A_294 = arith.constant 0 : i32
        %dma_start3A_295 = tpu.memref_slice %arg3[%dma_start3A_293, %dma_start3A_294] : memref<10000x128xf32, #tpu.memory_space<hbm>> -> memref<10000x128xf32, #tpu.memory_space<hbm>>
        tpu.enqueue_indirect_dma source(%dma_start3A_295 : memref<10000x128xf32, #tpu.memory_space<hbm>>) target(%arg14 : memref<80x128xf32, #tpu.memory_space<vmem>>) offsets(%dma_start3A_292 : memref<80xi32, #tpu.memory_space<vmem>>) semaphore(%arg18 : memref<!tpu.dma_semaphore, #tpu.memory_space<semaphore_mem>>)
      } else {
      }
      %mul3A_215 = arith.constant 4 : i32
      %mul3A_216 = arith.muli %scan3A_78, %mul3A_215 : i32
      %add3A_217 = arith.constant 4 : i32
      %add3A_218 = arith.addi %mul3A_216, %add3A_217 : i32
      %add3A_219 = arith.constant 1 : i32
      %add3A_220 = arith.addi %add3A_218, %add3A_219 : i32
      %dma_wait3A_221 = arith.constant 0 : i32
      %dma_wait3A_222 = arith.constant 0 : i32
      %dma_wait3A_223 = tpu.memref_slice %arg6[%dma_wait3A_221, %dma_wait3A_222] : memref<320000x128xf32, #tpu.memory_space<hbm>> -> memref<80x128xf32, #tpu.memory_space<hbm>>
      %dma_wait3A_224 = arith.constant 0 : i32
      %dma_wait3A_225 = arith.constant 0 : i32
      %dma_wait3A_226 = tpu.memref_slice %arg6[%dma_wait3A_224, %dma_wait3A_225] : memref<320000x128xf32, #tpu.memory_space<hbm>> -> memref<80x128xf32, #tpu.memory_space<hbm>>
      tpu.wait_dma2 semaphore(%arg23 : memref<!tpu.dma_semaphore, #tpu.memory_space<semaphore_mem>>) src(%arg11 : memref<80x128xf32, #tpu.memory_space<vmem>>) dst(%dma_wait3A_226 : memref<80x128xf32, #tpu.memory_space<hbm>>)
      %dma_wait3A_227 = arith.constant 0 : i32
      %dma_wait3A_228 = arith.constant 0 : i32
      %dma_wait3A_229 = tpu.memref_slice %arg7[%dma_wait3A_227, %dma_wait3A_228] : memref<320000x128xf32, #tpu.memory_space<hbm>> -> memref<80x128xf32, #tpu.memory_space<hbm>>
      %dma_wait3A_230 = arith.constant 0 : i32
      %dma_wait3A_231 = arith.constant 0 : i32
      %dma_wait3A_232 = tpu.memref_slice %arg7[%dma_wait3A_230, %dma_wait3A_231] : memref<320000x128xf32, #tpu.memory_space<hbm>> -> memref<80x128xf32, #tpu.memory_space<hbm>>
      tpu.wait_dma2 semaphore(%arg23 : memref<!tpu.dma_semaphore, #tpu.memory_space<semaphore_mem>>) src(%arg15 : memref<80x128xf32, #tpu.memory_space<vmem>>) dst(%dma_wait3A_232 : memref<80x128xf32, #tpu.memory_space<hbm>>)
      %le3A_233 = arith.constant 124 : i32
      %le3A_234 = arith.cmpi sle, %add3A_220, %le3A_233 : i32
      %convert_element_type3A_235 = arith.extui %le3A_234 : i1 to i32
      %cond3A_236 = arith.constant 0 : i32
      %cond3A_237 = arith.cmpi ne, %convert_element_type3A_235, %cond3A_236 : i32
      scf.if %cond3A_237 {
        %dma_start3A_284 = arith.constant 0 : i32
        %dma_start3A_285 = tpu.memref_slice %arg8[%add3A_220, %dma_start3A_284] : memref<125x80xi32, #tpu.memory_space<vmem>> -> memref<1x80xi32, #tpu.memory_space<vmem>>
        %dma_start3A_286 = tpu.memref_squeeze %dma_start3A_285 : memref<1x80xi32, #tpu.memory_space<vmem>> -> memref<80xi32, #tpu.memory_space<vmem>>
        %dma_start3A_287 = arith.constant 0 : i32
        %dma_start3A_288 = arith.constant 0 : i32
        %dma_start3A_289 = tpu.memref_slice %arg2[%dma_start3A_287, %dma_start3A_288] : memref<10000x128xf32, #tpu.memory_space<hbm>> -> memref<10000x128xf32, #tpu.memory_space<hbm>>
        tpu.enqueue_indirect_dma source(%dma_start3A_289 : memref<10000x128xf32, #tpu.memory_space<hbm>>) target(%arg11 : memref<80x128xf32, #tpu.memory_space<vmem>>) offsets(%dma_start3A_286 : memref<80xi32, #tpu.memory_space<vmem>>) semaphore(%arg19 : memref<!tpu.dma_semaphore, #tpu.memory_space<semaphore_mem>>)
        %dma_start3A_290 = arith.constant 0 : i32
        %dma_start3A_291 = tpu.memref_slice %arg9[%add3A_220, %dma_start3A_290] : memref<125x80xi32, #tpu.memory_space<vmem>> -> memref<1x80xi32, #tpu.memory_space<vmem>>
        %dma_start3A_292 = tpu.memref_squeeze %dma_start3A_291 : memref<1x80xi32, #tpu.memory_space<vmem>> -> memref<80xi32, #tpu.memory_space<vmem>>
        %dma_start3A_293 = arith.constant 0 : i32
        %dma_start3A_294 = arith.constant 0 : i32
        %dma_start3A_295 = tpu.memref_slice %arg3[%dma_start3A_293, %dma_start3A_294] : memref<10000x128xf32, #tpu.memory_space<hbm>> -> memref<10000x128xf32, #tpu.memory_space<hbm>>
        tpu.enqueue_indirect_dma source(%dma_start3A_295 : memref<10000x128xf32, #tpu.memory_space<hbm>>) target(%arg15 : memref<80x128xf32, #tpu.memory_space<vmem>>) offsets(%dma_start3A_292 : memref<80xi32, #tpu.memory_space<vmem>>) semaphore(%arg19 : memref<!tpu.dma_semaphore, #tpu.memory_space<semaphore_mem>>)
      } else {
      }
      %mul3A_238 = arith.constant 4 : i32
      %mul3A_239 = arith.muli %scan3A_78, %mul3A_238 : i32
      %add3A_240 = arith.constant 4 : i32
      %add3A_241 = arith.addi %mul3A_239, %add3A_240 : i32
      %add3A_242 = arith.constant 2 : i32
      %add3A_243 = arith.addi %add3A_241, %add3A_242 : i32
      %dma_wait3A_244 = arith.constant 0 : i32
      %dma_wait3A_245 = arith.constant 0 : i32
      %dma_wait3A_246 = tpu.memref_slice %arg6[%dma_wait3A_244, %dma_wait3A_245] : memref<320000x128xf32, #tpu.memory_space<hbm>> -> memref<80x128xf32, #tpu.memory_space<hbm>>
      %dma_wait3A_247 = arith.constant 0 : i32
      %dma_wait3A_248 = arith.constant 0 : i32
      %dma_wait3A_249 = tpu.memref_slice %arg6[%dma_wait3A_247, %dma_wait3A_248] : memref<320000x128xf32, #tpu.memory_space<hbm>> -> memref<80x128xf32, #tpu.memory_space<hbm>>
      tpu.wait_dma2 semaphore(%arg24 : memref<!tpu.dma_semaphore, #tpu.memory_space<semaphore_mem>>) src(%arg12 : memref<80x128xf32, #tpu.memory_space<vmem>>) dst(%dma_wait3A_249 : memref<80x128xf32, #tpu.memory_space<hbm>>)
      %dma_wait3A_250 = arith.constant 0 : i32
      %dma_wait3A_251 = arith.constant 0 : i32
      %dma_wait3A_252 = tpu.memref_slice %arg7[%dma_wait3A_250, %dma_wait3A_251] : memref<320000x128xf32, #tpu.memory_space<hbm>> -> memref<80x128xf32, #tpu.memory_space<hbm>>
      %dma_wait3A_253 = arith.constant 0 : i32
      %dma_wait3A_254 = arith.constant 0 : i32
      %dma_wait3A_255 = tpu.memref_slice %arg7[%dma_wait3A_253, %dma_wait3A_254] : memref<320000x128xf32, #tpu.memory_space<hbm>> -> memref<80x128xf32, #tpu.memory_space<hbm>>
      tpu.wait_dma2 semaphore(%arg24 : memref<!tpu.dma_semaphore, #tpu.memory_space<semaphore_mem>>) src(%arg16 : memref<80x128xf32, #tpu.memory_space<vmem>>) dst(%dma_wait3A_255 : memref<80x128xf32, #tpu.memory_space<hbm>>)
      %le3A_256 = arith.constant 124 : i32
      %le3A_257 = arith.cmpi sle, %add3A_243, %le3A_256 : i32
      %convert_element_type3A_258 = arith.extui %le3A_257 : i1 to i32
      %cond3A_259 = arith.constant 0 : i32
      %cond3A_260 = arith.cmpi ne, %convert_element_type3A_258, %cond3A_259 : i32
      scf.if %cond3A_260 {
        %dma_start3A_284 = arith.constant 0 : i32
        %dma_start3A_285 = tpu.memref_slice %arg8[%add3A_243, %dma_start3A_284] : memref<125x80xi32, #tpu.memory_space<vmem>> -> memref<1x80xi32, #tpu.memory_space<vmem>>
        %dma_start3A_286 = tpu.memref_squeeze %dma_start3A_285 : memref<1x80xi32, #tpu.memory_space<vmem>> -> memref<80xi32, #tpu.memory_space<vmem>>
        %dma_start3A_287 = arith.constant 0 : i32
        %dma_start3A_288 = arith.constant 0 : i32
        %dma_start3A_289 = tpu.memref_slice %arg2[%dma_start3A_287, %dma_start3A_288] : memref<10000x128xf32, #tpu.memory_space<hbm>> -> memref<10000x128xf32, #tpu.memory_space<hbm>>
        tpu.enqueue_indirect_dma source(%dma_start3A_289 : memref<10000x128xf32, #tpu.memory_space<hbm>>) target(%arg12 : memref<80x128xf32, #tpu.memory_space<vmem>>) offsets(%dma_start3A_286 : memref<80xi32, #tpu.memory_space<vmem>>) semaphore(%arg20 : memref<!tpu.dma_semaphore, #tpu.memory_space<semaphore_mem>>)
        %dma_start3A_290 = arith.constant 0 : i32
        %dma_start3A_291 = tpu.memref_slice %arg9[%add3A_243, %dma_start3A_290] : memref<125x80xi32, #tpu.memory_space<vmem>> -> memref<1x80xi32, #tpu.memory_space<vmem>>
        %dma_start3A_292 = tpu.memref_squeeze %dma_start3A_291 : memref<1x80xi32, #tpu.memory_space<vmem>> -> memref<80xi32, #tpu.memory_space<vmem>>
        %dma_start3A_293 = arith.constant 0 : i32
        %dma_start3A_294 = arith.constant 0 : i32
        %dma_start3A_295 = tpu.memref_slice %arg3[%dma_start3A_293, %dma_start3A_294] : memref<10000x128xf32, #tpu.memory_space<hbm>> -> memref<10000x128xf32, #tpu.memory_space<hbm>>
        tpu.enqueue_indirect_dma source(%dma_start3A_295 : memref<10000x128xf32, #tpu.memory_space<hbm>>) target(%arg16 : memref<80x128xf32, #tpu.memory_space<vmem>>) offsets(%dma_start3A_292 : memref<80xi32, #tpu.memory_space<vmem>>) semaphore(%arg20 : memref<!tpu.dma_semaphore, #tpu.memory_space<semaphore_mem>>)
      } else {
      }
      %mul3A_261 = arith.constant 4 : i32
      %mul3A_262 = arith.muli %scan3A_78, %mul3A_261 : i32
      %add3A_263 = arith.constant 4 : i32
      %add3A_264 = arith.addi %mul3A_262, %add3A_263 : i32
      %add3A_265 = arith.constant 3 : i32
      %add3A_266 = arith.addi %add3A_264, %add3A_265 : i32
      %dma_wait3A_267 = arith.constant 0 : i32
      %dma_wait3A_268 = arith.constant 0 : i32
      %dma_wait3A_269 = tpu.memref_slice %arg6[%dma_wait3A_267, %dma_wait3A_268] : memref<320000x128xf32, #tpu.memory_space<hbm>> -> memref<80x128xf32, #tpu.memory_space<hbm>>
      %dma_wait3A_270 = arith.constant 0 : i32
      %dma_wait3A_271 = arith.constant 0 : i32
      %dma_wait3A_272 = tpu.memref_slice %arg6[%dma_wait3A_270, %dma_wait3A_271] : memref<320000x128xf32, #tpu.memory_space<hbm>> -> memref<80x128xf32, #tpu.memory_space<hbm>>
      tpu.wait_dma2 semaphore(%arg25 : memref<!tpu.dma_semaphore, #tpu.memory_space<semaphore_mem>>) src(%arg13 : memref<80x128xf32, #tpu.memory_space<vmem>>) dst(%dma_wait3A_272 : memref<80x128xf32, #tpu.memory_space<hbm>>)
      %dma_wait3A_273 = arith.constant 0 : i32
      %dma_wait3A_274 = arith.constant 0 : i32
      %dma_wait3A_275 = tpu.memref_slice %arg7[%dma_wait3A_273, %dma_wait3A_274] : memref<320000x128xf32, #tpu.memory_space<hbm>> -> memref<80x128xf32, #tpu.memory_space<hbm>>
      %dma_wait3A_276 = arith.constant 0 : i32
      %dma_wait3A_277 = arith.constant 0 : i32
      %dma_wait3A_278 = tpu.memref_slice %arg7[%dma_wait3A_276, %dma_wait3A_277] : memref<320000x128xf32, #tpu.memory_space<hbm>> -> memref<80x128xf32, #tpu.memory_space<hbm>>
      tpu.wait_dma2 semaphore(%arg25 : memref<!tpu.dma_semaphore, #tpu.memory_space<semaphore_mem>>) src(%arg17 : memref<80x128xf32, #tpu.memory_space<vmem>>) dst(%dma_wait3A_278 : memref<80x128xf32, #tpu.memory_space<hbm>>)
      %le3A_279 = arith.constant 124 : i32
      %le3A_280 = arith.cmpi sle, %add3A_266, %le3A_279 : i32
      %convert_element_type3A_281 = arith.extui %le3A_280 : i1 to i32
      %cond3A_282 = arith.constant 0 : i32
      %cond3A_283 = arith.cmpi ne, %convert_element_type3A_281, %cond3A_282 : i32
      scf.if %cond3A_283 {
        %dma_start3A_284 = arith.constant 0 : i32
        %dma_start3A_285 = tpu.memref_slice %arg8[%add3A_266, %dma_start3A_284] : memref<125x80xi32, #tpu.memory_space<vmem>> -> memref<1x80xi32, #tpu.memory_space<vmem>>
        %dma_start3A_286 = tpu.memref_squeeze %dma_start3A_285 : memref<1x80xi32, #tpu.memory_space<vmem>> -> memref<80xi32, #tpu.memory_space<vmem>>
        %dma_start3A_287 = arith.constant 0 : i32
        %dma_start3A_288 = arith.constant 0 : i32
        %dma_start3A_289 = tpu.memref_slice %arg2[%dma_start3A_287, %dma_start3A_288] : memref<10000x128xf32, #tpu.memory_space<hbm>> -> memref<10000x128xf32, #tpu.memory_space<hbm>>
        tpu.enqueue_indirect_dma source(%dma_start3A_289 : memref<10000x128xf32, #tpu.memory_space<hbm>>) target(%arg13 : memref<80x128xf32, #tpu.memory_space<vmem>>) offsets(%dma_start3A_286 : memref<80xi32, #tpu.memory_space<vmem>>) semaphore(%arg21 : memref<!tpu.dma_semaphore, #tpu.memory_space<semaphore_mem>>)
        %dma_start3A_290 = arith.constant 0 : i32
        %dma_start3A_291 = tpu.memref_slice %arg9[%add3A_266, %dma_start3A_290] : memref<125x80xi32, #tpu.memory_space<vmem>> -> memref<1x80xi32, #tpu.memory_space<vmem>>
        %dma_start3A_292 = tpu.memref_squeeze %dma_start3A_291 : memref<1x80xi32, #tpu.memory_space<vmem>> -> memref<80xi32, #tpu.memory_space<vmem>>
        %dma_start3A_293 = arith.constant 0 : i32
        %dma_start3A_294 = arith.constant 0 : i32
        %dma_start3A_295 = tpu.memref_slice %arg3[%dma_start3A_293, %dma_start3A_294] : memref<10000x128xf32, #tpu.memory_space<hbm>> -> memref<10000x128xf32, #tpu.memory_space<hbm>>
        tpu.enqueue_indirect_dma source(%dma_start3A_295 : memref<10000x128xf32, #tpu.memory_space<hbm>>) target(%arg17 : memref<80x128xf32, #tpu.memory_space<vmem>>) offsets(%dma_start3A_292 : memref<80xi32, #tpu.memory_space<vmem>>) semaphore(%arg21 : memref<!tpu.dma_semaphore, #tpu.memory_space<semaphore_mem>>)
      } else {
      }
    }
    %scan3A_62 = arith.constant 31 : i32
    %dma_wait3A = arith.constant 0 : i32
    %dma_wait3A_63 = arith.constant 0 : i32
    %dma_wait3A_64 = tpu.memref_slice %arg8[%dma_wait3A, %dma_wait3A_63] : memref<125x80xi32, #tpu.memory_space<vmem>> -> memref<1x80xi32, #tpu.memory_space<vmem>>
    %dma_wait3A_65 = tpu.memref_squeeze %dma_wait3A_64 : memref<1x80xi32, #tpu.memory_space<vmem>> -> memref<80xi32, #tpu.memory_space<vmem>>
    %dma_wait3A_66 = arith.constant 0 : i32
    %dma_wait3A_67 = arith.constant 0 : i32
    %dma_wait3A_68 = tpu.memref_slice %arg2[%dma_wait3A_66, %dma_wait3A_67] : memref<10000x128xf32, #tpu.memory_space<hbm>> -> memref<10000x128xf32, #tpu.memory_space<hbm>>
    tpu.wait_indirect_dma semaphore(%arg18 : memref<!tpu.dma_semaphore, #tpu.memory_space<semaphore_mem>>) src(%dma_wait3A_68 : memref<10000x128xf32, #tpu.memory_space<hbm>>) dst(%arg10 : memref<80x128xf32, #tpu.memory_space<vmem>>)
    %dma_wait3A_69 = arith.constant 0 : i32
    %dma_wait3A_70 = arith.constant 0 : i32
    %dma_wait3A_71 = tpu.memref_slice %arg9[%dma_wait3A_69, %dma_wait3A_70] : memref<125x80xi32, #tpu.memory_space<vmem>> -> memref<1x80xi32, #tpu.memory_space<vmem>>
    %dma_wait3A_72 = tpu.memref_squeeze %dma_wait3A_71 : memref<1x80xi32, #tpu.memory_space<vmem>> -> memref<80xi32, #tpu.memory_space<vmem>>
    %dma_wait3A_73 = arith.constant 0 : i32
    %dma_wait3A_74 = arith.constant 0 : i32
    %dma_wait3A_75 = tpu.memref_slice %arg3[%dma_wait3A_73, %dma_wait3A_74] : memref<10000x128xf32, #tpu.memory_space<hbm>> -> memref<10000x128xf32, #tpu.memory_space<hbm>>
    tpu.wait_indirect_dma semaphore(%arg18 : memref<!tpu.dma_semaphore, #tpu.memory_space<semaphore_mem>>) src(%dma_wait3A_75 : memref<10000x128xf32, #tpu.memory_space<hbm>>) dst(%arg14 : memref<80x128xf32, #tpu.memory_space<vmem>>)
    %add3A_76 = arith.constant 9920 : i32
    %add3A_77 = arith.addi %mul3A_2, %add3A_76 : i32
    "tpu.region"() ({
      %run_scoped3A = tpu.sem_alloc : memref<!tpu.dma_semaphore, #tpu.memory_space<semaphore_mem>>
      %dma_start3A_78 = arith.constant 0 : i32
      %dma_start3A_79 = tpu.memref_slice %arg6[%add3A_77, %dma_start3A_78] : memref<320000x128xf32, #tpu.memory_space<hbm>> -> memref<80x128xf32, #tpu.memory_space<hbm>>
      %dma_start3A_80 = arith.constant 0 : i32
      %dma_start3A_81 = tpu.memref_slice %arg6[%add3A_77, %dma_start3A_80] : memref<320000x128xf32, #tpu.memory_space<hbm>> -> memref<80x128xf32, #tpu.memory_space<hbm>>
      tpu.enqueue_dma source(%arg10 : memref<80x128xf32, #tpu.memory_space<vmem>>) target(%dma_start3A_81 : memref<80x128xf32, #tpu.memory_space<hbm>>) target_semaphore(%run_scoped3A : memref<!tpu.dma_semaphore, #tpu.memory_space<semaphore_mem>>)
      %dma_wait3A_82 = arith.constant 0 : i32
      %dma_wait3A_83 = tpu.memref_slice %arg6[%add3A_77, %dma_wait3A_82] : memref<320000x128xf32, #tpu.memory_space<hbm>> -> memref<80x128xf32, #tpu.memory_space<hbm>>
      %dma_wait3A_84 = arith.constant 0 : i32
      %dma_wait3A_85 = tpu.memref_slice %arg6[%add3A_77, %dma_wait3A_84] : memref<320000x128xf32, #tpu.memory_space<hbm>> -> memref<80x128xf32, #tpu.memory_space<hbm>>
      tpu.wait_dma2 semaphore(%run_scoped3A : memref<!tpu.dma_semaphore, #tpu.memory_space<semaphore_mem>>) src(%arg10 : memref<80x128xf32, #tpu.memory_space<vmem>>) dst(%dma_wait3A_85 : memref<80x128xf32, #tpu.memory_space<hbm>>)
      tpu.yield
    }) : () -> ()
    "tpu.region"() ({
      %run_scoped3A = tpu.sem_alloc : memref<!tpu.dma_semaphore, #tpu.memory_space<semaphore_mem>>
      %dma_start3A_78 = arith.constant 0 : i32
      %dma_start3A_79 = tpu.memref_slice %arg7[%add3A_77, %dma_start3A_78] : memref<320000x128xf32, #tpu.memory_space<hbm>> -> memref<80x128xf32, #tpu.memory_space<hbm>>
      %dma_start3A_80 = arith.constant 0 : i32
      %dma_start3A_81 = tpu.memref_slice %arg7[%add3A_77, %dma_start3A_80] : memref<320000x128xf32, #tpu.memory_space<hbm>> -> memref<80x128xf32, #tpu.memory_space<hbm>>
      tpu.enqueue_dma source(%arg14 : memref<80x128xf32, #tpu.memory_space<vmem>>) target(%dma_start3A_81 : memref<80x128xf32, #tpu.memory_space<hbm>>) target_semaphore(%run_scoped3A : memref<!tpu.dma_semaphore, #tpu.memory_space<semaphore_mem>>)
      %dma_wait3A_82 = arith.constant 0 : i32
      %dma_wait3A_83 = tpu.memref_slice %arg7[%add3A_77, %dma_wait3A_82] : memref<320000x128xf32, #tpu.memory_space<hbm>> -> memref<80x128xf32, #tpu.memory_space<hbm>>
      %dma_wait3A_84 = arith.constant 0 : i32
      %dma_wait3A_85 = tpu.memref_slice %arg7[%add3A_77, %dma_wait3A_84] : memref<320000x128xf32, #tpu.memory_space<hbm>> -> memref<80x128xf32, #tpu.memory_space<hbm>>
      tpu.wait_dma2 semaphore(%run_scoped3A : memref<!tpu.dma_semaphore, #tpu.memory_space<semaphore_mem>>) src(%arg14 : memref<80x128xf32, #tpu.memory_space<vmem>>) dst(%dma_wait3A_85 : memref<80x128xf32, #tpu.memory_space<hbm>>)
      tpu.yield
    }) : () -> ()
    return
  }
}

#map = affine_map<(d0, d1) -> (0, 0)>
#map1 = affine_map<(d0, d1) -> (0, 0, 0)>
module attributes {stable_mosaic.version = 14 : i64} {
  func.func @_scatter_dst(%arg0: i32, %arg1: i32, %arg2: memref<320000x128xf32, #tpu.memory_space<hbm>>, %arg3: memref<32x125x80xi32, #tpu.memory_space<hbm>>, %arg4: memref<10000x128xf32, #tpu.memory_space<hbm>>, %arg5: memref<20000x128xf32, #tpu.memory_space<hbm>>, %arg6: memref<125x80xi32, #tpu.memory_space<vmem>>, %arg7: memref<80x128xf32, #tpu.memory_space<vmem>>, %arg8: memref<80x128xf32, #tpu.memory_space<vmem>>, %arg9: memref<10000x128xf32, #tpu.memory_space<vmem_shared>>, %arg10: memref<!tpu.dma_semaphore, #tpu.memory_space<semaphore_mem>>, %arg11: memref<!tpu.dma_semaphore, #tpu.memory_space<semaphore_mem>>) attributes {dimension_semantics = [#tpu.dimension_semantics<core_parallel>, #tpu.dimension_semantics<subcore_parallel>], iteration_bounds = array<i64: 2, 16>, scalar_prefetch = 0 : i64, scratch_operands = 6 : i64, tpu.core_type = #tpu.core_type<sc_vector_subcore>, window_params = [{transform_indices = #map}, {transform_indices = #map1}, {transform_indices = #map}, {transform_indices = #map}]} {
    %mul3A = arith.constant 2 : i32
    %mul3A_0 = arith.muli %arg1, %mul3A : i32
    %add3A = arith.addi %mul3A_0, %arg0 : i32
    %mul3A_1 = arith.constant 10000 : i32
    %mul3A_2 = arith.muli %add3A, %mul3A_1 : i32
    %eq3A = arith.constant 0 : i32
    %eq3A_3 = arith.cmpi eq, %arg1, %eq3A : i32
    %convert_element_type3A = arith.extui %eq3A_3 : i1 to i32
    %cond3A = arith.constant 0 : i32
    %cond3A_4 = arith.cmpi ne, %convert_element_type3A, %cond3A : i32
    scf.if %cond3A_4 {
      "tpu.region"() ({
        %run_scoped3A_36 = tpu.sem_alloc : memref<!tpu.dma_semaphore, #tpu.memory_space<semaphore_mem>>
        tpu.enqueue_dma source(%arg4 : memref<10000x128xf32, #tpu.memory_space<hbm>>) target(%arg9 : memref<10000x128xf32, #tpu.memory_space<vmem_shared>>) target_semaphore(%run_scoped3A_36 : memref<!tpu.dma_semaphore, #tpu.memory_space<semaphore_mem>>)
        tpu.wait_dma2 semaphore(%run_scoped3A_36 : memref<!tpu.dma_semaphore, #tpu.memory_space<semaphore_mem>>) src(%arg4 : memref<10000x128xf32, #tpu.memory_space<hbm>>) dst(%arg9 : memref<10000x128xf32, #tpu.memory_space<vmem_shared>>)
        tpu.yield
      }) : () -> ()
    } else {
    }
    "tpu.region"() ({
      %run_scoped3A_36 = tpu.sem_alloc : memref<!tpu.dma_semaphore, #tpu.memory_space<semaphore_mem>>
      %dma_start3A_37 = arith.constant 0 : i32
      %dma_start3A_38 = arith.constant 0 : i32
      %dma_start3A_39 = tpu.memref_slice %arg3[%add3A, %dma_start3A_37, %dma_start3A_38] : memref<32x125x80xi32, #tpu.memory_space<hbm>> -> memref<1x125x80xi32, #tpu.memory_space<hbm>>
      %dma_start3A_40 = tpu.memref_squeeze %dma_start3A_39 : memref<1x125x80xi32, #tpu.memory_space<hbm>> -> memref<125x80xi32, #tpu.memory_space<hbm>>
      %dma_start3A_41 = arith.constant 0 : i32
      %dma_start3A_42 = arith.constant 0 : i32
      %dma_start3A_43 = tpu.memref_slice %arg3[%add3A, %dma_start3A_41, %dma_start3A_42] : memref<32x125x80xi32, #tpu.memory_space<hbm>> -> memref<1x125x80xi32, #tpu.memory_space<hbm>>
      %dma_start3A_44 = tpu.memref_squeeze %dma_start3A_43 : memref<1x125x80xi32, #tpu.memory_space<hbm>> -> memref<125x80xi32, #tpu.memory_space<hbm>>
      tpu.enqueue_dma source(%dma_start3A_44 : memref<125x80xi32, #tpu.memory_space<hbm>>) target(%arg6 : memref<125x80xi32, #tpu.memory_space<vmem>>) target_semaphore(%run_scoped3A_36 : memref<!tpu.dma_semaphore, #tpu.memory_space<semaphore_mem>>)
      %dma_wait3A_45 = arith.constant 0 : i32
      %dma_wait3A_46 = arith.constant 0 : i32
      %dma_wait3A_47 = tpu.memref_slice %arg3[%add3A, %dma_wait3A_45, %dma_wait3A_46] : memref<32x125x80xi32, #tpu.memory_space<hbm>> -> memref<1x125x80xi32, #tpu.memory_space<hbm>>
      %dma_wait3A_48 = tpu.memref_squeeze %dma_wait3A_47 : memref<1x125x80xi32, #tpu.memory_space<hbm>> -> memref<125x80xi32, #tpu.memory_space<hbm>>
      %dma_wait3A_49 = arith.constant 0 : i32
      %dma_wait3A_50 = arith.constant 0 : i32
      %dma_wait3A_51 = tpu.memref_slice %arg3[%add3A, %dma_wait3A_49, %dma_wait3A_50] : memref<32x125x80xi32, #tpu.memory_space<hbm>> -> memref<1x125x80xi32, #tpu.memory_space<hbm>>
      %dma_wait3A_52 = tpu.memref_squeeze %dma_wait3A_51 : memref<1x125x80xi32, #tpu.memory_space<hbm>> -> memref<125x80xi32, #tpu.memory_space<hbm>>
      tpu.wait_dma2 semaphore(%run_scoped3A_36 : memref<!tpu.dma_semaphore, #tpu.memory_space<semaphore_mem>>) src(%dma_wait3A_52 : memref<125x80xi32, #tpu.memory_space<hbm>>) dst(%arg6 : memref<125x80xi32, #tpu.memory_space<vmem>>)
      tpu.yield
    }) : () -> ()
    %barrier3A = arith.constant 0 : index
    tpu.barrier barrier_id(%barrier3A)
    %add3A_5 = arith.constant 0 : i32
    %add3A_6 = arith.addi %mul3A_2, %add3A_5 : i32
    %dma_start3A = arith.constant 0 : i32
    %dma_start3A_7 = tpu.memref_slice %arg2[%add3A_6, %dma_start3A] : memref<320000x128xf32, #tpu.memory_space<hbm>> -> memref<80x128xf32, #tpu.memory_space<hbm>>
    %dma_start3A_8 = arith.constant 0 : i32
    %dma_start3A_9 = tpu.memref_slice %arg2[%add3A_6, %dma_start3A_8] : memref<320000x128xf32, #tpu.memory_space<hbm>> -> memref<80x128xf32, #tpu.memory_space<hbm>>
    tpu.enqueue_dma source(%dma_start3A_9 : memref<80x128xf32, #tpu.memory_space<hbm>>) target(%arg7 : memref<80x128xf32, #tpu.memory_space<vmem>>) target_semaphore(%arg10 : memref<!tpu.dma_semaphore, #tpu.memory_space<semaphore_mem>>)
    %add3A_10 = arith.constant 80 : i32
    %add3A_11 = arith.addi %mul3A_2, %add3A_10 : i32
    %dma_start3A_12 = arith.constant 0 : i32
    %dma_start3A_13 = tpu.memref_slice %arg2[%add3A_11, %dma_start3A_12] : memref<320000x128xf32, #tpu.memory_space<hbm>> -> memref<80x128xf32, #tpu.memory_space<hbm>>
    %dma_start3A_14 = arith.constant 0 : i32
    %dma_start3A_15 = tpu.memref_slice %arg2[%add3A_11, %dma_start3A_14] : memref<320000x128xf32, #tpu.memory_space<hbm>> -> memref<80x128xf32, #tpu.memory_space<hbm>>
    tpu.enqueue_dma source(%dma_start3A_15 : memref<80x128xf32, #tpu.memory_space<hbm>>) target(%arg8 : memref<80x128xf32, #tpu.memory_space<vmem>>) target_semaphore(%arg11 : memref<!tpu.dma_semaphore, #tpu.memory_space<semaphore_mem>>)
    %scan3A = arith.constant 0 : i32
    %scan3A_16 = arith.constant 0 : i32
    %scan3A_17 = arith.constant 62 : i32
    %scan3A_18 = arith.addi %scan3A_16, %scan3A_17 : i32
    %scan3A_19 = arith.constant 1 : i32
    scf.for %scan3A_36 = %scan3A_16 to %scan3A_18 step %scan3A_19  : i32 {
      %mul3A_37 = arith.constant 2 : i32
      %mul3A_38 = arith.muli %scan3A_36, %mul3A_37 : i32
      %add3A_39 = arith.constant 0 : i32
      %add3A_40 = arith.addi %mul3A_38, %add3A_39 : i32
      %dma_wait3A_41 = arith.constant 0 : i32
      %dma_wait3A_42 = arith.constant 0 : i32
      %dma_wait3A_43 = tpu.memref_slice %arg2[%dma_wait3A_41, %dma_wait3A_42] : memref<320000x128xf32, #tpu.memory_space<hbm>> -> memref<80x128xf32, #tpu.memory_space<hbm>>
      %dma_wait3A_44 = arith.constant 0 : i32
      %dma_wait3A_45 = arith.constant 0 : i32
      %dma_wait3A_46 = tpu.memref_slice %arg2[%dma_wait3A_44, %dma_wait3A_45] : memref<320000x128xf32, #tpu.memory_space<hbm>> -> memref<80x128xf32, #tpu.memory_space<hbm>>
      tpu.wait_dma2 semaphore(%arg10 : memref<!tpu.dma_semaphore, #tpu.memory_space<semaphore_mem>>) src(%dma_wait3A_46 : memref<80x128xf32, #tpu.memory_space<hbm>>) dst(%arg7 : memref<80x128xf32, #tpu.memory_space<vmem>>)
      "tpu.region"() ({
        %run_scoped3A_70 = tpu.sem_alloc : memref<!tpu.dma_semaphore, #tpu.memory_space<semaphore_mem>>
        %dma_start3A_71 = arith.constant 0 : i32
        %dma_start3A_72 = tpu.memref_slice %arg6[%add3A_40, %dma_start3A_71] : memref<125x80xi32, #tpu.memory_space<vmem>> -> memref<1x80xi32, #tpu.memory_space<vmem>>
        %dma_start3A_73 = tpu.memref_squeeze %dma_start3A_72 : memref<1x80xi32, #tpu.memory_space<vmem>> -> memref<80xi32, #tpu.memory_space<vmem>>
        %dma_start3A_74 = arith.constant 0 : i32
        %dma_start3A_75 = arith.constant 0 : i32
        %dma_start3A_76 = tpu.memref_slice %arg9[%dma_start3A_74, %dma_start3A_75] : memref<10000x128xf32, #tpu.memory_space<vmem_shared>> -> memref<10000x128xf32, #tpu.memory_space<vmem_shared>>
        tpu.enqueue_indirect_dma source(%arg7 : memref<80x128xf32, #tpu.memory_space<vmem>>) target(%dma_start3A_76 : memref<10000x128xf32, #tpu.memory_space<vmem_shared>>) offsets(%dma_start3A_73 : memref<80xi32, #tpu.memory_space<vmem>>) semaphore(%run_scoped3A_70 : memref<!tpu.dma_semaphore, #tpu.memory_space<semaphore_mem>>) {add = true}
        %dma_wait3A_77 = arith.constant 0 : i32
        %dma_wait3A_78 = tpu.memref_slice %arg6[%add3A_40, %dma_wait3A_77] : memref<125x80xi32, #tpu.memory_space<vmem>> -> memref<1x80xi32, #tpu.memory_space<vmem>>
        %dma_wait3A_79 = tpu.memref_squeeze %dma_wait3A_78 : memref<1x80xi32, #tpu.memory_space<vmem>> -> memref<80xi32, #tpu.memory_space<vmem>>
        %dma_wait3A_80 = arith.constant 0 : i32
        %dma_wait3A_81 = arith.constant 0 : i32
        %dma_wait3A_82 = tpu.memref_slice %arg9[%dma_wait3A_80, %dma_wait3A_81] : memref<10000x128xf32, #tpu.memory_space<vmem_shared>> -> memref<10000x128xf32, #tpu.memory_space<vmem_shared>>
        tpu.wait_indirect_dma semaphore(%run_scoped3A_70 : memref<!tpu.dma_semaphore, #tpu.memory_space<semaphore_mem>>) src(%arg7 : memref<80x128xf32, #tpu.memory_space<vmem>>) dst(%dma_wait3A_82 : memref<10000x128xf32, #tpu.memory_space<vmem_shared>>)
        tpu.yield
      }) : () -> ()
      %add3A_47 = arith.constant 2 : i32
      %add3A_48 = arith.addi %add3A_40, %add3A_47 : i32
      %le3A = arith.constant 124 : i32
      %le3A_49 = arith.cmpi sle, %add3A_48, %le3A : i32
      %convert_element_type3A_50 = arith.extui %le3A_49 : i1 to i32
      %cond3A_51 = arith.constant 0 : i32
      %cond3A_52 = arith.cmpi ne, %convert_element_type3A_50, %cond3A_51 : i32
      scf.if %cond3A_52 {
        %mul3A_70 = arith.constant 80 : i32
        %mul3A_71 = arith.muli %add3A_48, %mul3A_70 : i32
        %add3A_72 = arith.addi %mul3A_2, %mul3A_71 : i32
        %dma_start3A_73 = arith.constant 0 : i32
        %dma_start3A_74 = tpu.memref_slice %arg2[%add3A_72, %dma_start3A_73] : memref<320000x128xf32, #tpu.memory_space<hbm>> -> memref<80x128xf32, #tpu.memory_space<hbm>>
        %dma_start3A_75 = arith.constant 0 : i32
        %dma_start3A_76 = tpu.memref_slice %arg2[%add3A_72, %dma_start3A_75] : memref<320000x128xf32, #tpu.memory_space<hbm>> -> memref<80x128xf32, #tpu.memory_space<hbm>>
        tpu.enqueue_dma source(%dma_start3A_76 : memref<80x128xf32, #tpu.memory_space<hbm>>) target(%arg7 : memref<80x128xf32, #tpu.memory_space<vmem>>) target_semaphore(%arg10 : memref<!tpu.dma_semaphore, #tpu.memory_space<semaphore_mem>>)
      } else {
      }
      %mul3A_53 = arith.constant 2 : i32
      %mul3A_54 = arith.muli %scan3A_36, %mul3A_53 : i32
      %add3A_55 = arith.constant 1 : i32
      %add3A_56 = arith.addi %mul3A_54, %add3A_55 : i32
      %dma_wait3A_57 = arith.constant 0 : i32
      %dma_wait3A_58 = arith.constant 0 : i32
      %dma_wait3A_59 = tpu.memref_slice %arg2[%dma_wait3A_57, %dma_wait3A_58] : memref<320000x128xf32, #tpu.memory_space<hbm>> -> memref<80x128xf32, #tpu.memory_space<hbm>>
      %dma_wait3A_60 = arith.constant 0 : i32
      %dma_wait3A_61 = arith.constant 0 : i32
      %dma_wait3A_62 = tpu.memref_slice %arg2[%dma_wait3A_60, %dma_wait3A_61] : memref<320000x128xf32, #tpu.memory_space<hbm>> -> memref<80x128xf32, #tpu.memory_space<hbm>>
      tpu.wait_dma2 semaphore(%arg11 : memref<!tpu.dma_semaphore, #tpu.memory_space<semaphore_mem>>) src(%dma_wait3A_62 : memref<80x128xf32, #tpu.memory_space<hbm>>) dst(%arg8 : memref<80x128xf32, #tpu.memory_space<vmem>>)
      "tpu.region"() ({
        %run_scoped3A_70 = tpu.sem_alloc : memref<!tpu.dma_semaphore, #tpu.memory_space<semaphore_mem>>
        %dma_start3A_71 = arith.constant 0 : i32
        %dma_start3A_72 = tpu.memref_slice %arg6[%add3A_56, %dma_start3A_71] : memref<125x80xi32, #tpu.memory_space<vmem>> -> memref<1x80xi32, #tpu.memory_space<vmem>>
        %dma_start3A_73 = tpu.memref_squeeze %dma_start3A_72 : memref<1x80xi32, #tpu.memory_space<vmem>> -> memref<80xi32, #tpu.memory_space<vmem>>
        %dma_start3A_74 = arith.constant 0 : i32
        %dma_start3A_75 = arith.constant 0 : i32
        %dma_start3A_76 = tpu.memref_slice %arg9[%dma_start3A_74, %dma_start3A_75] : memref<10000x128xf32, #tpu.memory_space<vmem_shared>> -> memref<10000x128xf32, #tpu.memory_space<vmem_shared>>
        tpu.enqueue_indirect_dma source(%arg8 : memref<80x128xf32, #tpu.memory_space<vmem>>) target(%dma_start3A_76 : memref<10000x128xf32, #tpu.memory_space<vmem_shared>>) offsets(%dma_start3A_73 : memref<80xi32, #tpu.memory_space<vmem>>) semaphore(%run_scoped3A_70 : memref<!tpu.dma_semaphore, #tpu.memory_space<semaphore_mem>>) {add = true}
        %dma_wait3A_77 = arith.constant 0 : i32
        %dma_wait3A_78 = tpu.memref_slice %arg6[%add3A_56, %dma_wait3A_77] : memref<125x80xi32, #tpu.memory_space<vmem>> -> memref<1x80xi32, #tpu.memory_space<vmem>>
        %dma_wait3A_79 = tpu.memref_squeeze %dma_wait3A_78 : memref<1x80xi32, #tpu.memory_space<vmem>> -> memref<80xi32, #tpu.memory_space<vmem>>
        %dma_wait3A_80 = arith.constant 0 : i32
        %dma_wait3A_81 = arith.constant 0 : i32
        %dma_wait3A_82 = tpu.memref_slice %arg9[%dma_wait3A_80, %dma_wait3A_81] : memref<10000x128xf32, #tpu.memory_space<vmem_shared>> -> memref<10000x128xf32, #tpu.memory_space<vmem_shared>>
        tpu.wait_indirect_dma semaphore(%run_scoped3A_70 : memref<!tpu.dma_semaphore, #tpu.memory_space<semaphore_mem>>) src(%arg8 : memref<80x128xf32, #tpu.memory_space<vmem>>) dst(%dma_wait3A_82 : memref<10000x128xf32, #tpu.memory_space<vmem_shared>>)
        tpu.yield
      }) : () -> ()
      %add3A_63 = arith.constant 2 : i32
      %add3A_64 = arith.addi %add3A_56, %add3A_63 : i32
      %le3A_65 = arith.constant 124 : i32
      %le3A_66 = arith.cmpi sle, %add3A_64, %le3A_65 : i32
      %convert_element_type3A_67 = arith.extui %le3A_66 : i1 to i32
      %cond3A_68 = arith.constant 0 : i32
      %cond3A_69 = arith.cmpi ne, %convert_element_type3A_67, %cond3A_68 : i32
      scf.if %cond3A_69 {
        %mul3A_70 = arith.constant 80 : i32
        %mul3A_71 = arith.muli %add3A_64, %mul3A_70 : i32
        %add3A_72 = arith.addi %mul3A_2, %mul3A_71 : i32
        %dma_start3A_73 = arith.constant 0 : i32
        %dma_start3A_74 = tpu.memref_slice %arg2[%add3A_72, %dma_start3A_73] : memref<320000x128xf32, #tpu.memory_space<hbm>> -> memref<80x128xf32, #tpu.memory_space<hbm>>
        %dma_start3A_75 = arith.constant 0 : i32
        %dma_start3A_76 = tpu.memref_slice %arg2[%add3A_72, %dma_start3A_75] : memref<320000x128xf32, #tpu.memory_space<hbm>> -> memref<80x128xf32, #tpu.memory_space<hbm>>
        tpu.enqueue_dma source(%dma_start3A_76 : memref<80x128xf32, #tpu.memory_space<hbm>>) target(%arg8 : memref<80x128xf32, #tpu.memory_space<vmem>>) target_semaphore(%arg11 : memref<!tpu.dma_semaphore, #tpu.memory_space<semaphore_mem>>)
      } else {
      }
    }
    %scan3A_20 = arith.constant 62 : i32
    %dma_wait3A = arith.constant 0 : i32
    %dma_wait3A_21 = arith.constant 0 : i32
    %dma_wait3A_22 = tpu.memref_slice %arg2[%dma_wait3A, %dma_wait3A_21] : memref<320000x128xf32, #tpu.memory_space<hbm>> -> memref<80x128xf32, #tpu.memory_space<hbm>>
    %dma_wait3A_23 = arith.constant 0 : i32
    %dma_wait3A_24 = arith.constant 0 : i32
    %dma_wait3A_25 = tpu.memref_slice %arg2[%dma_wait3A_23, %dma_wait3A_24] : memref<320000x128xf32, #tpu.memory_space<hbm>> -> memref<80x128xf32, #tpu.memory_space<hbm>>
    tpu.wait_dma2 semaphore(%arg10 : memref<!tpu.dma_semaphore, #tpu.memory_space<semaphore_mem>>) src(%dma_wait3A_25 : memref<80x128xf32, #tpu.memory_space<hbm>>) dst(%arg7 : memref<80x128xf32, #tpu.memory_space<vmem>>)
    %run_scoped3A = arith.constant 124 : i32
    "tpu.region"() ({
      %run_scoped3A_36 = tpu.sem_alloc : memref<!tpu.dma_semaphore, #tpu.memory_space<semaphore_mem>>
      %dma_start3A_37 = arith.constant 0 : i32
      %dma_start3A_38 = tpu.memref_slice %arg6[%run_scoped3A, %dma_start3A_37] : memref<125x80xi32, #tpu.memory_space<vmem>> -> memref<1x80xi32, #tpu.memory_space<vmem>>
      %dma_start3A_39 = tpu.memref_squeeze %dma_start3A_38 : memref<1x80xi32, #tpu.memory_space<vmem>> -> memref<80xi32, #tpu.memory_space<vmem>>
      %dma_start3A_40 = arith.constant 0 : i32
      %dma_start3A_41 = arith.constant 0 : i32
      %dma_start3A_42 = tpu.memref_slice %arg9[%dma_start3A_40, %dma_start3A_41] : memref<10000x128xf32, #tpu.memory_space<vmem_shared>> -> memref<10000x128xf32, #tpu.memory_space<vmem_shared>>
      tpu.enqueue_indirect_dma source(%arg7 : memref<80x128xf32, #tpu.memory_space<vmem>>) target(%dma_start3A_42 : memref<10000x128xf32, #tpu.memory_space<vmem_shared>>) offsets(%dma_start3A_39 : memref<80xi32, #tpu.memory_space<vmem>>) semaphore(%run_scoped3A_36 : memref<!tpu.dma_semaphore, #tpu.memory_space<semaphore_mem>>) {add = true}
      %dma_wait3A_43 = arith.constant 0 : i32
      %dma_wait3A_44 = tpu.memref_slice %arg6[%run_scoped3A, %dma_wait3A_43] : memref<125x80xi32, #tpu.memory_space<vmem>> -> memref<1x80xi32, #tpu.memory_space<vmem>>
      %dma_wait3A_45 = tpu.memref_squeeze %dma_wait3A_44 : memref<1x80xi32, #tpu.memory_space<vmem>> -> memref<80xi32, #tpu.memory_space<vmem>>
      %dma_wait3A_46 = arith.constant 0 : i32
      %dma_wait3A_47 = arith.constant 0 : i32
      %dma_wait3A_48 = tpu.memref_slice %arg9[%dma_wait3A_46, %dma_wait3A_47] : memref<10000x128xf32, #tpu.memory_space<vmem_shared>> -> memref<10000x128xf32, #tpu.memory_space<vmem_shared>>
      tpu.wait_indirect_dma semaphore(%run_scoped3A_36 : memref<!tpu.dma_semaphore, #tpu.memory_space<semaphore_mem>>) src(%arg7 : memref<80x128xf32, #tpu.memory_space<vmem>>) dst(%dma_wait3A_48 : memref<10000x128xf32, #tpu.memory_space<vmem_shared>>)
      tpu.yield
    }) : () -> ()
    %barrier3A_26 = arith.constant 0 : index
    tpu.barrier barrier_id(%barrier3A_26)
    %lt3A = arith.constant 15 : i32
    %lt3A_27 = arith.cmpi slt, %arg1, %lt3A : i32
    %convert_element_type3A_28 = arith.extui %lt3A_27 : i1 to i32
    %cond3A_29 = arith.constant 0 : i32
    %cond3A_30 = arith.cmpi ne, %convert_element_type3A_28, %cond3A_29 : i32
    scf.if %cond3A_30 {
      %mul3A_36 = arith.constant 624 : i32
      %mul3A_37 = arith.muli %arg1, %mul3A_36 : i32
      %mul3A_38 = arith.constant 10000 : i32
      %mul3A_39 = arith.muli %arg0, %mul3A_38 : i32
      %mul3A_40 = arith.constant 624 : i32
      %mul3A_41 = arith.muli %arg1, %mul3A_40 : i32
      %add3A_42 = arith.addi %mul3A_39, %mul3A_41 : i32
      "tpu.region"() ({
        %run_scoped3A_43 = tpu.sem_alloc : memref<!tpu.dma_semaphore, #tpu.memory_space<semaphore_mem>>
        %dma_start3A_44 = arith.constant 0 : i32
        %dma_start3A_45 = tpu.memref_slice %arg5[%add3A_42, %dma_start3A_44] : memref<20000x128xf32, #tpu.memory_space<hbm>> -> memref<624x128xf32, #tpu.memory_space<hbm>>
        %dma_start3A_46 = arith.constant 0 : i32
        %dma_start3A_47 = tpu.memref_slice %arg9[%mul3A_37, %dma_start3A_46] : memref<10000x128xf32, #tpu.memory_space<vmem_shared>> -> memref<624x128xf32, #tpu.memory_space<vmem_shared>>
        tpu.enqueue_dma source(%dma_start3A_47 : memref<624x128xf32, #tpu.memory_space<vmem_shared>>) target(%dma_start3A_45 : memref<624x128xf32, #tpu.memory_space<hbm>>) target_semaphore(%run_scoped3A_43 : memref<!tpu.dma_semaphore, #tpu.memory_space<semaphore_mem>>)
        %dma_wait3A_48 = arith.constant 0 : i32
        %dma_wait3A_49 = tpu.memref_slice %arg5[%add3A_42, %dma_wait3A_48] : memref<20000x128xf32, #tpu.memory_space<hbm>> -> memref<624x128xf32, #tpu.memory_space<hbm>>
        %dma_wait3A_50 = arith.constant 0 : i32
        %dma_wait3A_51 = tpu.memref_slice %arg9[%mul3A_37, %dma_wait3A_50] : memref<10000x128xf32, #tpu.memory_space<vmem_shared>> -> memref<624x128xf32, #tpu.memory_space<vmem_shared>>
        tpu.wait_dma2 semaphore(%run_scoped3A_43 : memref<!tpu.dma_semaphore, #tpu.memory_space<semaphore_mem>>) src(%dma_wait3A_51 : memref<624x128xf32, #tpu.memory_space<vmem_shared>>) dst(%dma_wait3A_49 : memref<624x128xf32, #tpu.memory_space<hbm>>)
        tpu.yield
      }) : () -> ()
    } else {
    }
    %eq3A_31 = arith.constant 15 : i32
    %eq3A_32 = arith.cmpi eq, %arg1, %eq3A_31 : i32
    %convert_element_type3A_33 = arith.extui %eq3A_32 : i1 to i32
    %cond3A_34 = arith.constant 0 : i32
    %cond3A_35 = arith.cmpi ne, %convert_element_type3A_33, %cond3A_34 : i32
    scf.if %cond3A_35 {
      %mul3A_36 = arith.constant 10000 : i32
      %mul3A_37 = arith.muli %arg0, %mul3A_36 : i32
      %add3A_38 = arith.constant 9360 : i32
      %add3A_39 = arith.addi %mul3A_37, %add3A_38 : i32
      "tpu.region"() ({
        %run_scoped3A_40 = tpu.sem_alloc : memref<!tpu.dma_semaphore, #tpu.memory_space<semaphore_mem>>
        %dma_start3A_41 = arith.constant 0 : i32
        %dma_start3A_42 = tpu.memref_slice %arg5[%add3A_39, %dma_start3A_41] : memref<20000x128xf32, #tpu.memory_space<hbm>> -> memref<640x128xf32, #tpu.memory_space<hbm>>
        %dma_start3A_43 = arith.constant 9360 : i32
        %dma_start3A_44 = arith.constant 0 : i32
        %dma_start3A_45 = tpu.memref_slice %arg9[%dma_start3A_43, %dma_start3A_44] : memref<10000x128xf32, #tpu.memory_space<vmem_shared>> -> memref<640x128xf32, #tpu.memory_space<vmem_shared>>
        tpu.enqueue_dma source(%dma_start3A_45 : memref<640x128xf32, #tpu.memory_space<vmem_shared>>) target(%dma_start3A_42 : memref<640x128xf32, #tpu.memory_space<hbm>>) target_semaphore(%run_scoped3A_40 : memref<!tpu.dma_semaphore, #tpu.memory_space<semaphore_mem>>)
        %dma_wait3A_46 = arith.constant 0 : i32
        %dma_wait3A_47 = tpu.memref_slice %arg5[%add3A_39, %dma_wait3A_46] : memref<20000x128xf32, #tpu.memory_space<hbm>> -> memref<640x128xf32, #tpu.memory_space<hbm>>
        %dma_wait3A_48 = arith.constant 9360 : i32
        %dma_wait3A_49 = arith.constant 0 : i32
        %dma_wait3A_50 = tpu.memref_slice %arg9[%dma_wait3A_48, %dma_wait3A_49] : memref<10000x128xf32, #tpu.memory_space<vmem_shared>> -> memref<640x128xf32, #tpu.memory_space<vmem_shared>>
        tpu.wait_dma2 semaphore(%run_scoped3A_40 : memref<!tpu.dma_semaphore, #tpu.memory_space<semaphore_mem>>) src(%dma_wait3A_50 : memref<640x128xf32, #tpu.memory_space<vmem_shared>>) dst(%dma_wait3A_47 : memref<640x128xf32, #tpu.memory_space<hbm>>)
        tpu.yield
      }) : () -> ()
    } else {
    }
    return
  }
}

#map = affine_map<(d0, d1) -> (0, 0)>
#map1 = affine_map<(d0, d1) -> (0, 0, 0)>
module attributes {stable_mosaic.version = 14 : i64} {
  func.func @_gather_ab(%arg0: i32, %arg1: i32, %arg2: memref<10000x128xf32, #tpu.memory_space<hbm>>, %arg3: memref<10000x128xf32, #tpu.memory_space<hbm>>, %arg4: memref<32x125x80xi32, #tpu.memory_space<hbm>>, %arg5: memref<32x125x80xi32, #tpu.memory_space<hbm>>, %arg6: memref<320000x128xf32, #tpu.memory_space<hbm>>, %arg7: memref<320000x128xf32, #tpu.memory_space<hbm>>, %arg8: memref<125x80xi32, #tpu.memory_space<vmem>>, %arg9: memref<125x80xi32, #tpu.memory_space<vmem>>, %arg10: memref<80x128xf32, #tpu.memory_space<vmem>>, %arg11: memref<80x128xf32, #tpu.memory_space<vmem>>, %arg12: memref<80x128xf32, #tpu.memory_space<vmem>>, %arg13: memref<80x128xf32, #tpu.memory_space<vmem>>, %arg14: memref<80x128xf32, #tpu.memory_space<vmem>>, %arg15: memref<80x128xf32, #tpu.memory_space<vmem>>, %arg16: memref<80x128xf32, #tpu.memory_space<vmem>>, %arg17: memref<80x128xf32, #tpu.memory_space<vmem>>, %arg18: memref<!tpu.dma_semaphore, #tpu.memory_space<semaphore_mem>>, %arg19: memref<!tpu.dma_semaphore, #tpu.memory_space<semaphore_mem>>, %arg20: memref<!tpu.dma_semaphore, #tpu.memory_space<semaphore_mem>>, %arg21: memref<!tpu.dma_semaphore, #tpu.memory_space<semaphore_mem>>, %arg22: memref<!tpu.dma_semaphore, #tpu.memory_space<semaphore_mem>>, %arg23: memref<!tpu.dma_semaphore, #tpu.memory_space<semaphore_mem>>, %arg24: memref<!tpu.dma_semaphore, #tpu.memory_space<semaphore_mem>>, %arg25: memref<!tpu.dma_semaphore, #tpu.memory_space<semaphore_mem>>) attributes {dimension_semantics = [#tpu.dimension_semantics<core_parallel>, #tpu.dimension_semantics<subcore_parallel>], iteration_bounds = array<i64: 2, 16>, scalar_prefetch = 0 : i64, scratch_operands = 18 : i64, tpu.core_type = #tpu.core_type<sc_vector_subcore>, window_params = [{transform_indices = #map}, {transform_indices = #map}, {transform_indices = #map1}, {transform_indices = #map1}, {transform_indices = #map}, {transform_indices = #map}]} {
    %mul3A = arith.constant 2 : i32
    %mul3A_0 = arith.muli %arg1, %mul3A : i32
    %add3A = arith.addi %mul3A_0, %arg0 : i32
    %mul3A_1 = arith.constant 10000 : i32
    %mul3A_2 = arith.muli %add3A, %mul3A_1 : i32
    "tpu.region"() ({
      %run_scoped3A = tpu.sem_alloc : memref<!tpu.dma_semaphore, #tpu.memory_space<semaphore_mem>>
      %dma_start3A_78 = arith.constant 0 : i32
      %dma_start3A_79 = arith.constant 0 : i32
      %dma_start3A_80 = tpu.memref_slice %arg4[%add3A, %dma_start3A_78, %dma_start3A_79] : memref<32x125x80xi32, #tpu.memory_space<hbm>> -> memref<1x125x80xi32, #tpu.memory_space<hbm>>
      %dma_start3A_81 = tpu.memref_squeeze %dma_start3A_80 : memref<1x125x80xi32, #tpu.memory_space<hbm>> -> memref<125x80xi32, #tpu.memory_space<hbm>>
      %dma_start3A_82 = arith.constant 0 : i32
      %dma_start3A_83 = arith.constant 0 : i32
      %dma_start3A_84 = tpu.memref_slice %arg4[%add3A, %dma_start3A_82, %dma_start3A_83] : memref<32x125x80xi32, #tpu.memory_space<hbm>> -> memref<1x125x80xi32, #tpu.memory_space<hbm>>
      %dma_start3A_85 = tpu.memref_squeeze %dma_start3A_84 : memref<1x125x80xi32, #tpu.memory_space<hbm>> -> memref<125x80xi32, #tpu.memory_space<hbm>>
      tpu.enqueue_dma source(%dma_start3A_85 : memref<125x80xi32, #tpu.memory_space<hbm>>) target(%arg8 : memref<125x80xi32, #tpu.memory_space<vmem>>) target_semaphore(%run_scoped3A : memref<!tpu.dma_semaphore, #tpu.memory_space<semaphore_mem>>)
      %dma_wait3A_86 = arith.constant 0 : i32
      %dma_wait3A_87 = arith.constant 0 : i32
      %dma_wait3A_88 = tpu.memref_slice %arg4[%add3A, %dma_wait3A_86, %dma_wait3A_87] : memref<32x125x80xi32, #tpu.memory_space<hbm>> -> memref<1x125x80xi32, #tpu.memory_space<hbm>>
      %dma_wait3A_89 = tpu.memref_squeeze %dma_wait3A_88 : memref<1x125x80xi32, #tpu.memory_space<hbm>> -> memref<125x80xi32, #tpu.memory_space<hbm>>
      %dma_wait3A_90 = arith.constant 0 : i32
      %dma_wait3A_91 = arith.constant 0 : i32
      %dma_wait3A_92 = tpu.memref_slice %arg4[%add3A, %dma_wait3A_90, %dma_wait3A_91] : memref<32x125x80xi32, #tpu.memory_space<hbm>> -> memref<1x125x80xi32, #tpu.memory_space<hbm>>
      %dma_wait3A_93 = tpu.memref_squeeze %dma_wait3A_92 : memref<1x125x80xi32, #tpu.memory_space<hbm>> -> memref<125x80xi32, #tpu.memory_space<hbm>>
      tpu.wait_dma2 semaphore(%run_scoped3A : memref<!tpu.dma_semaphore, #tpu.memory_space<semaphore_mem>>) src(%dma_wait3A_93 : memref<125x80xi32, #tpu.memory_space<hbm>>) dst(%arg8 : memref<125x80xi32, #tpu.memory_space<vmem>>)
      tpu.yield
    }) : () -> ()
    "tpu.region"() ({
      %run_scoped3A = tpu.sem_alloc : memref<!tpu.dma_semaphore, #tpu.memory_space<semaphore_mem>>
      %dma_start3A_78 = arith.constant 0 : i32
      %dma_start3A_79 = arith.constant 0 : i32
      %dma_start3A_80 = tpu.memref_slice %arg5[%add3A, %dma_start3A_78, %dma_start3A_79] : memref<32x125x80xi32, #tpu.memory_space<hbm>> -> memref<1x125x80xi32, #tpu.memory_space<hbm>>
      %dma_start3A_81 = tpu.memref_squeeze %dma_start3A_80 : memref<1x125x80xi32, #tpu.memory_space<hbm>> -> memref<125x80xi32, #tpu.memory_space<hbm>>
      %dma_start3A_82 = arith.constant 0 : i32
      %dma_start3A_83 = arith.constant 0 : i32
      %dma_start3A_84 = tpu.memref_slice %arg5[%add3A, %dma_start3A_82, %dma_start3A_83] : memref<32x125x80xi32, #tpu.memory_space<hbm>> -> memref<1x125x80xi32, #tpu.memory_space<hbm>>
      %dma_start3A_85 = tpu.memref_squeeze %dma_start3A_84 : memref<1x125x80xi32, #tpu.memory_space<hbm>> -> memref<125x80xi32, #tpu.memory_space<hbm>>
      tpu.enqueue_dma source(%dma_start3A_85 : memref<125x80xi32, #tpu.memory_space<hbm>>) target(%arg9 : memref<125x80xi32, #tpu.memory_space<vmem>>) target_semaphore(%run_scoped3A : memref<!tpu.dma_semaphore, #tpu.memory_space<semaphore_mem>>)
      %dma_wait3A_86 = arith.constant 0 : i32
      %dma_wait3A_87 = arith.constant 0 : i32
      %dma_wait3A_88 = tpu.memref_slice %arg5[%add3A, %dma_wait3A_86, %dma_wait3A_87] : memref<32x125x80xi32, #tpu.memory_space<hbm>> -> memref<1x125x80xi32, #tpu.memory_space<hbm>>
      %dma_wait3A_89 = tpu.memref_squeeze %dma_wait3A_88 : memref<1x125x80xi32, #tpu.memory_space<hbm>> -> memref<125x80xi32, #tpu.memory_space<hbm>>
      %dma_wait3A_90 = arith.constant 0 : i32
      %dma_wait3A_91 = arith.constant 0 : i32
      %dma_wait3A_92 = tpu.memref_slice %arg5[%add3A, %dma_wait3A_90, %dma_wait3A_91] : memref<32x125x80xi32, #tpu.memory_space<hbm>> -> memref<1x125x80xi32, #tpu.memory_space<hbm>>
      %dma_wait3A_93 = tpu.memref_squeeze %dma_wait3A_92 : memref<1x125x80xi32, #tpu.memory_space<hbm>> -> memref<125x80xi32, #tpu.memory_space<hbm>>
      tpu.wait_dma2 semaphore(%run_scoped3A : memref<!tpu.dma_semaphore, #tpu.memory_space<semaphore_mem>>) src(%dma_wait3A_93 : memref<125x80xi32, #tpu.memory_space<hbm>>) dst(%arg9 : memref<125x80xi32, #tpu.memory_space<vmem>>)
      tpu.yield
    }) : () -> ()
    %dma_start3A = arith.constant 0 : i32
    %dma_start3A_3 = arith.constant 0 : i32
    %dma_start3A_4 = tpu.memref_slice %arg8[%dma_start3A, %dma_start3A_3] : memref<125x80xi32, #tpu.memory_space<vmem>> -> memref<1x80xi32, #tpu.memory_space<vmem>>
    %dma_start3A_5 = tpu.memref_squeeze %dma_start3A_4 : memref<1x80xi32, #tpu.memory_space<vmem>> -> memref<80xi32, #tpu.memory_space<vmem>>
    %dma_start3A_6 = arith.constant 0 : i32
    %dma_start3A_7 = arith.constant 0 : i32
    %dma_start3A_8 = tpu.memref_slice %arg2[%dma_start3A_6, %dma_start3A_7] : memref<10000x128xf32, #tpu.memory_space<hbm>> -> memref<10000x128xf32, #tpu.memory_space<hbm>>
    tpu.enqueue_indirect_dma source(%dma_start3A_8 : memref<10000x128xf32, #tpu.memory_space<hbm>>) target(%arg10 : memref<80x128xf32, #tpu.memory_space<vmem>>) offsets(%dma_start3A_5 : memref<80xi32, #tpu.memory_space<vmem>>) semaphore(%arg18 : memref<!tpu.dma_semaphore, #tpu.memory_space<semaphore_mem>>)
    %dma_start3A_9 = arith.constant 0 : i32
    %dma_start3A_10 = arith.constant 0 : i32
    %dma_start3A_11 = tpu.memref_slice %arg9[%dma_start3A_9, %dma_start3A_10] : memref<125x80xi32, #tpu.memory_space<vmem>> -> memref<1x80xi32, #tpu.memory_space<vmem>>
    %dma_start3A_12 = tpu.memref_squeeze %dma_start3A_11 : memref<1x80xi32, #tpu.memory_space<vmem>> -> memref<80xi32, #tpu.memory_space<vmem>>
    %dma_start3A_13 = arith.constant 0 : i32
    %dma_start3A_14 = arith.constant 0 : i32
    %dma_start3A_15 = tpu.memref_slice %arg3[%dma_start3A_13, %dma_start3A_14] : memref<10000x128xf32, #tpu.memory_space<hbm>> -> memref<10000x128xf32, #tpu.memory_space<hbm>>
    tpu.enqueue_indirect_dma source(%dma_start3A_15 : memref<10000x128xf32, #tpu.memory_space<hbm>>) target(%arg14 : memref<80x128xf32, #tpu.memory_space<vmem>>) offsets(%dma_start3A_12 : memref<80xi32, #tpu.memory_space<vmem>>) semaphore(%arg18 : memref<!tpu.dma_semaphore, #tpu.memory_space<semaphore_mem>>)
    %dma_start3A_16 = arith.constant 1 : i32
    %dma_start3A_17 = arith.constant 0 : i32
    %dma_start3A_18 = tpu.memref_slice %arg8[%dma_start3A_16, %dma_start3A_17] : memref<125x80xi32, #tpu.memory_space<vmem>> -> memref<1x80xi32, #tpu.memory_space<vmem>>
    %dma_start3A_19 = tpu.memref_squeeze %dma_start3A_18 : memref<1x80xi32, #tpu.memory_space<vmem>> -> memref<80xi32, #tpu.memory_space<vmem>>
    %dma_start3A_20 = arith.constant 0 : i32
    %dma_start3A_21 = arith.constant 0 : i32
    %dma_start3A_22 = tpu.memref_slice %arg2[%dma_start3A_20, %dma_start3A_21] : memref<10000x128xf32, #tpu.memory_space<hbm>> -> memref<10000x128xf32, #tpu.memory_space<hbm>>
    tpu.enqueue_indirect_dma source(%dma_start3A_22 : memref<10000x128xf32, #tpu.memory_space<hbm>>) target(%arg11 : memref<80x128xf32, #tpu.memory_space<vmem>>) offsets(%dma_start3A_19 : memref<80xi32, #tpu.memory_space<vmem>>) semaphore(%arg19 : memref<!tpu.dma_semaphore, #tpu.memory_space<semaphore_mem>>)
    %dma_start3A_23 = arith.constant 1 : i32
    %dma_start3A_24 = arith.constant 0 : i32
    %dma_start3A_25 = tpu.memref_slice %arg9[%dma_start3A_23, %dma_start3A_24] : memref<125x80xi32, #tpu.memory_space<vmem>> -> memref<1x80xi32, #tpu.memory_space<vmem>>
    %dma_start3A_26 = tpu.memref_squeeze %dma_start3A_25 : memref<1x80xi32, #tpu.memory_space<vmem>> -> memref<80xi32, #tpu.memory_space<vmem>>
    %dma_start3A_27 = arith.constant 0 : i32
    %dma_start3A_28 = arith.constant 0 : i32
    %dma_start3A_29 = tpu.memref_slice %arg3[%dma_start3A_27, %dma_start3A_28] : memref<10000x128xf32, #tpu.memory_space<hbm>> -> memref<10000x128xf32, #tpu.memory_space<hbm>>
    tpu.enqueue_indirect_dma source(%dma_start3A_29 : memref<10000x128xf32, #tpu.memory_space<hbm>>) target(%arg15 : memref<80x128xf32, #tpu.memory_space<vmem>>) offsets(%dma_start3A_26 : memref<80xi32, #tpu.memory_space<vmem>>) semaphore(%arg19 : memref<!tpu.dma_semaphore, #tpu.memory_space<semaphore_mem>>)
    %dma_start3A_30 = arith.constant 2 : i32
    %dma_start3A_31 = arith.constant 0 : i32
    %dma_start3A_32 = tpu.memref_slice %arg8[%dma_start3A_30, %dma_start3A_31] : memref<125x80xi32, #tpu.memory_space<vmem>> -> memref<1x80xi32, #tpu.memory_space<vmem>>
    %dma_start3A_33 = tpu.memref_squeeze %dma_start3A_32 : memref<1x80xi32, #tpu.memory_space<vmem>> -> memref<80xi32, #tpu.memory_space<vmem>>
    %dma_start3A_34 = arith.constant 0 : i32
    %dma_start3A_35 = arith.constant 0 : i32
    %dma_start3A_36 = tpu.memref_slice %arg2[%dma_start3A_34, %dma_start3A_35] : memref<10000x128xf32, #tpu.memory_space<hbm>> -> memref<10000x128xf32, #tpu.memory_space<hbm>>
    tpu.enqueue_indirect_dma source(%dma_start3A_36 : memref<10000x128xf32, #tpu.memory_space<hbm>>) target(%arg12 : memref<80x128xf32, #tpu.memory_space<vmem>>) offsets(%dma_start3A_33 : memref<80xi32, #tpu.memory_space<vmem>>) semaphore(%arg20 : memref<!tpu.dma_semaphore, #tpu.memory_space<semaphore_mem>>)
    %dma_start3A_37 = arith.constant 2 : i32
    %dma_start3A_38 = arith.constant 0 : i32
    %dma_start3A_39 = tpu.memref_slice %arg9[%dma_start3A_37, %dma_start3A_38] : memref<125x80xi32, #tpu.memory_space<vmem>> -> memref<1x80xi32, #tpu.memory_space<vmem>>
    %dma_start3A_40 = tpu.memref_squeeze %dma_start3A_39 : memref<1x80xi32, #tpu.memory_space<vmem>> -> memref<80xi32, #tpu.memory_space<vmem>>
    %dma_start3A_41 = arith.constant 0 : i32
    %dma_start3A_42 = arith.constant 0 : i32
    %dma_start3A_43 = tpu.memref_slice %arg3[%dma_start3A_41, %dma_start3A_42] : memref<10000x128xf32, #tpu.memory_space<hbm>> -> memref<10000x128xf32, #tpu.memory_space<hbm>>
    tpu.enqueue_indirect_dma source(%dma_start3A_43 : memref<10000x128xf32, #tpu.memory_space<hbm>>) target(%arg16 : memref<80x128xf32, #tpu.memory_space<vmem>>) offsets(%dma_start3A_40 : memref<80xi32, #tpu.memory_space<vmem>>) semaphore(%arg20 : memref<!tpu.dma_semaphore, #tpu.memory_space<semaphore_mem>>)
    %dma_start3A_44 = arith.constant 3 : i32
    %dma_start3A_45 = arith.constant 0 : i32
    %dma_start3A_46 = tpu.memref_slice %arg8[%dma_start3A_44, %dma_start3A_45] : memref<125x80xi32, #tpu.memory_space<vmem>> -> memref<1x80xi32, #tpu.memory_space<vmem>>
    %dma_start3A_47 = tpu.memref_squeeze %dma_start3A_46 : memref<1x80xi32, #tpu.memory_space<vmem>> -> memref<80xi32, #tpu.memory_space<vmem>>
    %dma_start3A_48 = arith.constant 0 : i32
    %dma_start3A_49 = arith.constant 0 : i32
    %dma_start3A_50 = tpu.memref_slice %arg2[%dma_start3A_48, %dma_start3A_49] : memref<10000x128xf32, #tpu.memory_space<hbm>> -> memref<10000x128xf32, #tpu.memory_space<hbm>>
    tpu.enqueue_indirect_dma source(%dma_start3A_50 : memref<10000x128xf32, #tpu.memory_space<hbm>>) target(%arg13 : memref<80x128xf32, #tpu.memory_space<vmem>>) offsets(%dma_start3A_47 : memref<80xi32, #tpu.memory_space<vmem>>) semaphore(%arg21 : memref<!tpu.dma_semaphore, #tpu.memory_space<semaphore_mem>>)
    %dma_start3A_51 = arith.constant 3 : i32
    %dma_start3A_52 = arith.constant 0 : i32
    %dma_start3A_53 = tpu.memref_slice %arg9[%dma_start3A_51, %dma_start3A_52] : memref<125x80xi32, #tpu.memory_space<vmem>> -> memref<1x80xi32, #tpu.memory_space<vmem>>
    %dma_start3A_54 = tpu.memref_squeeze %dma_start3A_53 : memref<1x80xi32, #tpu.memory_space<vmem>> -> memref<80xi32, #tpu.memory_space<vmem>>
    %dma_start3A_55 = arith.constant 0 : i32
    %dma_start3A_56 = arith.constant 0 : i32
    %dma_start3A_57 = tpu.memref_slice %arg3[%dma_start3A_55, %dma_start3A_56] : memref<10000x128xf32, #tpu.memory_space<hbm>> -> memref<10000x128xf32, #tpu.memory_space<hbm>>
    tpu.enqueue_indirect_dma source(%dma_start3A_57 : memref<10000x128xf32, #tpu.memory_space<hbm>>) target(%arg17 : memref<80x128xf32, #tpu.memory_space<vmem>>) offsets(%dma_start3A_54 : memref<80xi32, #tpu.memory_space<vmem>>) semaphore(%arg21 : memref<!tpu.dma_semaphore, #tpu.memory_space<semaphore_mem>>)
    %scan3A = arith.constant 0 : i32
    %scan3A_58 = arith.constant 0 : i32
    %scan3A_59 = arith.constant 31 : i32
    %scan3A_60 = arith.addi %scan3A_58, %scan3A_59 : i32
    %scan3A_61 = arith.constant 1 : i32
    scf.for %scan3A_78 = %scan3A_58 to %scan3A_60 step %scan3A_61  : i32 {
      %mul3A_79 = arith.constant 4 : i32
      %mul3A_80 = arith.muli %scan3A_78, %mul3A_79 : i32
      %add3A_81 = arith.constant 0 : i32
      %add3A_82 = arith.addi %mul3A_80, %add3A_81 : i32
      %dma_wait3A_83 = arith.constant 0 : i32
      %dma_wait3A_84 = arith.constant 0 : i32
      %dma_wait3A_85 = tpu.memref_slice %arg8[%dma_wait3A_83, %dma_wait3A_84] : memref<125x80xi32, #tpu.memory_space<vmem>> -> memref<1x80xi32, #tpu.memory_space<vmem>>
      %dma_wait3A_86 = tpu.memref_squeeze %dma_wait3A_85 : memref<1x80xi32, #tpu.memory_space<vmem>> -> memref<80xi32, #tpu.memory_space<vmem>>
      %dma_wait3A_87 = arith.constant 0 : i32
      %dma_wait3A_88 = arith.constant 0 : i32
      %dma_wait3A_89 = tpu.memref_slice %arg2[%dma_wait3A_87, %dma_wait3A_88] : memref<10000x128xf32, #tpu.memory_space<hbm>> -> memref<10000x128xf32, #tpu.memory_space<hbm>>
      tpu.wait_indirect_dma semaphore(%arg18 : memref<!tpu.dma_semaphore, #tpu.memory_space<semaphore_mem>>) src(%dma_wait3A_89 : memref<10000x128xf32, #tpu.memory_space<hbm>>) dst(%arg10 : memref<80x128xf32, #tpu.memory_space<vmem>>)
      %dma_wait3A_90 = arith.constant 0 : i32
      %dma_wait3A_91 = arith.constant 0 : i32
      %dma_wait3A_92 = tpu.memref_slice %arg9[%dma_wait3A_90, %dma_wait3A_91] : memref<125x80xi32, #tpu.memory_space<vmem>> -> memref<1x80xi32, #tpu.memory_space<vmem>>
      %dma_wait3A_93 = tpu.memref_squeeze %dma_wait3A_92 : memref<1x80xi32, #tpu.memory_space<vmem>> -> memref<80xi32, #tpu.memory_space<vmem>>
      %dma_wait3A_94 = arith.constant 0 : i32
      %dma_wait3A_95 = arith.constant 0 : i32
      %dma_wait3A_96 = tpu.memref_slice %arg3[%dma_wait3A_94, %dma_wait3A_95] : memref<10000x128xf32, #tpu.memory_space<hbm>> -> memref<10000x128xf32, #tpu.memory_space<hbm>>
      tpu.wait_indirect_dma semaphore(%arg18 : memref<!tpu.dma_semaphore, #tpu.memory_space<semaphore_mem>>) src(%dma_wait3A_96 : memref<10000x128xf32, #tpu.memory_space<hbm>>) dst(%arg14 : memref<80x128xf32, #tpu.memory_space<vmem>>)
      %mul3A_97 = arith.constant 80 : i32
      %mul3A_98 = arith.muli %add3A_82, %mul3A_97 : i32
      %add3A_99 = arith.addi %mul3A_2, %mul3A_98 : i32
      %dma_start3A_100 = arith.constant 0 : i32
      %dma_start3A_101 = tpu.memref_slice %arg6[%add3A_99, %dma_start3A_100] : memref<320000x128xf32, #tpu.memory_space<hbm>> -> memref<80x128xf32, #tpu.memory_space<hbm>>
      %dma_start3A_102 = arith.constant 0 : i32
      %dma_start3A_103 = tpu.memref_slice %arg6[%add3A_99, %dma_start3A_102] : memref<320000x128xf32, #tpu.memory_space<hbm>> -> memref<80x128xf32, #tpu.memory_space<hbm>>
      tpu.enqueue_dma source(%arg10 : memref<80x128xf32, #tpu.memory_space<vmem>>) target(%dma_start3A_103 : memref<80x128xf32, #tpu.memory_space<hbm>>) target_semaphore(%arg22 : memref<!tpu.dma_semaphore, #tpu.memory_space<semaphore_mem>>)
      %dma_start3A_104 = arith.constant 0 : i32
      %dma_start3A_105 = tpu.memref_slice %arg7[%add3A_99, %dma_start3A_104] : memref<320000x128xf32, #tpu.memory_space<hbm>> -> memref<80x128xf32, #tpu.memory_space<hbm>>
      %dma_start3A_106 = arith.constant 0 : i32
      %dma_start3A_107 = tpu.memref_slice %arg7[%add3A_99, %dma_start3A_106] : memref<320000x128xf32, #tpu.memory_space<hbm>> -> memref<80x128xf32, #tpu.memory_space<hbm>>
      tpu.enqueue_dma source(%arg14 : memref<80x128xf32, #tpu.memory_space<vmem>>) target(%dma_start3A_107 : memref<80x128xf32, #tpu.memory_space<hbm>>) target_semaphore(%arg22 : memref<!tpu.dma_semaphore, #tpu.memory_space<semaphore_mem>>)
      %mul3A_108 = arith.constant 4 : i32
      %mul3A_109 = arith.muli %scan3A_78, %mul3A_108 : i32
      %add3A_110 = arith.constant 1 : i32
      %add3A_111 = arith.addi %mul3A_109, %add3A_110 : i32
      %dma_wait3A_112 = arith.constant 0 : i32
      %dma_wait3A_113 = arith.constant 0 : i32
      %dma_wait3A_114 = tpu.memref_slice %arg8[%dma_wait3A_112, %dma_wait3A_113] : memref<125x80xi32, #tpu.memory_space<vmem>> -> memref<1x80xi32, #tpu.memory_space<vmem>>
      %dma_wait3A_115 = tpu.memref_squeeze %dma_wait3A_114 : memref<1x80xi32, #tpu.memory_space<vmem>> -> memref<80xi32, #tpu.memory_space<vmem>>
      %dma_wait3A_116 = arith.constant 0 : i32
      %dma_wait3A_117 = arith.constant 0 : i32
      %dma_wait3A_118 = tpu.memref_slice %arg2[%dma_wait3A_116, %dma_wait3A_117] : memref<10000x128xf32, #tpu.memory_space<hbm>> -> memref<10000x128xf32, #tpu.memory_space<hbm>>
      tpu.wait_indirect_dma semaphore(%arg19 : memref<!tpu.dma_semaphore, #tpu.memory_space<semaphore_mem>>) src(%dma_wait3A_118 : memref<10000x128xf32, #tpu.memory_space<hbm>>) dst(%arg11 : memref<80x128xf32, #tpu.memory_space<vmem>>)
      %dma_wait3A_119 = arith.constant 0 : i32
      %dma_wait3A_120 = arith.constant 0 : i32
      %dma_wait3A_121 = tpu.memref_slice %arg9[%dma_wait3A_119, %dma_wait3A_120] : memref<125x80xi32, #tpu.memory_space<vmem>> -> memref<1x80xi32, #tpu.memory_space<vmem>>
      %dma_wait3A_122 = tpu.memref_squeeze %dma_wait3A_121 : memref<1x80xi32, #tpu.memory_space<vmem>> -> memref<80xi32, #tpu.memory_space<vmem>>
      %dma_wait3A_123 = arith.constant 0 : i32
      %dma_wait3A_124 = arith.constant 0 : i32
      %dma_wait3A_125 = tpu.memref_slice %arg3[%dma_wait3A_123, %dma_wait3A_124] : memref<10000x128xf32, #tpu.memory_space<hbm>> -> memref<10000x128xf32, #tpu.memory_space<hbm>>
      tpu.wait_indirect_dma semaphore(%arg19 : memref<!tpu.dma_semaphore, #tpu.memory_space<semaphore_mem>>) src(%dma_wait3A_125 : memref<10000x128xf32, #tpu.memory_space<hbm>>) dst(%arg15 : memref<80x128xf32, #tpu.memory_space<vmem>>)
      %mul3A_126 = arith.constant 80 : i32
      %mul3A_127 = arith.muli %add3A_111, %mul3A_126 : i32
      %add3A_128 = arith.addi %mul3A_2, %mul3A_127 : i32
      %dma_start3A_129 = arith.constant 0 : i32
      %dma_start3A_130 = tpu.memref_slice %arg6[%add3A_128, %dma_start3A_129] : memref<320000x128xf32, #tpu.memory_space<hbm>> -> memref<80x128xf32, #tpu.memory_space<hbm>>
      %dma_start3A_131 = arith.constant 0 : i32
      %dma_start3A_132 = tpu.memref_slice %arg6[%add3A_128, %dma_start3A_131] : memref<320000x128xf32, #tpu.memory_space<hbm>> -> memref<80x128xf32, #tpu.memory_space<hbm>>
      tpu.enqueue_dma source(%arg11 : memref<80x128xf32, #tpu.memory_space<vmem>>) target(%dma_start3A_132 : memref<80x128xf32, #tpu.memory_space<hbm>>) target_semaphore(%arg23 : memref<!tpu.dma_semaphore, #tpu.memory_space<semaphore_mem>>)
      %dma_start3A_133 = arith.constant 0 : i32
      %dma_start3A_134 = tpu.memref_slice %arg7[%add3A_128, %dma_start3A_133] : memref<320000x128xf32, #tpu.memory_space<hbm>> -> memref<80x128xf32, #tpu.memory_space<hbm>>
      %dma_start3A_135 = arith.constant 0 : i32
      %dma_start3A_136 = tpu.memref_slice %arg7[%add3A_128, %dma_start3A_135] : memref<320000x128xf32, #tpu.memory_space<hbm>> -> memref<80x128xf32, #tpu.memory_space<hbm>>
      tpu.enqueue_dma source(%arg15 : memref<80x128xf32, #tpu.memory_space<vmem>>) target(%dma_start3A_136 : memref<80x128xf32, #tpu.memory_space<hbm>>) target_semaphore(%arg23 : memref<!tpu.dma_semaphore, #tpu.memory_space<semaphore_mem>>)
      %mul3A_137 = arith.constant 4 : i32
      %mul3A_138 = arith.muli %scan3A_78, %mul3A_137 : i32
      %add3A_139 = arith.constant 2 : i32
      %add3A_140 = arith.addi %mul3A_138, %add3A_139 : i32
      %dma_wait3A_141 = arith.constant 0 : i32
      %dma_wait3A_142 = arith.constant 0 : i32
      %dma_wait3A_143 = tpu.memref_slice %arg8[%dma_wait3A_141, %dma_wait3A_142] : memref<125x80xi32, #tpu.memory_space<vmem>> -> memref<1x80xi32, #tpu.memory_space<vmem>>
      %dma_wait3A_144 = tpu.memref_squeeze %dma_wait3A_143 : memref<1x80xi32, #tpu.memory_space<vmem>> -> memref<80xi32, #tpu.memory_space<vmem>>
      %dma_wait3A_145 = arith.constant 0 : i32
      %dma_wait3A_146 = arith.constant 0 : i32
      %dma_wait3A_147 = tpu.memref_slice %arg2[%dma_wait3A_145, %dma_wait3A_146] : memref<10000x128xf32, #tpu.memory_space<hbm>> -> memref<10000x128xf32, #tpu.memory_space<hbm>>
      tpu.wait_indirect_dma semaphore(%arg20 : memref<!tpu.dma_semaphore, #tpu.memory_space<semaphore_mem>>) src(%dma_wait3A_147 : memref<10000x128xf32, #tpu.memory_space<hbm>>) dst(%arg12 : memref<80x128xf32, #tpu.memory_space<vmem>>)
      %dma_wait3A_148 = arith.constant 0 : i32
      %dma_wait3A_149 = arith.constant 0 : i32
      %dma_wait3A_150 = tpu.memref_slice %arg9[%dma_wait3A_148, %dma_wait3A_149] : memref<125x80xi32, #tpu.memory_space<vmem>> -> memref<1x80xi32, #tpu.memory_space<vmem>>
      %dma_wait3A_151 = tpu.memref_squeeze %dma_wait3A_150 : memref<1x80xi32, #tpu.memory_space<vmem>> -> memref<80xi32, #tpu.memory_space<vmem>>
      %dma_wait3A_152 = arith.constant 0 : i32
      %dma_wait3A_153 = arith.constant 0 : i32
      %dma_wait3A_154 = tpu.memref_slice %arg3[%dma_wait3A_152, %dma_wait3A_153] : memref<10000x128xf32, #tpu.memory_space<hbm>> -> memref<10000x128xf32, #tpu.memory_space<hbm>>
      tpu.wait_indirect_dma semaphore(%arg20 : memref<!tpu.dma_semaphore, #tpu.memory_space<semaphore_mem>>) src(%dma_wait3A_154 : memref<10000x128xf32, #tpu.memory_space<hbm>>) dst(%arg16 : memref<80x128xf32, #tpu.memory_space<vmem>>)
      %mul3A_155 = arith.constant 80 : i32
      %mul3A_156 = arith.muli %add3A_140, %mul3A_155 : i32
      %add3A_157 = arith.addi %mul3A_2, %mul3A_156 : i32
      %dma_start3A_158 = arith.constant 0 : i32
      %dma_start3A_159 = tpu.memref_slice %arg6[%add3A_157, %dma_start3A_158] : memref<320000x128xf32, #tpu.memory_space<hbm>> -> memref<80x128xf32, #tpu.memory_space<hbm>>
      %dma_start3A_160 = arith.constant 0 : i32
      %dma_start3A_161 = tpu.memref_slice %arg6[%add3A_157, %dma_start3A_160] : memref<320000x128xf32, #tpu.memory_space<hbm>> -> memref<80x128xf32, #tpu.memory_space<hbm>>
      tpu.enqueue_dma source(%arg12 : memref<80x128xf32, #tpu.memory_space<vmem>>) target(%dma_start3A_161 : memref<80x128xf32, #tpu.memory_space<hbm>>) target_semaphore(%arg24 : memref<!tpu.dma_semaphore, #tpu.memory_space<semaphore_mem>>)
      %dma_start3A_162 = arith.constant 0 : i32
      %dma_start3A_163 = tpu.memref_slice %arg7[%add3A_157, %dma_start3A_162] : memref<320000x128xf32, #tpu.memory_space<hbm>> -> memref<80x128xf32, #tpu.memory_space<hbm>>
      %dma_start3A_164 = arith.constant 0 : i32
      %dma_start3A_165 = tpu.memref_slice %arg7[%add3A_157, %dma_start3A_164] : memref<320000x128xf32, #tpu.memory_space<hbm>> -> memref<80x128xf32, #tpu.memory_space<hbm>>
      tpu.enqueue_dma source(%arg16 : memref<80x128xf32, #tpu.memory_space<vmem>>) target(%dma_start3A_165 : memref<80x128xf32, #tpu.memory_space<hbm>>) target_semaphore(%arg24 : memref<!tpu.dma_semaphore, #tpu.memory_space<semaphore_mem>>)
      %mul3A_166 = arith.constant 4 : i32
      %mul3A_167 = arith.muli %scan3A_78, %mul3A_166 : i32
      %add3A_168 = arith.constant 3 : i32
      %add3A_169 = arith.addi %mul3A_167, %add3A_168 : i32
      %dma_wait3A_170 = arith.constant 0 : i32
      %dma_wait3A_171 = arith.constant 0 : i32
      %dma_wait3A_172 = tpu.memref_slice %arg8[%dma_wait3A_170, %dma_wait3A_171] : memref<125x80xi32, #tpu.memory_space<vmem>> -> memref<1x80xi32, #tpu.memory_space<vmem>>
      %dma_wait3A_173 = tpu.memref_squeeze %dma_wait3A_172 : memref<1x80xi32, #tpu.memory_space<vmem>> -> memref<80xi32, #tpu.memory_space<vmem>>
      %dma_wait3A_174 = arith.constant 0 : i32
      %dma_wait3A_175 = arith.constant 0 : i32
      %dma_wait3A_176 = tpu.memref_slice %arg2[%dma_wait3A_174, %dma_wait3A_175] : memref<10000x128xf32, #tpu.memory_space<hbm>> -> memref<10000x128xf32, #tpu.memory_space<hbm>>
      tpu.wait_indirect_dma semaphore(%arg21 : memref<!tpu.dma_semaphore, #tpu.memory_space<semaphore_mem>>) src(%dma_wait3A_176 : memref<10000x128xf32, #tpu.memory_space<hbm>>) dst(%arg13 : memref<80x128xf32, #tpu.memory_space<vmem>>)
      %dma_wait3A_177 = arith.constant 0 : i32
      %dma_wait3A_178 = arith.constant 0 : i32
      %dma_wait3A_179 = tpu.memref_slice %arg9[%dma_wait3A_177, %dma_wait3A_178] : memref<125x80xi32, #tpu.memory_space<vmem>> -> memref<1x80xi32, #tpu.memory_space<vmem>>
      %dma_wait3A_180 = tpu.memref_squeeze %dma_wait3A_179 : memref<1x80xi32, #tpu.memory_space<vmem>> -> memref<80xi32, #tpu.memory_space<vmem>>
      %dma_wait3A_181 = arith.constant 0 : i32
      %dma_wait3A_182 = arith.constant 0 : i32
      %dma_wait3A_183 = tpu.memref_slice %arg3[%dma_wait3A_181, %dma_wait3A_182] : memref<10000x128xf32, #tpu.memory_space<hbm>> -> memref<10000x128xf32, #tpu.memory_space<hbm>>
      tpu.wait_indirect_dma semaphore(%arg21 : memref<!tpu.dma_semaphore, #tpu.memory_space<semaphore_mem>>) src(%dma_wait3A_183 : memref<10000x128xf32, #tpu.memory_space<hbm>>) dst(%arg17 : memref<80x128xf32, #tpu.memory_space<vmem>>)
      %mul3A_184 = arith.constant 80 : i32
      %mul3A_185 = arith.muli %add3A_169, %mul3A_184 : i32
      %add3A_186 = arith.addi %mul3A_2, %mul3A_185 : i32
      %dma_start3A_187 = arith.constant 0 : i32
      %dma_start3A_188 = tpu.memref_slice %arg6[%add3A_186, %dma_start3A_187] : memref<320000x128xf32, #tpu.memory_space<hbm>> -> memref<80x128xf32, #tpu.memory_space<hbm>>
      %dma_start3A_189 = arith.constant 0 : i32
      %dma_start3A_190 = tpu.memref_slice %arg6[%add3A_186, %dma_start3A_189] : memref<320000x128xf32, #tpu.memory_space<hbm>> -> memref<80x128xf32, #tpu.memory_space<hbm>>
      tpu.enqueue_dma source(%arg13 : memref<80x128xf32, #tpu.memory_space<vmem>>) target(%dma_start3A_190 : memref<80x128xf32, #tpu.memory_space<hbm>>) target_semaphore(%arg25 : memref<!tpu.dma_semaphore, #tpu.memory_space<semaphore_mem>>)
      %dma_start3A_191 = arith.constant 0 : i32
      %dma_start3A_192 = tpu.memref_slice %arg7[%add3A_186, %dma_start3A_191] : memref<320000x128xf32, #tpu.memory_space<hbm>> -> memref<80x128xf32, #tpu.memory_space<hbm>>
      %dma_start3A_193 = arith.constant 0 : i32
      %dma_start3A_194 = tpu.memref_slice %arg7[%add3A_186, %dma_start3A_193] : memref<320000x128xf32, #tpu.memory_space<hbm>> -> memref<80x128xf32, #tpu.memory_space<hbm>>
      tpu.enqueue_dma source(%arg17 : memref<80x128xf32, #tpu.memory_space<vmem>>) target(%dma_start3A_194 : memref<80x128xf32, #tpu.memory_space<hbm>>) target_semaphore(%arg25 : memref<!tpu.dma_semaphore, #tpu.memory_space<semaphore_mem>>)
      %mul3A_195 = arith.constant 4 : i32
      %mul3A_196 = arith.muli %scan3A_78, %mul3A_195 : i32
      %add3A_197 = arith.constant 4 : i32
      %add3A_198 = arith.addi %mul3A_196, %add3A_197 : i32
      %add3A_199 = arith.constant 0 : i32
      %add3A_200 = arith.addi %add3A_198, %add3A_199 : i32
      %dma_wait3A_201 = arith.constant 0 : i32
      %dma_wait3A_202 = arith.constant 0 : i32
      %dma_wait3A_203 = tpu.memref_slice %arg6[%dma_wait3A_201, %dma_wait3A_202] : memref<320000x128xf32, #tpu.memory_space<hbm>> -> memref<80x128xf32, #tpu.memory_space<hbm>>
      %dma_wait3A_204 = arith.constant 0 : i32
      %dma_wait3A_205 = arith.constant 0 : i32
      %dma_wait3A_206 = tpu.memref_slice %arg6[%dma_wait3A_204, %dma_wait3A_205] : memref<320000x128xf32, #tpu.memory_space<hbm>> -> memref<80x128xf32, #tpu.memory_space<hbm>>
      tpu.wait_dma2 semaphore(%arg22 : memref<!tpu.dma_semaphore, #tpu.memory_space<semaphore_mem>>) src(%arg10 : memref<80x128xf32, #tpu.memory_space<vmem>>) dst(%dma_wait3A_206 : memref<80x128xf32, #tpu.memory_space<hbm>>)
      %dma_wait3A_207 = arith.constant 0 : i32
      %dma_wait3A_208 = arith.constant 0 : i32
      %dma_wait3A_209 = tpu.memref_slice %arg7[%dma_wait3A_207, %dma_wait3A_208] : memref<320000x128xf32, #tpu.memory_space<hbm>> -> memref<80x128xf32, #tpu.memory_space<hbm>>
      %dma_wait3A_210 = arith.constant 0 : i32
      %dma_wait3A_211 = arith.constant 0 : i32
      %dma_wait3A_212 = tpu.memref_slice %arg7[%dma_wait3A_210, %dma_wait3A_211] : memref<320000x128xf32, #tpu.memory_space<hbm>> -> memref<80x128xf32, #tpu.memory_space<hbm>>
      tpu.wait_dma2 semaphore(%arg22 : memref<!tpu.dma_semaphore, #tpu.memory_space<semaphore_mem>>) src(%arg14 : memref<80x128xf32, #tpu.memory_space<vmem>>) dst(%dma_wait3A_212 : memref<80x128xf32, #tpu.memory_space<hbm>>)
      %le3A = arith.constant 124 : i32
      %le3A_213 = arith.cmpi sle, %add3A_200, %le3A : i32
      %convert_element_type3A = arith.extui %le3A_213 : i1 to i32
      %cond3A = arith.constant 0 : i32
      %cond3A_214 = arith.cmpi ne, %convert_element_type3A, %cond3A : i32
      scf.if %cond3A_214 {
        %dma_start3A_284 = arith.constant 0 : i32
        %dma_start3A_285 = tpu.memref_slice %arg8[%add3A_200, %dma_start3A_284] : memref<125x80xi32, #tpu.memory_space<vmem>> -> memref<1x80xi32, #tpu.memory_space<vmem>>
        %dma_start3A_286 = tpu.memref_squeeze %dma_start3A_285 : memref<1x80xi32, #tpu.memory_space<vmem>> -> memref<80xi32, #tpu.memory_space<vmem>>
        %dma_start3A_287 = arith.constant 0 : i32
        %dma_start3A_288 = arith.constant 0 : i32
        %dma_start3A_289 = tpu.memref_slice %arg2[%dma_start3A_287, %dma_start3A_288] : memref<10000x128xf32, #tpu.memory_space<hbm>> -> memref<10000x128xf32, #tpu.memory_space<hbm>>
        tpu.enqueue_indirect_dma source(%dma_start3A_289 : memref<10000x128xf32, #tpu.memory_space<hbm>>) target(%arg10 : memref<80x128xf32, #tpu.memory_space<vmem>>) offsets(%dma_start3A_286 : memref<80xi32, #tpu.memory_space<vmem>>) semaphore(%arg18 : memref<!tpu.dma_semaphore, #tpu.memory_space<semaphore_mem>>)
        %dma_start3A_290 = arith.constant 0 : i32
        %dma_start3A_291 = tpu.memref_slice %arg9[%add3A_200, %dma_start3A_290] : memref<125x80xi32, #tpu.memory_space<vmem>> -> memref<1x80xi32, #tpu.memory_space<vmem>>
        %dma_start3A_292 = tpu.memref_squeeze %dma_start3A_291 : memref<1x80xi32, #tpu.memory_space<vmem>> -> memref<80xi32, #tpu.memory_space<vmem>>
        %dma_start3A_293 = arith.constant 0 : i32
        %dma_start3A_294 = arith.constant 0 : i32
        %dma_start3A_295 = tpu.memref_slice %arg3[%dma_start3A_293, %dma_start3A_294] : memref<10000x128xf32, #tpu.memory_space<hbm>> -> memref<10000x128xf32, #tpu.memory_space<hbm>>
        tpu.enqueue_indirect_dma source(%dma_start3A_295 : memref<10000x128xf32, #tpu.memory_space<hbm>>) target(%arg14 : memref<80x128xf32, #tpu.memory_space<vmem>>) offsets(%dma_start3A_292 : memref<80xi32, #tpu.memory_space<vmem>>) semaphore(%arg18 : memref<!tpu.dma_semaphore, #tpu.memory_space<semaphore_mem>>)
      } else {
      }
      %mul3A_215 = arith.constant 4 : i32
      %mul3A_216 = arith.muli %scan3A_78, %mul3A_215 : i32
      %add3A_217 = arith.constant 4 : i32
      %add3A_218 = arith.addi %mul3A_216, %add3A_217 : i32
      %add3A_219 = arith.constant 1 : i32
      %add3A_220 = arith.addi %add3A_218, %add3A_219 : i32
      %dma_wait3A_221 = arith.constant 0 : i32
      %dma_wait3A_222 = arith.constant 0 : i32
      %dma_wait3A_223 = tpu.memref_slice %arg6[%dma_wait3A_221, %dma_wait3A_222] : memref<320000x128xf32, #tpu.memory_space<hbm>> -> memref<80x128xf32, #tpu.memory_space<hbm>>
      %dma_wait3A_224 = arith.constant 0 : i32
      %dma_wait3A_225 = arith.constant 0 : i32
      %dma_wait3A_226 = tpu.memref_slice %arg6[%dma_wait3A_224, %dma_wait3A_225] : memref<320000x128xf32, #tpu.memory_space<hbm>> -> memref<80x128xf32, #tpu.memory_space<hbm>>
      tpu.wait_dma2 semaphore(%arg23 : memref<!tpu.dma_semaphore, #tpu.memory_space<semaphore_mem>>) src(%arg11 : memref<80x128xf32, #tpu.memory_space<vmem>>) dst(%dma_wait3A_226 : memref<80x128xf32, #tpu.memory_space<hbm>>)
      %dma_wait3A_227 = arith.constant 0 : i32
      %dma_wait3A_228 = arith.constant 0 : i32
      %dma_wait3A_229 = tpu.memref_slice %arg7[%dma_wait3A_227, %dma_wait3A_228] : memref<320000x128xf32, #tpu.memory_space<hbm>> -> memref<80x128xf32, #tpu.memory_space<hbm>>
      %dma_wait3A_230 = arith.constant 0 : i32
      %dma_wait3A_231 = arith.constant 0 : i32
      %dma_wait3A_232 = tpu.memref_slice %arg7[%dma_wait3A_230, %dma_wait3A_231] : memref<320000x128xf32, #tpu.memory_space<hbm>> -> memref<80x128xf32, #tpu.memory_space<hbm>>
      tpu.wait_dma2 semaphore(%arg23 : memref<!tpu.dma_semaphore, #tpu.memory_space<semaphore_mem>>) src(%arg15 : memref<80x128xf32, #tpu.memory_space<vmem>>) dst(%dma_wait3A_232 : memref<80x128xf32, #tpu.memory_space<hbm>>)
      %le3A_233 = arith.constant 124 : i32
      %le3A_234 = arith.cmpi sle, %add3A_220, %le3A_233 : i32
      %convert_element_type3A_235 = arith.extui %le3A_234 : i1 to i32
      %cond3A_236 = arith.constant 0 : i32
      %cond3A_237 = arith.cmpi ne, %convert_element_type3A_235, %cond3A_236 : i32
      scf.if %cond3A_237 {
        %dma_start3A_284 = arith.constant 0 : i32
        %dma_start3A_285 = tpu.memref_slice %arg8[%add3A_220, %dma_start3A_284] : memref<125x80xi32, #tpu.memory_space<vmem>> -> memref<1x80xi32, #tpu.memory_space<vmem>>
        %dma_start3A_286 = tpu.memref_squeeze %dma_start3A_285 : memref<1x80xi32, #tpu.memory_space<vmem>> -> memref<80xi32, #tpu.memory_space<vmem>>
        %dma_start3A_287 = arith.constant 0 : i32
        %dma_start3A_288 = arith.constant 0 : i32
        %dma_start3A_289 = tpu.memref_slice %arg2[%dma_start3A_287, %dma_start3A_288] : memref<10000x128xf32, #tpu.memory_space<hbm>> -> memref<10000x128xf32, #tpu.memory_space<hbm>>
        tpu.enqueue_indirect_dma source(%dma_start3A_289 : memref<10000x128xf32, #tpu.memory_space<hbm>>) target(%arg11 : memref<80x128xf32, #tpu.memory_space<vmem>>) offsets(%dma_start3A_286 : memref<80xi32, #tpu.memory_space<vmem>>) semaphore(%arg19 : memref<!tpu.dma_semaphore, #tpu.memory_space<semaphore_mem>>)
        %dma_start3A_290 = arith.constant 0 : i32
        %dma_start3A_291 = tpu.memref_slice %arg9[%add3A_220, %dma_start3A_290] : memref<125x80xi32, #tpu.memory_space<vmem>> -> memref<1x80xi32, #tpu.memory_space<vmem>>
        %dma_start3A_292 = tpu.memref_squeeze %dma_start3A_291 : memref<1x80xi32, #tpu.memory_space<vmem>> -> memref<80xi32, #tpu.memory_space<vmem>>
        %dma_start3A_293 = arith.constant 0 : i32
        %dma_start3A_294 = arith.constant 0 : i32
        %dma_start3A_295 = tpu.memref_slice %arg3[%dma_start3A_293, %dma_start3A_294] : memref<10000x128xf32, #tpu.memory_space<hbm>> -> memref<10000x128xf32, #tpu.memory_space<hbm>>
        tpu.enqueue_indirect_dma source(%dma_start3A_295 : memref<10000x128xf32, #tpu.memory_space<hbm>>) target(%arg15 : memref<80x128xf32, #tpu.memory_space<vmem>>) offsets(%dma_start3A_292 : memref<80xi32, #tpu.memory_space<vmem>>) semaphore(%arg19 : memref<!tpu.dma_semaphore, #tpu.memory_space<semaphore_mem>>)
      } else {
      }
      %mul3A_238 = arith.constant 4 : i32
      %mul3A_239 = arith.muli %scan3A_78, %mul3A_238 : i32
      %add3A_240 = arith.constant 4 : i32
      %add3A_241 = arith.addi %mul3A_239, %add3A_240 : i32
      %add3A_242 = arith.constant 2 : i32
      %add3A_243 = arith.addi %add3A_241, %add3A_242 : i32
      %dma_wait3A_244 = arith.constant 0 : i32
      %dma_wait3A_245 = arith.constant 0 : i32
      %dma_wait3A_246 = tpu.memref_slice %arg6[%dma_wait3A_244, %dma_wait3A_245] : memref<320000x128xf32, #tpu.memory_space<hbm>> -> memref<80x128xf32, #tpu.memory_space<hbm>>
      %dma_wait3A_247 = arith.constant 0 : i32
      %dma_wait3A_248 = arith.constant 0 : i32
      %dma_wait3A_249 = tpu.memref_slice %arg6[%dma_wait3A_247, %dma_wait3A_248] : memref<320000x128xf32, #tpu.memory_space<hbm>> -> memref<80x128xf32, #tpu.memory_space<hbm>>
      tpu.wait_dma2 semaphore(%arg24 : memref<!tpu.dma_semaphore, #tpu.memory_space<semaphore_mem>>) src(%arg12 : memref<80x128xf32, #tpu.memory_space<vmem>>) dst(%dma_wait3A_249 : memref<80x128xf32, #tpu.memory_space<hbm>>)
      %dma_wait3A_250 = arith.constant 0 : i32
      %dma_wait3A_251 = arith.constant 0 : i32
      %dma_wait3A_252 = tpu.memref_slice %arg7[%dma_wait3A_250, %dma_wait3A_251] : memref<320000x128xf32, #tpu.memory_space<hbm>> -> memref<80x128xf32, #tpu.memory_space<hbm>>
      %dma_wait3A_253 = arith.constant 0 : i32
      %dma_wait3A_254 = arith.constant 0 : i32
      %dma_wait3A_255 = tpu.memref_slice %arg7[%dma_wait3A_253, %dma_wait3A_254] : memref<320000x128xf32, #tpu.memory_space<hbm>> -> memref<80x128xf32, #tpu.memory_space<hbm>>
      tpu.wait_dma2 semaphore(%arg24 : memref<!tpu.dma_semaphore, #tpu.memory_space<semaphore_mem>>) src(%arg16 : memref<80x128xf32, #tpu.memory_space<vmem>>) dst(%dma_wait3A_255 : memref<80x128xf32, #tpu.memory_space<hbm>>)
      %le3A_256 = arith.constant 124 : i32
      %le3A_257 = arith.cmpi sle, %add3A_243, %le3A_256 : i32
      %convert_element_type3A_258 = arith.extui %le3A_257 : i1 to i32
      %cond3A_259 = arith.constant 0 : i32
      %cond3A_260 = arith.cmpi ne, %convert_element_type3A_258, %cond3A_259 : i32
      scf.if %cond3A_260 {
        %dma_start3A_284 = arith.constant 0 : i32
        %dma_start3A_285 = tpu.memref_slice %arg8[%add3A_243, %dma_start3A_284] : memref<125x80xi32, #tpu.memory_space<vmem>> -> memref<1x80xi32, #tpu.memory_space<vmem>>
        %dma_start3A_286 = tpu.memref_squeeze %dma_start3A_285 : memref<1x80xi32, #tpu.memory_space<vmem>> -> memref<80xi32, #tpu.memory_space<vmem>>
        %dma_start3A_287 = arith.constant 0 : i32
        %dma_start3A_288 = arith.constant 0 : i32
        %dma_start3A_289 = tpu.memref_slice %arg2[%dma_start3A_287, %dma_start3A_288] : memref<10000x128xf32, #tpu.memory_space<hbm>> -> memref<10000x128xf32, #tpu.memory_space<hbm>>
        tpu.enqueue_indirect_dma source(%dma_start3A_289 : memref<10000x128xf32, #tpu.memory_space<hbm>>) target(%arg12 : memref<80x128xf32, #tpu.memory_space<vmem>>) offsets(%dma_start3A_286 : memref<80xi32, #tpu.memory_space<vmem>>) semaphore(%arg20 : memref<!tpu.dma_semaphore, #tpu.memory_space<semaphore_mem>>)
        %dma_start3A_290 = arith.constant 0 : i32
        %dma_start3A_291 = tpu.memref_slice %arg9[%add3A_243, %dma_start3A_290] : memref<125x80xi32, #tpu.memory_space<vmem>> -> memref<1x80xi32, #tpu.memory_space<vmem>>
        %dma_start3A_292 = tpu.memref_squeeze %dma_start3A_291 : memref<1x80xi32, #tpu.memory_space<vmem>> -> memref<80xi32, #tpu.memory_space<vmem>>
        %dma_start3A_293 = arith.constant 0 : i32
        %dma_start3A_294 = arith.constant 0 : i32
        %dma_start3A_295 = tpu.memref_slice %arg3[%dma_start3A_293, %dma_start3A_294] : memref<10000x128xf32, #tpu.memory_space<hbm>> -> memref<10000x128xf32, #tpu.memory_space<hbm>>
        tpu.enqueue_indirect_dma source(%dma_start3A_295 : memref<10000x128xf32, #tpu.memory_space<hbm>>) target(%arg16 : memref<80x128xf32, #tpu.memory_space<vmem>>) offsets(%dma_start3A_292 : memref<80xi32, #tpu.memory_space<vmem>>) semaphore(%arg20 : memref<!tpu.dma_semaphore, #tpu.memory_space<semaphore_mem>>)
      } else {
      }
      %mul3A_261 = arith.constant 4 : i32
      %mul3A_262 = arith.muli %scan3A_78, %mul3A_261 : i32
      %add3A_263 = arith.constant 4 : i32
      %add3A_264 = arith.addi %mul3A_262, %add3A_263 : i32
      %add3A_265 = arith.constant 3 : i32
      %add3A_266 = arith.addi %add3A_264, %add3A_265 : i32
      %dma_wait3A_267 = arith.constant 0 : i32
      %dma_wait3A_268 = arith.constant 0 : i32
      %dma_wait3A_269 = tpu.memref_slice %arg6[%dma_wait3A_267, %dma_wait3A_268] : memref<320000x128xf32, #tpu.memory_space<hbm>> -> memref<80x128xf32, #tpu.memory_space<hbm>>
      %dma_wait3A_270 = arith.constant 0 : i32
      %dma_wait3A_271 = arith.constant 0 : i32
      %dma_wait3A_272 = tpu.memref_slice %arg6[%dma_wait3A_270, %dma_wait3A_271] : memref<320000x128xf32, #tpu.memory_space<hbm>> -> memref<80x128xf32, #tpu.memory_space<hbm>>
      tpu.wait_dma2 semaphore(%arg25 : memref<!tpu.dma_semaphore, #tpu.memory_space<semaphore_mem>>) src(%arg13 : memref<80x128xf32, #tpu.memory_space<vmem>>) dst(%dma_wait3A_272 : memref<80x128xf32, #tpu.memory_space<hbm>>)
      %dma_wait3A_273 = arith.constant 0 : i32
      %dma_wait3A_274 = arith.constant 0 : i32
      %dma_wait3A_275 = tpu.memref_slice %arg7[%dma_wait3A_273, %dma_wait3A_274] : memref<320000x128xf32, #tpu.memory_space<hbm>> -> memref<80x128xf32, #tpu.memory_space<hbm>>
      %dma_wait3A_276 = arith.constant 0 : i32
      %dma_wait3A_277 = arith.constant 0 : i32
      %dma_wait3A_278 = tpu.memref_slice %arg7[%dma_wait3A_276, %dma_wait3A_277] : memref<320000x128xf32, #tpu.memory_space<hbm>> -> memref<80x128xf32, #tpu.memory_space<hbm>>
      tpu.wait_dma2 semaphore(%arg25 : memref<!tpu.dma_semaphore, #tpu.memory_space<semaphore_mem>>) src(%arg17 : memref<80x128xf32, #tpu.memory_space<vmem>>) dst(%dma_wait3A_278 : memref<80x128xf32, #tpu.memory_space<hbm>>)
      %le3A_279 = arith.constant 124 : i32
      %le3A_280 = arith.cmpi sle, %add3A_266, %le3A_279 : i32
      %convert_element_type3A_281 = arith.extui %le3A_280 : i1 to i32
      %cond3A_282 = arith.constant 0 : i32
      %cond3A_283 = arith.cmpi ne, %convert_element_type3A_281, %cond3A_282 : i32
      scf.if %cond3A_283 {
        %dma_start3A_284 = arith.constant 0 : i32
        %dma_start3A_285 = tpu.memref_slice %arg8[%add3A_266, %dma_start3A_284] : memref<125x80xi32, #tpu.memory_space<vmem>> -> memref<1x80xi32, #tpu.memory_space<vmem>>
        %dma_start3A_286 = tpu.memref_squeeze %dma_start3A_285 : memref<1x80xi32, #tpu.memory_space<vmem>> -> memref<80xi32, #tpu.memory_space<vmem>>
        %dma_start3A_287 = arith.constant 0 : i32
        %dma_start3A_288 = arith.constant 0 : i32
        %dma_start3A_289 = tpu.memref_slice %arg2[%dma_start3A_287, %dma_start3A_288] : memref<10000x128xf32, #tpu.memory_space<hbm>> -> memref<10000x128xf32, #tpu.memory_space<hbm>>
        tpu.enqueue_indirect_dma source(%dma_start3A_289 : memref<10000x128xf32, #tpu.memory_space<hbm>>) target(%arg13 : memref<80x128xf32, #tpu.memory_space<vmem>>) offsets(%dma_start3A_286 : memref<80xi32, #tpu.memory_space<vmem>>) semaphore(%arg21 : memref<!tpu.dma_semaphore, #tpu.memory_space<semaphore_mem>>)
        %dma_start3A_290 = arith.constant 0 : i32
        %dma_start3A_291 = tpu.memref_slice %arg9[%add3A_266, %dma_start3A_290] : memref<125x80xi32, #tpu.memory_space<vmem>> -> memref<1x80xi32, #tpu.memory_space<vmem>>
        %dma_start3A_292 = tpu.memref_squeeze %dma_start3A_291 : memref<1x80xi32, #tpu.memory_space<vmem>> -> memref<80xi32, #tpu.memory_space<vmem>>
        %dma_start3A_293 = arith.constant 0 : i32
        %dma_start3A_294 = arith.constant 0 : i32
        %dma_start3A_295 = tpu.memref_slice %arg3[%dma_start3A_293, %dma_start3A_294] : memref<10000x128xf32, #tpu.memory_space<hbm>> -> memref<10000x128xf32, #tpu.memory_space<hbm>>
        tpu.enqueue_indirect_dma source(%dma_start3A_295 : memref<10000x128xf32, #tpu.memory_space<hbm>>) target(%arg17 : memref<80x128xf32, #tpu.memory_space<vmem>>) offsets(%dma_start3A_292 : memref<80xi32, #tpu.memory_space<vmem>>) semaphore(%arg21 : memref<!tpu.dma_semaphore, #tpu.memory_space<semaphore_mem>>)
      } else {
      }
    }
    %scan3A_62 = arith.constant 31 : i32
    %dma_wait3A = arith.constant 0 : i32
    %dma_wait3A_63 = arith.constant 0 : i32
    %dma_wait3A_64 = tpu.memref_slice %arg8[%dma_wait3A, %dma_wait3A_63] : memref<125x80xi32, #tpu.memory_space<vmem>> -> memref<1x80xi32, #tpu.memory_space<vmem>>
    %dma_wait3A_65 = tpu.memref_squeeze %dma_wait3A_64 : memref<1x80xi32, #tpu.memory_space<vmem>> -> memref<80xi32, #tpu.memory_space<vmem>>
    %dma_wait3A_66 = arith.constant 0 : i32
    %dma_wait3A_67 = arith.constant 0 : i32
    %dma_wait3A_68 = tpu.memref_slice %arg2[%dma_wait3A_66, %dma_wait3A_67] : memref<10000x128xf32, #tpu.memory_space<hbm>> -> memref<10000x128xf32, #tpu.memory_space<hbm>>
    tpu.wait_indirect_dma semaphore(%arg18 : memref<!tpu.dma_semaphore, #tpu.memory_space<semaphore_mem>>) src(%dma_wait3A_68 : memref<10000x128xf32, #tpu.memory_space<hbm>>) dst(%arg10 : memref<80x128xf32, #tpu.memory_space<vmem>>)
    %dma_wait3A_69 = arith.constant 0 : i32
    %dma_wait3A_70 = arith.constant 0 : i32
    %dma_wait3A_71 = tpu.memref_slice %arg9[%dma_wait3A_69, %dma_wait3A_70] : memref<125x80xi32, #tpu.memory_space<vmem>> -> memref<1x80xi32, #tpu.memory_space<vmem>>
    %dma_wait3A_72 = tpu.memref_squeeze %dma_wait3A_71 : memref<1x80xi32, #tpu.memory_space<vmem>> -> memref<80xi32, #tpu.memory_space<vmem>>
    %dma_wait3A_73 = arith.constant 0 : i32
    %dma_wait3A_74 = arith.constant 0 : i32
    %dma_wait3A_75 = tpu.memref_slice %arg3[%dma_wait3A_73, %dma_wait3A_74] : memref<10000x128xf32, #tpu.memory_space<hbm>> -> memref<10000x128xf32, #tpu.memory_space<hbm>>
    tpu.wait_indirect_dma semaphore(%arg18 : memref<!tpu.dma_semaphore, #tpu.memory_space<semaphore_mem>>) src(%dma_wait3A_75 : memref<10000x128xf32, #tpu.memory_space<hbm>>) dst(%arg14 : memref<80x128xf32, #tpu.memory_space<vmem>>)
    %add3A_76 = arith.constant 9920 : i32
    %add3A_77 = arith.addi %mul3A_2, %add3A_76 : i32
    "tpu.region"() ({
      %run_scoped3A = tpu.sem_alloc : memref<!tpu.dma_semaphore, #tpu.memory_space<semaphore_mem>>
      %dma_start3A_78 = arith.constant 0 : i32
      %dma_start3A_79 = tpu.memref_slice %arg6[%add3A_77, %dma_start3A_78] : memref<320000x128xf32, #tpu.memory_space<hbm>> -> memref<80x128xf32, #tpu.memory_space<hbm>>
      %dma_start3A_80 = arith.constant 0 : i32
      %dma_start3A_81 = tpu.memref_slice %arg6[%add3A_77, %dma_start3A_80] : memref<320000x128xf32, #tpu.memory_space<hbm>> -> memref<80x128xf32, #tpu.memory_space<hbm>>
      tpu.enqueue_dma source(%arg10 : memref<80x128xf32, #tpu.memory_space<vmem>>) target(%dma_start3A_81 : memref<80x128xf32, #tpu.memory_space<hbm>>) target_semaphore(%run_scoped3A : memref<!tpu.dma_semaphore, #tpu.memory_space<semaphore_mem>>)
      %dma_wait3A_82 = arith.constant 0 : i32
      %dma_wait3A_83 = tpu.memref_slice %arg6[%add3A_77, %dma_wait3A_82] : memref<320000x128xf32, #tpu.memory_space<hbm>> -> memref<80x128xf32, #tpu.memory_space<hbm>>
      %dma_wait3A_84 = arith.constant 0 : i32
      %dma_wait3A_85 = tpu.memref_slice %arg6[%add3A_77, %dma_wait3A_84] : memref<320000x128xf32, #tpu.memory_space<hbm>> -> memref<80x128xf32, #tpu.memory_space<hbm>>
      tpu.wait_dma2 semaphore(%run_scoped3A : memref<!tpu.dma_semaphore, #tpu.memory_space<semaphore_mem>>) src(%arg10 : memref<80x128xf32, #tpu.memory_space<vmem>>) dst(%dma_wait3A_85 : memref<80x128xf32, #tpu.memory_space<hbm>>)
      tpu.yield
    }) : () -> ()
    "tpu.region"() ({
      %run_scoped3A = tpu.sem_alloc : memref<!tpu.dma_semaphore, #tpu.memory_space<semaphore_mem>>
      %dma_start3A_78 = arith.constant 0 : i32
      %dma_start3A_79 = tpu.memref_slice %arg7[%add3A_77, %dma_start3A_78] : memref<320000x128xf32, #tpu.memory_space<hbm>> -> memref<80x128xf32, #tpu.memory_space<hbm>>
      %dma_start3A_80 = arith.constant 0 : i32
      %dma_start3A_81 = tpu.memref_slice %arg7[%add3A_77, %dma_start3A_80] : memref<320000x128xf32, #tpu.memory_space<hbm>> -> memref<80x128xf32, #tpu.memory_space<hbm>>
      tpu.enqueue_dma source(%arg14 : memref<80x128xf32, #tpu.memory_space<vmem>>) target(%dma_start3A_81 : memref<80x128xf32, #tpu.memory_space<hbm>>) target_semaphore(%run_scoped3A : memref<!tpu.dma_semaphore, #tpu.memory_space<semaphore_mem>>)
      %dma_wait3A_82 = arith.constant 0 : i32
      %dma_wait3A_83 = tpu.memref_slice %arg7[%add3A_77, %dma_wait3A_82] : memref<320000x128xf32, #tpu.memory_space<hbm>> -> memref<80x128xf32, #tpu.memory_space<hbm>>
      %dma_wait3A_84 = arith.constant 0 : i32
      %dma_wait3A_85 = tpu.memref_slice %arg7[%add3A_77, %dma_wait3A_84] : memref<320000x128xf32, #tpu.memory_space<hbm>> -> memref<80x128xf32, #tpu.memory_space<hbm>>
      tpu.wait_dma2 semaphore(%run_scoped3A : memref<!tpu.dma_semaphore, #tpu.memory_space<semaphore_mem>>) src(%arg14 : memref<80x128xf32, #tpu.memory_space<vmem>>) dst(%dma_wait3A_85 : memref<80x128xf32, #tpu.memory_space<hbm>>)
      tpu.yield
    }) : () -> ()
    return
  }
}

#map = affine_map<(d0, d1) -> (0, 0)>
#map1 = affine_map<(d0, d1) -> (0, 0, 0)>
module attributes {stable_mosaic.version = 14 : i64} {
  func.func @_scatter_dst(%arg0: i32, %arg1: i32, %arg2: memref<320000x128xf32, #tpu.memory_space<hbm>>, %arg3: memref<32x125x80xi32, #tpu.memory_space<hbm>>, %arg4: memref<10000x128xf32, #tpu.memory_space<hbm>>, %arg5: memref<20000x128xf32, #tpu.memory_space<hbm>>, %arg6: memref<125x80xi32, #tpu.memory_space<vmem>>, %arg7: memref<80x128xf32, #tpu.memory_space<vmem>>, %arg8: memref<80x128xf32, #tpu.memory_space<vmem>>, %arg9: memref<10000x128xf32, #tpu.memory_space<vmem_shared>>, %arg10: memref<!tpu.dma_semaphore, #tpu.memory_space<semaphore_mem>>, %arg11: memref<!tpu.dma_semaphore, #tpu.memory_space<semaphore_mem>>) attributes {dimension_semantics = [#tpu.dimension_semantics<core_parallel>, #tpu.dimension_semantics<subcore_parallel>], iteration_bounds = array<i64: 2, 16>, scalar_prefetch = 0 : i64, scratch_operands = 6 : i64, tpu.core_type = #tpu.core_type<sc_vector_subcore>, window_params = [{transform_indices = #map}, {transform_indices = #map1}, {transform_indices = #map}, {transform_indices = #map}]} {
    %mul3A = arith.constant 2 : i32
    %mul3A_0 = arith.muli %arg1, %mul3A : i32
    %add3A = arith.addi %mul3A_0, %arg0 : i32
    %mul3A_1 = arith.constant 10000 : i32
    %mul3A_2 = arith.muli %add3A, %mul3A_1 : i32
    %eq3A = arith.constant 0 : i32
    %eq3A_3 = arith.cmpi eq, %arg1, %eq3A : i32
    %convert_element_type3A = arith.extui %eq3A_3 : i1 to i32
    %cond3A = arith.constant 0 : i32
    %cond3A_4 = arith.cmpi ne, %convert_element_type3A, %cond3A : i32
    scf.if %cond3A_4 {
      "tpu.region"() ({
        %run_scoped3A_36 = tpu.sem_alloc : memref<!tpu.dma_semaphore, #tpu.memory_space<semaphore_mem>>
        tpu.enqueue_dma source(%arg4 : memref<10000x128xf32, #tpu.memory_space<hbm>>) target(%arg9 : memref<10000x128xf32, #tpu.memory_space<vmem_shared>>) target_semaphore(%run_scoped3A_36 : memref<!tpu.dma_semaphore, #tpu.memory_space<semaphore_mem>>)
        tpu.wait_dma2 semaphore(%run_scoped3A_36 : memref<!tpu.dma_semaphore, #tpu.memory_space<semaphore_mem>>) src(%arg4 : memref<10000x128xf32, #tpu.memory_space<hbm>>) dst(%arg9 : memref<10000x128xf32, #tpu.memory_space<vmem_shared>>)
        tpu.yield
      }) : () -> ()
    } else {
    }
    "tpu.region"() ({
      %run_scoped3A_36 = tpu.sem_alloc : memref<!tpu.dma_semaphore, #tpu.memory_space<semaphore_mem>>
      %dma_start3A_37 = arith.constant 0 : i32
      %dma_start3A_38 = arith.constant 0 : i32
      %dma_start3A_39 = tpu.memref_slice %arg3[%add3A, %dma_start3A_37, %dma_start3A_38] : memref<32x125x80xi32, #tpu.memory_space<hbm>> -> memref<1x125x80xi32, #tpu.memory_space<hbm>>
      %dma_start3A_40 = tpu.memref_squeeze %dma_start3A_39 : memref<1x125x80xi32, #tpu.memory_space<hbm>> -> memref<125x80xi32, #tpu.memory_space<hbm>>
      %dma_start3A_41 = arith.constant 0 : i32
      %dma_start3A_42 = arith.constant 0 : i32
      %dma_start3A_43 = tpu.memref_slice %arg3[%add3A, %dma_start3A_41, %dma_start3A_42] : memref<32x125x80xi32, #tpu.memory_space<hbm>> -> memref<1x125x80xi32, #tpu.memory_space<hbm>>
      %dma_start3A_44 = tpu.memref_squeeze %dma_start3A_43 : memref<1x125x80xi32, #tpu.memory_space<hbm>> -> memref<125x80xi32, #tpu.memory_space<hbm>>
      tpu.enqueue_dma source(%dma_start3A_44 : memref<125x80xi32, #tpu.memory_space<hbm>>) target(%arg6 : memref<125x80xi32, #tpu.memory_space<vmem>>) target_semaphore(%run_scoped3A_36 : memref<!tpu.dma_semaphore, #tpu.memory_space<semaphore_mem>>)
      %dma_wait3A_45 = arith.constant 0 : i32
      %dma_wait3A_46 = arith.constant 0 : i32
      %dma_wait3A_47 = tpu.memref_slice %arg3[%add3A, %dma_wait3A_45, %dma_wait3A_46] : memref<32x125x80xi32, #tpu.memory_space<hbm>> -> memref<1x125x80xi32, #tpu.memory_space<hbm>>
      %dma_wait3A_48 = tpu.memref_squeeze %dma_wait3A_47 : memref<1x125x80xi32, #tpu.memory_space<hbm>> -> memref<125x80xi32, #tpu.memory_space<hbm>>
      %dma_wait3A_49 = arith.constant 0 : i32
      %dma_wait3A_50 = arith.constant 0 : i32
      %dma_wait3A_51 = tpu.memref_slice %arg3[%add3A, %dma_wait3A_49, %dma_wait3A_50] : memref<32x125x80xi32, #tpu.memory_space<hbm>> -> memref<1x125x80xi32, #tpu.memory_space<hbm>>
      %dma_wait3A_52 = tpu.memref_squeeze %dma_wait3A_51 : memref<1x125x80xi32, #tpu.memory_space<hbm>> -> memref<125x80xi32, #tpu.memory_space<hbm>>
      tpu.wait_dma2 semaphore(%run_scoped3A_36 : memref<!tpu.dma_semaphore, #tpu.memory_space<semaphore_mem>>) src(%dma_wait3A_52 : memref<125x80xi32, #tpu.memory_space<hbm>>) dst(%arg6 : memref<125x80xi32, #tpu.memory_space<vmem>>)
      tpu.yield
    }) : () -> ()
    %barrier3A = arith.constant 0 : index
    tpu.barrier barrier_id(%barrier3A)
    %add3A_5 = arith.constant 0 : i32
    %add3A_6 = arith.addi %mul3A_2, %add3A_5 : i32
    %dma_start3A = arith.constant 0 : i32
    %dma_start3A_7 = tpu.memref_slice %arg2[%add3A_6, %dma_start3A] : memref<320000x128xf32, #tpu.memory_space<hbm>> -> memref<80x128xf32, #tpu.memory_space<hbm>>
    %dma_start3A_8 = arith.constant 0 : i32
    %dma_start3A_9 = tpu.memref_slice %arg2[%add3A_6, %dma_start3A_8] : memref<320000x128xf32, #tpu.memory_space<hbm>> -> memref<80x128xf32, #tpu.memory_space<hbm>>
    tpu.enqueue_dma source(%dma_start3A_9 : memref<80x128xf32, #tpu.memory_space<hbm>>) target(%arg7 : memref<80x128xf32, #tpu.memory_space<vmem>>) target_semaphore(%arg10 : memref<!tpu.dma_semaphore, #tpu.memory_space<semaphore_mem>>)
    %add3A_10 = arith.constant 80 : i32
    %add3A_11 = arith.addi %mul3A_2, %add3A_10 : i32
    %dma_start3A_12 = arith.constant 0 : i32
    %dma_start3A_13 = tpu.memref_slice %arg2[%add3A_11, %dma_start3A_12] : memref<320000x128xf32, #tpu.memory_space<hbm>> -> memref<80x128xf32, #tpu.memory_space<hbm>>
    %dma_start3A_14 = arith.constant 0 : i32
    %dma_start3A_15 = tpu.memref_slice %arg2[%add3A_11, %dma_start3A_14] : memref<320000x128xf32, #tpu.memory_space<hbm>> -> memref<80x128xf32, #tpu.memory_space<hbm>>
    tpu.enqueue_dma source(%dma_start3A_15 : memref<80x128xf32, #tpu.memory_space<hbm>>) target(%arg8 : memref<80x128xf32, #tpu.memory_space<vmem>>) target_semaphore(%arg11 : memref<!tpu.dma_semaphore, #tpu.memory_space<semaphore_mem>>)
    %scan3A = arith.constant 0 : i32
    %scan3A_16 = arith.constant 0 : i32
    %scan3A_17 = arith.constant 62 : i32
    %scan3A_18 = arith.addi %scan3A_16, %scan3A_17 : i32
    %scan3A_19 = arith.constant 1 : i32
    scf.for %scan3A_36 = %scan3A_16 to %scan3A_18 step %scan3A_19  : i32 {
      %mul3A_37 = arith.constant 2 : i32
      %mul3A_38 = arith.muli %scan3A_36, %mul3A_37 : i32
      %add3A_39 = arith.constant 0 : i32
      %add3A_40 = arith.addi %mul3A_38, %add3A_39 : i32
      %dma_wait3A_41 = arith.constant 0 : i32
      %dma_wait3A_42 = arith.constant 0 : i32
      %dma_wait3A_43 = tpu.memref_slice %arg2[%dma_wait3A_41, %dma_wait3A_42] : memref<320000x128xf32, #tpu.memory_space<hbm>> -> memref<80x128xf32, #tpu.memory_space<hbm>>
      %dma_wait3A_44 = arith.constant 0 : i32
      %dma_wait3A_45 = arith.constant 0 : i32
      %dma_wait3A_46 = tpu.memref_slice %arg2[%dma_wait3A_44, %dma_wait3A_45] : memref<320000x128xf32, #tpu.memory_space<hbm>> -> memref<80x128xf32, #tpu.memory_space<hbm>>
      tpu.wait_dma2 semaphore(%arg10 : memref<!tpu.dma_semaphore, #tpu.memory_space<semaphore_mem>>) src(%dma_wait3A_46 : memref<80x128xf32, #tpu.memory_space<hbm>>) dst(%arg7 : memref<80x128xf32, #tpu.memory_space<vmem>>)
      "tpu.region"() ({
        %run_scoped3A_70 = tpu.sem_alloc : memref<!tpu.dma_semaphore, #tpu.memory_space<semaphore_mem>>
        %dma_start3A_71 = arith.constant 0 : i32
        %dma_start3A_72 = tpu.memref_slice %arg6[%add3A_40, %dma_start3A_71] : memref<125x80xi32, #tpu.memory_space<vmem>> -> memref<1x80xi32, #tpu.memory_space<vmem>>
        %dma_start3A_73 = tpu.memref_squeeze %dma_start3A_72 : memref<1x80xi32, #tpu.memory_space<vmem>> -> memref<80xi32, #tpu.memory_space<vmem>>
        %dma_start3A_74 = arith.constant 0 : i32
        %dma_start3A_75 = arith.constant 0 : i32
        %dma_start3A_76 = tpu.memref_slice %arg9[%dma_start3A_74, %dma_start3A_75] : memref<10000x128xf32, #tpu.memory_space<vmem_shared>> -> memref<10000x128xf32, #tpu.memory_space<vmem_shared>>
        tpu.enqueue_indirect_dma source(%arg7 : memref<80x128xf32, #tpu.memory_space<vmem>>) target(%dma_start3A_76 : memref<10000x128xf32, #tpu.memory_space<vmem_shared>>) offsets(%dma_start3A_73 : memref<80xi32, #tpu.memory_space<vmem>>) semaphore(%run_scoped3A_70 : memref<!tpu.dma_semaphore, #tpu.memory_space<semaphore_mem>>) {add = true}
        %dma_wait3A_77 = arith.constant 0 : i32
        %dma_wait3A_78 = tpu.memref_slice %arg6[%add3A_40, %dma_wait3A_77] : memref<125x80xi32, #tpu.memory_space<vmem>> -> memref<1x80xi32, #tpu.memory_space<vmem>>
        %dma_wait3A_79 = tpu.memref_squeeze %dma_wait3A_78 : memref<1x80xi32, #tpu.memory_space<vmem>> -> memref<80xi32, #tpu.memory_space<vmem>>
        %dma_wait3A_80 = arith.constant 0 : i32
        %dma_wait3A_81 = arith.constant 0 : i32
        %dma_wait3A_82 = tpu.memref_slice %arg9[%dma_wait3A_80, %dma_wait3A_81] : memref<10000x128xf32, #tpu.memory_space<vmem_shared>> -> memref<10000x128xf32, #tpu.memory_space<vmem_shared>>
        tpu.wait_indirect_dma semaphore(%run_scoped3A_70 : memref<!tpu.dma_semaphore, #tpu.memory_space<semaphore_mem>>) src(%arg7 : memref<80x128xf32, #tpu.memory_space<vmem>>) dst(%dma_wait3A_82 : memref<10000x128xf32, #tpu.memory_space<vmem_shared>>)
        tpu.yield
      }) : () -> ()
      %add3A_47 = arith.constant 2 : i32
      %add3A_48 = arith.addi %add3A_40, %add3A_47 : i32
      %le3A = arith.constant 124 : i32
      %le3A_49 = arith.cmpi sle, %add3A_48, %le3A : i32
      %convert_element_type3A_50 = arith.extui %le3A_49 : i1 to i32
      %cond3A_51 = arith.constant 0 : i32
      %cond3A_52 = arith.cmpi ne, %convert_element_type3A_50, %cond3A_51 : i32
      scf.if %cond3A_52 {
        %mul3A_70 = arith.constant 80 : i32
        %mul3A_71 = arith.muli %add3A_48, %mul3A_70 : i32
        %add3A_72 = arith.addi %mul3A_2, %mul3A_71 : i32
        %dma_start3A_73 = arith.constant 0 : i32
        %dma_start3A_74 = tpu.memref_slice %arg2[%add3A_72, %dma_start3A_73] : memref<320000x128xf32, #tpu.memory_space<hbm>> -> memref<80x128xf32, #tpu.memory_space<hbm>>
        %dma_start3A_75 = arith.constant 0 : i32
        %dma_start3A_76 = tpu.memref_slice %arg2[%add3A_72, %dma_start3A_75] : memref<320000x128xf32, #tpu.memory_space<hbm>> -> memref<80x128xf32, #tpu.memory_space<hbm>>
        tpu.enqueue_dma source(%dma_start3A_76 : memref<80x128xf32, #tpu.memory_space<hbm>>) target(%arg7 : memref<80x128xf32, #tpu.memory_space<vmem>>) target_semaphore(%arg10 : memref<!tpu.dma_semaphore, #tpu.memory_space<semaphore_mem>>)
      } else {
      }
      %mul3A_53 = arith.constant 2 : i32
      %mul3A_54 = arith.muli %scan3A_36, %mul3A_53 : i32
      %add3A_55 = arith.constant 1 : i32
      %add3A_56 = arith.addi %mul3A_54, %add3A_55 : i32
      %dma_wait3A_57 = arith.constant 0 : i32
      %dma_wait3A_58 = arith.constant 0 : i32
      %dma_wait3A_59 = tpu.memref_slice %arg2[%dma_wait3A_57, %dma_wait3A_58] : memref<320000x128xf32, #tpu.memory_space<hbm>> -> memref<80x128xf32, #tpu.memory_space<hbm>>
      %dma_wait3A_60 = arith.constant 0 : i32
      %dma_wait3A_61 = arith.constant 0 : i32
      %dma_wait3A_62 = tpu.memref_slice %arg2[%dma_wait3A_60, %dma_wait3A_61] : memref<320000x128xf32, #tpu.memory_space<hbm>> -> memref<80x128xf32, #tpu.memory_space<hbm>>
      tpu.wait_dma2 semaphore(%arg11 : memref<!tpu.dma_semaphore, #tpu.memory_space<semaphore_mem>>) src(%dma_wait3A_62 : memref<80x128xf32, #tpu.memory_space<hbm>>) dst(%arg8 : memref<80x128xf32, #tpu.memory_space<vmem>>)
      "tpu.region"() ({
        %run_scoped3A_70 = tpu.sem_alloc : memref<!tpu.dma_semaphore, #tpu.memory_space<semaphore_mem>>
        %dma_start3A_71 = arith.constant 0 : i32
        %dma_start3A_72 = tpu.memref_slice %arg6[%add3A_56, %dma_start3A_71] : memref<125x80xi32, #tpu.memory_space<vmem>> -> memref<1x80xi32, #tpu.memory_space<vmem>>
        %dma_start3A_73 = tpu.memref_squeeze %dma_start3A_72 : memref<1x80xi32, #tpu.memory_space<vmem>> -> memref<80xi32, #tpu.memory_space<vmem>>
        %dma_start3A_74 = arith.constant 0 : i32
        %dma_start3A_75 = arith.constant 0 : i32
        %dma_start3A_76 = tpu.memref_slice %arg9[%dma_start3A_74, %dma_start3A_75] : memref<10000x128xf32, #tpu.memory_space<vmem_shared>> -> memref<10000x128xf32, #tpu.memory_space<vmem_shared>>
        tpu.enqueue_indirect_dma source(%arg8 : memref<80x128xf32, #tpu.memory_space<vmem>>) target(%dma_start3A_76 : memref<10000x128xf32, #tpu.memory_space<vmem_shared>>) offsets(%dma_start3A_73 : memref<80xi32, #tpu.memory_space<vmem>>) semaphore(%run_scoped3A_70 : memref<!tpu.dma_semaphore, #tpu.memory_space<semaphore_mem>>) {add = true}
        %dma_wait3A_77 = arith.constant 0 : i32
        %dma_wait3A_78 = tpu.memref_slice %arg6[%add3A_56, %dma_wait3A_77] : memref<125x80xi32, #tpu.memory_space<vmem>> -> memref<1x80xi32, #tpu.memory_space<vmem>>
        %dma_wait3A_79 = tpu.memref_squeeze %dma_wait3A_78 : memref<1x80xi32, #tpu.memory_space<vmem>> -> memref<80xi32, #tpu.memory_space<vmem>>
        %dma_wait3A_80 = arith.constant 0 : i32
        %dma_wait3A_81 = arith.constant 0 : i32
        %dma_wait3A_82 = tpu.memref_slice %arg9[%dma_wait3A_80, %dma_wait3A_81] : memref<10000x128xf32, #tpu.memory_space<vmem_shared>> -> memref<10000x128xf32, #tpu.memory_space<vmem_shared>>
        tpu.wait_indirect_dma semaphore(%run_scoped3A_70 : memref<!tpu.dma_semaphore, #tpu.memory_space<semaphore_mem>>) src(%arg8 : memref<80x128xf32, #tpu.memory_space<vmem>>) dst(%dma_wait3A_82 : memref<10000x128xf32, #tpu.memory_space<vmem_shared>>)
        tpu.yield
      }) : () -> ()
      %add3A_63 = arith.constant 2 : i32
      %add3A_64 = arith.addi %add3A_56, %add3A_63 : i32
      %le3A_65 = arith.constant 124 : i32
      %le3A_66 = arith.cmpi sle, %add3A_64, %le3A_65 : i32
      %convert_element_type3A_67 = arith.extui %le3A_66 : i1 to i32
      %cond3A_68 = arith.constant 0 : i32
      %cond3A_69 = arith.cmpi ne, %convert_element_type3A_67, %cond3A_68 : i32
      scf.if %cond3A_69 {
        %mul3A_70 = arith.constant 80 : i32
        %mul3A_71 = arith.muli %add3A_64, %mul3A_70 : i32
        %add3A_72 = arith.addi %mul3A_2, %mul3A_71 : i32
        %dma_start3A_73 = arith.constant 0 : i32
        %dma_start3A_74 = tpu.memref_slice %arg2[%add3A_72, %dma_start3A_73] : memref<320000x128xf32, #tpu.memory_space<hbm>> -> memref<80x128xf32, #tpu.memory_space<hbm>>
        %dma_start3A_75 = arith.constant 0 : i32
        %dma_start3A_76 = tpu.memref_slice %arg2[%add3A_72, %dma_start3A_75] : memref<320000x128xf32, #tpu.memory_space<hbm>> -> memref<80x128xf32, #tpu.memory_space<hbm>>
        tpu.enqueue_dma source(%dma_start3A_76 : memref<80x128xf32, #tpu.memory_space<hbm>>) target(%arg8 : memref<80x128xf32, #tpu.memory_space<vmem>>) target_semaphore(%arg11 : memref<!tpu.dma_semaphore, #tpu.memory_space<semaphore_mem>>)
      } else {
      }
    }
    %scan3A_20 = arith.constant 62 : i32
    %dma_wait3A = arith.constant 0 : i32
    %dma_wait3A_21 = arith.constant 0 : i32
    %dma_wait3A_22 = tpu.memref_slice %arg2[%dma_wait3A, %dma_wait3A_21] : memref<320000x128xf32, #tpu.memory_space<hbm>> -> memref<80x128xf32, #tpu.memory_space<hbm>>
    %dma_wait3A_23 = arith.constant 0 : i32
    %dma_wait3A_24 = arith.constant 0 : i32
    %dma_wait3A_25 = tpu.memref_slice %arg2[%dma_wait3A_23, %dma_wait3A_24] : memref<320000x128xf32, #tpu.memory_space<hbm>> -> memref<80x128xf32, #tpu.memory_space<hbm>>
    tpu.wait_dma2 semaphore(%arg10 : memref<!tpu.dma_semaphore, #tpu.memory_space<semaphore_mem>>) src(%dma_wait3A_25 : memref<80x128xf32, #tpu.memory_space<hbm>>) dst(%arg7 : memref<80x128xf32, #tpu.memory_space<vmem>>)
    %run_scoped3A = arith.constant 124 : i32
    "tpu.region"() ({
      %run_scoped3A_36 = tpu.sem_alloc : memref<!tpu.dma_semaphore, #tpu.memory_space<semaphore_mem>>
      %dma_start3A_37 = arith.constant 0 : i32
      %dma_start3A_38 = tpu.memref_slice %arg6[%run_scoped3A, %dma_start3A_37] : memref<125x80xi32, #tpu.memory_space<vmem>> -> memref<1x80xi32, #tpu.memory_space<vmem>>
      %dma_start3A_39 = tpu.memref_squeeze %dma_start3A_38 : memref<1x80xi32, #tpu.memory_space<vmem>> -> memref<80xi32, #tpu.memory_space<vmem>>
      %dma_start3A_40 = arith.constant 0 : i32
      %dma_start3A_41 = arith.constant 0 : i32
      %dma_start3A_42 = tpu.memref_slice %arg9[%dma_start3A_40, %dma_start3A_41] : memref<10000x128xf32, #tpu.memory_space<vmem_shared>> -> memref<10000x128xf32, #tpu.memory_space<vmem_shared>>
      tpu.enqueue_indirect_dma source(%arg7 : memref<80x128xf32, #tpu.memory_space<vmem>>) target(%dma_start3A_42 : memref<10000x128xf32, #tpu.memory_space<vmem_shared>>) offsets(%dma_start3A_39 : memref<80xi32, #tpu.memory_space<vmem>>) semaphore(%run_scoped3A_36 : memref<!tpu.dma_semaphore, #tpu.memory_space<semaphore_mem>>) {add = true}
      %dma_wait3A_43 = arith.constant 0 : i32
      %dma_wait3A_44 = tpu.memref_slice %arg6[%run_scoped3A, %dma_wait3A_43] : memref<125x80xi32, #tpu.memory_space<vmem>> -> memref<1x80xi32, #tpu.memory_space<vmem>>
      %dma_wait3A_45 = tpu.memref_squeeze %dma_wait3A_44 : memref<1x80xi32, #tpu.memory_space<vmem>> -> memref<80xi32, #tpu.memory_space<vmem>>
      %dma_wait3A_46 = arith.constant 0 : i32
      %dma_wait3A_47 = arith.constant 0 : i32
      %dma_wait3A_48 = tpu.memref_slice %arg9[%dma_wait3A_46, %dma_wait3A_47] : memref<10000x128xf32, #tpu.memory_space<vmem_shared>> -> memref<10000x128xf32, #tpu.memory_space<vmem_shared>>
      tpu.wait_indirect_dma semaphore(%run_scoped3A_36 : memref<!tpu.dma_semaphore, #tpu.memory_space<semaphore_mem>>) src(%arg7 : memref<80x128xf32, #tpu.memory_space<vmem>>) dst(%dma_wait3A_48 : memref<10000x128xf32, #tpu.memory_space<vmem_shared>>)
      tpu.yield
    }) : () -> ()
    %barrier3A_26 = arith.constant 0 : index
    tpu.barrier barrier_id(%barrier3A_26)
    %lt3A = arith.constant 15 : i32
    %lt3A_27 = arith.cmpi slt, %arg1, %lt3A : i32
    %convert_element_type3A_28 = arith.extui %lt3A_27 : i1 to i32
    %cond3A_29 = arith.constant 0 : i32
    %cond3A_30 = arith.cmpi ne, %convert_element_type3A_28, %cond3A_29 : i32
    scf.if %cond3A_30 {
      %mul3A_36 = arith.constant 624 : i32
      %mul3A_37 = arith.muli %arg1, %mul3A_36 : i32
      %mul3A_38 = arith.constant 10000 : i32
      %mul3A_39 = arith.muli %arg0, %mul3A_38 : i32
      %mul3A_40 = arith.constant 624 : i32
      %mul3A_41 = arith.muli %arg1, %mul3A_40 : i32
      %add3A_42 = arith.addi %mul3A_39, %mul3A_41 : i32
      "tpu.region"() ({
        %run_scoped3A_43 = tpu.sem_alloc : memref<!tpu.dma_semaphore, #tpu.memory_space<semaphore_mem>>
        %dma_start3A_44 = arith.constant 0 : i32
        %dma_start3A_45 = tpu.memref_slice %arg5[%add3A_42, %dma_start3A_44] : memref<20000x128xf32, #tpu.memory_space<hbm>> -> memref<624x128xf32, #tpu.memory_space<hbm>>
        %dma_start3A_46 = arith.constant 0 : i32
        %dma_start3A_47 = tpu.memref_slice %arg9[%mul3A_37, %dma_start3A_46] : memref<10000x128xf32, #tpu.memory_space<vmem_shared>> -> memref<624x128xf32, #tpu.memory_space<vmem_shared>>
        tpu.enqueue_dma source(%dma_start3A_47 : memref<624x128xf32, #tpu.memory_space<vmem_shared>>) target(%dma_start3A_45 : memref<624x128xf32, #tpu.memory_space<hbm>>) target_semaphore(%run_scoped3A_43 : memref<!tpu.dma_semaphore, #tpu.memory_space<semaphore_mem>>)
        %dma_wait3A_48 = arith.constant 0 : i32
        %dma_wait3A_49 = tpu.memref_slice %arg5[%add3A_42, %dma_wait3A_48] : memref<20000x128xf32, #tpu.memory_space<hbm>> -> memref<624x128xf32, #tpu.memory_space<hbm>>
        %dma_wait3A_50 = arith.constant 0 : i32
        %dma_wait3A_51 = tpu.memref_slice %arg9[%mul3A_37, %dma_wait3A_50] : memref<10000x128xf32, #tpu.memory_space<vmem_shared>> -> memref<624x128xf32, #tpu.memory_space<vmem_shared>>
        tpu.wait_dma2 semaphore(%run_scoped3A_43 : memref<!tpu.dma_semaphore, #tpu.memory_space<semaphore_mem>>) src(%dma_wait3A_51 : memref<624x128xf32, #tpu.memory_space<vmem_shared>>) dst(%dma_wait3A_49 : memref<624x128xf32, #tpu.memory_space<hbm>>)
        tpu.yield
      }) : () -> ()
    } else {
    }
    %eq3A_31 = arith.constant 15 : i32
    %eq3A_32 = arith.cmpi eq, %arg1, %eq3A_31 : i32
    %convert_element_type3A_33 = arith.extui %eq3A_32 : i1 to i32
    %cond3A_34 = arith.constant 0 : i32
    %cond3A_35 = arith.cmpi ne, %convert_element_type3A_33, %cond3A_34 : i32
    scf.if %cond3A_35 {
      %mul3A_36 = arith.constant 10000 : i32
      %mul3A_37 = arith.muli %arg0, %mul3A_36 : i32
      %add3A_38 = arith.constant 9360 : i32
      %add3A_39 = arith.addi %mul3A_37, %add3A_38 : i32
      "tpu.region"() ({
        %run_scoped3A_40 = tpu.sem_alloc : memref<!tpu.dma_semaphore, #tpu.memory_space<semaphore_mem>>
        %dma_start3A_41 = arith.constant 0 : i32
        %dma_start3A_42 = tpu.memref_slice %arg5[%add3A_39, %dma_start3A_41] : memref<20000x128xf32, #tpu.memory_space<hbm>> -> memref<640x128xf32, #tpu.memory_space<hbm>>
        %dma_start3A_43 = arith.constant 9360 : i32
        %dma_start3A_44 = arith.constant 0 : i32
        %dma_start3A_45 = tpu.memref_slice %arg9[%dma_start3A_43, %dma_start3A_44] : memref<10000x128xf32, #tpu.memory_space<vmem_shared>> -> memref<640x128xf32, #tpu.memory_space<vmem_shared>>
        tpu.enqueue_dma source(%dma_start3A_45 : memref<640x128xf32, #tpu.memory_space<vmem_shared>>) target(%dma_start3A_42 : memref<640x128xf32, #tpu.memory_space<hbm>>) target_semaphore(%run_scoped3A_40 : memref<!tpu.dma_semaphore, #tpu.memory_space<semaphore_mem>>)
        %dma_wait3A_46 = arith.constant 0 : i32
        %dma_wait3A_47 = tpu.memref_slice %arg5[%add3A_39, %dma_wait3A_46] : memref<20000x128xf32, #tpu.memory_space<hbm>> -> memref<640x128xf32, #tpu.memory_space<hbm>>
        %dma_wait3A_48 = arith.constant 9360 : i32
        %dma_wait3A_49 = arith.constant 0 : i32
        %dma_wait3A_50 = tpu.memref_slice %arg9[%dma_wait3A_48, %dma_wait3A_49] : memref<10000x128xf32, #tpu.memory_space<vmem_shared>> -> memref<640x128xf32, #tpu.memory_space<vmem_shared>>
        tpu.wait_dma2 semaphore(%run_scoped3A_40 : memref<!tpu.dma_semaphore, #tpu.memory_space<semaphore_mem>>) src(%dma_wait3A_50 : memref<640x128xf32, #tpu.memory_space<vmem_shared>>) dst(%dma_wait3A_47 : memref<640x128xf32, #tpu.memory_space<hbm>>)
        tpu.yield
      }) : () -> ()
    } else {
    }
    return
  }
}

#map = affine_map<(d0, d1) -> (0, 0)>
#map1 = affine_map<(d0, d1) -> (0, 0, 0)>
module attributes {stable_mosaic.version = 14 : i64} {
  func.func @_gather_ab(%arg0: i32, %arg1: i32, %arg2: memref<10000x128xf32, #tpu.memory_space<hbm>>, %arg3: memref<10000x128xf32, #tpu.memory_space<hbm>>, %arg4: memref<32x125x80xi32, #tpu.memory_space<hbm>>, %arg5: memref<32x125x80xi32, #tpu.memory_space<hbm>>, %arg6: memref<320000x128xf32, #tpu.memory_space<hbm>>, %arg7: memref<320000x128xf32, #tpu.memory_space<hbm>>, %arg8: memref<125x80xi32, #tpu.memory_space<vmem>>, %arg9: memref<125x80xi32, #tpu.memory_space<vmem>>, %arg10: memref<80x128xf32, #tpu.memory_space<vmem>>, %arg11: memref<80x128xf32, #tpu.memory_space<vmem>>, %arg12: memref<80x128xf32, #tpu.memory_space<vmem>>, %arg13: memref<80x128xf32, #tpu.memory_space<vmem>>, %arg14: memref<80x128xf32, #tpu.memory_space<vmem>>, %arg15: memref<80x128xf32, #tpu.memory_space<vmem>>, %arg16: memref<80x128xf32, #tpu.memory_space<vmem>>, %arg17: memref<80x128xf32, #tpu.memory_space<vmem>>, %arg18: memref<!tpu.dma_semaphore, #tpu.memory_space<semaphore_mem>>, %arg19: memref<!tpu.dma_semaphore, #tpu.memory_space<semaphore_mem>>, %arg20: memref<!tpu.dma_semaphore, #tpu.memory_space<semaphore_mem>>, %arg21: memref<!tpu.dma_semaphore, #tpu.memory_space<semaphore_mem>>, %arg22: memref<!tpu.dma_semaphore, #tpu.memory_space<semaphore_mem>>, %arg23: memref<!tpu.dma_semaphore, #tpu.memory_space<semaphore_mem>>, %arg24: memref<!tpu.dma_semaphore, #tpu.memory_space<semaphore_mem>>, %arg25: memref<!tpu.dma_semaphore, #tpu.memory_space<semaphore_mem>>) attributes {dimension_semantics = [#tpu.dimension_semantics<core_parallel>, #tpu.dimension_semantics<subcore_parallel>], iteration_bounds = array<i64: 2, 16>, scalar_prefetch = 0 : i64, scratch_operands = 18 : i64, tpu.core_type = #tpu.core_type<sc_vector_subcore>, window_params = [{transform_indices = #map}, {transform_indices = #map}, {transform_indices = #map1}, {transform_indices = #map1}, {transform_indices = #map}, {transform_indices = #map}]} {
    %mul3A = arith.constant 2 : i32
    %mul3A_0 = arith.muli %arg1, %mul3A : i32
    %add3A = arith.addi %mul3A_0, %arg0 : i32
    %mul3A_1 = arith.constant 10000 : i32
    %mul3A_2 = arith.muli %add3A, %mul3A_1 : i32
    "tpu.region"() ({
      %run_scoped3A = tpu.sem_alloc : memref<!tpu.dma_semaphore, #tpu.memory_space<semaphore_mem>>
      %dma_start3A_78 = arith.constant 0 : i32
      %dma_start3A_79 = arith.constant 0 : i32
      %dma_start3A_80 = tpu.memref_slice %arg4[%add3A, %dma_start3A_78, %dma_start3A_79] : memref<32x125x80xi32, #tpu.memory_space<hbm>> -> memref<1x125x80xi32, #tpu.memory_space<hbm>>
      %dma_start3A_81 = tpu.memref_squeeze %dma_start3A_80 : memref<1x125x80xi32, #tpu.memory_space<hbm>> -> memref<125x80xi32, #tpu.memory_space<hbm>>
      %dma_start3A_82 = arith.constant 0 : i32
      %dma_start3A_83 = arith.constant 0 : i32
      %dma_start3A_84 = tpu.memref_slice %arg4[%add3A, %dma_start3A_82, %dma_start3A_83] : memref<32x125x80xi32, #tpu.memory_space<hbm>> -> memref<1x125x80xi32, #tpu.memory_space<hbm>>
      %dma_start3A_85 = tpu.memref_squeeze %dma_start3A_84 : memref<1x125x80xi32, #tpu.memory_space<hbm>> -> memref<125x80xi32, #tpu.memory_space<hbm>>
      tpu.enqueue_dma source(%dma_start3A_85 : memref<125x80xi32, #tpu.memory_space<hbm>>) target(%arg8 : memref<125x80xi32, #tpu.memory_space<vmem>>) target_semaphore(%run_scoped3A : memref<!tpu.dma_semaphore, #tpu.memory_space<semaphore_mem>>)
      %dma_wait3A_86 = arith.constant 0 : i32
      %dma_wait3A_87 = arith.constant 0 : i32
      %dma_wait3A_88 = tpu.memref_slice %arg4[%add3A, %dma_wait3A_86, %dma_wait3A_87] : memref<32x125x80xi32, #tpu.memory_space<hbm>> -> memref<1x125x80xi32, #tpu.memory_space<hbm>>
      %dma_wait3A_89 = tpu.memref_squeeze %dma_wait3A_88 : memref<1x125x80xi32, #tpu.memory_space<hbm>> -> memref<125x80xi32, #tpu.memory_space<hbm>>
      %dma_wait3A_90 = arith.constant 0 : i32
      %dma_wait3A_91 = arith.constant 0 : i32
      %dma_wait3A_92 = tpu.memref_slice %arg4[%add3A, %dma_wait3A_90, %dma_wait3A_91] : memref<32x125x80xi32, #tpu.memory_space<hbm>> -> memref<1x125x80xi32, #tpu.memory_space<hbm>>
      %dma_wait3A_93 = tpu.memref_squeeze %dma_wait3A_92 : memref<1x125x80xi32, #tpu.memory_space<hbm>> -> memref<125x80xi32, #tpu.memory_space<hbm>>
      tpu.wait_dma2 semaphore(%run_scoped3A : memref<!tpu.dma_semaphore, #tpu.memory_space<semaphore_mem>>) src(%dma_wait3A_93 : memref<125x80xi32, #tpu.memory_space<hbm>>) dst(%arg8 : memref<125x80xi32, #tpu.memory_space<vmem>>)
      tpu.yield
    }) : () -> ()
    "tpu.region"() ({
      %run_scoped3A = tpu.sem_alloc : memref<!tpu.dma_semaphore, #tpu.memory_space<semaphore_mem>>
      %dma_start3A_78 = arith.constant 0 : i32
      %dma_start3A_79 = arith.constant 0 : i32
      %dma_start3A_80 = tpu.memref_slice %arg5[%add3A, %dma_start3A_78, %dma_start3A_79] : memref<32x125x80xi32, #tpu.memory_space<hbm>> -> memref<1x125x80xi32, #tpu.memory_space<hbm>>
      %dma_start3A_81 = tpu.memref_squeeze %dma_start3A_80 : memref<1x125x80xi32, #tpu.memory_space<hbm>> -> memref<125x80xi32, #tpu.memory_space<hbm>>
      %dma_start3A_82 = arith.constant 0 : i32
      %dma_start3A_83 = arith.constant 0 : i32
      %dma_start3A_84 = tpu.memref_slice %arg5[%add3A, %dma_start3A_82, %dma_start3A_83] : memref<32x125x80xi32, #tpu.memory_space<hbm>> -> memref<1x125x80xi32, #tpu.memory_space<hbm>>
      %dma_start3A_85 = tpu.memref_squeeze %dma_start3A_84 : memref<1x125x80xi32, #tpu.memory_space<hbm>> -> memref<125x80xi32, #tpu.memory_space<hbm>>
      tpu.enqueue_dma source(%dma_start3A_85 : memref<125x80xi32, #tpu.memory_space<hbm>>) target(%arg9 : memref<125x80xi32, #tpu.memory_space<vmem>>) target_semaphore(%run_scoped3A : memref<!tpu.dma_semaphore, #tpu.memory_space<semaphore_mem>>)
      %dma_wait3A_86 = arith.constant 0 : i32
      %dma_wait3A_87 = arith.constant 0 : i32
      %dma_wait3A_88 = tpu.memref_slice %arg5[%add3A, %dma_wait3A_86, %dma_wait3A_87] : memref<32x125x80xi32, #tpu.memory_space<hbm>> -> memref<1x125x80xi32, #tpu.memory_space<hbm>>
      %dma_wait3A_89 = tpu.memref_squeeze %dma_wait3A_88 : memref<1x125x80xi32, #tpu.memory_space<hbm>> -> memref<125x80xi32, #tpu.memory_space<hbm>>
      %dma_wait3A_90 = arith.constant 0 : i32
      %dma_wait3A_91 = arith.constant 0 : i32
      %dma_wait3A_92 = tpu.memref_slice %arg5[%add3A, %dma_wait3A_90, %dma_wait3A_91] : memref<32x125x80xi32, #tpu.memory_space<hbm>> -> memref<1x125x80xi32, #tpu.memory_space<hbm>>
      %dma_wait3A_93 = tpu.memref_squeeze %dma_wait3A_92 : memref<1x125x80xi32, #tpu.memory_space<hbm>> -> memref<125x80xi32, #tpu.memory_space<hbm>>
      tpu.wait_dma2 semaphore(%run_scoped3A : memref<!tpu.dma_semaphore, #tpu.memory_space<semaphore_mem>>) src(%dma_wait3A_93 : memref<125x80xi32, #tpu.memory_space<hbm>>) dst(%arg9 : memref<125x80xi32, #tpu.memory_space<vmem>>)
      tpu.yield
    }) : () -> ()
    %dma_start3A = arith.constant 0 : i32
    %dma_start3A_3 = arith.constant 0 : i32
    %dma_start3A_4 = tpu.memref_slice %arg8[%dma_start3A, %dma_start3A_3] : memref<125x80xi32, #tpu.memory_space<vmem>> -> memref<1x80xi32, #tpu.memory_space<vmem>>
    %dma_start3A_5 = tpu.memref_squeeze %dma_start3A_4 : memref<1x80xi32, #tpu.memory_space<vmem>> -> memref<80xi32, #tpu.memory_space<vmem>>
    %dma_start3A_6 = arith.constant 0 : i32
    %dma_start3A_7 = arith.constant 0 : i32
    %dma_start3A_8 = tpu.memref_slice %arg2[%dma_start3A_6, %dma_start3A_7] : memref<10000x128xf32, #tpu.memory_space<hbm>> -> memref<10000x128xf32, #tpu.memory_space<hbm>>
    tpu.enqueue_indirect_dma source(%dma_start3A_8 : memref<10000x128xf32, #tpu.memory_space<hbm>>) target(%arg10 : memref<80x128xf32, #tpu.memory_space<vmem>>) offsets(%dma_start3A_5 : memref<80xi32, #tpu.memory_space<vmem>>) semaphore(%arg18 : memref<!tpu.dma_semaphore, #tpu.memory_space<semaphore_mem>>)
    %dma_start3A_9 = arith.constant 0 : i32
    %dma_start3A_10 = arith.constant 0 : i32
    %dma_start3A_11 = tpu.memref_slice %arg9[%dma_start3A_9, %dma_start3A_10] : memref<125x80xi32, #tpu.memory_space<vmem>> -> memref<1x80xi32, #tpu.memory_space<vmem>>
    %dma_start3A_12 = tpu.memref_squeeze %dma_start3A_11 : memref<1x80xi32, #tpu.memory_space<vmem>> -> memref<80xi32, #tpu.memory_space<vmem>>
    %dma_start3A_13 = arith.constant 0 : i32
    %dma_start3A_14 = arith.constant 0 : i32
    %dma_start3A_15 = tpu.memref_slice %arg3[%dma_start3A_13, %dma_start3A_14] : memref<10000x128xf32, #tpu.memory_space<hbm>> -> memref<10000x128xf32, #tpu.memory_space<hbm>>
    tpu.enqueue_indirect_dma source(%dma_start3A_15 : memref<10000x128xf32, #tpu.memory_space<hbm>>) target(%arg14 : memref<80x128xf32, #tpu.memory_space<vmem>>) offsets(%dma_start3A_12 : memref<80xi32, #tpu.memory_space<vmem>>) semaphore(%arg18 : memref<!tpu.dma_semaphore, #tpu.memory_space<semaphore_mem>>)
    %dma_start3A_16 = arith.constant 1 : i32
    %dma_start3A_17 = arith.constant 0 : i32
    %dma_start3A_18 = tpu.memref_slice %arg8[%dma_start3A_16, %dma_start3A_17] : memref<125x80xi32, #tpu.memory_space<vmem>> -> memref<1x80xi32, #tpu.memory_space<vmem>>
    %dma_start3A_19 = tpu.memref_squeeze %dma_start3A_18 : memref<1x80xi32, #tpu.memory_space<vmem>> -> memref<80xi32, #tpu.memory_space<vmem>>
    %dma_start3A_20 = arith.constant 0 : i32
    %dma_start3A_21 = arith.constant 0 : i32
    %dma_start3A_22 = tpu.memref_slice %arg2[%dma_start3A_20, %dma_start3A_21] : memref<10000x128xf32, #tpu.memory_space<hbm>> -> memref<10000x128xf32, #tpu.memory_space<hbm>>
    tpu.enqueue_indirect_dma source(%dma_start3A_22 : memref<10000x128xf32, #tpu.memory_space<hbm>>) target(%arg11 : memref<80x128xf32, #tpu.memory_space<vmem>>) offsets(%dma_start3A_19 : memref<80xi32, #tpu.memory_space<vmem>>) semaphore(%arg19 : memref<!tpu.dma_semaphore, #tpu.memory_space<semaphore_mem>>)
    %dma_start3A_23 = arith.constant 1 : i32
    %dma_start3A_24 = arith.constant 0 : i32
    %dma_start3A_25 = tpu.memref_slice %arg9[%dma_start3A_23, %dma_start3A_24] : memref<125x80xi32, #tpu.memory_space<vmem>> -> memref<1x80xi32, #tpu.memory_space<vmem>>
    %dma_start3A_26 = tpu.memref_squeeze %dma_start3A_25 : memref<1x80xi32, #tpu.memory_space<vmem>> -> memref<80xi32, #tpu.memory_space<vmem>>
    %dma_start3A_27 = arith.constant 0 : i32
    %dma_start3A_28 = arith.constant 0 : i32
    %dma_start3A_29 = tpu.memref_slice %arg3[%dma_start3A_27, %dma_start3A_28] : memref<10000x128xf32, #tpu.memory_space<hbm>> -> memref<10000x128xf32, #tpu.memory_space<hbm>>
    tpu.enqueue_indirect_dma source(%dma_start3A_29 : memref<10000x128xf32, #tpu.memory_space<hbm>>) target(%arg15 : memref<80x128xf32, #tpu.memory_space<vmem>>) offsets(%dma_start3A_26 : memref<80xi32, #tpu.memory_space<vmem>>) semaphore(%arg19 : memref<!tpu.dma_semaphore, #tpu.memory_space<semaphore_mem>>)
    %dma_start3A_30 = arith.constant 2 : i32
    %dma_start3A_31 = arith.constant 0 : i32
    %dma_start3A_32 = tpu.memref_slice %arg8[%dma_start3A_30, %dma_start3A_31] : memref<125x80xi32, #tpu.memory_space<vmem>> -> memref<1x80xi32, #tpu.memory_space<vmem>>
    %dma_start3A_33 = tpu.memref_squeeze %dma_start3A_32 : memref<1x80xi32, #tpu.memory_space<vmem>> -> memref<80xi32, #tpu.memory_space<vmem>>
    %dma_start3A_34 = arith.constant 0 : i32
    %dma_start3A_35 = arith.constant 0 : i32
    %dma_start3A_36 = tpu.memref_slice %arg2[%dma_start3A_34, %dma_start3A_35] : memref<10000x128xf32, #tpu.memory_space<hbm>> -> memref<10000x128xf32, #tpu.memory_space<hbm>>
    tpu.enqueue_indirect_dma source(%dma_start3A_36 : memref<10000x128xf32, #tpu.memory_space<hbm>>) target(%arg12 : memref<80x128xf32, #tpu.memory_space<vmem>>) offsets(%dma_start3A_33 : memref<80xi32, #tpu.memory_space<vmem>>) semaphore(%arg20 : memref<!tpu.dma_semaphore, #tpu.memory_space<semaphore_mem>>)
    %dma_start3A_37 = arith.constant 2 : i32
    %dma_start3A_38 = arith.constant 0 : i32
    %dma_start3A_39 = tpu.memref_slice %arg9[%dma_start3A_37, %dma_start3A_38] : memref<125x80xi32, #tpu.memory_space<vmem>> -> memref<1x80xi32, #tpu.memory_space<vmem>>
    %dma_start3A_40 = tpu.memref_squeeze %dma_start3A_39 : memref<1x80xi32, #tpu.memory_space<vmem>> -> memref<80xi32, #tpu.memory_space<vmem>>
    %dma_start3A_41 = arith.constant 0 : i32
    %dma_start3A_42 = arith.constant 0 : i32
    %dma_start3A_43 = tpu.memref_slice %arg3[%dma_start3A_41, %dma_start3A_42] : memref<10000x128xf32, #tpu.memory_space<hbm>> -> memref<10000x128xf32, #tpu.memory_space<hbm>>
    tpu.enqueue_indirect_dma source(%dma_start3A_43 : memref<10000x128xf32, #tpu.memory_space<hbm>>) target(%arg16 : memref<80x128xf32, #tpu.memory_space<vmem>>) offsets(%dma_start3A_40 : memref<80xi32, #tpu.memory_space<vmem>>) semaphore(%arg20 : memref<!tpu.dma_semaphore, #tpu.memory_space<semaphore_mem>>)
    %dma_start3A_44 = arith.constant 3 : i32
    %dma_start3A_45 = arith.constant 0 : i32
    %dma_start3A_46 = tpu.memref_slice %arg8[%dma_start3A_44, %dma_start3A_45] : memref<125x80xi32, #tpu.memory_space<vmem>> -> memref<1x80xi32, #tpu.memory_space<vmem>>
    %dma_start3A_47 = tpu.memref_squeeze %dma_start3A_46 : memref<1x80xi32, #tpu.memory_space<vmem>> -> memref<80xi32, #tpu.memory_space<vmem>>
    %dma_start3A_48 = arith.constant 0 : i32
    %dma_start3A_49 = arith.constant 0 : i32
    %dma_start3A_50 = tpu.memref_slice %arg2[%dma_start3A_48, %dma_start3A_49] : memref<10000x128xf32, #tpu.memory_space<hbm>> -> memref<10000x128xf32, #tpu.memory_space<hbm>>
    tpu.enqueue_indirect_dma source(%dma_start3A_50 : memref<10000x128xf32, #tpu.memory_space<hbm>>) target(%arg13 : memref<80x128xf32, #tpu.memory_space<vmem>>) offsets(%dma_start3A_47 : memref<80xi32, #tpu.memory_space<vmem>>) semaphore(%arg21 : memref<!tpu.dma_semaphore, #tpu.memory_space<semaphore_mem>>)
    %dma_start3A_51 = arith.constant 3 : i32
    %dma_start3A_52 = arith.constant 0 : i32
    %dma_start3A_53 = tpu.memref_slice %arg9[%dma_start3A_51, %dma_start3A_52] : memref<125x80xi32, #tpu.memory_space<vmem>> -> memref<1x80xi32, #tpu.memory_space<vmem>>
    %dma_start3A_54 = tpu.memref_squeeze %dma_start3A_53 : memref<1x80xi32, #tpu.memory_space<vmem>> -> memref<80xi32, #tpu.memory_space<vmem>>
    %dma_start3A_55 = arith.constant 0 : i32
    %dma_start3A_56 = arith.constant 0 : i32
    %dma_start3A_57 = tpu.memref_slice %arg3[%dma_start3A_55, %dma_start3A_56] : memref<10000x128xf32, #tpu.memory_space<hbm>> -> memref<10000x128xf32, #tpu.memory_space<hbm>>
    tpu.enqueue_indirect_dma source(%dma_start3A_57 : memref<10000x128xf32, #tpu.memory_space<hbm>>) target(%arg17 : memref<80x128xf32, #tpu.memory_space<vmem>>) offsets(%dma_start3A_54 : memref<80xi32, #tpu.memory_space<vmem>>) semaphore(%arg21 : memref<!tpu.dma_semaphore, #tpu.memory_space<semaphore_mem>>)
    %scan3A = arith.constant 0 : i32
    %scan3A_58 = arith.constant 0 : i32
    %scan3A_59 = arith.constant 31 : i32
    %scan3A_60 = arith.addi %scan3A_58, %scan3A_59 : i32
    %scan3A_61 = arith.constant 1 : i32
    scf.for %scan3A_78 = %scan3A_58 to %scan3A_60 step %scan3A_61  : i32 {
      %mul3A_79 = arith.constant 4 : i32
      %mul3A_80 = arith.muli %scan3A_78, %mul3A_79 : i32
      %add3A_81 = arith.constant 0 : i32
      %add3A_82 = arith.addi %mul3A_80, %add3A_81 : i32
      %dma_wait3A_83 = arith.constant 0 : i32
      %dma_wait3A_84 = arith.constant 0 : i32
      %dma_wait3A_85 = tpu.memref_slice %arg8[%dma_wait3A_83, %dma_wait3A_84] : memref<125x80xi32, #tpu.memory_space<vmem>> -> memref<1x80xi32, #tpu.memory_space<vmem>>
      %dma_wait3A_86 = tpu.memref_squeeze %dma_wait3A_85 : memref<1x80xi32, #tpu.memory_space<vmem>> -> memref<80xi32, #tpu.memory_space<vmem>>
      %dma_wait3A_87 = arith.constant 0 : i32
      %dma_wait3A_88 = arith.constant 0 : i32
      %dma_wait3A_89 = tpu.memref_slice %arg2[%dma_wait3A_87, %dma_wait3A_88] : memref<10000x128xf32, #tpu.memory_space<hbm>> -> memref<10000x128xf32, #tpu.memory_space<hbm>>
      tpu.wait_indirect_dma semaphore(%arg18 : memref<!tpu.dma_semaphore, #tpu.memory_space<semaphore_mem>>) src(%dma_wait3A_89 : memref<10000x128xf32, #tpu.memory_space<hbm>>) dst(%arg10 : memref<80x128xf32, #tpu.memory_space<vmem>>)
      %dma_wait3A_90 = arith.constant 0 : i32
      %dma_wait3A_91 = arith.constant 0 : i32
      %dma_wait3A_92 = tpu.memref_slice %arg9[%dma_wait3A_90, %dma_wait3A_91] : memref<125x80xi32, #tpu.memory_space<vmem>> -> memref<1x80xi32, #tpu.memory_space<vmem>>
      %dma_wait3A_93 = tpu.memref_squeeze %dma_wait3A_92 : memref<1x80xi32, #tpu.memory_space<vmem>> -> memref<80xi32, #tpu.memory_space<vmem>>
      %dma_wait3A_94 = arith.constant 0 : i32
      %dma_wait3A_95 = arith.constant 0 : i32
      %dma_wait3A_96 = tpu.memref_slice %arg3[%dma_wait3A_94, %dma_wait3A_95] : memref<10000x128xf32, #tpu.memory_space<hbm>> -> memref<10000x128xf32, #tpu.memory_space<hbm>>
      tpu.wait_indirect_dma semaphore(%arg18 : memref<!tpu.dma_semaphore, #tpu.memory_space<semaphore_mem>>) src(%dma_wait3A_96 : memref<10000x128xf32, #tpu.memory_space<hbm>>) dst(%arg14 : memref<80x128xf32, #tpu.memory_space<vmem>>)
      %mul3A_97 = arith.constant 80 : i32
      %mul3A_98 = arith.muli %add3A_82, %mul3A_97 : i32
      %add3A_99 = arith.addi %mul3A_2, %mul3A_98 : i32
      %dma_start3A_100 = arith.constant 0 : i32
      %dma_start3A_101 = tpu.memref_slice %arg6[%add3A_99, %dma_start3A_100] : memref<320000x128xf32, #tpu.memory_space<hbm>> -> memref<80x128xf32, #tpu.memory_space<hbm>>
      %dma_start3A_102 = arith.constant 0 : i32
      %dma_start3A_103 = tpu.memref_slice %arg6[%add3A_99, %dma_start3A_102] : memref<320000x128xf32, #tpu.memory_space<hbm>> -> memref<80x128xf32, #tpu.memory_space<hbm>>
      tpu.enqueue_dma source(%arg10 : memref<80x128xf32, #tpu.memory_space<vmem>>) target(%dma_start3A_103 : memref<80x128xf32, #tpu.memory_space<hbm>>) target_semaphore(%arg22 : memref<!tpu.dma_semaphore, #tpu.memory_space<semaphore_mem>>)
      %dma_start3A_104 = arith.constant 0 : i32
      %dma_start3A_105 = tpu.memref_slice %arg7[%add3A_99, %dma_start3A_104] : memref<320000x128xf32, #tpu.memory_space<hbm>> -> memref<80x128xf32, #tpu.memory_space<hbm>>
      %dma_start3A_106 = arith.constant 0 : i32
      %dma_start3A_107 = tpu.memref_slice %arg7[%add3A_99, %dma_start3A_106] : memref<320000x128xf32, #tpu.memory_space<hbm>> -> memref<80x128xf32, #tpu.memory_space<hbm>>
      tpu.enqueue_dma source(%arg14 : memref<80x128xf32, #tpu.memory_space<vmem>>) target(%dma_start3A_107 : memref<80x128xf32, #tpu.memory_space<hbm>>) target_semaphore(%arg22 : memref<!tpu.dma_semaphore, #tpu.memory_space<semaphore_mem>>)
      %mul3A_108 = arith.constant 4 : i32
      %mul3A_109 = arith.muli %scan3A_78, %mul3A_108 : i32
      %add3A_110 = arith.constant 1 : i32
      %add3A_111 = arith.addi %mul3A_109, %add3A_110 : i32
      %dma_wait3A_112 = arith.constant 0 : i32
      %dma_wait3A_113 = arith.constant 0 : i32
      %dma_wait3A_114 = tpu.memref_slice %arg8[%dma_wait3A_112, %dma_wait3A_113] : memref<125x80xi32, #tpu.memory_space<vmem>> -> memref<1x80xi32, #tpu.memory_space<vmem>>
      %dma_wait3A_115 = tpu.memref_squeeze %dma_wait3A_114 : memref<1x80xi32, #tpu.memory_space<vmem>> -> memref<80xi32, #tpu.memory_space<vmem>>
      %dma_wait3A_116 = arith.constant 0 : i32
      %dma_wait3A_117 = arith.constant 0 : i32
      %dma_wait3A_118 = tpu.memref_slice %arg2[%dma_wait3A_116, %dma_wait3A_117] : memref<10000x128xf32, #tpu.memory_space<hbm>> -> memref<10000x128xf32, #tpu.memory_space<hbm>>
      tpu.wait_indirect_dma semaphore(%arg19 : memref<!tpu.dma_semaphore, #tpu.memory_space<semaphore_mem>>) src(%dma_wait3A_118 : memref<10000x128xf32, #tpu.memory_space<hbm>>) dst(%arg11 : memref<80x128xf32, #tpu.memory_space<vmem>>)
      %dma_wait3A_119 = arith.constant 0 : i32
      %dma_wait3A_120 = arith.constant 0 : i32
      %dma_wait3A_121 = tpu.memref_slice %arg9[%dma_wait3A_119, %dma_wait3A_120] : memref<125x80xi32, #tpu.memory_space<vmem>> -> memref<1x80xi32, #tpu.memory_space<vmem>>
      %dma_wait3A_122 = tpu.memref_squeeze %dma_wait3A_121 : memref<1x80xi32, #tpu.memory_space<vmem>> -> memref<80xi32, #tpu.memory_space<vmem>>
      %dma_wait3A_123 = arith.constant 0 : i32
      %dma_wait3A_124 = arith.constant 0 : i32
      %dma_wait3A_125 = tpu.memref_slice %arg3[%dma_wait3A_123, %dma_wait3A_124] : memref<10000x128xf32, #tpu.memory_space<hbm>> -> memref<10000x128xf32, #tpu.memory_space<hbm>>
      tpu.wait_indirect_dma semaphore(%arg19 : memref<!tpu.dma_semaphore, #tpu.memory_space<semaphore_mem>>) src(%dma_wait3A_125 : memref<10000x128xf32, #tpu.memory_space<hbm>>) dst(%arg15 : memref<80x128xf32, #tpu.memory_space<vmem>>)
      %mul3A_126 = arith.constant 80 : i32
      %mul3A_127 = arith.muli %add3A_111, %mul3A_126 : i32
      %add3A_128 = arith.addi %mul3A_2, %mul3A_127 : i32
      %dma_start3A_129 = arith.constant 0 : i32
      %dma_start3A_130 = tpu.memref_slice %arg6[%add3A_128, %dma_start3A_129] : memref<320000x128xf32, #tpu.memory_space<hbm>> -> memref<80x128xf32, #tpu.memory_space<hbm>>
      %dma_start3A_131 = arith.constant 0 : i32
      %dma_start3A_132 = tpu.memref_slice %arg6[%add3A_128, %dma_start3A_131] : memref<320000x128xf32, #tpu.memory_space<hbm>> -> memref<80x128xf32, #tpu.memory_space<hbm>>
      tpu.enqueue_dma source(%arg11 : memref<80x128xf32, #tpu.memory_space<vmem>>) target(%dma_start3A_132 : memref<80x128xf32, #tpu.memory_space<hbm>>) target_semaphore(%arg23 : memref<!tpu.dma_semaphore, #tpu.memory_space<semaphore_mem>>)
      %dma_start3A_133 = arith.constant 0 : i32
      %dma_start3A_134 = tpu.memref_slice %arg7[%add3A_128, %dma_start3A_133] : memref<320000x128xf32, #tpu.memory_space<hbm>> -> memref<80x128xf32, #tpu.memory_space<hbm>>
      %dma_start3A_135 = arith.constant 0 : i32
      %dma_start3A_136 = tpu.memref_slice %arg7[%add3A_128, %dma_start3A_135] : memref<320000x128xf32, #tpu.memory_space<hbm>> -> memref<80x128xf32, #tpu.memory_space<hbm>>
      tpu.enqueue_dma source(%arg15 : memref<80x128xf32, #tpu.memory_space<vmem>>) target(%dma_start3A_136 : memref<80x128xf32, #tpu.memory_space<hbm>>) target_semaphore(%arg23 : memref<!tpu.dma_semaphore, #tpu.memory_space<semaphore_mem>>)
      %mul3A_137 = arith.constant 4 : i32
      %mul3A_138 = arith.muli %scan3A_78, %mul3A_137 : i32
      %add3A_139 = arith.constant 2 : i32
      %add3A_140 = arith.addi %mul3A_138, %add3A_139 : i32
      %dma_wait3A_141 = arith.constant 0 : i32
      %dma_wait3A_142 = arith.constant 0 : i32
      %dma_wait3A_143 = tpu.memref_slice %arg8[%dma_wait3A_141, %dma_wait3A_142] : memref<125x80xi32, #tpu.memory_space<vmem>> -> memref<1x80xi32, #tpu.memory_space<vmem>>
      %dma_wait3A_144 = tpu.memref_squeeze %dma_wait3A_143 : memref<1x80xi32, #tpu.memory_space<vmem>> -> memref<80xi32, #tpu.memory_space<vmem>>
      %dma_wait3A_145 = arith.constant 0 : i32
      %dma_wait3A_146 = arith.constant 0 : i32
      %dma_wait3A_147 = tpu.memref_slice %arg2[%dma_wait3A_145, %dma_wait3A_146] : memref<10000x128xf32, #tpu.memory_space<hbm>> -> memref<10000x128xf32, #tpu.memory_space<hbm>>
      tpu.wait_indirect_dma semaphore(%arg20 : memref<!tpu.dma_semaphore, #tpu.memory_space<semaphore_mem>>) src(%dma_wait3A_147 : memref<10000x128xf32, #tpu.memory_space<hbm>>) dst(%arg12 : memref<80x128xf32, #tpu.memory_space<vmem>>)
      %dma_wait3A_148 = arith.constant 0 : i32
      %dma_wait3A_149 = arith.constant 0 : i32
      %dma_wait3A_150 = tpu.memref_slice %arg9[%dma_wait3A_148, %dma_wait3A_149] : memref<125x80xi32, #tpu.memory_space<vmem>> -> memref<1x80xi32, #tpu.memory_space<vmem>>
      %dma_wait3A_151 = tpu.memref_squeeze %dma_wait3A_150 : memref<1x80xi32, #tpu.memory_space<vmem>> -> memref<80xi32, #tpu.memory_space<vmem>>
      %dma_wait3A_152 = arith.constant 0 : i32
      %dma_wait3A_153 = arith.constant 0 : i32
      %dma_wait3A_154 = tpu.memref_slice %arg3[%dma_wait3A_152, %dma_wait3A_153] : memref<10000x128xf32, #tpu.memory_space<hbm>> -> memref<10000x128xf32, #tpu.memory_space<hbm>>
      tpu.wait_indirect_dma semaphore(%arg20 : memref<!tpu.dma_semaphore, #tpu.memory_space<semaphore_mem>>) src(%dma_wait3A_154 : memref<10000x128xf32, #tpu.memory_space<hbm>>) dst(%arg16 : memref<80x128xf32, #tpu.memory_space<vmem>>)
      %mul3A_155 = arith.constant 80 : i32
      %mul3A_156 = arith.muli %add3A_140, %mul3A_155 : i32
      %add3A_157 = arith.addi %mul3A_2, %mul3A_156 : i32
      %dma_start3A_158 = arith.constant 0 : i32
      %dma_start3A_159 = tpu.memref_slice %arg6[%add3A_157, %dma_start3A_158] : memref<320000x128xf32, #tpu.memory_space<hbm>> -> memref<80x128xf32, #tpu.memory_space<hbm>>
      %dma_start3A_160 = arith.constant 0 : i32
      %dma_start3A_161 = tpu.memref_slice %arg6[%add3A_157, %dma_start3A_160] : memref<320000x128xf32, #tpu.memory_space<hbm>> -> memref<80x128xf32, #tpu.memory_space<hbm>>
      tpu.enqueue_dma source(%arg12 : memref<80x128xf32, #tpu.memory_space<vmem>>) target(%dma_start3A_161 : memref<80x128xf32, #tpu.memory_space<hbm>>) target_semaphore(%arg24 : memref<!tpu.dma_semaphore, #tpu.memory_space<semaphore_mem>>)
      %dma_start3A_162 = arith.constant 0 : i32
      %dma_start3A_163 = tpu.memref_slice %arg7[%add3A_157, %dma_start3A_162] : memref<320000x128xf32, #tpu.memory_space<hbm>> -> memref<80x128xf32, #tpu.memory_space<hbm>>
      %dma_start3A_164 = arith.constant 0 : i32
      %dma_start3A_165 = tpu.memref_slice %arg7[%add3A_157, %dma_start3A_164] : memref<320000x128xf32, #tpu.memory_space<hbm>> -> memref<80x128xf32, #tpu.memory_space<hbm>>
      tpu.enqueue_dma source(%arg16 : memref<80x128xf32, #tpu.memory_space<vmem>>) target(%dma_start3A_165 : memref<80x128xf32, #tpu.memory_space<hbm>>) target_semaphore(%arg24 : memref<!tpu.dma_semaphore, #tpu.memory_space<semaphore_mem>>)
      %mul3A_166 = arith.constant 4 : i32
      %mul3A_167 = arith.muli %scan3A_78, %mul3A_166 : i32
      %add3A_168 = arith.constant 3 : i32
      %add3A_169 = arith.addi %mul3A_167, %add3A_168 : i32
      %dma_wait3A_170 = arith.constant 0 : i32
      %dma_wait3A_171 = arith.constant 0 : i32
      %dma_wait3A_172 = tpu.memref_slice %arg8[%dma_wait3A_170, %dma_wait3A_171] : memref<125x80xi32, #tpu.memory_space<vmem>> -> memref<1x80xi32, #tpu.memory_space<vmem>>
      %dma_wait3A_173 = tpu.memref_squeeze %dma_wait3A_172 : memref<1x80xi32, #tpu.memory_space<vmem>> -> memref<80xi32, #tpu.memory_space<vmem>>
      %dma_wait3A_174 = arith.constant 0 : i32
      %dma_wait3A_175 = arith.constant 0 : i32
      %dma_wait3A_176 = tpu.memref_slice %arg2[%dma_wait3A_174, %dma_wait3A_175] : memref<10000x128xf32, #tpu.memory_space<hbm>> -> memref<10000x128xf32, #tpu.memory_space<hbm>>
      tpu.wait_indirect_dma semaphore(%arg21 : memref<!tpu.dma_semaphore, #tpu.memory_space<semaphore_mem>>) src(%dma_wait3A_176 : memref<10000x128xf32, #tpu.memory_space<hbm>>) dst(%arg13 : memref<80x128xf32, #tpu.memory_space<vmem>>)
      %dma_wait3A_177 = arith.constant 0 : i32
      %dma_wait3A_178 = arith.constant 0 : i32
      %dma_wait3A_179 = tpu.memref_slice %arg9[%dma_wait3A_177, %dma_wait3A_178] : memref<125x80xi32, #tpu.memory_space<vmem>> -> memref<1x80xi32, #tpu.memory_space<vmem>>
      %dma_wait3A_180 = tpu.memref_squeeze %dma_wait3A_179 : memref<1x80xi32, #tpu.memory_space<vmem>> -> memref<80xi32, #tpu.memory_space<vmem>>
      %dma_wait3A_181 = arith.constant 0 : i32
      %dma_wait3A_182 = arith.constant 0 : i32
      %dma_wait3A_183 = tpu.memref_slice %arg3[%dma_wait3A_181, %dma_wait3A_182] : memref<10000x128xf32, #tpu.memory_space<hbm>> -> memref<10000x128xf32, #tpu.memory_space<hbm>>
      tpu.wait_indirect_dma semaphore(%arg21 : memref<!tpu.dma_semaphore, #tpu.memory_space<semaphore_mem>>) src(%dma_wait3A_183 : memref<10000x128xf32, #tpu.memory_space<hbm>>) dst(%arg17 : memref<80x128xf32, #tpu.memory_space<vmem>>)
      %mul3A_184 = arith.constant 80 : i32
      %mul3A_185 = arith.muli %add3A_169, %mul3A_184 : i32
      %add3A_186 = arith.addi %mul3A_2, %mul3A_185 : i32
      %dma_start3A_187 = arith.constant 0 : i32
      %dma_start3A_188 = tpu.memref_slice %arg6[%add3A_186, %dma_start3A_187] : memref<320000x128xf32, #tpu.memory_space<hbm>> -> memref<80x128xf32, #tpu.memory_space<hbm>>
      %dma_start3A_189 = arith.constant 0 : i32
      %dma_start3A_190 = tpu.memref_slice %arg6[%add3A_186, %dma_start3A_189] : memref<320000x128xf32, #tpu.memory_space<hbm>> -> memref<80x128xf32, #tpu.memory_space<hbm>>
      tpu.enqueue_dma source(%arg13 : memref<80x128xf32, #tpu.memory_space<vmem>>) target(%dma_start3A_190 : memref<80x128xf32, #tpu.memory_space<hbm>>) target_semaphore(%arg25 : memref<!tpu.dma_semaphore, #tpu.memory_space<semaphore_mem>>)
      %dma_start3A_191 = arith.constant 0 : i32
      %dma_start3A_192 = tpu.memref_slice %arg7[%add3A_186, %dma_start3A_191] : memref<320000x128xf32, #tpu.memory_space<hbm>> -> memref<80x128xf32, #tpu.memory_space<hbm>>
      %dma_start3A_193 = arith.constant 0 : i32
      %dma_start3A_194 = tpu.memref_slice %arg7[%add3A_186, %dma_start3A_193] : memref<320000x128xf32, #tpu.memory_space<hbm>> -> memref<80x128xf32, #tpu.memory_space<hbm>>
      tpu.enqueue_dma source(%arg17 : memref<80x128xf32, #tpu.memory_space<vmem>>) target(%dma_start3A_194 : memref<80x128xf32, #tpu.memory_space<hbm>>) target_semaphore(%arg25 : memref<!tpu.dma_semaphore, #tpu.memory_space<semaphore_mem>>)
      %mul3A_195 = arith.constant 4 : i32
      %mul3A_196 = arith.muli %scan3A_78, %mul3A_195 : i32
      %add3A_197 = arith.constant 4 : i32
      %add3A_198 = arith.addi %mul3A_196, %add3A_197 : i32
      %add3A_199 = arith.constant 0 : i32
      %add3A_200 = arith.addi %add3A_198, %add3A_199 : i32
      %dma_wait3A_201 = arith.constant 0 : i32
      %dma_wait3A_202 = arith.constant 0 : i32
      %dma_wait3A_203 = tpu.memref_slice %arg6[%dma_wait3A_201, %dma_wait3A_202] : memref<320000x128xf32, #tpu.memory_space<hbm>> -> memref<80x128xf32, #tpu.memory_space<hbm>>
      %dma_wait3A_204 = arith.constant 0 : i32
      %dma_wait3A_205 = arith.constant 0 : i32
      %dma_wait3A_206 = tpu.memref_slice %arg6[%dma_wait3A_204, %dma_wait3A_205] : memref<320000x128xf32, #tpu.memory_space<hbm>> -> memref<80x128xf32, #tpu.memory_space<hbm>>
      tpu.wait_dma2 semaphore(%arg22 : memref<!tpu.dma_semaphore, #tpu.memory_space<semaphore_mem>>) src(%arg10 : memref<80x128xf32, #tpu.memory_space<vmem>>) dst(%dma_wait3A_206 : memref<80x128xf32, #tpu.memory_space<hbm>>)
      %dma_wait3A_207 = arith.constant 0 : i32
      %dma_wait3A_208 = arith.constant 0 : i32
      %dma_wait3A_209 = tpu.memref_slice %arg7[%dma_wait3A_207, %dma_wait3A_208] : memref<320000x128xf32, #tpu.memory_space<hbm>> -> memref<80x128xf32, #tpu.memory_space<hbm>>
      %dma_wait3A_210 = arith.constant 0 : i32
      %dma_wait3A_211 = arith.constant 0 : i32
      %dma_wait3A_212 = tpu.memref_slice %arg7[%dma_wait3A_210, %dma_wait3A_211] : memref<320000x128xf32, #tpu.memory_space<hbm>> -> memref<80x128xf32, #tpu.memory_space<hbm>>
      tpu.wait_dma2 semaphore(%arg22 : memref<!tpu.dma_semaphore, #tpu.memory_space<semaphore_mem>>) src(%arg14 : memref<80x128xf32, #tpu.memory_space<vmem>>) dst(%dma_wait3A_212 : memref<80x128xf32, #tpu.memory_space<hbm>>)
      %le3A = arith.constant 124 : i32
      %le3A_213 = arith.cmpi sle, %add3A_200, %le3A : i32
      %convert_element_type3A = arith.extui %le3A_213 : i1 to i32
      %cond3A = arith.constant 0 : i32
      %cond3A_214 = arith.cmpi ne, %convert_element_type3A, %cond3A : i32
      scf.if %cond3A_214 {
        %dma_start3A_284 = arith.constant 0 : i32
        %dma_start3A_285 = tpu.memref_slice %arg8[%add3A_200, %dma_start3A_284] : memref<125x80xi32, #tpu.memory_space<vmem>> -> memref<1x80xi32, #tpu.memory_space<vmem>>
        %dma_start3A_286 = tpu.memref_squeeze %dma_start3A_285 : memref<1x80xi32, #tpu.memory_space<vmem>> -> memref<80xi32, #tpu.memory_space<vmem>>
        %dma_start3A_287 = arith.constant 0 : i32
        %dma_start3A_288 = arith.constant 0 : i32
        %dma_start3A_289 = tpu.memref_slice %arg2[%dma_start3A_287, %dma_start3A_288] : memref<10000x128xf32, #tpu.memory_space<hbm>> -> memref<10000x128xf32, #tpu.memory_space<hbm>>
        tpu.enqueue_indirect_dma source(%dma_start3A_289 : memref<10000x128xf32, #tpu.memory_space<hbm>>) target(%arg10 : memref<80x128xf32, #tpu.memory_space<vmem>>) offsets(%dma_start3A_286 : memref<80xi32, #tpu.memory_space<vmem>>) semaphore(%arg18 : memref<!tpu.dma_semaphore, #tpu.memory_space<semaphore_mem>>)
        %dma_start3A_290 = arith.constant 0 : i32
        %dma_start3A_291 = tpu.memref_slice %arg9[%add3A_200, %dma_start3A_290] : memref<125x80xi32, #tpu.memory_space<vmem>> -> memref<1x80xi32, #tpu.memory_space<vmem>>
        %dma_start3A_292 = tpu.memref_squeeze %dma_start3A_291 : memref<1x80xi32, #tpu.memory_space<vmem>> -> memref<80xi32, #tpu.memory_space<vmem>>
        %dma_start3A_293 = arith.constant 0 : i32
        %dma_start3A_294 = arith.constant 0 : i32
        %dma_start3A_295 = tpu.memref_slice %arg3[%dma_start3A_293, %dma_start3A_294] : memref<10000x128xf32, #tpu.memory_space<hbm>> -> memref<10000x128xf32, #tpu.memory_space<hbm>>
        tpu.enqueue_indirect_dma source(%dma_start3A_295 : memref<10000x128xf32, #tpu.memory_space<hbm>>) target(%arg14 : memref<80x128xf32, #tpu.memory_space<vmem>>) offsets(%dma_start3A_292 : memref<80xi32, #tpu.memory_space<vmem>>) semaphore(%arg18 : memref<!tpu.dma_semaphore, #tpu.memory_space<semaphore_mem>>)
      } else {
      }
      %mul3A_215 = arith.constant 4 : i32
      %mul3A_216 = arith.muli %scan3A_78, %mul3A_215 : i32
      %add3A_217 = arith.constant 4 : i32
      %add3A_218 = arith.addi %mul3A_216, %add3A_217 : i32
      %add3A_219 = arith.constant 1 : i32
      %add3A_220 = arith.addi %add3A_218, %add3A_219 : i32
      %dma_wait3A_221 = arith.constant 0 : i32
      %dma_wait3A_222 = arith.constant 0 : i32
      %dma_wait3A_223 = tpu.memref_slice %arg6[%dma_wait3A_221, %dma_wait3A_222] : memref<320000x128xf32, #tpu.memory_space<hbm>> -> memref<80x128xf32, #tpu.memory_space<hbm>>
      %dma_wait3A_224 = arith.constant 0 : i32
      %dma_wait3A_225 = arith.constant 0 : i32
      %dma_wait3A_226 = tpu.memref_slice %arg6[%dma_wait3A_224, %dma_wait3A_225] : memref<320000x128xf32, #tpu.memory_space<hbm>> -> memref<80x128xf32, #tpu.memory_space<hbm>>
      tpu.wait_dma2 semaphore(%arg23 : memref<!tpu.dma_semaphore, #tpu.memory_space<semaphore_mem>>) src(%arg11 : memref<80x128xf32, #tpu.memory_space<vmem>>) dst(%dma_wait3A_226 : memref<80x128xf32, #tpu.memory_space<hbm>>)
      %dma_wait3A_227 = arith.constant 0 : i32
      %dma_wait3A_228 = arith.constant 0 : i32
      %dma_wait3A_229 = tpu.memref_slice %arg7[%dma_wait3A_227, %dma_wait3A_228] : memref<320000x128xf32, #tpu.memory_space<hbm>> -> memref<80x128xf32, #tpu.memory_space<hbm>>
      %dma_wait3A_230 = arith.constant 0 : i32
      %dma_wait3A_231 = arith.constant 0 : i32
      %dma_wait3A_232 = tpu.memref_slice %arg7[%dma_wait3A_230, %dma_wait3A_231] : memref<320000x128xf32, #tpu.memory_space<hbm>> -> memref<80x128xf32, #tpu.memory_space<hbm>>
      tpu.wait_dma2 semaphore(%arg23 : memref<!tpu.dma_semaphore, #tpu.memory_space<semaphore_mem>>) src(%arg15 : memref<80x128xf32, #tpu.memory_space<vmem>>) dst(%dma_wait3A_232 : memref<80x128xf32, #tpu.memory_space<hbm>>)
      %le3A_233 = arith.constant 124 : i32
      %le3A_234 = arith.cmpi sle, %add3A_220, %le3A_233 : i32
      %convert_element_type3A_235 = arith.extui %le3A_234 : i1 to i32
      %cond3A_236 = arith.constant 0 : i32
      %cond3A_237 = arith.cmpi ne, %convert_element_type3A_235, %cond3A_236 : i32
      scf.if %cond3A_237 {
        %dma_start3A_284 = arith.constant 0 : i32
        %dma_start3A_285 = tpu.memref_slice %arg8[%add3A_220, %dma_start3A_284] : memref<125x80xi32, #tpu.memory_space<vmem>> -> memref<1x80xi32, #tpu.memory_space<vmem>>
        %dma_start3A_286 = tpu.memref_squeeze %dma_start3A_285 : memref<1x80xi32, #tpu.memory_space<vmem>> -> memref<80xi32, #tpu.memory_space<vmem>>
        %dma_start3A_287 = arith.constant 0 : i32
        %dma_start3A_288 = arith.constant 0 : i32
        %dma_start3A_289 = tpu.memref_slice %arg2[%dma_start3A_287, %dma_start3A_288] : memref<10000x128xf32, #tpu.memory_space<hbm>> -> memref<10000x128xf32, #tpu.memory_space<hbm>>
        tpu.enqueue_indirect_dma source(%dma_start3A_289 : memref<10000x128xf32, #tpu.memory_space<hbm>>) target(%arg11 : memref<80x128xf32, #tpu.memory_space<vmem>>) offsets(%dma_start3A_286 : memref<80xi32, #tpu.memory_space<vmem>>) semaphore(%arg19 : memref<!tpu.dma_semaphore, #tpu.memory_space<semaphore_mem>>)
        %dma_start3A_290 = arith.constant 0 : i32
        %dma_start3A_291 = tpu.memref_slice %arg9[%add3A_220, %dma_start3A_290] : memref<125x80xi32, #tpu.memory_space<vmem>> -> memref<1x80xi32, #tpu.memory_space<vmem>>
        %dma_start3A_292 = tpu.memref_squeeze %dma_start3A_291 : memref<1x80xi32, #tpu.memory_space<vmem>> -> memref<80xi32, #tpu.memory_space<vmem>>
        %dma_start3A_293 = arith.constant 0 : i32
        %dma_start3A_294 = arith.constant 0 : i32
        %dma_start3A_295 = tpu.memref_slice %arg3[%dma_start3A_293, %dma_start3A_294] : memref<10000x128xf32, #tpu.memory_space<hbm>> -> memref<10000x128xf32, #tpu.memory_space<hbm>>
        tpu.enqueue_indirect_dma source(%dma_start3A_295 : memref<10000x128xf32, #tpu.memory_space<hbm>>) target(%arg15 : memref<80x128xf32, #tpu.memory_space<vmem>>) offsets(%dma_start3A_292 : memref<80xi32, #tpu.memory_space<vmem>>) semaphore(%arg19 : memref<!tpu.dma_semaphore, #tpu.memory_space<semaphore_mem>>)
      } else {
      }
      %mul3A_238 = arith.constant 4 : i32
      %mul3A_239 = arith.muli %scan3A_78, %mul3A_238 : i32
      %add3A_240 = arith.constant 4 : i32
      %add3A_241 = arith.addi %mul3A_239, %add3A_240 : i32
      %add3A_242 = arith.constant 2 : i32
      %add3A_243 = arith.addi %add3A_241, %add3A_242 : i32
      %dma_wait3A_244 = arith.constant 0 : i32
      %dma_wait3A_245 = arith.constant 0 : i32
      %dma_wait3A_246 = tpu.memref_slice %arg6[%dma_wait3A_244, %dma_wait3A_245] : memref<320000x128xf32, #tpu.memory_space<hbm>> -> memref<80x128xf32, #tpu.memory_space<hbm>>
      %dma_wait3A_247 = arith.constant 0 : i32
      %dma_wait3A_248 = arith.constant 0 : i32
      %dma_wait3A_249 = tpu.memref_slice %arg6[%dma_wait3A_247, %dma_wait3A_248] : memref<320000x128xf32, #tpu.memory_space<hbm>> -> memref<80x128xf32, #tpu.memory_space<hbm>>
      tpu.wait_dma2 semaphore(%arg24 : memref<!tpu.dma_semaphore, #tpu.memory_space<semaphore_mem>>) src(%arg12 : memref<80x128xf32, #tpu.memory_space<vmem>>) dst(%dma_wait3A_249 : memref<80x128xf32, #tpu.memory_space<hbm>>)
      %dma_wait3A_250 = arith.constant 0 : i32
      %dma_wait3A_251 = arith.constant 0 : i32
      %dma_wait3A_252 = tpu.memref_slice %arg7[%dma_wait3A_250, %dma_wait3A_251] : memref<320000x128xf32, #tpu.memory_space<hbm>> -> memref<80x128xf32, #tpu.memory_space<hbm>>
      %dma_wait3A_253 = arith.constant 0 : i32
      %dma_wait3A_254 = arith.constant 0 : i32
      %dma_wait3A_255 = tpu.memref_slice %arg7[%dma_wait3A_253, %dma_wait3A_254] : memref<320000x128xf32, #tpu.memory_space<hbm>> -> memref<80x128xf32, #tpu.memory_space<hbm>>
      tpu.wait_dma2 semaphore(%arg24 : memref<!tpu.dma_semaphore, #tpu.memory_space<semaphore_mem>>) src(%arg16 : memref<80x128xf32, #tpu.memory_space<vmem>>) dst(%dma_wait3A_255 : memref<80x128xf32, #tpu.memory_space<hbm>>)
      %le3A_256 = arith.constant 124 : i32
      %le3A_257 = arith.cmpi sle, %add3A_243, %le3A_256 : i32
      %convert_element_type3A_258 = arith.extui %le3A_257 : i1 to i32
      %cond3A_259 = arith.constant 0 : i32
      %cond3A_260 = arith.cmpi ne, %convert_element_type3A_258, %cond3A_259 : i32
      scf.if %cond3A_260 {
        %dma_start3A_284 = arith.constant 0 : i32
        %dma_start3A_285 = tpu.memref_slice %arg8[%add3A_243, %dma_start3A_284] : memref<125x80xi32, #tpu.memory_space<vmem>> -> memref<1x80xi32, #tpu.memory_space<vmem>>
        %dma_start3A_286 = tpu.memref_squeeze %dma_start3A_285 : memref<1x80xi32, #tpu.memory_space<vmem>> -> memref<80xi32, #tpu.memory_space<vmem>>
        %dma_start3A_287 = arith.constant 0 : i32
        %dma_start3A_288 = arith.constant 0 : i32
        %dma_start3A_289 = tpu.memref_slice %arg2[%dma_start3A_287, %dma_start3A_288] : memref<10000x128xf32, #tpu.memory_space<hbm>> -> memref<10000x128xf32, #tpu.memory_space<hbm>>
        tpu.enqueue_indirect_dma source(%dma_start3A_289 : memref<10000x128xf32, #tpu.memory_space<hbm>>) target(%arg12 : memref<80x128xf32, #tpu.memory_space<vmem>>) offsets(%dma_start3A_286 : memref<80xi32, #tpu.memory_space<vmem>>) semaphore(%arg20 : memref<!tpu.dma_semaphore, #tpu.memory_space<semaphore_mem>>)
        %dma_start3A_290 = arith.constant 0 : i32
        %dma_start3A_291 = tpu.memref_slice %arg9[%add3A_243, %dma_start3A_290] : memref<125x80xi32, #tpu.memory_space<vmem>> -> memref<1x80xi32, #tpu.memory_space<vmem>>
        %dma_start3A_292 = tpu.memref_squeeze %dma_start3A_291 : memref<1x80xi32, #tpu.memory_space<vmem>> -> memref<80xi32, #tpu.memory_space<vmem>>
        %dma_start3A_293 = arith.constant 0 : i32
        %dma_start3A_294 = arith.constant 0 : i32
        %dma_start3A_295 = tpu.memref_slice %arg3[%dma_start3A_293, %dma_start3A_294] : memref<10000x128xf32, #tpu.memory_space<hbm>> -> memref<10000x128xf32, #tpu.memory_space<hbm>>
        tpu.enqueue_indirect_dma source(%dma_start3A_295 : memref<10000x128xf32, #tpu.memory_space<hbm>>) target(%arg16 : memref<80x128xf32, #tpu.memory_space<vmem>>) offsets(%dma_start3A_292 : memref<80xi32, #tpu.memory_space<vmem>>) semaphore(%arg20 : memref<!tpu.dma_semaphore, #tpu.memory_space<semaphore_mem>>)
      } else {
      }
      %mul3A_261 = arith.constant 4 : i32
      %mul3A_262 = arith.muli %scan3A_78, %mul3A_261 : i32
      %add3A_263 = arith.constant 4 : i32
      %add3A_264 = arith.addi %mul3A_262, %add3A_263 : i32
      %add3A_265 = arith.constant 3 : i32
      %add3A_266 = arith.addi %add3A_264, %add3A_265 : i32
      %dma_wait3A_267 = arith.constant 0 : i32
      %dma_wait3A_268 = arith.constant 0 : i32
      %dma_wait3A_269 = tpu.memref_slice %arg6[%dma_wait3A_267, %dma_wait3A_268] : memref<320000x128xf32, #tpu.memory_space<hbm>> -> memref<80x128xf32, #tpu.memory_space<hbm>>
      %dma_wait3A_270 = arith.constant 0 : i32
      %dma_wait3A_271 = arith.constant 0 : i32
      %dma_wait3A_272 = tpu.memref_slice %arg6[%dma_wait3A_270, %dma_wait3A_271] : memref<320000x128xf32, #tpu.memory_space<hbm>> -> memref<80x128xf32, #tpu.memory_space<hbm>>
      tpu.wait_dma2 semaphore(%arg25 : memref<!tpu.dma_semaphore, #tpu.memory_space<semaphore_mem>>) src(%arg13 : memref<80x128xf32, #tpu.memory_space<vmem>>) dst(%dma_wait3A_272 : memref<80x128xf32, #tpu.memory_space<hbm>>)
      %dma_wait3A_273 = arith.constant 0 : i32
      %dma_wait3A_274 = arith.constant 0 : i32
      %dma_wait3A_275 = tpu.memref_slice %arg7[%dma_wait3A_273, %dma_wait3A_274] : memref<320000x128xf32, #tpu.memory_space<hbm>> -> memref<80x128xf32, #tpu.memory_space<hbm>>
      %dma_wait3A_276 = arith.constant 0 : i32
      %dma_wait3A_277 = arith.constant 0 : i32
      %dma_wait3A_278 = tpu.memref_slice %arg7[%dma_wait3A_276, %dma_wait3A_277] : memref<320000x128xf32, #tpu.memory_space<hbm>> -> memref<80x128xf32, #tpu.memory_space<hbm>>
      tpu.wait_dma2 semaphore(%arg25 : memref<!tpu.dma_semaphore, #tpu.memory_space<semaphore_mem>>) src(%arg17 : memref<80x128xf32, #tpu.memory_space<vmem>>) dst(%dma_wait3A_278 : memref<80x128xf32, #tpu.memory_space<hbm>>)
      %le3A_279 = arith.constant 124 : i32
      %le3A_280 = arith.cmpi sle, %add3A_266, %le3A_279 : i32
      %convert_element_type3A_281 = arith.extui %le3A_280 : i1 to i32
      %cond3A_282 = arith.constant 0 : i32
      %cond3A_283 = arith.cmpi ne, %convert_element_type3A_281, %cond3A_282 : i32
      scf.if %cond3A_283 {
        %dma_start3A_284 = arith.constant 0 : i32
        %dma_start3A_285 = tpu.memref_slice %arg8[%add3A_266, %dma_start3A_284] : memref<125x80xi32, #tpu.memory_space<vmem>> -> memref<1x80xi32, #tpu.memory_space<vmem>>
        %dma_start3A_286 = tpu.memref_squeeze %dma_start3A_285 : memref<1x80xi32, #tpu.memory_space<vmem>> -> memref<80xi32, #tpu.memory_space<vmem>>
        %dma_start3A_287 = arith.constant 0 : i32
        %dma_start3A_288 = arith.constant 0 : i32
        %dma_start3A_289 = tpu.memref_slice %arg2[%dma_start3A_287, %dma_start3A_288] : memref<10000x128xf32, #tpu.memory_space<hbm>> -> memref<10000x128xf32, #tpu.memory_space<hbm>>
        tpu.enqueue_indirect_dma source(%dma_start3A_289 : memref<10000x128xf32, #tpu.memory_space<hbm>>) target(%arg13 : memref<80x128xf32, #tpu.memory_space<vmem>>) offsets(%dma_start3A_286 : memref<80xi32, #tpu.memory_space<vmem>>) semaphore(%arg21 : memref<!tpu.dma_semaphore, #tpu.memory_space<semaphore_mem>>)
        %dma_start3A_290 = arith.constant 0 : i32
        %dma_start3A_291 = tpu.memref_slice %arg9[%add3A_266, %dma_start3A_290] : memref<125x80xi32, #tpu.memory_space<vmem>> -> memref<1x80xi32, #tpu.memory_space<vmem>>
        %dma_start3A_292 = tpu.memref_squeeze %dma_start3A_291 : memref<1x80xi32, #tpu.memory_space<vmem>> -> memref<80xi32, #tpu.memory_space<vmem>>
        %dma_start3A_293 = arith.constant 0 : i32
        %dma_start3A_294 = arith.constant 0 : i32
        %dma_start3A_295 = tpu.memref_slice %arg3[%dma_start3A_293, %dma_start3A_294] : memref<10000x128xf32, #tpu.memory_space<hbm>> -> memref<10000x128xf32, #tpu.memory_space<hbm>>
        tpu.enqueue_indirect_dma source(%dma_start3A_295 : memref<10000x128xf32, #tpu.memory_space<hbm>>) target(%arg17 : memref<80x128xf32, #tpu.memory_space<vmem>>) offsets(%dma_start3A_292 : memref<80xi32, #tpu.memory_space<vmem>>) semaphore(%arg21 : memref<!tpu.dma_semaphore, #tpu.memory_space<semaphore_mem>>)
      } else {
      }
    }
    %scan3A_62 = arith.constant 31 : i32
    %dma_wait3A = arith.constant 0 : i32
    %dma_wait3A_63 = arith.constant 0 : i32
    %dma_wait3A_64 = tpu.memref_slice %arg8[%dma_wait3A, %dma_wait3A_63] : memref<125x80xi32, #tpu.memory_space<vmem>> -> memref<1x80xi32, #tpu.memory_space<vmem>>
    %dma_wait3A_65 = tpu.memref_squeeze %dma_wait3A_64 : memref<1x80xi32, #tpu.memory_space<vmem>> -> memref<80xi32, #tpu.memory_space<vmem>>
    %dma_wait3A_66 = arith.constant 0 : i32
    %dma_wait3A_67 = arith.constant 0 : i32
    %dma_wait3A_68 = tpu.memref_slice %arg2[%dma_wait3A_66, %dma_wait3A_67] : memref<10000x128xf32, #tpu.memory_space<hbm>> -> memref<10000x128xf32, #tpu.memory_space<hbm>>
    tpu.wait_indirect_dma semaphore(%arg18 : memref<!tpu.dma_semaphore, #tpu.memory_space<semaphore_mem>>) src(%dma_wait3A_68 : memref<10000x128xf32, #tpu.memory_space<hbm>>) dst(%arg10 : memref<80x128xf32, #tpu.memory_space<vmem>>)
    %dma_wait3A_69 = arith.constant 0 : i32
    %dma_wait3A_70 = arith.constant 0 : i32
    %dma_wait3A_71 = tpu.memref_slice %arg9[%dma_wait3A_69, %dma_wait3A_70] : memref<125x80xi32, #tpu.memory_space<vmem>> -> memref<1x80xi32, #tpu.memory_space<vmem>>
    %dma_wait3A_72 = tpu.memref_squeeze %dma_wait3A_71 : memref<1x80xi32, #tpu.memory_space<vmem>> -> memref<80xi32, #tpu.memory_space<vmem>>
    %dma_wait3A_73 = arith.constant 0 : i32
    %dma_wait3A_74 = arith.constant 0 : i32
    %dma_wait3A_75 = tpu.memref_slice %arg3[%dma_wait3A_73, %dma_wait3A_74] : memref<10000x128xf32, #tpu.memory_space<hbm>> -> memref<10000x128xf32, #tpu.memory_space<hbm>>
    tpu.wait_indirect_dma semaphore(%arg18 : memref<!tpu.dma_semaphore, #tpu.memory_space<semaphore_mem>>) src(%dma_wait3A_75 : memref<10000x128xf32, #tpu.memory_space<hbm>>) dst(%arg14 : memref<80x128xf32, #tpu.memory_space<vmem>>)
    %add3A_76 = arith.constant 9920 : i32
    %add3A_77 = arith.addi %mul3A_2, %add3A_76 : i32
    "tpu.region"() ({
      %run_scoped3A = tpu.sem_alloc : memref<!tpu.dma_semaphore, #tpu.memory_space<semaphore_mem>>
      %dma_start3A_78 = arith.constant 0 : i32
      %dma_start3A_79 = tpu.memref_slice %arg6[%add3A_77, %dma_start3A_78] : memref<320000x128xf32, #tpu.memory_space<hbm>> -> memref<80x128xf32, #tpu.memory_space<hbm>>
      %dma_start3A_80 = arith.constant 0 : i32
      %dma_start3A_81 = tpu.memref_slice %arg6[%add3A_77, %dma_start3A_80] : memref<320000x128xf32, #tpu.memory_space<hbm>> -> memref<80x128xf32, #tpu.memory_space<hbm>>
      tpu.enqueue_dma source(%arg10 : memref<80x128xf32, #tpu.memory_space<vmem>>) target(%dma_start3A_81 : memref<80x128xf32, #tpu.memory_space<hbm>>) target_semaphore(%run_scoped3A : memref<!tpu.dma_semaphore, #tpu.memory_space<semaphore_mem>>)
      %dma_wait3A_82 = arith.constant 0 : i32
      %dma_wait3A_83 = tpu.memref_slice %arg6[%add3A_77, %dma_wait3A_82] : memref<320000x128xf32, #tpu.memory_space<hbm>> -> memref<80x128xf32, #tpu.memory_space<hbm>>
      %dma_wait3A_84 = arith.constant 0 : i32
      %dma_wait3A_85 = tpu.memref_slice %arg6[%add3A_77, %dma_wait3A_84] : memref<320000x128xf32, #tpu.memory_space<hbm>> -> memref<80x128xf32, #tpu.memory_space<hbm>>
      tpu.wait_dma2 semaphore(%run_scoped3A : memref<!tpu.dma_semaphore, #tpu.memory_space<semaphore_mem>>) src(%arg10 : memref<80x128xf32, #tpu.memory_space<vmem>>) dst(%dma_wait3A_85 : memref<80x128xf32, #tpu.memory_space<hbm>>)
      tpu.yield
    }) : () -> ()
    "tpu.region"() ({
      %run_scoped3A = tpu.sem_alloc : memref<!tpu.dma_semaphore, #tpu.memory_space<semaphore_mem>>
      %dma_start3A_78 = arith.constant 0 : i32
      %dma_start3A_79 = tpu.memref_slice %arg7[%add3A_77, %dma_start3A_78] : memref<320000x128xf32, #tpu.memory_space<hbm>> -> memref<80x128xf32, #tpu.memory_space<hbm>>
      %dma_start3A_80 = arith.constant 0 : i32
      %dma_start3A_81 = tpu.memref_slice %arg7[%add3A_77, %dma_start3A_80] : memref<320000x128xf32, #tpu.memory_space<hbm>> -> memref<80x128xf32, #tpu.memory_space<hbm>>
      tpu.enqueue_dma source(%arg14 : memref<80x128xf32, #tpu.memory_space<vmem>>) target(%dma_start3A_81 : memref<80x128xf32, #tpu.memory_space<hbm>>) target_semaphore(%run_scoped3A : memref<!tpu.dma_semaphore, #tpu.memory_space<semaphore_mem>>)
      %dma_wait3A_82 = arith.constant 0 : i32
      %dma_wait3A_83 = tpu.memref_slice %arg7[%add3A_77, %dma_wait3A_82] : memref<320000x128xf32, #tpu.memory_space<hbm>> -> memref<80x128xf32, #tpu.memory_space<hbm>>
      %dma_wait3A_84 = arith.constant 0 : i32
      %dma_wait3A_85 = tpu.memref_slice %arg7[%add3A_77, %dma_wait3A_84] : memref<320000x128xf32, #tpu.memory_space<hbm>> -> memref<80x128xf32, #tpu.memory_space<hbm>>
      tpu.wait_dma2 semaphore(%run_scoped3A : memref<!tpu.dma_semaphore, #tpu.memory_space<semaphore_mem>>) src(%arg14 : memref<80x128xf32, #tpu.memory_space<vmem>>) dst(%dma_wait3A_85 : memref<80x128xf32, #tpu.memory_space<hbm>>)
      tpu.yield
    }) : () -> ()
    return
  }
}

#map = affine_map<(d0, d1) -> (0, 0)>
#map1 = affine_map<(d0, d1) -> (0, 0, 0)>
module attributes {stable_mosaic.version = 14 : i64} {
  func.func @_scatter_dst(%arg0: i32, %arg1: i32, %arg2: memref<320000x128xf32, #tpu.memory_space<hbm>>, %arg3: memref<32x125x80xi32, #tpu.memory_space<hbm>>, %arg4: memref<10000x128xf32, #tpu.memory_space<hbm>>, %arg5: memref<20000x128xf32, #tpu.memory_space<hbm>>, %arg6: memref<125x80xi32, #tpu.memory_space<vmem>>, %arg7: memref<80x128xf32, #tpu.memory_space<vmem>>, %arg8: memref<80x128xf32, #tpu.memory_space<vmem>>, %arg9: memref<10000x128xf32, #tpu.memory_space<vmem_shared>>, %arg10: memref<!tpu.dma_semaphore, #tpu.memory_space<semaphore_mem>>, %arg11: memref<!tpu.dma_semaphore, #tpu.memory_space<semaphore_mem>>) attributes {dimension_semantics = [#tpu.dimension_semantics<core_parallel>, #tpu.dimension_semantics<subcore_parallel>], iteration_bounds = array<i64: 2, 16>, scalar_prefetch = 0 : i64, scratch_operands = 6 : i64, tpu.core_type = #tpu.core_type<sc_vector_subcore>, window_params = [{transform_indices = #map}, {transform_indices = #map1}, {transform_indices = #map}, {transform_indices = #map}]} {
    %mul3A = arith.constant 2 : i32
    %mul3A_0 = arith.muli %arg1, %mul3A : i32
    %add3A = arith.addi %mul3A_0, %arg0 : i32
    %mul3A_1 = arith.constant 10000 : i32
    %mul3A_2 = arith.muli %add3A, %mul3A_1 : i32
    %eq3A = arith.constant 0 : i32
    %eq3A_3 = arith.cmpi eq, %arg1, %eq3A : i32
    %convert_element_type3A = arith.extui %eq3A_3 : i1 to i32
    %cond3A = arith.constant 0 : i32
    %cond3A_4 = arith.cmpi ne, %convert_element_type3A, %cond3A : i32
    scf.if %cond3A_4 {
      "tpu.region"() ({
        %run_scoped3A_36 = tpu.sem_alloc : memref<!tpu.dma_semaphore, #tpu.memory_space<semaphore_mem>>
        tpu.enqueue_dma source(%arg4 : memref<10000x128xf32, #tpu.memory_space<hbm>>) target(%arg9 : memref<10000x128xf32, #tpu.memory_space<vmem_shared>>) target_semaphore(%run_scoped3A_36 : memref<!tpu.dma_semaphore, #tpu.memory_space<semaphore_mem>>)
        tpu.wait_dma2 semaphore(%run_scoped3A_36 : memref<!tpu.dma_semaphore, #tpu.memory_space<semaphore_mem>>) src(%arg4 : memref<10000x128xf32, #tpu.memory_space<hbm>>) dst(%arg9 : memref<10000x128xf32, #tpu.memory_space<vmem_shared>>)
        tpu.yield
      }) : () -> ()
    } else {
    }
    "tpu.region"() ({
      %run_scoped3A_36 = tpu.sem_alloc : memref<!tpu.dma_semaphore, #tpu.memory_space<semaphore_mem>>
      %dma_start3A_37 = arith.constant 0 : i32
      %dma_start3A_38 = arith.constant 0 : i32
      %dma_start3A_39 = tpu.memref_slice %arg3[%add3A, %dma_start3A_37, %dma_start3A_38] : memref<32x125x80xi32, #tpu.memory_space<hbm>> -> memref<1x125x80xi32, #tpu.memory_space<hbm>>
      %dma_start3A_40 = tpu.memref_squeeze %dma_start3A_39 : memref<1x125x80xi32, #tpu.memory_space<hbm>> -> memref<125x80xi32, #tpu.memory_space<hbm>>
      %dma_start3A_41 = arith.constant 0 : i32
      %dma_start3A_42 = arith.constant 0 : i32
      %dma_start3A_43 = tpu.memref_slice %arg3[%add3A, %dma_start3A_41, %dma_start3A_42] : memref<32x125x80xi32, #tpu.memory_space<hbm>> -> memref<1x125x80xi32, #tpu.memory_space<hbm>>
      %dma_start3A_44 = tpu.memref_squeeze %dma_start3A_43 : memref<1x125x80xi32, #tpu.memory_space<hbm>> -> memref<125x80xi32, #tpu.memory_space<hbm>>
      tpu.enqueue_dma source(%dma_start3A_44 : memref<125x80xi32, #tpu.memory_space<hbm>>) target(%arg6 : memref<125x80xi32, #tpu.memory_space<vmem>>) target_semaphore(%run_scoped3A_36 : memref<!tpu.dma_semaphore, #tpu.memory_space<semaphore_mem>>)
      %dma_wait3A_45 = arith.constant 0 : i32
      %dma_wait3A_46 = arith.constant 0 : i32
      %dma_wait3A_47 = tpu.memref_slice %arg3[%add3A, %dma_wait3A_45, %dma_wait3A_46] : memref<32x125x80xi32, #tpu.memory_space<hbm>> -> memref<1x125x80xi32, #tpu.memory_space<hbm>>
      %dma_wait3A_48 = tpu.memref_squeeze %dma_wait3A_47 : memref<1x125x80xi32, #tpu.memory_space<hbm>> -> memref<125x80xi32, #tpu.memory_space<hbm>>
      %dma_wait3A_49 = arith.constant 0 : i32
      %dma_wait3A_50 = arith.constant 0 : i32
      %dma_wait3A_51 = tpu.memref_slice %arg3[%add3A, %dma_wait3A_49, %dma_wait3A_50] : memref<32x125x80xi32, #tpu.memory_space<hbm>> -> memref<1x125x80xi32, #tpu.memory_space<hbm>>
      %dma_wait3A_52 = tpu.memref_squeeze %dma_wait3A_51 : memref<1x125x80xi32, #tpu.memory_space<hbm>> -> memref<125x80xi32, #tpu.memory_space<hbm>>
      tpu.wait_dma2 semaphore(%run_scoped3A_36 : memref<!tpu.dma_semaphore, #tpu.memory_space<semaphore_mem>>) src(%dma_wait3A_52 : memref<125x80xi32, #tpu.memory_space<hbm>>) dst(%arg6 : memref<125x80xi32, #tpu.memory_space<vmem>>)
      tpu.yield
    }) : () -> ()
    %barrier3A = arith.constant 0 : index
    tpu.barrier barrier_id(%barrier3A)
    %add3A_5 = arith.constant 0 : i32
    %add3A_6 = arith.addi %mul3A_2, %add3A_5 : i32
    %dma_start3A = arith.constant 0 : i32
    %dma_start3A_7 = tpu.memref_slice %arg2[%add3A_6, %dma_start3A] : memref<320000x128xf32, #tpu.memory_space<hbm>> -> memref<80x128xf32, #tpu.memory_space<hbm>>
    %dma_start3A_8 = arith.constant 0 : i32
    %dma_start3A_9 = tpu.memref_slice %arg2[%add3A_6, %dma_start3A_8] : memref<320000x128xf32, #tpu.memory_space<hbm>> -> memref<80x128xf32, #tpu.memory_space<hbm>>
    tpu.enqueue_dma source(%dma_start3A_9 : memref<80x128xf32, #tpu.memory_space<hbm>>) target(%arg7 : memref<80x128xf32, #tpu.memory_space<vmem>>) target_semaphore(%arg10 : memref<!tpu.dma_semaphore, #tpu.memory_space<semaphore_mem>>)
    %add3A_10 = arith.constant 80 : i32
    %add3A_11 = arith.addi %mul3A_2, %add3A_10 : i32
    %dma_start3A_12 = arith.constant 0 : i32
    %dma_start3A_13 = tpu.memref_slice %arg2[%add3A_11, %dma_start3A_12] : memref<320000x128xf32, #tpu.memory_space<hbm>> -> memref<80x128xf32, #tpu.memory_space<hbm>>
    %dma_start3A_14 = arith.constant 0 : i32
    %dma_start3A_15 = tpu.memref_slice %arg2[%add3A_11, %dma_start3A_14] : memref<320000x128xf32, #tpu.memory_space<hbm>> -> memref<80x128xf32, #tpu.memory_space<hbm>>
    tpu.enqueue_dma source(%dma_start3A_15 : memref<80x128xf32, #tpu.memory_space<hbm>>) target(%arg8 : memref<80x128xf32, #tpu.memory_space<vmem>>) target_semaphore(%arg11 : memref<!tpu.dma_semaphore, #tpu.memory_space<semaphore_mem>>)
    %scan3A = arith.constant 0 : i32
    %scan3A_16 = arith.constant 0 : i32
    %scan3A_17 = arith.constant 62 : i32
    %scan3A_18 = arith.addi %scan3A_16, %scan3A_17 : i32
    %scan3A_19 = arith.constant 1 : i32
    scf.for %scan3A_36 = %scan3A_16 to %scan3A_18 step %scan3A_19  : i32 {
      %mul3A_37 = arith.constant 2 : i32
      %mul3A_38 = arith.muli %scan3A_36, %mul3A_37 : i32
      %add3A_39 = arith.constant 0 : i32
      %add3A_40 = arith.addi %mul3A_38, %add3A_39 : i32
      %dma_wait3A_41 = arith.constant 0 : i32
      %dma_wait3A_42 = arith.constant 0 : i32
      %dma_wait3A_43 = tpu.memref_slice %arg2[%dma_wait3A_41, %dma_wait3A_42] : memref<320000x128xf32, #tpu.memory_space<hbm>> -> memref<80x128xf32, #tpu.memory_space<hbm>>
      %dma_wait3A_44 = arith.constant 0 : i32
      %dma_wait3A_45 = arith.constant 0 : i32
      %dma_wait3A_46 = tpu.memref_slice %arg2[%dma_wait3A_44, %dma_wait3A_45] : memref<320000x128xf32, #tpu.memory_space<hbm>> -> memref<80x128xf32, #tpu.memory_space<hbm>>
      tpu.wait_dma2 semaphore(%arg10 : memref<!tpu.dma_semaphore, #tpu.memory_space<semaphore_mem>>) src(%dma_wait3A_46 : memref<80x128xf32, #tpu.memory_space<hbm>>) dst(%arg7 : memref<80x128xf32, #tpu.memory_space<vmem>>)
      "tpu.region"() ({
        %run_scoped3A_70 = tpu.sem_alloc : memref<!tpu.dma_semaphore, #tpu.memory_space<semaphore_mem>>
        %dma_start3A_71 = arith.constant 0 : i32
        %dma_start3A_72 = tpu.memref_slice %arg6[%add3A_40, %dma_start3A_71] : memref<125x80xi32, #tpu.memory_space<vmem>> -> memref<1x80xi32, #tpu.memory_space<vmem>>
        %dma_start3A_73 = tpu.memref_squeeze %dma_start3A_72 : memref<1x80xi32, #tpu.memory_space<vmem>> -> memref<80xi32, #tpu.memory_space<vmem>>
        %dma_start3A_74 = arith.constant 0 : i32
        %dma_start3A_75 = arith.constant 0 : i32
        %dma_start3A_76 = tpu.memref_slice %arg9[%dma_start3A_74, %dma_start3A_75] : memref<10000x128xf32, #tpu.memory_space<vmem_shared>> -> memref<10000x128xf32, #tpu.memory_space<vmem_shared>>
        tpu.enqueue_indirect_dma source(%arg7 : memref<80x128xf32, #tpu.memory_space<vmem>>) target(%dma_start3A_76 : memref<10000x128xf32, #tpu.memory_space<vmem_shared>>) offsets(%dma_start3A_73 : memref<80xi32, #tpu.memory_space<vmem>>) semaphore(%run_scoped3A_70 : memref<!tpu.dma_semaphore, #tpu.memory_space<semaphore_mem>>) {add = true}
        %dma_wait3A_77 = arith.constant 0 : i32
        %dma_wait3A_78 = tpu.memref_slice %arg6[%add3A_40, %dma_wait3A_77] : memref<125x80xi32, #tpu.memory_space<vmem>> -> memref<1x80xi32, #tpu.memory_space<vmem>>
        %dma_wait3A_79 = tpu.memref_squeeze %dma_wait3A_78 : memref<1x80xi32, #tpu.memory_space<vmem>> -> memref<80xi32, #tpu.memory_space<vmem>>
        %dma_wait3A_80 = arith.constant 0 : i32
        %dma_wait3A_81 = arith.constant 0 : i32
        %dma_wait3A_82 = tpu.memref_slice %arg9[%dma_wait3A_80, %dma_wait3A_81] : memref<10000x128xf32, #tpu.memory_space<vmem_shared>> -> memref<10000x128xf32, #tpu.memory_space<vmem_shared>>
        tpu.wait_indirect_dma semaphore(%run_scoped3A_70 : memref<!tpu.dma_semaphore, #tpu.memory_space<semaphore_mem>>) src(%arg7 : memref<80x128xf32, #tpu.memory_space<vmem>>) dst(%dma_wait3A_82 : memref<10000x128xf32, #tpu.memory_space<vmem_shared>>)
        tpu.yield
      }) : () -> ()
      %add3A_47 = arith.constant 2 : i32
      %add3A_48 = arith.addi %add3A_40, %add3A_47 : i32
      %le3A = arith.constant 124 : i32
      %le3A_49 = arith.cmpi sle, %add3A_48, %le3A : i32
      %convert_element_type3A_50 = arith.extui %le3A_49 : i1 to i32
      %cond3A_51 = arith.constant 0 : i32
      %cond3A_52 = arith.cmpi ne, %convert_element_type3A_50, %cond3A_51 : i32
      scf.if %cond3A_52 {
        %mul3A_70 = arith.constant 80 : i32
        %mul3A_71 = arith.muli %add3A_48, %mul3A_70 : i32
        %add3A_72 = arith.addi %mul3A_2, %mul3A_71 : i32
        %dma_start3A_73 = arith.constant 0 : i32
        %dma_start3A_74 = tpu.memref_slice %arg2[%add3A_72, %dma_start3A_73] : memref<320000x128xf32, #tpu.memory_space<hbm>> -> memref<80x128xf32, #tpu.memory_space<hbm>>
        %dma_start3A_75 = arith.constant 0 : i32
        %dma_start3A_76 = tpu.memref_slice %arg2[%add3A_72, %dma_start3A_75] : memref<320000x128xf32, #tpu.memory_space<hbm>> -> memref<80x128xf32, #tpu.memory_space<hbm>>
        tpu.enqueue_dma source(%dma_start3A_76 : memref<80x128xf32, #tpu.memory_space<hbm>>) target(%arg7 : memref<80x128xf32, #tpu.memory_space<vmem>>) target_semaphore(%arg10 : memref<!tpu.dma_semaphore, #tpu.memory_space<semaphore_mem>>)
      } else {
      }
      %mul3A_53 = arith.constant 2 : i32
      %mul3A_54 = arith.muli %scan3A_36, %mul3A_53 : i32
      %add3A_55 = arith.constant 1 : i32
      %add3A_56 = arith.addi %mul3A_54, %add3A_55 : i32
      %dma_wait3A_57 = arith.constant 0 : i32
      %dma_wait3A_58 = arith.constant 0 : i32
      %dma_wait3A_59 = tpu.memref_slice %arg2[%dma_wait3A_57, %dma_wait3A_58] : memref<320000x128xf32, #tpu.memory_space<hbm>> -> memref<80x128xf32, #tpu.memory_space<hbm>>
      %dma_wait3A_60 = arith.constant 0 : i32
      %dma_wait3A_61 = arith.constant 0 : i32
      %dma_wait3A_62 = tpu.memref_slice %arg2[%dma_wait3A_60, %dma_wait3A_61] : memref<320000x128xf32, #tpu.memory_space<hbm>> -> memref<80x128xf32, #tpu.memory_space<hbm>>
      tpu.wait_dma2 semaphore(%arg11 : memref<!tpu.dma_semaphore, #tpu.memory_space<semaphore_mem>>) src(%dma_wait3A_62 : memref<80x128xf32, #tpu.memory_space<hbm>>) dst(%arg8 : memref<80x128xf32, #tpu.memory_space<vmem>>)
      "tpu.region"() ({
        %run_scoped3A_70 = tpu.sem_alloc : memref<!tpu.dma_semaphore, #tpu.memory_space<semaphore_mem>>
        %dma_start3A_71 = arith.constant 0 : i32
        %dma_start3A_72 = tpu.memref_slice %arg6[%add3A_56, %dma_start3A_71] : memref<125x80xi32, #tpu.memory_space<vmem>> -> memref<1x80xi32, #tpu.memory_space<vmem>>
        %dma_start3A_73 = tpu.memref_squeeze %dma_start3A_72 : memref<1x80xi32, #tpu.memory_space<vmem>> -> memref<80xi32, #tpu.memory_space<vmem>>
        %dma_start3A_74 = arith.constant 0 : i32
        %dma_start3A_75 = arith.constant 0 : i32
        %dma_start3A_76 = tpu.memref_slice %arg9[%dma_start3A_74, %dma_start3A_75] : memref<10000x128xf32, #tpu.memory_space<vmem_shared>> -> memref<10000x128xf32, #tpu.memory_space<vmem_shared>>
        tpu.enqueue_indirect_dma source(%arg8 : memref<80x128xf32, #tpu.memory_space<vmem>>) target(%dma_start3A_76 : memref<10000x128xf32, #tpu.memory_space<vmem_shared>>) offsets(%dma_start3A_73 : memref<80xi32, #tpu.memory_space<vmem>>) semaphore(%run_scoped3A_70 : memref<!tpu.dma_semaphore, #tpu.memory_space<semaphore_mem>>) {add = true}
        %dma_wait3A_77 = arith.constant 0 : i32
        %dma_wait3A_78 = tpu.memref_slice %arg6[%add3A_56, %dma_wait3A_77] : memref<125x80xi32, #tpu.memory_space<vmem>> -> memref<1x80xi32, #tpu.memory_space<vmem>>
        %dma_wait3A_79 = tpu.memref_squeeze %dma_wait3A_78 : memref<1x80xi32, #tpu.memory_space<vmem>> -> memref<80xi32, #tpu.memory_space<vmem>>
        %dma_wait3A_80 = arith.constant 0 : i32
        %dma_wait3A_81 = arith.constant 0 : i32
        %dma_wait3A_82 = tpu.memref_slice %arg9[%dma_wait3A_80, %dma_wait3A_81] : memref<10000x128xf32, #tpu.memory_space<vmem_shared>> -> memref<10000x128xf32, #tpu.memory_space<vmem_shared>>
        tpu.wait_indirect_dma semaphore(%run_scoped3A_70 : memref<!tpu.dma_semaphore, #tpu.memory_space<semaphore_mem>>) src(%arg8 : memref<80x128xf32, #tpu.memory_space<vmem>>) dst(%dma_wait3A_82 : memref<10000x128xf32, #tpu.memory_space<vmem_shared>>)
        tpu.yield
      }) : () -> ()
      %add3A_63 = arith.constant 2 : i32
      %add3A_64 = arith.addi %add3A_56, %add3A_63 : i32
      %le3A_65 = arith.constant 124 : i32
      %le3A_66 = arith.cmpi sle, %add3A_64, %le3A_65 : i32
      %convert_element_type3A_67 = arith.extui %le3A_66 : i1 to i32
      %cond3A_68 = arith.constant 0 : i32
      %cond3A_69 = arith.cmpi ne, %convert_element_type3A_67, %cond3A_68 : i32
      scf.if %cond3A_69 {
        %mul3A_70 = arith.constant 80 : i32
        %mul3A_71 = arith.muli %add3A_64, %mul3A_70 : i32
        %add3A_72 = arith.addi %mul3A_2, %mul3A_71 : i32
        %dma_start3A_73 = arith.constant 0 : i32
        %dma_start3A_74 = tpu.memref_slice %arg2[%add3A_72, %dma_start3A_73] : memref<320000x128xf32, #tpu.memory_space<hbm>> -> memref<80x128xf32, #tpu.memory_space<hbm>>
        %dma_start3A_75 = arith.constant 0 : i32
        %dma_start3A_76 = tpu.memref_slice %arg2[%add3A_72, %dma_start3A_75] : memref<320000x128xf32, #tpu.memory_space<hbm>> -> memref<80x128xf32, #tpu.memory_space<hbm>>
        tpu.enqueue_dma source(%dma_start3A_76 : memref<80x128xf32, #tpu.memory_space<hbm>>) target(%arg8 : memref<80x128xf32, #tpu.memory_space<vmem>>) target_semaphore(%arg11 : memref<!tpu.dma_semaphore, #tpu.memory_space<semaphore_mem>>)
      } else {
      }
    }
    %scan3A_20 = arith.constant 62 : i32
    %dma_wait3A = arith.constant 0 : i32
    %dma_wait3A_21 = arith.constant 0 : i32
    %dma_wait3A_22 = tpu.memref_slice %arg2[%dma_wait3A, %dma_wait3A_21] : memref<320000x128xf32, #tpu.memory_space<hbm>> -> memref<80x128xf32, #tpu.memory_space<hbm>>
    %dma_wait3A_23 = arith.constant 0 : i32
    %dma_wait3A_24 = arith.constant 0 : i32
    %dma_wait3A_25 = tpu.memref_slice %arg2[%dma_wait3A_23, %dma_wait3A_24] : memref<320000x128xf32, #tpu.memory_space<hbm>> -> memref<80x128xf32, #tpu.memory_space<hbm>>
    tpu.wait_dma2 semaphore(%arg10 : memref<!tpu.dma_semaphore, #tpu.memory_space<semaphore_mem>>) src(%dma_wait3A_25 : memref<80x128xf32, #tpu.memory_space<hbm>>) dst(%arg7 : memref<80x128xf32, #tpu.memory_space<vmem>>)
    %run_scoped3A = arith.constant 124 : i32
    "tpu.region"() ({
      %run_scoped3A_36 = tpu.sem_alloc : memref<!tpu.dma_semaphore, #tpu.memory_space<semaphore_mem>>
      %dma_start3A_37 = arith.constant 0 : i32
      %dma_start3A_38 = tpu.memref_slice %arg6[%run_scoped3A, %dma_start3A_37] : memref<125x80xi32, #tpu.memory_space<vmem>> -> memref<1x80xi32, #tpu.memory_space<vmem>>
      %dma_start3A_39 = tpu.memref_squeeze %dma_start3A_38 : memref<1x80xi32, #tpu.memory_space<vmem>> -> memref<80xi32, #tpu.memory_space<vmem>>
      %dma_start3A_40 = arith.constant 0 : i32
      %dma_start3A_41 = arith.constant 0 : i32
      %dma_start3A_42 = tpu.memref_slice %arg9[%dma_start3A_40, %dma_start3A_41] : memref<10000x128xf32, #tpu.memory_space<vmem_shared>> -> memref<10000x128xf32, #tpu.memory_space<vmem_shared>>
      tpu.enqueue_indirect_dma source(%arg7 : memref<80x128xf32, #tpu.memory_space<vmem>>) target(%dma_start3A_42 : memref<10000x128xf32, #tpu.memory_space<vmem_shared>>) offsets(%dma_start3A_39 : memref<80xi32, #tpu.memory_space<vmem>>) semaphore(%run_scoped3A_36 : memref<!tpu.dma_semaphore, #tpu.memory_space<semaphore_mem>>) {add = true}
      %dma_wait3A_43 = arith.constant 0 : i32
      %dma_wait3A_44 = tpu.memref_slice %arg6[%run_scoped3A, %dma_wait3A_43] : memref<125x80xi32, #tpu.memory_space<vmem>> -> memref<1x80xi32, #tpu.memory_space<vmem>>
      %dma_wait3A_45 = tpu.memref_squeeze %dma_wait3A_44 : memref<1x80xi32, #tpu.memory_space<vmem>> -> memref<80xi32, #tpu.memory_space<vmem>>
      %dma_wait3A_46 = arith.constant 0 : i32
      %dma_wait3A_47 = arith.constant 0 : i32
      %dma_wait3A_48 = tpu.memref_slice %arg9[%dma_wait3A_46, %dma_wait3A_47] : memref<10000x128xf32, #tpu.memory_space<vmem_shared>> -> memref<10000x128xf32, #tpu.memory_space<vmem_shared>>
      tpu.wait_indirect_dma semaphore(%run_scoped3A_36 : memref<!tpu.dma_semaphore, #tpu.memory_space<semaphore_mem>>) src(%arg7 : memref<80x128xf32, #tpu.memory_space<vmem>>) dst(%dma_wait3A_48 : memref<10000x128xf32, #tpu.memory_space<vmem_shared>>)
      tpu.yield
    }) : () -> ()
    %barrier3A_26 = arith.constant 0 : index
    tpu.barrier barrier_id(%barrier3A_26)
    %lt3A = arith.constant 15 : i32
    %lt3A_27 = arith.cmpi slt, %arg1, %lt3A : i32
    %convert_element_type3A_28 = arith.extui %lt3A_27 : i1 to i32
    %cond3A_29 = arith.constant 0 : i32
    %cond3A_30 = arith.cmpi ne, %convert_element_type3A_28, %cond3A_29 : i32
    scf.if %cond3A_30 {
      %mul3A_36 = arith.constant 624 : i32
      %mul3A_37 = arith.muli %arg1, %mul3A_36 : i32
      %mul3A_38 = arith.constant 10000 : i32
      %mul3A_39 = arith.muli %arg0, %mul3A_38 : i32
      %mul3A_40 = arith.constant 624 : i32
      %mul3A_41 = arith.muli %arg1, %mul3A_40 : i32
      %add3A_42 = arith.addi %mul3A_39, %mul3A_41 : i32
      "tpu.region"() ({
        %run_scoped3A_43 = tpu.sem_alloc : memref<!tpu.dma_semaphore, #tpu.memory_space<semaphore_mem>>
        %dma_start3A_44 = arith.constant 0 : i32
        %dma_start3A_45 = tpu.memref_slice %arg5[%add3A_42, %dma_start3A_44] : memref<20000x128xf32, #tpu.memory_space<hbm>> -> memref<624x128xf32, #tpu.memory_space<hbm>>
        %dma_start3A_46 = arith.constant 0 : i32
        %dma_start3A_47 = tpu.memref_slice %arg9[%mul3A_37, %dma_start3A_46] : memref<10000x128xf32, #tpu.memory_space<vmem_shared>> -> memref<624x128xf32, #tpu.memory_space<vmem_shared>>
        tpu.enqueue_dma source(%dma_start3A_47 : memref<624x128xf32, #tpu.memory_space<vmem_shared>>) target(%dma_start3A_45 : memref<624x128xf32, #tpu.memory_space<hbm>>) target_semaphore(%run_scoped3A_43 : memref<!tpu.dma_semaphore, #tpu.memory_space<semaphore_mem>>)
        %dma_wait3A_48 = arith.constant 0 : i32
        %dma_wait3A_49 = tpu.memref_slice %arg5[%add3A_42, %dma_wait3A_48] : memref<20000x128xf32, #tpu.memory_space<hbm>> -> memref<624x128xf32, #tpu.memory_space<hbm>>
        %dma_wait3A_50 = arith.constant 0 : i32
        %dma_wait3A_51 = tpu.memref_slice %arg9[%mul3A_37, %dma_wait3A_50] : memref<10000x128xf32, #tpu.memory_space<vmem_shared>> -> memref<624x128xf32, #tpu.memory_space<vmem_shared>>
        tpu.wait_dma2 semaphore(%run_scoped3A_43 : memref<!tpu.dma_semaphore, #tpu.memory_space<semaphore_mem>>) src(%dma_wait3A_51 : memref<624x128xf32, #tpu.memory_space<vmem_shared>>) dst(%dma_wait3A_49 : memref<624x128xf32, #tpu.memory_space<hbm>>)
        tpu.yield
      }) : () -> ()
    } else {
    }
    %eq3A_31 = arith.constant 15 : i32
    %eq3A_32 = arith.cmpi eq, %arg1, %eq3A_31 : i32
    %convert_element_type3A_33 = arith.extui %eq3A_32 : i1 to i32
    %cond3A_34 = arith.constant 0 : i32
    %cond3A_35 = arith.cmpi ne, %convert_element_type3A_33, %cond3A_34 : i32
    scf.if %cond3A_35 {
      %mul3A_36 = arith.constant 10000 : i32
      %mul3A_37 = arith.muli %arg0, %mul3A_36 : i32
      %add3A_38 = arith.constant 9360 : i32
      %add3A_39 = arith.addi %mul3A_37, %add3A_38 : i32
      "tpu.region"() ({
        %run_scoped3A_40 = tpu.sem_alloc : memref<!tpu.dma_semaphore, #tpu.memory_space<semaphore_mem>>
        %dma_start3A_41 = arith.constant 0 : i32
        %dma_start3A_42 = tpu.memref_slice %arg5[%add3A_39, %dma_start3A_41] : memref<20000x128xf32, #tpu.memory_space<hbm>> -> memref<640x128xf32, #tpu.memory_space<hbm>>
        %dma_start3A_43 = arith.constant 9360 : i32
        %dma_start3A_44 = arith.constant 0 : i32
        %dma_start3A_45 = tpu.memref_slice %arg9[%dma_start3A_43, %dma_start3A_44] : memref<10000x128xf32, #tpu.memory_space<vmem_shared>> -> memref<640x128xf32, #tpu.memory_space<vmem_shared>>
        tpu.enqueue_dma source(%dma_start3A_45 : memref<640x128xf32, #tpu.memory_space<vmem_shared>>) target(%dma_start3A_42 : memref<640x128xf32, #tpu.memory_space<hbm>>) target_semaphore(%run_scoped3A_40 : memref<!tpu.dma_semaphore, #tpu.memory_space<semaphore_mem>>)
        %dma_wait3A_46 = arith.constant 0 : i32
        %dma_wait3A_47 = tpu.memref_slice %arg5[%add3A_39, %dma_wait3A_46] : memref<20000x128xf32, #tpu.memory_space<hbm>> -> memref<640x128xf32, #tpu.memory_space<hbm>>
        %dma_wait3A_48 = arith.constant 9360 : i32
        %dma_wait3A_49 = arith.constant 0 : i32
        %dma_wait3A_50 = tpu.memref_slice %arg9[%dma_wait3A_48, %dma_wait3A_49] : memref<10000x128xf32, #tpu.memory_space<vmem_shared>> -> memref<640x128xf32, #tpu.memory_space<vmem_shared>>
        tpu.wait_dma2 semaphore(%run_scoped3A_40 : memref<!tpu.dma_semaphore, #tpu.memory_space<semaphore_mem>>) src(%dma_wait3A_50 : memref<640x128xf32, #tpu.memory_space<vmem_shared>>) dst(%dma_wait3A_47 : memref<640x128xf32, #tpu.memory_space<hbm>>)
        tpu.yield
      }) : () -> ()
    } else {
    }
    return
  }
}

module attributes {stable_mosaic.version = 14 : i64} {
  func.func @_mlp2_body(%arg0: i32, %arg1: memref<1000x128xf32, #tpu.memory_space<vmem>>, %arg2: memref<128x128xf32, #tpu.memory_space<vmem>>, %arg3: memref<1x128xf32, #tpu.memory_space<vmem>>, %arg4: memref<128x128xf32, #tpu.memory_space<vmem>>, %arg5: memref<1x128xf32, #tpu.memory_space<vmem>>, %arg6: memref<1000x128xf32, #tpu.memory_space<vmem>>) attributes {dimension_semantics = [#tpu.dimension_semantics<arbitrary>], iteration_bounds = array<i64: 10>, scalar_prefetch = 0 : i64, scratch_operands = 0 : i64, tpu.core_type = #tpu.core_type<tc>, window_params = [{transform_indices = @transform_0, window_bounds = array<i64: 1000, 128>}, {pipeline_mode = #tpu.pipeline_mode<synchronous>, transform_indices = @transform_1, window_bounds = array<i64: 128, 128>}, {pipeline_mode = #tpu.pipeline_mode<synchronous>, transform_indices = @transform_2, window_bounds = array<i64: 1, 128>}, {pipeline_mode = #tpu.pipeline_mode<synchronous>, transform_indices = @transform_3, window_bounds = array<i64: 128, 128>}, {pipeline_mode = #tpu.pipeline_mode<synchronous>, transform_indices = @transform_4, window_bounds = array<i64: 1, 128>}, {transform_indices = @transform_5, window_bounds = array<i64: 1000, 128>}]} {
    %get3A = arith.constant 0 : index
    %get3A_0 = arith.constant 0 : index
    %get3A_1 = vector.load %arg1[%get3A, %get3A_0] : memref<1000x128xf32, #tpu.memory_space<vmem>>, vector<1000x128xf32>
    %get3A_2 = arith.constant 0 : index
    %get3A_3 = arith.constant 0 : index
    %get3A_4 = vector.load %arg2[%get3A_2, %get3A_3] : memref<128x128xf32, #tpu.memory_space<vmem>>, vector<128x128xf32>
    %dot_general3A = arith.constant dense<0.000000e+00> : vector<1000x128xf32>
    %dot_general3A_5 = tpu.matmul %get3A_1, %get3A_4, %dot_general3A {dimension_numbers = #tpu.dot_dimension_numbers<[1], [0], [0], [1], [0, 0, 1, 1], [], []>, transpose_lhs_hint = false} : vector<1000x128xf32>, vector<128x128xf32>, vector<1000x128xf32> -> vector<1000x128xf32>
    %get3A_6 = arith.constant 0 : index
    %get3A_7 = arith.constant 0 : index
    %get3A_8 = vector.load %arg3[%get3A_6, %get3A_7] : memref<1x128xf32, #tpu.memory_space<vmem>>, vector<1x128xf32>
    %add3A = vector.broadcast %get3A_8 : vector<1x128xf32> to vector<1000x128xf32>
    %add3A_9 = arith.addf %dot_general3A_5, %add3A : vector<1000x128xf32>
    %get3A_10 = arith.constant 0 : index
    %get3A_11 = arith.constant 0 : index
    %get3A_12 = vector.load %arg4[%get3A_10, %get3A_11] : memref<128x128xf32, #tpu.memory_space<vmem>>, vector<128x128xf32>
    %dot_general3A_13 = arith.constant dense<0.000000e+00> : vector<1000x128xf32>
    %dot_general3A_14 = tpu.matmul %add3A_9, %get3A_12, %dot_general3A_13 {dimension_numbers = #tpu.dot_dimension_numbers<[1], [0], [0], [1], [0, 0, 1, 1], [], []>, transpose_lhs_hint = false} : vector<1000x128xf32>, vector<128x128xf32>, vector<1000x128xf32> -> vector<1000x128xf32>
    %get3A_15 = arith.constant 0 : index
    %get3A_16 = arith.constant 0 : index
    %get3A_17 = vector.load %arg5[%get3A_15, %get3A_16] : memref<1x128xf32, #tpu.memory_space<vmem>>, vector<1x128xf32>
    %add3A_18 = vector.broadcast %get3A_17 : vector<1x128xf32> to vector<1000x128xf32>
    %add3A_19 = arith.addf %dot_general3A_14, %add3A_18 : vector<1000x128xf32>
    %swap3A = arith.constant 0 : index
    %swap3A_20 = arith.constant 0 : index
    %swap3A_21 = vector.load %arg6[%swap3A, %swap3A_20] : memref<1000x128xf32, #tpu.memory_space<vmem>>, vector<1000x128xf32>
    tpu.vector_store %arg6[%swap3A, %swap3A_20], %add3A_19 {strides = array<i32>} : memref<1000x128xf32, #tpu.memory_space<vmem>>, vector<1000x128xf32>,
    return
  }
  func.func @transform_0(%arg0: i32) -> (i32, i32) {
    %c0_i32 = arith.constant 0 : i32
    %c0_i32_0 = arith.constant 0 : i32
    return %arg0, %c0_i32 : i32, i32
  }
  func.func @transform_1(%arg0: i32) -> (i32, i32) {
    %c0_i32 = arith.constant 0 : i32
    %c0_i32_0 = arith.constant 0 : i32
    %c0_i32_1 = arith.constant 0 : i32
    return %c0_i32, %c0_i32_0 : i32, i32
  }
  func.func @transform_2(%arg0: i32) -> (i32, i32) {
    %c0_i32 = arith.constant 0 : i32
    %c0_i32_0 = arith.constant 0 : i32
    %c0_i32_1 = arith.constant 0 : i32
    return %c0_i32, %c0_i32_0 : i32, i32
  }
  func.func @transform_3(%arg0: i32) -> (i32, i32) {
    %c0_i32 = arith.constant 0 : i32
    %c0_i32_0 = arith.constant 0 : i32
    %c0_i32_1 = arith.constant 0 : i32
    return %c0_i32, %c0_i32_0 : i32, i32
  }
  func.func @transform_4(%arg0: i32) -> (i32, i32) {
    %c0_i32 = arith.constant 0 : i32
    %c0_i32_0 = arith.constant 0 : i32
    %c0_i32_1 = arith.constant 0 : i32
    return %c0_i32, %c0_i32_0 : i32, i32
  }
  func.func @transform_5(%arg0: i32) -> (i32, i32) {
    %c0_i32 = arith.constant 0 : i32
    %c0_i32_0 = arith.constant 0 : i32
    return %arg0, %c0_i32 : i32, i32
  }
}

module attributes {stable_mosaic.version = 14 : i64} {
  func.func @_ab_body(%arg0: i32, %arg1: memref<2000x128xf32, #tpu.memory_space<vmem>>, %arg2: memref<128x128xf32, #tpu.memory_space<vmem>>, %arg3: memref<128x128xf32, #tpu.memory_space<vmem>>, %arg4: memref<2000x128xf32, #tpu.memory_space<vmem>>, %arg5: memref<2000x128xf32, #tpu.memory_space<vmem>>) attributes {dimension_semantics = [#tpu.dimension_semantics<arbitrary>], iteration_bounds = array<i64: 5>, scalar_prefetch = 0 : i64, scratch_operands = 0 : i64, tpu.core_type = #tpu.core_type<tc>, window_params = [{transform_indices = @transform_0, window_bounds = array<i64: 2000, 128>}, {pipeline_mode = #tpu.pipeline_mode<synchronous>, transform_indices = @transform_1, window_bounds = array<i64: 128, 128>}, {pipeline_mode = #tpu.pipeline_mode<synchronous>, transform_indices = @transform_2, window_bounds = array<i64: 128, 128>}, {transform_indices = @transform_3, window_bounds = array<i64: 2000, 128>}, {transform_indices = @transform_4, window_bounds = array<i64: 2000, 128>}]} {
    %get3A = arith.constant 0 : index
    %get3A_0 = arith.constant 0 : index
    %get3A_1 = vector.load %arg1[%get3A, %get3A_0] : memref<2000x128xf32, #tpu.memory_space<vmem>>, vector<2000x128xf32>
    %get3A_2 = arith.constant 0 : index
    %get3A_3 = arith.constant 0 : index
    %get3A_4 = vector.load %arg2[%get3A_2, %get3A_3] : memref<128x128xf32, #tpu.memory_space<vmem>>, vector<128x128xf32>
    %dot_general3A = arith.constant dense<0.000000e+00> : vector<2000x128xf32>
    %dot_general3A_5 = tpu.matmul %get3A_1, %get3A_4, %dot_general3A {dimension_numbers = #tpu.dot_dimension_numbers<[1], [0], [0], [1], [0, 0, 1, 1], [], []>, transpose_lhs_hint = false} : vector<2000x128xf32>, vector<128x128xf32>, vector<2000x128xf32> -> vector<2000x128xf32>
    %swap3A = arith.constant 0 : index
    %swap3A_6 = arith.constant 0 : index
    %swap3A_7 = vector.load %arg4[%swap3A, %swap3A_6] : memref<2000x128xf32, #tpu.memory_space<vmem>>, vector<2000x128xf32>
    tpu.vector_store %arg4[%swap3A, %swap3A_6], %dot_general3A_5 {strides = array<i32>} : memref<2000x128xf32, #tpu.memory_space<vmem>>, vector<2000x128xf32>,
    %get3A_8 = arith.constant 0 : index
    %get3A_9 = arith.constant 0 : index
    %get3A_10 = vector.load %arg3[%get3A_8, %get3A_9] : memref<128x128xf32, #tpu.memory_space<vmem>>, vector<128x128xf32>
    %dot_general3A_11 = arith.constant dense<0.000000e+00> : vector<2000x128xf32>
    %dot_general3A_12 = tpu.matmul %get3A_1, %get3A_10, %dot_general3A_11 {dimension_numbers = #tpu.dot_dimension_numbers<[1], [0], [0], [1], [0, 0, 1, 1], [], []>, transpose_lhs_hint = false} : vector<2000x128xf32>, vector<128x128xf32>, vector<2000x128xf32> -> vector<2000x128xf32>
    %swap3A_13 = arith.constant 0 : index
    %swap3A_14 = arith.constant 0 : index
    %swap3A_15 = vector.load %arg5[%swap3A_13, %swap3A_14] : memref<2000x128xf32, #tpu.memory_space<vmem>>, vector<2000x128xf32>
    tpu.vector_store %arg5[%swap3A_13, %swap3A_14], %dot_general3A_12 {strides = array<i32>} : memref<2000x128xf32, #tpu.memory_space<vmem>>, vector<2000x128xf32>,
    return
  }
  func.func @transform_0(%arg0: i32) -> (i32, i32) {
    %c0_i32 = arith.constant 0 : i32
    %c0_i32_0 = arith.constant 0 : i32
    return %arg0, %c0_i32 : i32, i32
  }
  func.func @transform_1(%arg0: i32) -> (i32, i32) {
    %c0_i32 = arith.constant 0 : i32
    %c0_i32_0 = arith.constant 0 : i32
    %c0_i32_1 = arith.constant 0 : i32
    return %c0_i32, %c0_i32_0 : i32, i32
  }
  func.func @transform_2(%arg0: i32) -> (i32, i32) {
    %c0_i32 = arith.constant 0 : i32
    %c0_i32_0 = arith.constant 0 : i32
    %c0_i32_1 = arith.constant 0 : i32
    return %c0_i32, %c0_i32_0 : i32, i32
  }
  func.func @transform_3(%arg0: i32) -> (i32, i32) {
    %c0_i32 = arith.constant 0 : i32
    %c0_i32_0 = arith.constant 0 : i32
    return %arg0, %c0_i32 : i32, i32
  }
  func.func @transform_4(%arg0: i32) -> (i32, i32) {
    %c0_i32 = arith.constant 0 : i32
    %c0_i32_0 = arith.constant 0 : i32
    return %arg0, %c0_i32 : i32, i32
  }
}

module attributes {stable_mosaic.version = 14 : i64} {
  func.func @_mlp2_body(%arg0: i32, %arg1: memref<4000x16xf32, #tpu.memory_space<vmem>>, %arg2: memref<16x128xf32, #tpu.memory_space<vmem>>, %arg3: memref<1x128xf32, #tpu.memory_space<vmem>>, %arg4: memref<128x128xf32, #tpu.memory_space<vmem>>, %arg5: memref<1x128xf32, #tpu.memory_space<vmem>>, %arg6: memref<4000x128xf32, #tpu.memory_space<vmem>>) attributes {dimension_semantics = [#tpu.dimension_semantics<arbitrary>], iteration_bounds = array<i64: 80>, scalar_prefetch = 0 : i64, scratch_operands = 0 : i64, tpu.core_type = #tpu.core_type<tc>, window_params = [{transform_indices = @transform_0, window_bounds = array<i64: 4000, 16>}, {pipeline_mode = #tpu.pipeline_mode<synchronous>, transform_indices = @transform_1, window_bounds = array<i64: 16, 128>}, {pipeline_mode = #tpu.pipeline_mode<synchronous>, transform_indices = @transform_2, window_bounds = array<i64: 1, 128>}, {pipeline_mode = #tpu.pipeline_mode<synchronous>, transform_indices = @transform_3, window_bounds = array<i64: 128, 128>}, {pipeline_mode = #tpu.pipeline_mode<synchronous>, transform_indices = @transform_4, window_bounds = array<i64: 1, 128>}, {transform_indices = @transform_5, window_bounds = array<i64: 4000, 128>}]} {
    %get3A = arith.constant 0 : index
    %get3A_0 = arith.constant 0 : index
    %get3A_1 = vector.load %arg1[%get3A, %get3A_0] : memref<4000x16xf32, #tpu.memory_space<vmem>>, vector<4000x16xf32>
    %get3A_2 = arith.constant 0 : index
    %get3A_3 = arith.constant 0 : index
    %get3A_4 = vector.load %arg2[%get3A_2, %get3A_3] : memref<16x128xf32, #tpu.memory_space<vmem>>, vector<16x128xf32>
    %dot_general3A = arith.constant dense<0.000000e+00> : vector<4000x128xf32>
    %dot_general3A_5 = tpu.matmul %get3A_1, %get3A_4, %dot_general3A {dimension_numbers = #tpu.dot_dimension_numbers<[1], [0], [0], [1], [0, 0, 1, 1], [], []>, transpose_lhs_hint = false} : vector<4000x16xf32>, vector<16x128xf32>, vector<4000x128xf32> -> vector<4000x128xf32>
    %get3A_6 = arith.constant 0 : index
    %get3A_7 = arith.constant 0 : index
    %get3A_8 = vector.load %arg3[%get3A_6, %get3A_7] : memref<1x128xf32, #tpu.memory_space<vmem>>, vector<1x128xf32>
    %add3A = vector.broadcast %get3A_8 : vector<1x128xf32> to vector<4000x128xf32>
    %add3A_9 = arith.addf %dot_general3A_5, %add3A : vector<4000x128xf32>
    %get3A_10 = arith.constant 0 : index
    %get3A_11 = arith.constant 0 : index
    %get3A_12 = vector.load %arg4[%get3A_10, %get3A_11] : memref<128x128xf32, #tpu.memory_space<vmem>>, vector<128x128xf32>
    %dot_general3A_13 = arith.constant dense<0.000000e+00> : vector<4000x128xf32>
    %dot_general3A_14 = tpu.matmul %add3A_9, %get3A_12, %dot_general3A_13 {dimension_numbers = #tpu.dot_dimension_numbers<[1], [0], [0], [1], [0, 0, 1, 1], [], []>, transpose_lhs_hint = false} : vector<4000x128xf32>, vector<128x128xf32>, vector<4000x128xf32> -> vector<4000x128xf32>
    %get3A_15 = arith.constant 0 : index
    %get3A_16 = arith.constant 0 : index
    %get3A_17 = vector.load %arg5[%get3A_15, %get3A_16] : memref<1x128xf32, #tpu.memory_space<vmem>>, vector<1x128xf32>
    %add3A_18 = vector.broadcast %get3A_17 : vector<1x128xf32> to vector<4000x128xf32>
    %add3A_19 = arith.addf %dot_general3A_14, %add3A_18 : vector<4000x128xf32>
    %swap3A = arith.constant 0 : index
    %swap3A_20 = arith.constant 0 : index
    %swap3A_21 = vector.load %arg6[%swap3A, %swap3A_20] : memref<4000x128xf32, #tpu.memory_space<vmem>>, vector<4000x128xf32>
    tpu.vector_store %arg6[%swap3A, %swap3A_20], %add3A_19 {strides = array<i32>} : memref<4000x128xf32, #tpu.memory_space<vmem>>, vector<4000x128xf32>,
    return
  }
  func.func @transform_0(%arg0: i32) -> (i32, i32) {
    %c0_i32 = arith.constant 0 : i32
    %c0_i32_0 = arith.constant 0 : i32
    return %arg0, %c0_i32 : i32, i32
  }
  func.func @transform_1(%arg0: i32) -> (i32, i32) {
    %c0_i32 = arith.constant 0 : i32
    %c0_i32_0 = arith.constant 0 : i32
    %c0_i32_1 = arith.constant 0 : i32
    return %c0_i32, %c0_i32_0 : i32, i32
  }
  func.func @transform_2(%arg0: i32) -> (i32, i32) {
    %c0_i32 = arith.constant 0 : i32
    %c0_i32_0 = arith.constant 0 : i32
    %c0_i32_1 = arith.constant 0 : i32
    return %c0_i32, %c0_i32_0 : i32, i32
  }
  func.func @transform_3(%arg0: i32) -> (i32, i32) {
    %c0_i32 = arith.constant 0 : i32
    %c0_i32_0 = arith.constant 0 : i32
    %c0_i32_1 = arith.constant 0 : i32
    return %c0_i32, %c0_i32_0 : i32, i32
  }
  func.func @transform_4(%arg0: i32) -> (i32, i32) {
    %c0_i32 = arith.constant 0 : i32
    %c0_i32_0 = arith.constant 0 : i32
    %c0_i32_1 = arith.constant 0 : i32
    return %c0_i32, %c0_i32_0 : i32, i32
  }
  func.func @transform_5(%arg0: i32) -> (i32, i32) {
    %c0_i32 = arith.constant 0 : i32
    %c0_i32_0 = arith.constant 0 : i32
    return %arg0, %c0_i32 : i32, i32
  }
}

module attributes {stable_mosaic.version = 14 : i64} {
  func.func @_edge_body(%arg0: i32, %arg1: memref<4000x128xf32, #tpu.memory_space<vmem>>, %arg2: memref<4000x128xf32, #tpu.memory_space<vmem>>, %arg3: memref<4000x128xf32, #tpu.memory_space<vmem>>, %arg4: memref<128x128xf32, #tpu.memory_space<vmem>>, %arg5: memref<128x128xf32, #tpu.memory_space<vmem>>, %arg6: memref<1x128xf32, #tpu.memory_space<vmem>>, %arg7: memref<1x128xf32, #tpu.memory_space<vmem>>, %arg8: memref<4000x128xf32, #tpu.memory_space<vmem>>) attributes {dimension_semantics = [#tpu.dimension_semantics<arbitrary>], iteration_bounds = array<i64: 80>, scalar_prefetch = 0 : i64, scratch_operands = 0 : i64, tpu.core_type = #tpu.core_type<tc>, window_params = [{transform_indices = @transform_0, window_bounds = array<i64: 4000, 128>}, {transform_indices = @transform_1, window_bounds = array<i64: 4000, 128>}, {transform_indices = @transform_2, window_bounds = array<i64: 4000, 128>}, {pipeline_mode = #tpu.pipeline_mode<synchronous>, transform_indices = @transform_3, window_bounds = array<i64: 128, 128>}, {pipeline_mode = #tpu.pipeline_mode<synchronous>, transform_indices = @transform_4, window_bounds = array<i64: 128, 128>}, {pipeline_mode = #tpu.pipeline_mode<synchronous>, transform_indices = @transform_5, window_bounds = array<i64: 1, 128>}, {pipeline_mode = #tpu.pipeline_mode<synchronous>, transform_indices = @transform_6, window_bounds = array<i64: 1, 128>}, {transform_indices = @transform_7, window_bounds = array<i64: 4000, 128>}]} {
    %get3A = arith.constant 0 : index
    %get3A_0 = arith.constant 0 : index
    %get3A_1 = vector.load %arg3[%get3A, %get3A_0] : memref<4000x128xf32, #tpu.memory_space<vmem>>, vector<4000x128xf32>
    %get3A_2 = arith.constant 0 : index
    %get3A_3 = arith.constant 0 : index
    %get3A_4 = vector.load %arg1[%get3A_2, %get3A_3] : memref<4000x128xf32, #tpu.memory_space<vmem>>, vector<4000x128xf32>
    %get3A_5 = arith.constant 0 : index
    %get3A_6 = arith.constant 0 : index
    %get3A_7 = vector.load %arg2[%get3A_5, %get3A_6] : memref<4000x128xf32, #tpu.memory_space<vmem>>, vector<4000x128xf32>
    %add3A = arith.addf %get3A_4, %get3A_7 : vector<4000x128xf32>
    %get3A_8 = arith.constant 0 : index
    %get3A_9 = arith.constant 0 : index
    %get3A_10 = vector.load %arg6[%get3A_8, %get3A_9] : memref<1x128xf32, #tpu.memory_space<vmem>>, vector<1x128xf32>
    %add3A_11 = vector.broadcast %get3A_10 : vector<1x128xf32> to vector<4000x128xf32>
    %add3A_12 = arith.addf %add3A, %add3A_11 : vector<4000x128xf32>
    %get3A_13 = arith.constant 0 : index
    %get3A_14 = arith.constant 0 : index
    %get3A_15 = vector.load %arg4[%get3A_13, %get3A_14] : memref<128x128xf32, #tpu.memory_space<vmem>>, vector<128x128xf32>
    %dot_general3A = arith.constant dense<0.000000e+00> : vector<4000x128xf32>
    %dot_general3A_16 = tpu.matmul %get3A_1, %get3A_15, %dot_general3A {dimension_numbers = #tpu.dot_dimension_numbers<[1], [0], [0], [1], [0, 0, 1, 1], [], []>, transpose_lhs_hint = false} : vector<4000x128xf32>, vector<128x128xf32>, vector<4000x128xf32> -> vector<4000x128xf32>
    %add3A_17 = arith.addf %add3A_12, %dot_general3A_16 : vector<4000x128xf32>
    %get3A_18 = arith.constant 0 : index
    %get3A_19 = arith.constant 0 : index
    %get3A_20 = vector.load %arg5[%get3A_18, %get3A_19] : memref<128x128xf32, #tpu.memory_space<vmem>>, vector<128x128xf32>
    %dot_general3A_21 = arith.constant dense<0.000000e+00> : vector<4000x128xf32>
    %dot_general3A_22 = tpu.matmul %add3A_17, %get3A_20, %dot_general3A_21 {dimension_numbers = #tpu.dot_dimension_numbers<[1], [0], [0], [1], [0, 0, 1, 1], [], []>, transpose_lhs_hint = false} : vector<4000x128xf32>, vector<128x128xf32>, vector<4000x128xf32> -> vector<4000x128xf32>
    %get3A_23 = arith.constant 0 : index
    %get3A_24 = arith.constant 0 : index
    %get3A_25 = vector.load %arg7[%get3A_23, %get3A_24] : memref<1x128xf32, #tpu.memory_space<vmem>>, vector<1x128xf32>
    %add3A_26 = vector.broadcast %get3A_25 : vector<1x128xf32> to vector<4000x128xf32>
    %add3A_27 = arith.addf %dot_general3A_22, %add3A_26 : vector<4000x128xf32>
    %add3A_28 = arith.addf %add3A_27, %get3A_1 : vector<4000x128xf32>
    %swap3A = arith.constant 0 : index
    %swap3A_29 = arith.constant 0 : index
    %swap3A_30 = vector.load %arg8[%swap3A, %swap3A_29] : memref<4000x128xf32, #tpu.memory_space<vmem>>, vector<4000x128xf32>
    tpu.vector_store %arg8[%swap3A, %swap3A_29], %add3A_28 {strides = array<i32>} : memref<4000x128xf32, #tpu.memory_space<vmem>>, vector<4000x128xf32>,
    return
  }
  func.func @transform_0(%arg0: i32) -> (i32, i32) {
    %c0_i32 = arith.constant 0 : i32
    %c0_i32_0 = arith.constant 0 : i32
    return %arg0, %c0_i32 : i32, i32
  }
  func.func @transform_1(%arg0: i32) -> (i32, i32) {
    %c0_i32 = arith.constant 0 : i32
    %c0_i32_0 = arith.constant 0 : i32
    return %arg0, %c0_i32 : i32, i32
  }
  func.func @transform_2(%arg0: i32) -> (i32, i32) {
    %c0_i32 = arith.constant 0 : i32
    %c0_i32_0 = arith.constant 0 : i32
    return %arg0, %c0_i32 : i32, i32
  }
  func.func @transform_3(%arg0: i32) -> (i32, i32) {
    %c0_i32 = arith.constant 0 : i32
    %c0_i32_0 = arith.constant 0 : i32
    %c0_i32_1 = arith.constant 0 : i32
    return %c0_i32, %c0_i32_0 : i32, i32
  }
  func.func @transform_4(%arg0: i32) -> (i32, i32) {
    %c0_i32 = arith.constant 0 : i32
    %c0_i32_0 = arith.constant 0 : i32
    %c0_i32_1 = arith.constant 0 : i32
    return %c0_i32, %c0_i32_0 : i32, i32
  }
  func.func @transform_5(%arg0: i32) -> (i32, i32) {
    %c0_i32 = arith.constant 0 : i32
    %c0_i32_0 = arith.constant 0 : i32
    %c0_i32_1 = arith.constant 0 : i32
    return %c0_i32, %c0_i32_0 : i32, i32
  }
  func.func @transform_6(%arg0: i32) -> (i32, i32) {
    %c0_i32 = arith.constant 0 : i32
    %c0_i32_0 = arith.constant 0 : i32
    %c0_i32_1 = arith.constant 0 : i32
    return %c0_i32, %c0_i32_0 : i32, i32
  }
  func.func @transform_7(%arg0: i32) -> (i32, i32) {
    %c0_i32 = arith.constant 0 : i32
    %c0_i32_0 = arith.constant 0 : i32
    return %arg0, %c0_i32 : i32, i32
  }
}

module attributes {stable_mosaic.version = 14 : i64} {
  func.func @_mlp2_body(%arg0: i32, %arg1: memref<1000x128xf32, #tpu.memory_space<vmem>>, %arg2: memref<128x128xf32, #tpu.memory_space<vmem>>, %arg3: memref<1x128xf32, #tpu.memory_space<vmem>>, %arg4: memref<128x128xf32, #tpu.memory_space<vmem>>, %arg5: memref<1x128xf32, #tpu.memory_space<vmem>>, %arg6: memref<1000x128xf32, #tpu.memory_space<vmem>>) attributes {dimension_semantics = [#tpu.dimension_semantics<arbitrary>], iteration_bounds = array<i64: 10>, scalar_prefetch = 0 : i64, scratch_operands = 0 : i64, tpu.core_type = #tpu.core_type<tc>, window_params = [{transform_indices = @transform_0, window_bounds = array<i64: 1000, 128>}, {pipeline_mode = #tpu.pipeline_mode<synchronous>, transform_indices = @transform_1, window_bounds = array<i64: 128, 128>}, {pipeline_mode = #tpu.pipeline_mode<synchronous>, transform_indices = @transform_2, window_bounds = array<i64: 1, 128>}, {pipeline_mode = #tpu.pipeline_mode<synchronous>, transform_indices = @transform_3, window_bounds = array<i64: 128, 128>}, {pipeline_mode = #tpu.pipeline_mode<synchronous>, transform_indices = @transform_4, window_bounds = array<i64: 1, 128>}, {transform_indices = @transform_5, window_bounds = array<i64: 1000, 128>}]} {
    %get3A = arith.constant 0 : index
    %get3A_0 = arith.constant 0 : index
    %get3A_1 = vector.load %arg1[%get3A, %get3A_0] : memref<1000x128xf32, #tpu.memory_space<vmem>>, vector<1000x128xf32>
    %get3A_2 = arith.constant 0 : index
    %get3A_3 = arith.constant 0 : index
    %get3A_4 = vector.load %arg2[%get3A_2, %get3A_3] : memref<128x128xf32, #tpu.memory_space<vmem>>, vector<128x128xf32>
    %dot_general3A = arith.constant dense<0.000000e+00> : vector<1000x128xf32>
    %dot_general3A_5 = tpu.matmul %get3A_1, %get3A_4, %dot_general3A {dimension_numbers = #tpu.dot_dimension_numbers<[1], [0], [0], [1], [0, 0, 1, 1], [], []>, transpose_lhs_hint = false} : vector<1000x128xf32>, vector<128x128xf32>, vector<1000x128xf32> -> vector<1000x128xf32>
    %get3A_6 = arith.constant 0 : index
    %get3A_7 = arith.constant 0 : index
    %get3A_8 = vector.load %arg3[%get3A_6, %get3A_7] : memref<1x128xf32, #tpu.memory_space<vmem>>, vector<1x128xf32>
    %add3A = vector.broadcast %get3A_8 : vector<1x128xf32> to vector<1000x128xf32>
    %add3A_9 = arith.addf %dot_general3A_5, %add3A : vector<1000x128xf32>
    %get3A_10 = arith.constant 0 : index
    %get3A_11 = arith.constant 0 : index
    %get3A_12 = vector.load %arg4[%get3A_10, %get3A_11] : memref<128x128xf32, #tpu.memory_space<vmem>>, vector<128x128xf32>
    %dot_general3A_13 = arith.constant dense<0.000000e+00> : vector<1000x128xf32>
    %dot_general3A_14 = tpu.matmul %add3A_9, %get3A_12, %dot_general3A_13 {dimension_numbers = #tpu.dot_dimension_numbers<[1], [0], [0], [1], [0, 0, 1, 1], [], []>, transpose_lhs_hint = false} : vector<1000x128xf32>, vector<128x128xf32>, vector<1000x128xf32> -> vector<1000x128xf32>
    %get3A_15 = arith.constant 0 : index
    %get3A_16 = arith.constant 0 : index
    %get3A_17 = vector.load %arg5[%get3A_15, %get3A_16] : memref<1x128xf32, #tpu.memory_space<vmem>>, vector<1x128xf32>
    %add3A_18 = vector.broadcast %get3A_17 : vector<1x128xf32> to vector<1000x128xf32>
    %add3A_19 = arith.addf %dot_general3A_14, %add3A_18 : vector<1000x128xf32>
    %swap3A = arith.constant 0 : index
    %swap3A_20 = arith.constant 0 : index
    %swap3A_21 = vector.load %arg6[%swap3A, %swap3A_20] : memref<1000x128xf32, #tpu.memory_space<vmem>>, vector<1000x128xf32>
    tpu.vector_store %arg6[%swap3A, %swap3A_20], %add3A_19 {strides = array<i32>} : memref<1000x128xf32, #tpu.memory_space<vmem>>, vector<1000x128xf32>,
    return
  }
  func.func @transform_0(%arg0: i32) -> (i32, i32) {
    %c0_i32 = arith.constant 0 : i32
    %c0_i32_0 = arith.constant 0 : i32
    return %arg0, %c0_i32 : i32, i32
  }
  func.func @transform_1(%arg0: i32) -> (i32, i32) {
    %c0_i32 = arith.constant 0 : i32
    %c0_i32_0 = arith.constant 0 : i32
    %c0_i32_1 = arith.constant 0 : i32
    return %c0_i32, %c0_i32_0 : i32, i32
  }
  func.func @transform_2(%arg0: i32) -> (i32, i32) {
    %c0_i32 = arith.constant 0 : i32
    %c0_i32_0 = arith.constant 0 : i32
    %c0_i32_1 = arith.constant 0 : i32
    return %c0_i32, %c0_i32_0 : i32, i32
  }
  func.func @transform_3(%arg0: i32) -> (i32, i32) {
    %c0_i32 = arith.constant 0 : i32
    %c0_i32_0 = arith.constant 0 : i32
    %c0_i32_1 = arith.constant 0 : i32
    return %c0_i32, %c0_i32_0 : i32, i32
  }
  func.func @transform_4(%arg0: i32) -> (i32, i32) {
    %c0_i32 = arith.constant 0 : i32
    %c0_i32_0 = arith.constant 0 : i32
    %c0_i32_1 = arith.constant 0 : i32
    return %c0_i32, %c0_i32_0 : i32, i32
  }
  func.func @transform_5(%arg0: i32) -> (i32, i32) {
    %c0_i32 = arith.constant 0 : i32
    %c0_i32_0 = arith.constant 0 : i32
    return %arg0, %c0_i32 : i32, i32
  }
}

module attributes {stable_mosaic.version = 14 : i64} {
  func.func @_node_body(%arg0: i32, %arg1: memref<1000x128xf32, #tpu.memory_space<vmem>>, %arg2: memref<1000x128xf32, #tpu.memory_space<vmem>>, %arg3: memref<1000x128xf32, #tpu.memory_space<vmem>>, %arg4: memref<128x128xf32, #tpu.memory_space<vmem>>, %arg5: memref<128x128xf32, #tpu.memory_space<vmem>>, %arg6: memref<1x128xf32, #tpu.memory_space<vmem>>, %arg7: memref<128x128xf32, #tpu.memory_space<vmem>>, %arg8: memref<1x128xf32, #tpu.memory_space<vmem>>, %arg9: memref<1000x128xf32, #tpu.memory_space<vmem>>) attributes {dimension_semantics = [#tpu.dimension_semantics<arbitrary>], iteration_bounds = array<i64: 10>, scalar_prefetch = 0 : i64, scratch_operands = 0 : i64, tpu.core_type = #tpu.core_type<tc>, window_params = [{transform_indices = @transform_0, window_bounds = array<i64: 1000, 128>}, {transform_indices = @transform_1, window_bounds = array<i64: 1000, 128>}, {transform_indices = @transform_2, window_bounds = array<i64: 1000, 128>}, {pipeline_mode = #tpu.pipeline_mode<synchronous>, transform_indices = @transform_3, window_bounds = array<i64: 128, 128>}, {pipeline_mode = #tpu.pipeline_mode<synchronous>, transform_indices = @transform_4, window_bounds = array<i64: 128, 128>}, {pipeline_mode = #tpu.pipeline_mode<synchronous>, transform_indices = @transform_5, window_bounds = array<i64: 1, 128>}, {pipeline_mode = #tpu.pipeline_mode<synchronous>, transform_indices = @transform_6, window_bounds = array<i64: 128, 128>}, {pipeline_mode = #tpu.pipeline_mode<synchronous>, transform_indices = @transform_7, window_bounds = array<i64: 1, 128>}, {transform_indices = @transform_8, window_bounds = array<i64: 1000, 128>}]} {
    %get3A = arith.constant 0 : index
    %get3A_0 = arith.constant 0 : index
    %get3A_1 = vector.load %arg1[%get3A, %get3A_0] : memref<1000x128xf32, #tpu.memory_space<vmem>>, vector<1000x128xf32>
    %get3A_2 = arith.constant 0 : index
    %get3A_3 = arith.constant 0 : index
    %get3A_4 = vector.load %arg2[%get3A_2, %get3A_3] : memref<1000x128xf32, #tpu.memory_space<vmem>>, vector<1000x128xf32>
    %get3A_5 = arith.constant 0 : index
    %get3A_6 = arith.constant 0 : index
    %get3A_7 = vector.load %arg3[%get3A_5, %get3A_6] : memref<1000x128xf32, #tpu.memory_space<vmem>>, vector<1000x128xf32>
    %add3A = arith.addf %get3A_4, %get3A_7 : vector<1000x128xf32>
    %get3A_8 = arith.constant 0 : index
    %get3A_9 = arith.constant 0 : index
    %get3A_10 = vector.load %arg4[%get3A_8, %get3A_9] : memref<128x128xf32, #tpu.memory_space<vmem>>, vector<128x128xf32>
    %dot_general3A = arith.constant dense<0.000000e+00> : vector<1000x128xf32>
    %dot_general3A_11 = tpu.matmul %get3A_1, %get3A_10, %dot_general3A {dimension_numbers = #tpu.dot_dimension_numbers<[1], [0], [0], [1], [0, 0, 1, 1], [], []>, transpose_lhs_hint = false} : vector<1000x128xf32>, vector<128x128xf32>, vector<1000x128xf32> -> vector<1000x128xf32>
    %get3A_12 = arith.constant 0 : index
    %get3A_13 = arith.constant 0 : index
    %get3A_14 = vector.load %arg5[%get3A_12, %get3A_13] : memref<128x128xf32, #tpu.memory_space<vmem>>, vector<128x128xf32>
    %dot_general3A_15 = arith.constant dense<0.000000e+00> : vector<1000x128xf32>
    %dot_general3A_16 = tpu.matmul %add3A, %get3A_14, %dot_general3A_15 {dimension_numbers = #tpu.dot_dimension_numbers<[1], [0], [0], [1], [0, 0, 1, 1], [], []>, transpose_lhs_hint = false} : vector<1000x128xf32>, vector<128x128xf32>, vector<1000x128xf32> -> vector<1000x128xf32>
    %add3A_17 = arith.addf %dot_general3A_11, %dot_general3A_16 : vector<1000x128xf32>
    %get3A_18 = arith.constant 0 : index
    %get3A_19 = arith.constant 0 : index
    %get3A_20 = vector.load %arg6[%get3A_18, %get3A_19] : memref<1x128xf32, #tpu.memory_space<vmem>>, vector<1x128xf32>
    %add3A_21 = vector.broadcast %get3A_20 : vector<1x128xf32> to vector<1000x128xf32>
    %add3A_22 = arith.addf %add3A_17, %add3A_21 : vector<1000x128xf32>
    %get3A_23 = arith.constant 0 : index
    %get3A_24 = arith.constant 0 : index
    %get3A_25 = vector.load %arg7[%get3A_23, %get3A_24] : memref<128x128xf32, #tpu.memory_space<vmem>>, vector<128x128xf32>
    %dot_general3A_26 = arith.constant dense<0.000000e+00> : vector<1000x128xf32>
    %dot_general3A_27 = tpu.matmul %add3A_22, %get3A_25, %dot_general3A_26 {dimension_numbers = #tpu.dot_dimension_numbers<[1], [0], [0], [1], [0, 0, 1, 1], [], []>, transpose_lhs_hint = false} : vector<1000x128xf32>, vector<128x128xf32>, vector<1000x128xf32> -> vector<1000x128xf32>
    %get3A_28 = arith.constant 0 : index
    %get3A_29 = arith.constant 0 : index
    %get3A_30 = vector.load %arg8[%get3A_28, %get3A_29] : memref<1x128xf32, #tpu.memory_space<vmem>>, vector<1x128xf32>
    %add3A_31 = vector.broadcast %get3A_30 : vector<1x128xf32> to vector<1000x128xf32>
    %add3A_32 = arith.addf %dot_general3A_27, %add3A_31 : vector<1000x128xf32>
    %add3A_33 = arith.addf %add3A_32, %get3A_1 : vector<1000x128xf32>
    %swap3A = arith.constant 0 : index
    %swap3A_34 = arith.constant 0 : index
    %swap3A_35 = vector.load %arg9[%swap3A, %swap3A_34] : memref<1000x128xf32, #tpu.memory_space<vmem>>, vector<1000x128xf32>
    tpu.vector_store %arg9[%swap3A, %swap3A_34], %add3A_33 {strides = array<i32>} : memref<1000x128xf32, #tpu.memory_space<vmem>>, vector<1000x128xf32>,
    return
  }
  func.func @transform_0(%arg0: i32) -> (i32, i32) {
    %c0_i32 = arith.constant 0 : i32
    %c0_i32_0 = arith.constant 0 : i32
    return %arg0, %c0_i32 : i32, i32
  }
  func.func @transform_1(%arg0: i32) -> (i32, i32) {
    %c0_i32 = arith.constant 0 : i32
    %c0_i32_0 = arith.constant 0 : i32
    return %arg0, %c0_i32 : i32, i32
  }
  func.func @transform_2(%arg0: i32) -> (i32, i32) {
    %add3A = arith.constant 10 : i32
    %add3A_0 = arith.addi %arg0, %add3A : i32
    %c0_i32 = arith.constant 0 : i32
    %c0_i32_1 = arith.constant 0 : i32
    return %add3A_0, %c0_i32 : i32, i32
  }
  func.func @transform_3(%arg0: i32) -> (i32, i32) {
    %c0_i32 = arith.constant 0 : i32
    %c0_i32_0 = arith.constant 0 : i32
    %c0_i32_1 = arith.constant 0 : i32
    return %c0_i32, %c0_i32_0 : i32, i32
  }
  func.func @transform_4(%arg0: i32) -> (i32, i32) {
    %c0_i32 = arith.constant 0 : i32
    %c0_i32_0 = arith.constant 0 : i32
    %c0_i32_1 = arith.constant 0 : i32
    return %c0_i32, %c0_i32_0 : i32, i32
  }
  func.func @transform_5(%arg0: i32) -> (i32, i32) {
    %c0_i32 = arith.constant 0 : i32
    %c0_i32_0 = arith.constant 0 : i32
    %c0_i32_1 = arith.constant 0 : i32
    return %c0_i32, %c0_i32_0 : i32, i32
  }
  func.func @transform_6(%arg0: i32) -> (i32, i32) {
    %c0_i32 = arith.constant 0 : i32
    %c0_i32_0 = arith.constant 0 : i32
    %c0_i32_1 = arith.constant 0 : i32
    return %c0_i32, %c0_i32_0 : i32, i32
  }
  func.func @transform_7(%arg0: i32) -> (i32, i32) {
    %c0_i32 = arith.constant 0 : i32
    %c0_i32_0 = arith.constant 0 : i32
    %c0_i32_1 = arith.constant 0 : i32
    return %c0_i32, %c0_i32_0 : i32, i32
  }
  func.func @transform_8(%arg0: i32) -> (i32, i32) {
    %c0_i32 = arith.constant 0 : i32
    %c0_i32_0 = arith.constant 0 : i32
    return %arg0, %c0_i32 : i32, i32
  }
}

</mosaic_0001>

<sc_bundles>
// kernel: kernel.25.cloned.1.call-start
scs
__scs_entry_jumppad:
0x0: {  	(pc) =	sbr.rel $0x88, $3  }
0x1: {  	(tag) =	ssettag $0x0;
	lr =	simm.s32 $0x1  }
0x2: {  	[smem:$0x3F8A] =	sst lr;
	_ =	strace $0xD0000000  }
0x3: {  	_ = 	snop  }
0x4: {  	_ = 	snop  }
0x5: {  	_ = 	snop  }
0x6: {  	_ = 	snop  }
0x7: {  	_ = 	snop  }
__scs_overlays_trampoline_lowered:
0x8: {  	[smem:$0x3F99] =	sst s0  }
0x9: {  	[smem:$0x3F9A] =	sst s1  }
0xa: {  	[smem:$0x3F9B] =	sst s2  }
0xb: {  	[smem:$0x3F9C] =	sst s3  }
0xc: {  	[smem:$0x3F9D] =	sst s4  }
0xd: {  	[smem:$0x3F9E] =	sst s5  }
0xe: {  	[smem:$0x3F9F] =	sst s6  }
0xf: {  	[smem:$0x3FA0] =	sst s7  }
0x10: {  	[smem:$0x3FA1] =	sst s8  }
0x11: {  	[smem:$0x3FA2] =	sst s9;
	s0 =	simm.s32 @!p0 $0x0  }
0x12: {  	s1 =	sld [smem:$0x3F88];
	s0 =	simm.s32 @p0 $0x1  }
0x13: {  	[smem:$0x3FA3] =	sst s0;
	s0 =	simm.s32 @!p1 $0x0  }
0x14: {  	s2 =	sld [smem:$0x3F87];
	s0 =	simm.s32 @p1 $0x1  }
0x15: {  	[smem:$0x3FA4] =	sst s0;
	s0 =	simm.s32 @!p2 $0x0  }
0x16: {  	s3 =	sld [smem:$0x3FDB];
	s0 =	simm.s32 @p2 $0x1  }
0x17: {  	s4 =	simm.s32 $0x1BF5;
	[smem:$0x3FA6] =	sst s0  }
0x18: {  	s0 =	sld [smem:$0x3F89];
	_ =	swait.ge [sflag:s4], $0x0  }
0x19: {  	s7 =	sld [smem:$0x3F8A]  }
0x1a: {  	s8 =	sadd.s32 $0xFFFFE003, lr  }
0x1b: {  	s9 =	sadd.s32 $0xFFFFFEF7, lr;
	s5 =	simm.s32 $0xFFFFFFFF;
	p2 =	slt.u32 s8, $0xFFFFF086  }
0x1c: {  	p1 =	slt.u32 s9, $0xF7A;
	s5 =	simm.s32 @!p2 $0x0  }
0x1d: {  	s5 =	simm.s32 @p1 $0x1;
	p0 =	seq.s32 s7, s2  }
0x1e: {  	s7 =	smul.u32 @!p0 $0xF7A, s2;
	p2 =	seq.s32 @!p0 s5, $0x0  }
0x1f: {  	s9 =	smul.u32 $0xF7A, s1;
	s8 =	simm.s32 @!p0 $0x1BF5;
	p2 =	por !p2, p0  }
0x20: {  	[sflag:s8] =	ssyncset.s32 @!p0 $0xFFFFF086;
	s6 =	sadd.s32 @!p0 s3, s7;
	s7 =	simm.s32 @!p0 $0x108  }
0x21: {  	s3 =	sadd.s32 s3, s9;
	s6 =	sadd.s32 @!p0 $0x88, s6;
	s7 =	simm.s32 @p2 $0x1082  }
0x22: {  	[simem:s7], [sflag:s8] =	dma.local @!p0 [hbm:s6], $0xF7A  }
0x23: {  	s9 =	sor.u32 $0xD0000000, s2;
	s6 =	simm.s32 $0x108;
	_ =	swait.ge @!p0 [sflag:s8], $0x0  }
0x24: {  	s3 =	sadd.s32 $0x88, s3;
	s6 =	simm.s32 @!p1 $0x1082;
	[sflag:s4] =	ssyncset.s32 $0xFFFFF086  }
0x25: {  	[simem:s6], [sflag:s4] =	dma.local [hbm:s3], $0xF7A  }
0x26: {  	[smem:$0x3F8A] =	sst s1;
	(tag) =	ssettag s2;
	_ =	strace s9  }
0x27: {  	s1 =	sld [smem:$0x3F9A]  }
0x28: {  	s2 =	sld [smem:$0x3F9B]  }
0x29: {  	s4 =	sld [smem:$0x3F9D]  }
0x2a: {  	p0 =	seq.s32 s5, $0x0;
	s5 =	sld [smem:$0x3F9E]  }
0x2b: {  	s6 =	sld [smem:$0x3F9F]  }
0x2c: {  	s7 =	sld [smem:$0x3FA0]  }
0x2d: {  	s3 =	simm.s32 $0x108;
	s8 =	sld [smem:$0x3FA1]  }
0x2e: {  	s3 =	simm.s32 @!p0 $0x1082;
	s9 =	sld [smem:$0x3FA2]  }
0x2f: {  	lr =	sadd.s32 s0, s3;
	s0 =	sld [smem:$0x3F99]  }
0x30: {  	s3 =	sld [smem:$0x3F9C]  }
0x31: {  	[smem:$0x3FA5] =	sst s10  }
0x32: {  	s10 =	sld [smem:$0x3FA3];
	_ =	sdelay $0x3  }
0x33: {  	p0 =	seq.s32 s10, $0x1;
	s10 =	sld [smem:$0x3FA5];
	_ =	sdelay $0x3  }
0x34: {  	[smem:$0x3FA5] =	sst s10  }
0x35: {  	s10 =	sld [smem:$0x3FA4];
	_ =	sdelay $0x3  }
0x36: {  	p1 =	seq.s32 s10, $0x1;
	s10 =	sld [smem:$0x3FA5];
	_ =	sdelay $0x3  }
0x37: {  	[smem:$0x3FA5] =	sst s10  }
0x38: {  	s10 =	sld [smem:$0x3FA6]  }
0x39: {  	_ = 	snop;
	(pc) =	sbr.ind lr, $3  }
0x3a: {  	_ = 	snop  }
0x3b: {  	_ = 	snop  }
0x3c: {  	p2 =	seq.s32 s10, $0x1;
	s10 =	sld [smem:$0x3FA5]  }
0x3d: {  	_ =	shalt  }
0x3e: {  	_ =	shalt  }
0x3f: {  	_ =	shalt  }
0x40: {  	_ =	shalt  }
0x41: {  	_ =	shalt  }
0x42: {  	_ =	shalt  }
0x43: {  	_ =	shalt  }
0x44: {  	_ =	shalt  }
0x45: {  	_ =	shalt  }
0x46: {  	_ =	shalt  }
0x47: {  	_ =	shalt  }
0x48: {  	_ =	shalt  }
0x49: {  	_ =	shalt  }
0x4a: {  	_ =	shalt  }
0x4b: {  	_ =	shalt  }
0x4c: {  	_ =	shalt  }
0x4d: {  	_ =	shalt  }
0x4e: {  	_ =	shalt  }
0x4f: {  	_ =	shalt  }
0x50: {  	_ =	shalt  }
0x51: {  	_ =	shalt  }
0x52: {  	_ =	shalt  }
0x53: {  	_ =	shalt  }
0x54: {  	_ =	shalt  }
0x55: {  	_ =	shalt  }
0x56: {  	_ =	shalt  }
0x57: {  	_ =	shalt  }
0x58: {  	_ =	shalt  }
0x59: {  	_ =	shalt  }
0x5a: {  	_ =	shalt  }
0x5b: {  	_ =	shalt  }
0x5c: {  	_ =	shalt  }
0x5d: {  	_ =	shalt  }
0x5e: {  	_ =	shalt  }
0x5f: {  	_ =	shalt  }
0x60: {  	_ =	shalt  }
0x61: {  	_ =	shalt  }
0x62: {  	_ =	shalt  }
0x63: {  	_ =	shalt  }
0x64: {  	_ =	shalt  }
0x65: {  	_ =	shalt  }
0x66: {  	_ =	shalt  }
0x67: {  	_ =	shalt  }
0x68: {  	_ =	shalt  }
0x69: {  	_ =	shalt  }
0x6a: {  	_ =	shalt  }
0x6b: {  	_ =	shalt  }
0x6c: {  	_ =	shalt  }
0x6d: {  	_ =	shalt  }
0x6e: {  	_ =	shalt  }
0x6f: {  	_ =	shalt  }
0x70: {  	_ =	shalt  }
0x71: {  	_ =	shalt  }
0x72: {  	_ =	shalt  }
0x73: {  	_ =	shalt  }
0x74: {  	_ =	shalt  }
0x75: {  	_ =	shalt  }
0x76: {  	_ =	shalt  }
0x77: {  	_ =	shalt  }
0x78: {  	_ =	shalt  }
0x79: {  	_ =	shalt  }
0x7a: {  	_ =	shalt  }
0x7b: {  	_ =	shalt  }
0x7c: {  	_ =	shalt  }
0x7d: {  	_ =	shalt  }
0x7e: {  	_ =	shalt  }
0x7f: {  	_ =	shalt  }
0x80: {  	_ =	shalt  }
0x81: {  	_ =	shalt  }
0x82: {  	_ =	shalt  }
0x83: {  	_ =	shalt  }
0x84: {  	_ =	shalt  }
0x85: {  	_ =	shalt  }
0x86: {  	_ =	shalt  }
0x87: {  	_ =	shalt  }
.Lfunc_end0:
.L_simem_size_0:
called_computation_lowered:
.L_overlay_start_0:
0x88: {  	s2 =	sld [smem:$0x3FD9]  }
0x89: {  	s3 =	sld [smem:$0x3FFE];
	_ =	sdelay $0x1  }
0x8a: {  	s1 =	srdreg.scid  }
0x8b: {  	s0 =	sand.u32 $0x1, s1  }
0x8c: {  	s16 =	sshll.u32 s0, $0xA;
	s2 =	sadd.s32 s3, s2  }
0x8d: {  	s2 =	sadd.s32 s2, s16  }
0x8e: {  	[smem:$0x3FB1] =	sst s2  }
0x8f: {  	_ = 	snop  }
0x90: {  	(tm) =	ssettm $0x1  }
0x91: {  	s17 =	sld [smem:$0x3FFB];
	_ =	sdelay $0x3  }
0x92: {  	_ =	strace s17  }
0x93: {  	s2 =	sld [smem:$0x3FFC];
	_ =	sdelay $0x3  }
0x94: {  	_ =	strace s2  }
0x95: {  	s2 =	sld [smem:$0x3FFD];
	_ =	sdelay $0x3  }
0x96: {  	_ =	strace s2  }
0x97: {  	_ =	strace $0x8FFFFFFF  }
0x98: {  	s18 =	sld [smem:$0x3FDB];
	_ =	sdelay $0x1  }
0x99: {  	s19 =	simm.s32 $_scs_section_size  }
0x9a: {  	s4 =	simm.s32 $_size__tile_overlayer_lowered;
	s5 =	simm.s32 $_tile_overlayer_lowered  }
0x9b: {  	s22 =	simm.s32 $0x1BFF;
	s21 =	sshll.u32 s5, $0x1;
	s2 =	sadd.s32 s19, s18  }
0x9c: {  	s6 =	simm.s32 $0x0;
	s20 =	sshll.u32 s4, $0x1;
	s4 =	sadd.s32 s21, s2  }
0x9d: {  	[timem:s6], [sflag:s22] =	dma.local [hbm:s4], s20  }
0x9e: {  	_ =	swait.ge [sflag:s22], s20  }
0x9f: {  	s3 =	ssub.s32 $0x0, s20;
	[sflag:s22] =	ssyncset.done $0x0  }
0xa0: {  	[sflag:s22] =	ssyncadd.s32 s3;
	_ =	sdelay $0x1  }
0xa1: {  	s23 =	simm.s32 $0x1B8B  }
0xa2: {  	_ =	swait.ge [sflag:s23], $0x1  }
0xa3: {  	[sflag:s23] =	ssyncset.done $0x0  }
0xa4: {  	s25 =	simm.s32 $0x1B8E;
	s24 =	sld [smem:$0x3FFE];
	[sflag:s23] =	ssyncadd.s32 $0xFFFFFFFF  }
0xa5: {  	s26 =	simm.s32 $execute0_lowered;
	[smem:$0x3FD2] =	sst s25  }
0xa6: {  	s4 =	sshll.u32 s26, $0x1;
	_ =	strace $0x80000046;
	[dreg:$0x1] =	wrdreg $0xFFFFFFFF  }
0xa7: {  	s28 =	simm.s32 $_size_execute0_lowered;
	s2 =	sadd.s32 s2, s4;
	[dreg:$0x0] =	wrdreg $0x0  }
0xa8: {  	s4 =	sshll.u32 s28, $0x1;
	[dreg:$0x2] =	wrdreg s2  }
0xa9: {  	[dreg:$0x3] =	wrdreg s4  }
0xaa: {  	[dreg:$0x4] =	wrdreg $0xC0  }
0xab: {  	_ =	task [dreg:s6], $0x5FFFF  }
0xac: {  	[dreg:$0x1] =	wrdreg $0xFFFFFFFF  }
0xad: {  	[dreg:$0x0] =	wrdreg $0x60  }
0xae: {  	[dreg:$0x2] =	wrdreg s24  }
0xaf: {  	[dreg:$0x3] =	wrdreg $0x9  }
0xb0: {  	_ =	task.clear_ibuf [dreg:s6], $0x4FFFF;
	_ =	strace $0x90000046  }
0xb1: {  	s29 =	simm.s32 $0x9;
	_ =	strace $0x80000048  }
0xb2: {  	_ =	swait.ge [sflag:s29], $0x1  }
0xb3: {  	[sflag:s29] =	ssyncadd.s32 $0xFFFFFFFF  }
0xb4: {  	_ =	strace $0x90000048  }
0xb5: {  	_ =	sfence  }
0xb6: {  	s30 =	sld [smem:$0x0];
	_ =	sdelay $0x2  }
0xb7: {  	s31 =	sshll.u32 s1, $0xD;
	s1 =	sshrl.u32 s1, $0x2  }
0xb8: {  	s3 =	sand.u32 $0x4000, s31;
	s1 =	sadd.s32 s1, s30  }
0xb9: {  	s0 =	sor.u32 s3, s0;
	s1 =	sshll.u32 s1, $0x11  }
0xba: {  	s0 =	sor.u32 s1, s0  }
0xbb: {  	s0 =	sadd.s32 $0x8F2B, s0  }
0xbc: {  	[sflag:s0] =	ssyncadd.remote.s32 $0x1  }
0xbd: {  	_ =	sfence.sel $0xFFFF  }
0xbe: {  	[dreg:$0x0] =	wrdreg $0xFFFFFFFF;
	(pc) =	sbr.abs _section_cstart, $3  }
0xbf: {  	[dreg:$0x1] =	wrdreg $0xFFFFFFFF  }
0xc0: {  	_ =	task.clear_ibuf [dreg:s6], $0x2FFFF;
	_ =	strace $0x9FFFFFFF  }
0xc1: {  	(tm) =	ssettm $0x7FFFFFFF  }
tec
execute0_lowered:
.L_overlay_start_1:
0x0: {  	(tag) =	ssettag $0x1  }
0x1: {  	s0 =	rddreg [dreg:$0x0]  }
0x2: {  	s2 =	simm.s32 $0x0;
	s1 =	srdreg.scid;
	s10 =	stileid.u32  }
0x3: {  	s13 =	simm.s32 $0x9;
	s15 =	simm.s32 $0x50;
	s16 =	simm.s32 $0x8000  }
0x4: {  	s17 =	simm.s32 $0x12000;
	s19 =	simm.s32 $0xA800;
	s21 =	simm.s32 $0x14800  }
0x5: {  	s28 =	simm.s32 $0xF800;
	s30 =	simm.s32 $0x19800;
	s31 =	simm.s32 $0x1  }
0x6: {  	s18 =	simm.s32 $0x4;
	s20 =	simm.s32 $0x5;
	[smem:$0x7FF] =	sst s2  }
0x7: {  	s1 =	sand.u32 $0x1, s1;
	s4 =	sshll.u32 s10, $0x1;
	s3 =	sadd.s32 $0x35A00, s0  }
0x8: {  	s7 =	sadd.s32 $0x83E00, s0;
	s24 =	smul.u32 $0x4E200, s10;
	_ =	strace $0x80000047  }
0x9: {  	s5 =	sor.u32 s1, s4;
	s4 =	sadd.s32 $0x5CC00, s0;
	s8 =	ssub.s32 $0x2, s1  }
0xa: {  	s10 =	smul.u32 $0x27100, s1;
	s1 =	simm.s32 $0x3;
	s6 =	sshll.u32 s5, $0xB  }
0xb: {  	s5 =	smul.u32 $0x138800, s5;
	s9 =	sshrl.u32 s8, $0x1;
	s26 =	sadd.s32 s24, s7  }
0xc: {  	s6 =	sadd.s32 s6, s0;
	s0 =	sadd.s32 $0x565E00, s0;
	s9 =	ssub.s32 s8, s9  }
0xd: {  	[dreg:$0x7] =	wrdreg s26;
	s26 =	simm.s32 $0x0;
	s5 =	sshrl.u32 s5, $0x3  }
0xe: {  	s22 =	sadd.s32 $0x1EA00, s6;
	s6 =	sadd.s32 $0xEA00, s6;
	s25 =	smax.u32 s9, $0x1  }
.Ltmp0:
0xf: {  	s29 =	sadd.s32 s24, s0;
	[dreg:$0x2] =	wrdreg s22;
	(pc) =	sbr.rel .LBB2_1-.Ltmp0, $4  }
0x10: {  	s24 =	simm.s32 $0x8;
	s5 =	sadd.s32 $0x26C00, s5;
	[dreg:$0x3] =	wrdreg s6  }
0x11: {  	[dreg:$0x6] =	wrdreg s25;
	s25 =	simm.s32 $0x17000;
	s23 =	sadd.s32 s7, s5  }
0x12: {  	s22 =	simm.s32 $0x6;
	s5 =	sadd.s32 s0, s5;
	[dreg:$0x4] =	wrdreg s23  }
0x13: {  	s0 =	simm.s32 $0x2;
	[dreg:$0x5] =	wrdreg s5;
	s23 =	simm.s32 $0xD000  }
.LBB2_4:
0x14: {  	_ =	swait.ge [sflag:s31], $0x2800  }
0x15: {  	[sflag:s31] =	ssyncset.done $0x0  }
0x16: {  	[sflag:s31] =	ssyncadd.s32 $0xFFFFD800  }
0x17: {  	_ =	swait.ge [sflag:s31], $0x2800  }
0x18: {  	[sflag:s31] =	ssyncset.done $0x0  }
0x19: {  	s5 =	rddreg [dreg:$0x4];
	[sflag:s31] =	ssyncadd.s32 $0xFFFFD800  }
0x1a: {  	[hbm4b:s5+s2] =	stream.linear.scatter [tilespmem:s16], [sflag:$0x9], $0x2800, $0x38;
	[tilespmem:$0x1C000] =	vst v63  }
0x1b: {  	_ =	swait.ge [sflag:s13], $0x2800  }
0x1c: {  	[sflag:s13] =	ssyncset.done $0x0  }
0x1d: {  	s12 =	rddreg [dreg:$0x5];
	[sflag:s13] =	ssyncadd.s32 $0xFFFFD800  }
0x1e: {  	[hbm4b:s12+s2] =	stream.linear.scatter [tilespmem:s17], [sflag:$0x9], $0x2800, $0x38;
	[tilespmem:$0x1C000] =	vst v63  }
0x1f: {  	_ =	swait.ge [sflag:s13], $0x2800  }
0x20: {  	s26 =	sadd.s32 $0x1, s26;
	s14 =	rddreg [dreg:$0x6]  }
0x21: {  	p0 =	sne.s32 s26, s14  }
.Ltmp1:
0x22: {  	_ = 	snop;
	(pc) =	sbr.rel @!p0 .LBB2_5-.Ltmp1, $3  }
0x23: {  	_ =	sdelay $0x1  }
0x24: {  	[sflag:s13] =	ssyncset.done $0x0  }
0x25: {  	[sflag:s13] =	ssyncadd.s32 $0xFFFFD800  }
.LBB2_1:
0x26: {  	s5 =	rddreg [dreg:$0x2]  }
0x27: {  	[tilespmem:s2], [sflag:$0x9] =	stream.linear.gather [hbm4b:s5+s2], $0x3E80, $0x38;
	[tilespmem:$0x1C000] =	vst v63  }
0x28: {  	_ =	swait.ge [sflag:s13], $0x3E80  }
0x29: {  	[sflag:s13] =	ssyncset.done $0x0  }
0x2a: {  	s6 =	simm.s32 $0x4000;
	s14 =	rddreg [dreg:$0x3];
	[sflag:s13] =	ssyncadd.s32 $0xFFFFC180  }
0x2b: {  	[tilespmem:s6], [sflag:$0x9] =	stream.linear.gather [hbm4b:s14+s2], $0x3E80, $0x38;
	[tilespmem:$0x1C000] =	vst v63  }
0x2c: {  	_ =	swait.ge [sflag:s13], $0x3E80  }
0x2d: {  	[sflag:s13] =	ssyncset.done $0x0  }
0x2e: {  	[sflag:s13] =	ssyncadd.s32 $0xFFFFC180  }
0x2f: {  	[tilespmem:s16], [sflag:$0x1] =	stream.indirect.gather [hbm4b:s3+s15], $0x80, s2, s15, $0xb8;
	[tilespmem:$0x1C000] =	vst v63  }
0x30: {  	_ = 	snop  }
0x31: {  	[tilespmem:s17], [sflag:$0x1] =	stream.indirect.gather [hbm4b:s4+s15], $0x80, s6, s15, $0xb8;
	[tilespmem:$0x1C000] =	vst v63  }
0x32: {  	s7 =	simm.s32 $0x80  }
0x33: {  	[tilespmem:s19], [sflag:$0x2] =	stream.indirect.gather [hbm4b:s3+s15], $0x80, s7, s15, $0xb8;
	[tilespmem:$0x1C000] =	vst v63  }
0x34: {  	s8 =	simm.s32 $0x4080  }
0x35: {  	[tilespmem:s21], [sflag:$0x2] =	stream.indirect.gather [hbm4b:s4+s15], $0x80, s8, s15, $0xb8;
	[tilespmem:$0x1C000] =	vst v63  }
0x36: {  	s9 =	simm.s32 $0x100  }
0x37: {  	[tilespmem:s23], [sflag:$0x3] =	stream.indirect.gather [hbm4b:s3+s15], $0x80, s9, s15, $0xb8;
	[tilespmem:$0x1C000] =	vst v63  }
0x38: {  	s11 =	simm.s32 $0x4100  }
0x39: {  	[tilespmem:s25], [sflag:$0x3] =	stream.indirect.gather [hbm4b:s4+s15], $0x80, s11, s15, $0xb8;
	[tilespmem:$0x1C000] =	vst v63  }
0x3a: {  	s12 =	simm.s32 $0x180;
	s14 =	simm.s32 $0x4180  }
0x3b: {  	[tilespmem:s28], [sflag:$0x4] =	stream.indirect.gather [hbm4b:s3+s15], $0x80, s12, s15, $0xb8;
	[tilespmem:$0x1C000] =	vst v63  }
0x3c: {  	s6 =	simm.s32 $0x0;
	s11 =	rddreg [dreg:$0x7];
	s12 =	smov.u32 s29  }
0x3d: {  	[tilespmem:s30], [sflag:$0x4] =	stream.indirect.gather [hbm4b:s4+s15], $0x80, s14, s15, $0xb8;
	[tilespmem:$0x1C000] =	vst v63  }
.LBB2_2:
0x3e: {  	_ =	swait.ge [sflag:s31], $0x2800  }
0x3f: {  	[sflag:s31] =	ssyncset.done $0x0  }
0x40: {  	[sflag:s31] =	ssyncadd.s32 $0xFFFFD800  }
0x41: {  	_ =	swait.ge [sflag:s31], $0x2800  }
0x42: {  	[sflag:s31] =	ssyncset.done $0x0  }
0x43: {  	s7 =	sadd.s32 s11, s10;
	[sflag:s31] =	ssyncadd.s32 $0xFFFFD800  }
0x44: {  	[hbm4b:s7+s2] =	stream.linear.scatter [tilespmem:s16], [sflag:$0x5], $0x2800, $0x38;
	[tilespmem:$0x1C000] =	vst v63  }
0x45: {  	s8 =	sadd.s32 s12, s10  }
0x46: {  	[hbm4b:s8+s2] =	stream.linear.scatter [tilespmem:s17], [sflag:$0x5], $0x2800, $0x38;
	[tilespmem:$0x1C000] =	vst v63  }
0x47: {  	_ =	swait.ge [sflag:s0], $0x2800  }
0x48: {  	[sflag:s0] =	ssyncset.done $0x0  }
0x49: {  	[sflag:s0] =	ssyncadd.s32 $0xFFFFD800  }
0x4a: {  	_ =	swait.ge [sflag:s0], $0x2800  }
0x4b: {  	[sflag:s0] =	ssyncset.done $0x0  }
0x4c: {  	s9 =	sadd.s32 $0x500, s7;
	[sflag:s0] =	ssyncadd.s32 $0xFFFFD800  }
0x4d: {  	[hbm4b:s9+s2] =	stream.linear.scatter [tilespmem:s19], [sflag:$0x6], $0x2800, $0x38;
	[tilespmem:$0x1C000] =	vst v63  }
0x4e: {  	s5 =	sadd.s32 $0x500, s8  }
0x4f: {  	[hbm4b:s5+s2] =	stream.linear.scatter [tilespmem:s21], [sflag:$0x6], $0x2800, $0x38;
	[tilespmem:$0x1C000] =	vst v63  }
0x50: {  	_ =	swait.ge [sflag:s1], $0x2800  }
0x51: {  	[sflag:s1] =	ssyncset.done $0x0  }
0x52: {  	[sflag:s1] =	ssyncadd.s32 $0xFFFFD800  }
0x53: {  	_ =	swait.ge [sflag:s1], $0x2800  }
0x54: {  	[sflag:s1] =	ssyncset.done $0x0  }
0x55: {  	s14 =	sadd.s32 $0xA00, s7;
	[sflag:s1] =	ssyncadd.s32 $0xFFFFD800  }
0x56: {  	[hbm4b:s14+s2] =	stream.linear.scatter [tilespmem:s23], [sflag:$0x7], $0x2800, $0x38;
	[tilespmem:$0x1C000] =	vst v63  }
0x57: {  	s5 =	sadd.s32 $0xA00, s8  }
0x58: {  	[hbm4b:s5+s2] =	stream.linear.scatter [tilespmem:s25], [sflag:$0x7], $0x2800, $0x38;
	[tilespmem:$0x1C000] =	vst v63  }
0x59: {  	_ =	swait.ge [sflag:s18], $0x2800  }
0x5a: {  	[sflag:s18] =	ssyncset.done $0x0  }
0x5b: {  	[sflag:s18] =	ssyncadd.s32 $0xFFFFD800  }
0x5c: {  	_ =	swait.ge [sflag:s18], $0x2800  }
0x5d: {  	[sflag:s18] =	ssyncset.done $0x0  }
0x5e: {  	s7 =	sadd.s32 $0xF00, s7;
	[sflag:s18] =	ssyncadd.s32 $0xFFFFD800  }
0x5f: {  	[hbm4b:s7+s2] =	stream.linear.scatter [tilespmem:s28], [sflag:$0x8], $0x2800, $0x38;
	[tilespmem:$0x1C000] =	vst v63  }
0x60: {  	s8 =	sadd.s32 $0xF00, s8  }
0x61: {  	[hbm4b:s8+s2] =	stream.linear.scatter [tilespmem:s30], [sflag:$0x8], $0x2800, $0x38;
	[tilespmem:$0x1C000] =	vst v63  }
0x62: {  	_ =	swait.ge [sflag:s20], $0x2800  }
0x63: {  	[sflag:s20] =	ssyncset.done $0x0  }
0x64: {  	[sflag:s20] =	ssyncadd.s32 $0xFFFFD800  }
0x65: {  	_ =	swait.ge [sflag:s20], $0x2800  }
0x66: {  	s7 =	sshra.s32 s6, $0x2;
	[sflag:s20] =	ssyncset.done $0x0  }
0x67: {  	s9 =	sadd.s32 $0x200, s7;
	[sflag:s20] =	ssyncadd.s32 $0xFFFFD800  }
0x68: {  	[tilespmem:s16], [sflag:$0x1] =	stream.indirect.gather [hbm4b:s3+s15], $0x80, s9, s15, $0xb8;
	[tilespmem:$0x1C000] =	vst v63  }
0x69: {  	s14 =	sadd.s32 $0x4200, s7  }
0x6a: {  	[tilespmem:s17], [sflag:$0x1] =	stream.indirect.gather [hbm4b:s4+s15], $0x80, s14, s15, $0xb8;
	[tilespmem:$0x1C000] =	vst v63  }
0x6b: {  	_ =	swait.ge [sflag:s22], $0x2800  }
0x6c: {  	[sflag:s22] =	ssyncset.done $0x0  }
0x6d: {  	[sflag:s22] =	ssyncadd.s32 $0xFFFFD800  }
0x6e: {  	_ =	swait.ge [sflag:s22], $0x2800  }
0x6f: {  	p0 =	seq.s32 s6, $0xF000;
	[sflag:s22] =	ssyncset.done $0x0  }
0x70: {  	s8 =	simm.s32 @p0 $0x7;
	[sflag:s22] =	ssyncadd.s32 $0xFFFFD800  }
0x71: {  	_ =	swait.ge @p0 [sflag:s8], $0x2800  }
0x72: {  	[sflag:s8] =	ssyncset.done @p0 $0x0  }
0x73: {  	[sflag:s8] =	ssyncadd.s32 @p0 $0xFFFFD800  }
0x74: {  	_ =	swait.ge @p0 [sflag:s8], $0x2800  }
0x75: {  	[sflag:s8] =	ssyncset.done @p0 $0x0  }
0x76: {  	[sflag:s8] =	ssyncadd.s32 @p0 $0xFFFFD800;
	s8 =	sshra.s32 @!p0 s6, $0x2  }
0x77: {  	s5 =	simm.s32 @!p0 $0xA800;
	s14 =	simm.s32 @!p0 $0x50;
	s9 =	sadd.s32 @!p0 $0x280, s8  }
0x78: {  	[tilespmem:s5], [sflag:$0x2] =	stream.indirect.gather @!p0 [hbm4b:s3+s14], $0x80, s9, s14, $0xb8;
	[tilespmem:$0x1C000] =	vst v63  }
0x79: {  	s5 =	sadd.s32 @!p0 $0x4280, s8;
	s9 =	simm.s32 @!p0 $0x14800  }
0x7a: {  	[tilespmem:s9], [sflag:$0x2] =	stream.indirect.gather @!p0 [hbm4b:s4+s14], $0x80, s5, s14, $0xb8;
	[tilespmem:$0x1C000] =	vst v63  }
0x7b: {  	s5 =	simm.s32 @!p0 $0x7  }
0x7c: {  	_ =	swait.ge @!p0 [sflag:s5], $0x2800  }
0x7d: {  	[sflag:s5] =	ssyncset.done @!p0 $0x0  }
0x7e: {  	[sflag:s5] =	ssyncadd.s32 @!p0 $0xFFFFD800  }
0x7f: {  	_ =	swait.ge @!p0 [sflag:s5], $0x2800  }
0x80: {  	[sflag:s5] =	ssyncset.done @!p0 $0x0  }
0x81: {  	s9 =	simm.s32 @!p0 $0xD000;
	[sflag:s5] =	ssyncadd.s32 @!p0 $0xFFFFD800;
	s5 =	sadd.s32 @!p0 $0x300, s8  }
0x82: {  	[tilespmem:s9], [sflag:$0x3] =	stream.indirect.gather @!p0 [hbm4b:s3+s14], $0x80, s5, s14, $0xb8;
	[tilespmem:$0x1C000] =	vst v63  }
0x83: {  	s5 =	sadd.s32 @!p0 $0x4300, s8;
	s8 =	simm.s32 @!p0 $0x17000  }
0x84: {  	[tilespmem:s8], [sflag:$0x3] =	stream.indirect.gather @!p0 [hbm4b:s4+s14], $0x80, s5, s14, $0xb8;
	[tilespmem:$0x1C000] =	vst v63  }
0x85: {  	_ =	swait.ge [sflag:s24], $0x2800  }
.Ltmp2:
0x86: {  	[sflag:s24] =	ssyncset.done $0x0;
	(pc) =	sbr.rel @p0 .LBB2_4-.Ltmp2, $4  }
0x87: {  	[sflag:s24] =	ssyncadd.s32 $0xFFFFD800  }
0x88: {  	_ =	swait.ge [sflag:s24], $0x2800  }
0x89: {  	[sflag:s24] =	ssyncset.done $0x0  }
0x8a: {  	[sflag:s24] =	ssyncadd.s32 $0xFFFFD800  }
.Ltmp3:
0x8b: {  	(pc) =	sbr.rel .LBB2_2-.Ltmp3, $4  }
0x8c: {  	s5 =	sadd.s32 $0x380, s7;
	s14 =	sadd.s32 $0x4380, s7  }
0x8d: {  	[tilespmem:s28], [sflag:$0x4] =	stream.indirect.gather [hbm4b:s3+s15], $0x80, s5, s15, $0xb8;
	[tilespmem:$0x1C000] =	vst v63  }
0x8e: {  	s6 =	sadd.s32 $0x800, s6;
	s11 =	sadd.s32 $0x1400, s11;
	s12 =	sadd.s32 $0x1400, s12  }
0x8f: {  	[tilespmem:s30], [sflag:$0x4] =	stream.indirect.gather [hbm4b:s4+s15], $0x80, s14, s15, $0xb8;
	[tilespmem:$0x1C000] =	vst v63  }
.LBB2_5:
0x90: {  	_ =	sfence.sel $0x180000  }
0x91: {  	[bflag:$0x0] =	sbarrier.arrive $0xFFFF  }
0x92: {  	_ =	strace $0x90000047  }
0x93: {  	s0 =	stileid.u32;
	[bflag:$0x2] =	sbarrier.arrive $0xFFFF  }
0x94: {  	p0 =	sne.s32 s0, $0x0;
	s0 =	rddreg [dreg:$0x1]  }
0x95: {  	s0 =	sadd.s32 @!p0 $0x100000, s0  }
0x96: {  	[sflag:s0] =	ssyncadd.tile.s32 @!p0 $0x1;
	_ =	shalt  }
.Lfunc_end2:
_tile_overlayer_lowered:
.L_overlay_start_2:
0x97: {  	(tag) =	ssettag $0x2  }
0x98: {  	s0 =	rddreg [dreg:$0x0];
	s2 =	stileid.u32  }
0x99: {  	s1 =	rddreg [dreg:$0x1];
	p0 =	sne.s32 s2, $0x0  }
0x9a: {  	s3 =	rddreg [dreg:$0x2];
	[bflag:$0x3] =	sbarrier.arrive $0xFFFF;
	s2 =	simm.s32 @!p0 $0x1C09  }
0x9b: {  	[timem:s3], [sflag:s2] =	dma.local @!p0 [hbm:s0], s1  }
0x9c: {  	s0 =	simm.s32 @!p0 $0x9  }
0x9d: {  	_ =	swait.ge @!p0 [sflag:s0], s1  }
0x9e: {  	s1 =	ssub.s32 @!p0 $0x0, s1;
	[sflag:s0] =	ssyncset.done @!p0 $0x0  }
0x9f: {  	[sflag:s0] =	ssyncadd.s32 @!p0 s1  }
0xa0: {  	[bflag:$0x3] =	sbarrier.arrive $0xFFFF  }
0xa1: {  	_ =	shalt  }

// kernel: kernel.28.cloned.1.call-start
scs
__scs_entry_jumppad:
0x0: {  	(pc) =	sbr.rel $0x88, $3  }
0x1: {  	(tag) =	ssettag $0x0;
	lr =	simm.s32 $0x1  }
0x2: {  	[smem:$0x3F8A] =	sst lr;
	_ =	strace $0xD0000000  }
0x3: {  	_ = 	snop  }
0x4: {  	_ = 	snop  }
0x5: {  	_ = 	snop  }
0x6: {  	_ = 	snop  }
0x7: {  	_ = 	snop  }
__scs_overlays_trampoline_lowered:
0x8: {  	[smem:$0x3F99] =	sst s0  }
0x9: {  	[smem:$0x3F9A] =	sst s1  }
0xa: {  	[smem:$0x3F9B] =	sst s2  }
0xb: {  	[smem:$0x3F9C] =	sst s3  }
0xc: {  	[smem:$0x3F9D] =	sst s4  }
0xd: {  	[smem:$0x3F9E] =	sst s5  }
0xe: {  	[smem:$0x3F9F] =	sst s6  }
0xf: {  	[smem:$0x3FA0] =	sst s7  }
0x10: {  	[smem:$0x3FA1] =	sst s8  }
0x11: {  	[smem:$0x3FA2] =	sst s9;
	s0 =	simm.s32 @!p0 $0x0  }
0x12: {  	s1 =	sld [smem:$0x3F88];
	s0 =	simm.s32 @p0 $0x1  }
0x13: {  	[smem:$0x3FA3] =	sst s0;
	s0 =	simm.s32 @!p1 $0x0  }
0x14: {  	s2 =	sld [smem:$0x3F87];
	s0 =	simm.s32 @p1 $0x1  }
0x15: {  	[smem:$0x3FA4] =	sst s0;
	s0 =	simm.s32 @!p2 $0x0  }
0x16: {  	s3 =	sld [smem:$0x3FDB];
	s0 =	simm.s32 @p2 $0x1  }
0x17: {  	s4 =	simm.s32 $0x1BF5;
	[smem:$0x3FA6] =	sst s0  }
0x18: {  	s0 =	sld [smem:$0x3F89];
	_ =	swait.ge [sflag:s4], $0x0  }
0x19: {  	s7 =	sld [smem:$0x3F8A]  }
0x1a: {  	s8 =	sadd.s32 $0xFFFFE003, lr  }
0x1b: {  	s9 =	sadd.s32 $0xFFFFFEF7, lr;
	s5 =	simm.s32 $0xFFFFFFFF;
	p2 =	slt.u32 s8, $0xFFFFF086  }
0x1c: {  	p1 =	slt.u32 s9, $0xF7A;
	s5 =	simm.s32 @!p2 $0x0  }
0x1d: {  	s5 =	simm.s32 @p1 $0x1;
	p0 =	seq.s32 s7, s2  }
0x1e: {  	s7 =	smul.u32 @!p0 $0xF7A, s2;
	p2 =	seq.s32 @!p0 s5, $0x0  }
0x1f: {  	s9 =	smul.u32 $0xF7A, s1;
	s8 =	simm.s32 @!p0 $0x1BF5;
	p2 =	por !p2, p0  }
0x20: {  	[sflag:s8] =	ssyncset.s32 @!p0 $0xFFFFF086;
	s6 =	sadd.s32 @!p0 s3, s7;
	s7 =	simm.s32 @!p0 $0x108  }
0x21: {  	s3 =	sadd.s32 s3, s9;
	s6 =	sadd.s32 @!p0 $0x88, s6;
	s7 =	simm.s32 @p2 $0x1082  }
0x22: {  	[simem:s7], [sflag:s8] =	dma.local @!p0 [hbm:s6], $0xF7A  }
0x23: {  	s9 =	sor.u32 $0xD0000000, s2;
	s6 =	simm.s32 $0x108;
	_ =	swait.ge @!p0 [sflag:s8], $0x0  }
0x24: {  	s3 =	sadd.s32 $0x88, s3;
	s6 =	simm.s32 @!p1 $0x1082;
	[sflag:s4] =	ssyncset.s32 $0xFFFFF086  }
0x25: {  	[simem:s6], [sflag:s4] =	dma.local [hbm:s3], $0xF7A  }
0x26: {  	[smem:$0x3F8A] =	sst s1;
	(tag) =	ssettag s2;
	_ =	strace s9  }
0x27: {  	s1 =	sld [smem:$0x3F9A]  }
0x28: {  	s2 =	sld [smem:$0x3F9B]  }
0x29: {  	s4 =	sld [smem:$0x3F9D]  }
0x2a: {  	p0 =	seq.s32 s5, $0x0;
	s5 =	sld [smem:$0x3F9E]  }
0x2b: {  	s6 =	sld [smem:$0x3F9F]  }
0x2c: {  	s7 =	sld [smem:$0x3FA0]  }
0x2d: {  	s3 =	simm.s32 $0x108;
	s8 =	sld [smem:$0x3FA1]  }
0x2e: {  	s3 =	simm.s32 @!p0 $0x1082;
	s9 =	sld [smem:$0x3FA2]  }
0x2f: {  	lr =	sadd.s32 s0, s3;
	s0 =	sld [smem:$0x3F99]  }
0x30: {  	s3 =	sld [smem:$0x3F9C]  }
0x31: {  	[smem:$0x3FA5] =	sst s10  }
0x32: {  	s10 =	sld [smem:$0x3FA3];
	_ =	sdelay $0x3  }
0x33: {  	p0 =	seq.s32 s10, $0x1;
	s10 =	sld [smem:$0x3FA5];
	_ =	sdelay $0x3  }
0x34: {  	[smem:$0x3FA5] =	sst s10  }
0x35: {  	s10 =	sld [smem:$0x3FA4];
	_ =	sdelay $0x3  }
0x36: {  	p1 =	seq.s32 s10, $0x1;
	s10 =	sld [smem:$0x3FA5];
	_ =	sdelay $0x3  }
0x37: {  	[smem:$0x3FA5] =	sst s10  }
0x38: {  	s10 =	sld [smem:$0x3FA6]  }
0x39: {  	_ = 	snop;
	(pc) =	sbr.ind lr, $3  }
0x3a: {  	_ = 	snop  }
0x3b: {  	_ = 	snop  }
0x3c: {  	p2 =	seq.s32 s10, $0x1;
	s10 =	sld [smem:$0x3FA5]  }
0x3d: {  	_ =	shalt  }
0x3e: {  	_ =	shalt  }
0x3f: {  	_ =	shalt  }
0x40: {  	_ =	shalt  }
0x41: {  	_ =	shalt  }
0x42: {  	_ =	shalt  }
0x43: {  	_ =	shalt  }
0x44: {  	_ =	shalt  }
0x45: {  	_ =	shalt  }
0x46: {  	_ =	shalt  }
0x47: {  	_ =	shalt  }
0x48: {  	_ =	shalt  }
0x49: {  	_ =	shalt  }
0x4a: {  	_ =	shalt  }
0x4b: {  	_ =	shalt  }
0x4c: {  	_ =	shalt  }
0x4d: {  	_ =	shalt  }
0x4e: {  	_ =	shalt  }
0x4f: {  	_ =	shalt  }
0x50: {  	_ =	shalt  }
0x51: {  	_ =	shalt  }
0x52: {  	_ =	shalt  }
0x53: {  	_ =	shalt  }
0x54: {  	_ =	shalt  }
0x55: {  	_ =	shalt  }
0x56: {  	_ =	shalt  }
0x57: {  	_ =	shalt  }
0x58: {  	_ =	shalt  }
0x59: {  	_ =	shalt  }
0x5a: {  	_ =	shalt  }
0x5b: {  	_ =	shalt  }
0x5c: {  	_ =	shalt  }
0x5d: {  	_ =	shalt  }
0x5e: {  	_ =	shalt  }
0x5f: {  	_ =	shalt  }
0x60: {  	_ =	shalt  }
0x61: {  	_ =	shalt  }
0x62: {  	_ =	shalt  }
0x63: {  	_ =	shalt  }
0x64: {  	_ =	shalt  }
0x65: {  	_ =	shalt  }
0x66: {  	_ =	shalt  }
0x67: {  	_ =	shalt  }
0x68: {  	_ =	shalt  }
0x69: {  	_ =	shalt  }
0x6a: {  	_ =	shalt  }
0x6b: {  	_ =	shalt  }
0x6c: {  	_ =	shalt  }
0x6d: {  	_ =	shalt  }
0x6e: {  	_ =	shalt  }
0x6f: {  	_ =	shalt  }
0x70: {  	_ =	shalt  }
0x71: {  	_ =	shalt  }
0x72: {  	_ =	shalt  }
0x73: {  	_ =	shalt  }
0x74: {  	_ =	shalt  }
0x75: {  	_ =	shalt  }
0x76: {  	_ =	shalt  }
0x77: {  	_ =	shalt  }
0x78: {  	_ =	shalt  }
0x79: {  	_ =	shalt  }
0x7a: {  	_ =	shalt  }
0x7b: {  	_ =	shalt  }
0x7c: {  	_ =	shalt  }
0x7d: {  	_ =	shalt  }
0x7e: {  	_ =	shalt  }
0x7f: {  	_ =	shalt  }
0x80: {  	_ =	shalt  }
0x81: {  	_ =	shalt  }
0x82: {  	_ =	shalt  }
0x83: {  	_ =	shalt  }
0x84: {  	_ =	shalt  }
0x85: {  	_ =	shalt  }
0x86: {  	_ =	shalt  }
0x87: {  	_ =	shalt  }
.Lfunc_end0:
.L_simem_size_0:
called_computation.1_lowered:
.L_overlay_start_0:
0x88: {  	s2 =	sld [smem:$0x3FD9]  }
0x89: {  	s3 =	sld [smem:$0x3FFE];
	_ =	sdelay $0x1  }
0x8a: {  	s1 =	srdreg.scid  }
0x8b: {  	s0 =	sand.u32 $0x1, s1  }
0x8c: {  	s16 =	sshll.u32 s0, $0xA;
	s2 =	sadd.s32 s3, s2  }
0x8d: {  	s2 =	sadd.s32 s2, s16  }
0x8e: {  	[smem:$0x3FB1] =	sst s2  }
0x8f: {  	_ = 	snop  }
0x90: {  	(tm) =	ssettm $0x1  }
0x91: {  	s17 =	sld [smem:$0x3FFB];
	_ =	sdelay $0x3  }
0x92: {  	_ =	strace s17  }
0x93: {  	s2 =	sld [smem:$0x3FFC];
	_ =	sdelay $0x3  }
0x94: {  	_ =	strace s2  }
0x95: {  	s2 =	sld [smem:$0x3FFD];
	_ =	sdelay $0x3  }
0x96: {  	_ =	strace s2  }
0x97: {  	_ =	strace $0x8FFFFFFF  }
0x98: {  	s18 =	sld [smem:$0x3FDB];
	_ =	sdelay $0x1  }
0x99: {  	s19 =	simm.s32 $_scs_section_size  }
0x9a: {  	s4 =	simm.s32 $_size__tile_overlayer_lowered;
	s5 =	simm.s32 $_tile_overlayer_lowered  }
0x9b: {  	s22 =	simm.s32 $0x1BFF;
	s21 =	sshll.u32 s5, $0x1;
	s2 =	sadd.s32 s19, s18  }
0x9c: {  	s6 =	simm.s32 $0x0;
	s20 =	sshll.u32 s4, $0x1;
	s4 =	sadd.s32 s21, s2  }
0x9d: {  	[timem:s6], [sflag:s22] =	dma.local [hbm:s4], s20  }
0x9e: {  	_ =	swait.ge [sflag:s22], s20  }
0x9f: {  	s3 =	ssub.s32 $0x0, s20;
	[sflag:s22] =	ssyncset.done $0x0  }
0xa0: {  	[sflag:s22] =	ssyncadd.s32 s3;
	_ =	sdelay $0x1  }
0xa1: {  	s23 =	simm.s32 $0x1B8B  }
0xa2: {  	_ =	swait.ge [sflag:s23], $0x1  }
0xa3: {  	[sflag:s23] =	ssyncset.done $0x0  }
0xa4: {  	s25 =	simm.s32 $0x1B8E;
	s24 =	sld [smem:$0x3FFE];
	[sflag:s23] =	ssyncadd.s32 $0xFFFFFFFF  }
0xa5: {  	s26 =	simm.s32 $execute0_lowered;
	[smem:$0x3FD2] =	sst s25  }
0xa6: {  	s4 =	sshll.u32 s26, $0x1;
	_ =	strace $0x80000049;
	[dreg:$0x1] =	wrdreg $0xFFFFFFFF  }
0xa7: {  	s28 =	simm.s32 $_size_execute0_lowered;
	s2 =	sadd.s32 s2, s4;
	[dreg:$0x0] =	wrdreg $0x0  }
0xa8: {  	s4 =	sshll.u32 s28, $0x1;
	[dreg:$0x2] =	wrdreg s2  }
0xa9: {  	[dreg:$0x3] =	wrdreg s4  }
0xaa: {  	[dreg:$0x4] =	wrdreg $0xC0  }
0xab: {  	_ =	task [dreg:s6], $0x5FFFF  }
0xac: {  	[dreg:$0x1] =	wrdreg $0xFFFFFFFF  }
0xad: {  	[dreg:$0x0] =	wrdreg $0x60  }
0xae: {  	[dreg:$0x2] =	wrdreg s24  }
0xaf: {  	[dreg:$0x3] =	wrdreg $0x90000  }
0xb0: {  	[dreg:$0x4] =	wrdreg $0x9  }
0xb1: {  	_ =	task.clear_ibuf [dreg:s6], $0x5FFFF;
	_ =	strace $0x90000049  }
0xb2: {  	s29 =	simm.s32 $0x9;
	_ =	strace $0x8000004B  }
0xb3: {  	_ =	swait.ge [sflag:s29], $0x1  }
0xb4: {  	[sflag:s29] =	ssyncadd.s32 $0xFFFFFFFF  }
0xb5: {  	_ =	strace $0x9000004B  }
0xb6: {  	_ =	sfence  }
0xb7: {  	s30 =	sld [smem:$0x0];
	_ =	sdelay $0x2  }
0xb8: {  	s31 =	sshll.u32 s1, $0xD;
	s1 =	sshrl.u32 s1, $0x2  }
0xb9: {  	s3 =	sand.u32 $0x4000, s31;
	s1 =	sadd.s32 s1, s30  }
0xba: {  	s0 =	sor.u32 s3, s0;
	s1 =	sshll.u32 s1, $0x11  }
0xbb: {  	s0 =	sor.u32 s1, s0  }
0xbc: {  	s0 =	sadd.s32 $0x8F2B, s0  }
0xbd: {  	[sflag:s0] =	ssyncadd.remote.s32 $0x1  }
0xbe: {  	_ =	sfence.sel $0xFFFF  }
0xbf: {  	[dreg:$0x0] =	wrdreg $0xFFFFFFFF;
	(pc) =	sbr.abs _section_cstart, $3  }
0xc0: {  	[dreg:$0x1] =	wrdreg $0xFFFFFFFF  }
0xc1: {  	_ =	task.clear_ibuf [dreg:s6], $0x2FFFF;
	_ =	strace $0x9FFFFFFF  }
0xc2: {  	(tm) =	ssettm $0x7FFFFFFF  }
0xc3: {  	_ =	shalt  }
tec
execute0_lowered:
.L_overlay_start_1:
0x0: {  	(tag) =	ssettag $0x1  }
0x1: {  	s5 =	rddreg [dreg:$0x0]  }
0x2: {  	s1 =	rddreg [dreg:$0x1]  }
0x3: {  	s0 =	rddreg [dreg:$0x2];
	s2 =	simm.s32 $0x0;
	s4 =	srdreg.scid  }
0x4: {  	s3 =	stileid.u32;
	s16 =	simm.s32 $0x6800;
	s17 =	simm.s32 $0x1  }
0x5: {  	s18 =	simm.s32 $0x50;
	s19 =	simm.s32 $0x2;
	s20 =	simm.s32 $0x3D00  }
0x6: {  	[smem:$0x7FF] =	sst s2;
	s6 =	sand.u32 $0x1, s4;
	s13 =	smul.u32 $0x4E000, s3  }
0x7: {  	s21 =	sshll.u32 s3, $0x1;
	s11 =	sadd.s32 $0x140BE00, s5;
	s23 =	smul.u32 $0x2700, s3  }
0x8: {  	s14 =	sadd.s32 $0xA6FC00, s5;
	s30 =	smul.u32 $0x4E200, s3;
	p0 =	sne.s32 s3, $0x0  }
0x9: {  	p1 =	seq.s32 s3, $0xF;
	_ =	strace $0x8000004A;
	s15 =	smul.u32 $0x27100, s6  }
0xa: {  	s4 =	sor.u32 s6, s21;
	s9 =	ssub.s32 $0x2, s6;
	s26 =	smul.u32 $0x138800, s6  }
0xb: {  	s21 =	simm.s32 $0x3D80;
	s7 =	sshll.u32 s4, $0xB;
	s8 =	smul.u32 $0x27100, s4  }
0xc: {  	s10 =	smul.u32 $0x138800, s4;
	s4 =	sadd.s32 $0xA48A00, s5;
	s12 =	sshrl.u32 s9, $0x1  }
0xd: {  	s25 =	sshrl.u32 s13, $0x2;
	s31 =	sadd.s32 s30, s11;
	s13 =	sshrl.u32 @!p0 s1, $0x3  }
0xe: {  	s7 =	sadd.s32 s7, s5;
	s12 =	ssub.s32 s9, s12;
	s24 =	sadd.s32 s25, s1  }
0xf: {  	s28 =	sadd.s32 s23, s15;
	s29 =	sshrl.u32 s26, $0x3;
	s23 =	sadd.s32 $0x124800, s1  }
0x10: {  	s25 =	simm.s32 $0x0;
	s5 =	sadd.s32 $0xEA00, s7;
	s22 =	sshrl.u32 s10, $0x3  }
0x11: {  	s6 =	sadd.s32 s11, s8;
	s8 =	sadd.s32 s14, s28;
	s9 =	sadd.s32 s14, s29  }
0x12: {  	s10 =	smax.u32 s12, $0x1;
	s12 =	sadd.s32 s15, s31;
	s14 =	simm.s32 $0x3  }
0x13: {  	s15 =	simm.s32 $0x4000;
	s23 =	sshrl.u32 @p1 s23, $0x3;
	s24 =	sshrl.u32 @!p1 s24, $0x3  }
0x14: {  	s7 =	sadd.s32 s11, s22;
	s9 =	sadd.s32 $0x24900, s9;
	s11 =	sadd.s32 $0x26C00, s6  }
0x15: {  	s12 =	sadd.s32 $0xF00, s12;
	s22 =	simm.s32 $0x3E00;
	s7 =	sadd.s32 $0x500, s7  }
.LBB2_1:
0x16: {  	s26 =	simm.s32 @!p0 $0x1C03  }
0x17: {  	[spmem:s13], [sflag:s26] =	dma.local @!p0 [hbm:s4], $0x27100  }
0x18: {  	s26 =	simm.s32 @!p0 $0x3  }
0x19: {  	_ =	swait.ge @!p0 [sflag:s26], $0x27100  }
0x1a: {  	[sflag:s26] =	ssyncset.done @!p0 $0x0  }
0x1b: {  	[sflag:s26] =	ssyncadd.s32 @!p0 $0xFFFD8F00  }
0x1c: {  	[tilespmem:s2], [sflag:$0x3] =	stream.linear.gather [hbm4b:s5+s2], $0x3E80, $0x38;
	[tilespmem:$0x1C880] =	vst v63  }
0x1d: {  	_ =	swait.ge [sflag:s14], $0x3E80  }
0x1e: {  	[sflag:s14] =	ssyncset.done $0x0  }
0x1f: {  	[sflag:s14] =	ssyncadd.s32 $0xFFFFC180  }
0x20: {  	[bflag:$0x0] =	sbarrier.arrive $0xFFFF  }
0x21: {  	[tilespmem:s15], [sflag:$0x1] =	stream.linear.gather [hbm4b:s6+s2], $0x2800, $0x38;
	[tilespmem:$0x1C880] =	vst v63  }
0x22: {  	_ = 	snop  }
0x23: {  	[tilespmem:s16], [sflag:$0x2] =	stream.linear.gather [hbm4b:s7+s2], $0x2800, $0x38;
	[tilespmem:$0x1C880] =	vst v63  }
0x24: {  	_ =	swait.ge [sflag:s17], $0x2800  }
0x25: {  	[sflag:s17] =	ssyncset.done $0x0  }
0x26: {  	s31 =	simm.s32 $0x0;
	[sflag:s17] =	ssyncadd.s32 $0xFFFFD800  }
0x27: {  	[spmem:s1] =	stream.indirect.scatter.add.f32 [tilespmem:s15], [sflag:$0x3], $0x80, s31, s18, $0xb8;
	[tilespmem:$0x1C880] =	vst v63  }
0x28: {  	_ =	swait.ge [sflag:s14], $0x2800  }
0x29: {  	[sflag:s14] =	ssyncset.done $0x0  }
0x2a: {  	s30 =	sadd.s32 $0xFFFFFB00, s12;
	[sflag:s14] =	ssyncadd.s32 $0xFFFFD800  }
0x2b: {  	[tilespmem:s15], [sflag:$0x1] =	stream.linear.gather [hbm4b:s30+s2], $0x2800, $0x38;
	[tilespmem:$0x1C880] =	vst v63  }
0x2c: {  	_ =	swait.ge [sflag:s19], $0x2800  }
0x2d: {  	[sflag:s19] =	ssyncset.done $0x0  }
0x2e: {  	s31 =	simm.s32 $0x80;
	[sflag:s19] =	ssyncadd.s32 $0xFFFFD800  }
0x2f: {  	[spmem:s1] =	stream.indirect.scatter.add.f32 [tilespmem:s16], [sflag:$0x3], $0x80, s31, s18, $0xb8;
	[tilespmem:$0x1C880] =	vst v63  }
0x30: {  	_ =	swait.ge [sflag:s14], $0x2800  }
0x31: {  	s28 =	sadd.s32 $0xA00, s12;
	[sflag:s14] =	ssyncset.done $0x0  }
0x32: {  	s29 =	smov.u32 s12;
	s26 =	simm.s32 $0x400;
	[sflag:s14] =	ssyncadd.s32 $0xFFFFD800  }
.LBB2_2:
0x33: {  	[tilespmem:s16], [sflag:$0x2] =	stream.linear.gather [hbm4b:s29+s2], $0x2800, $0x38;
	[tilespmem:$0x1C880] =	vst v63  }
0x34: {  	s30 =	smov.u32 s26;
	s29 =	smov.u32 s28  }
0x35: {  	p2 =	sne.s32 s26, $0xF000;
	s26 =	sadd.s32 $0x400, s26;
	_ =	swait.ge [sflag:s17], $0x2800  }
0x36: {  	[sflag:s17] =	ssyncset.done $0x0  }
0x37: {  	s30 =	sshra.s32 s30, $0x2;
	[sflag:s17] =	ssyncadd.s32 $0xFFFFD800  }
0x38: {  	[spmem:s1] =	stream.indirect.scatter.add.f32 [tilespmem:s15], [sflag:$0x3], $0x80, s30, s18, $0xb8;
	[tilespmem:$0x1C880] =	vst v63  }
0x39: {  	_ =	swait.ge [sflag:s14], $0x2800  }
0x3a: {  	[sflag:s14] =	ssyncset.done $0x0  }
0x3b: {  	s31 =	sadd.s32 $0xFFFFFB00, s28;
	[sflag:s14] =	ssyncadd.s32 $0xFFFFD800  }
0x3c: {  	[tilespmem:s15], [sflag:$0x1] =	stream.linear.gather [hbm4b:s31+s2], $0x2800, $0x38;
	[tilespmem:$0x1C880] =	vst v63  }
0x3d: {  	_ =	swait.ge [sflag:s19], $0x2800  }
0x3e: {  	[sflag:s19] =	ssyncset.done $0x0  }
.Ltmp0:
0x3f: {  	s30 =	sadd.s32 $0x80, s30;
	[sflag:s19] =	ssyncadd.s32 $0xFFFFD800;
	(pc) =	sbr.rel @p2 .LBB2_2-.Ltmp0, $4  }
0x40: {  	[spmem:s1] =	stream.indirect.scatter.add.f32 [tilespmem:s16], [sflag:$0x3], $0x80, s30, s18, $0xb8;
	[tilespmem:$0x1C880] =	vst v63  }
0x41: {  	_ =	swait.ge [sflag:s14], $0x2800  }
0x42: {  	[sflag:s14] =	ssyncset.done $0x0  }
0x43: {  	s28 =	sadd.s32 $0xA00, s28;
	[sflag:s14] =	ssyncadd.s32 $0xFFFFD800  }
0x44: {  	[tilespmem:s16], [sflag:$0x2] =	stream.linear.gather [hbm4b:s29+s2], $0x2800, $0x38;
	[tilespmem:$0x1C880] =	vst v63  }
0x45: {  	_ =	swait.ge [sflag:s17], $0x2800  }
0x46: {  	[sflag:s17] =	ssyncset.done $0x0  }
0x47: {  	[sflag:s17] =	ssyncadd.s32 $0xFFFFD800  }
0x48: {  	[spmem:s1] =	stream.indirect.scatter.add.f32 [tilespmem:s15], [sflag:$0x3], $0x80, s20, s18, $0xb8;
	[tilespmem:$0x1C880] =	vst v63  }
0x49: {  	_ =	swait.ge [sflag:s14], $0x2800  }
0x4a: {  	[sflag:s14] =	ssyncset.done $0x0  }
0x4b: {  	[sflag:s14] =	ssyncadd.s32 $0xFFFFD800  }
0x4c: {  	[tilespmem:s15], [sflag:$0x1] =	stream.linear.gather [hbm4b:s11+s2], $0x2800, $0x38;
	[tilespmem:$0x1C880] =	vst v63  }
0x4d: {  	_ =	swait.ge [sflag:s19], $0x2800  }
0x4e: {  	[sflag:s19] =	ssyncset.done $0x0  }
0x4f: {  	[sflag:s19] =	ssyncadd.s32 $0xFFFFD800  }
0x50: {  	[spmem:s1] =	stream.indirect.scatter.add.f32 [tilespmem:s16], [sflag:$0x3], $0x80, s21, s18, $0xb8;
	[tilespmem:$0x1C880] =	vst v63  }
0x51: {  	_ =	swait.ge [sflag:s14], $0x2800  }
0x52: {  	[sflag:s14] =	ssyncset.done $0x0  }
0x53: {  	[sflag:s14] =	ssyncadd.s32 $0xFFFFD800  }
0x54: {  	_ =	swait.ge [sflag:s17], $0x2800  }
0x55: {  	[sflag:s17] =	ssyncset.done $0x0  }
0x56: {  	[sflag:s17] =	ssyncadd.s32 $0xFFFFD800  }
0x57: {  	[spmem:s1] =	stream.indirect.scatter.add.f32 [tilespmem:s15], [sflag:$0x3], $0x80, s22, s18, $0xb8;
	[tilespmem:$0x1C880] =	vst v63  }
0x58: {  	_ =	swait.ge [sflag:s14], $0x2800  }
0x59: {  	[sflag:s14] =	ssyncset.done $0x0  }
0x5a: {  	[sflag:s14] =	ssyncadd.s32 $0xFFFFD800  }
0x5b: {  	s26 =	simm.s32 @p1 $0x1FC3;
	[bflag:$0x0] =	sbarrier.arrive $0xFFFF  }
0x5c: {  	[hbm:s9], [sflag:s26] =	dma.local @p1 [spmem:s23], $0x2800  }
0x5d: {  	s26 =	simm.s32 @p1 $0x3  }
0x5e: {  	_ =	swait.ge @p1 [sflag:s26], $0x2800  }
0x5f: {  	s28 =	sshll.u32 @!p1 s3, $0x6;
	s25 =	sadd.s32 $0x1, s25;
	[sflag:s26] =	ssyncset.done @p1 $0x0  }
0x60: {  	p2 =	sne.s32 s25, s10;
	[sflag:s26] =	ssyncadd.s32 @p1 $0xFFFFD800;
	s26 =	sor.u32 @!p1 $0x1C03, s28  }
0x61: {  	[hbm:s8], [sflag:s26] =	dma.local @!p1 [spmem:s24], $0x2700  }
.Ltmp1:
0x62: {  	_ = 	snop;
	(pc) =	sbr.rel @p2 .LBB2_1-.Ltmp1, $4  }
0x63: {  	s26 =	simm.s32 @!p1 $0x3  }
0x64: {  	_ =	swait.ge @!p1 [sflag:s26], $0x2700  }
0x65: {  	[sflag:s26] =	ssyncset.done @!p1 $0x0  }
0x66: {  	[sflag:s26] =	ssyncadd.s32 @!p1 $0xFFFFD900  }
0x67: {  	_ =	sfence.sel $0x180000  }
0x68: {  	[bflag:$0x0] =	sbarrier.arrive $0xFFFF  }
0x69: {  	_ =	strace $0x9000004A  }
0x6a: {  	s0 =	sadd.s32 @!p0 $0x100000, s0;
	[bflag:$0x2] =	sbarrier.arrive $0xFFFF  }
0x6b: {  	[sflag:s0] =	ssyncadd.tile.s32 @!p0 $0x1;
	_ =	shalt  }
.Lfunc_end2:
_tile_overlayer_lowered:
.L_overlay_start_2:
0x6c: {  	(tag) =	ssettag $0x2  }
0x6d: {  	s0 =	rddreg [dreg:$0x0];
	s2 =	stileid.u32  }
0x6e: {  	s1 =	rddreg [dreg:$0x1];
	p0 =	sne.s32 s2, $0x0  }
0x6f: {  	s3 =	rddreg [dreg:$0x2];
	[bflag:$0x3] =	sbarrier.arrive $0xFFFF;
	s2 =	simm.s32 @!p0 $0x1C03  }
0x70: {  	[timem:s3], [sflag:s2] =	dma.local @!p0 [hbm:s0], s1  }
0x71: {  	s0 =	simm.s32 @!p0 $0x3  }
0x72: {  	_ =	swait.ge @!p0 [sflag:s0], s1  }
0x73: {  	s1 =	ssub.s32 @!p0 $0x0, s1;
	[sflag:s0] =	ssyncset.done @!p0 $0x0  }
0x74: {  	[sflag:s0] =	ssyncadd.s32 @!p0 s1  }
0x75: {  	[bflag:$0x3] =	sbarrier.arrive $0xFFFF  }
0x76: {  	_ =	shalt  }

// kernel: kernel.31.cloned.1.call-start
scs
__scs_entry_jumppad:
0x0: {  	(pc) =	sbr.rel $0x88, $3  }
0x1: {  	(tag) =	ssettag $0x0;
	lr =	simm.s32 $0x1  }
0x2: {  	[smem:$0x3F8A] =	sst lr;
	_ =	strace $0xD0000000  }
0x3: {  	_ = 	snop  }
0x4: {  	_ = 	snop  }
0x5: {  	_ = 	snop  }
0x6: {  	_ = 	snop  }
0x7: {  	_ = 	snop  }
__scs_overlays_trampoline_lowered:
0x8: {  	[smem:$0x3F99] =	sst s0  }
0x9: {  	[smem:$0x3F9A] =	sst s1  }
0xa: {  	[smem:$0x3F9B] =	sst s2  }
0xb: {  	[smem:$0x3F9C] =	sst s3  }
0xc: {  	[smem:$0x3F9D] =	sst s4  }
0xd: {  	[smem:$0x3F9E] =	sst s5  }
0xe: {  	[smem:$0x3F9F] =	sst s6  }
0xf: {  	[smem:$0x3FA0] =	sst s7  }
0x10: {  	[smem:$0x3FA1] =	sst s8  }
0x11: {  	[smem:$0x3FA2] =	sst s9;
	s0 =	simm.s32 @!p0 $0x0  }
0x12: {  	s1 =	sld [smem:$0x3F88];
	s0 =	simm.s32 @p0 $0x1  }
0x13: {  	[smem:$0x3FA3] =	sst s0;
	s0 =	simm.s32 @!p1 $0x0  }
0x14: {  	s2 =	sld [smem:$0x3F87];
	s0 =	simm.s32 @p1 $0x1  }
0x15: {  	[smem:$0x3FA4] =	sst s0;
	s0 =	simm.s32 @!p2 $0x0  }
0x16: {  	s3 =	sld [smem:$0x3FDB];
	s0 =	simm.s32 @p2 $0x1  }
0x17: {  	s4 =	simm.s32 $0x1BF5;
	[smem:$0x3FA6] =	sst s0  }
0x18: {  	s0 =	sld [smem:$0x3F89];
	_ =	swait.ge [sflag:s4], $0x0  }
0x19: {  	s7 =	sld [smem:$0x3F8A]  }
0x1a: {  	s8 =	sadd.s32 $0xFFFFE003, lr  }
0x1b: {  	s9 =	sadd.s32 $0xFFFFFEF7, lr;
	s5 =	simm.s32 $0xFFFFFFFF;
	p2 =	slt.u32 s8, $0xFFFFF086  }
0x1c: {  	p1 =	slt.u32 s9, $0xF7A;
	s5 =	simm.s32 @!p2 $0x0  }
0x1d: {  	s5 =	simm.s32 @p1 $0x1;
	p0 =	seq.s32 s7, s2  }
0x1e: {  	s7 =	smul.u32 @!p0 $0xF7A, s2;
	p2 =	seq.s32 @!p0 s5, $0x0  }
0x1f: {  	s9 =	smul.u32 $0xF7A, s1;
	s8 =	simm.s32 @!p0 $0x1BF5;
	p2 =	por !p2, p0  }
0x20: {  	[sflag:s8] =	ssyncset.s32 @!p0 $0xFFFFF086;
	s6 =	sadd.s32 @!p0 s3, s7;
	s7 =	simm.s32 @!p0 $0x108  }
0x21: {  	s3 =	sadd.s32 s3, s9;
	s6 =	sadd.s32 @!p0 $0x88, s6;
	s7 =	simm.s32 @p2 $0x1082  }
0x22: {  	[simem:s7], [sflag:s8] =	dma.local @!p0 [hbm:s6], $0xF7A  }
0x23: {  	s9 =	sor.u32 $0xD0000000, s2;
	s6 =	simm.s32 $0x108;
	_ =	swait.ge @!p0 [sflag:s8], $0x0  }
0x24: {  	s3 =	sadd.s32 $0x88, s3;
	s6 =	simm.s32 @!p1 $0x1082;
	[sflag:s4] =	ssyncset.s32 $0xFFFFF086  }
0x25: {  	[simem:s6], [sflag:s4] =	dma.local [hbm:s3], $0xF7A  }
0x26: {  	[smem:$0x3F8A] =	sst s1;
	(tag) =	ssettag s2;
	_ =	strace s9  }
0x27: {  	s1 =	sld [smem:$0x3F9A]  }
0x28: {  	s2 =	sld [smem:$0x3F9B]  }
0x29: {  	s4 =	sld [smem:$0x3F9D]  }
0x2a: {  	p0 =	seq.s32 s5, $0x0;
	s5 =	sld [smem:$0x3F9E]  }
0x2b: {  	s6 =	sld [smem:$0x3F9F]  }
0x2c: {  	s7 =	sld [smem:$0x3FA0]  }
0x2d: {  	s3 =	simm.s32 $0x108;
	s8 =	sld [smem:$0x3FA1]  }
0x2e: {  	s3 =	simm.s32 @!p0 $0x1082;
	s9 =	sld [smem:$0x3FA2]  }
0x2f: {  	lr =	sadd.s32 s0, s3;
	s0 =	sld [smem:$0x3F99]  }
0x30: {  	s3 =	sld [smem:$0x3F9C]  }
0x31: {  	[smem:$0x3FA5] =	sst s10  }
0x32: {  	s10 =	sld [smem:$0x3FA3];
	_ =	sdelay $0x3  }
0x33: {  	p0 =	seq.s32 s10, $0x1;
	s10 =	sld [smem:$0x3FA5];
	_ =	sdelay $0x3  }
0x34: {  	[smem:$0x3FA5] =	sst s10  }
0x35: {  	s10 =	sld [smem:$0x3FA4];
	_ =	sdelay $0x3  }
0x36: {  	p1 =	seq.s32 s10, $0x1;
	s10 =	sld [smem:$0x3FA5];
	_ =	sdelay $0x3  }
0x37: {  	[smem:$0x3FA5] =	sst s10  }
0x38: {  	s10 =	sld [smem:$0x3FA6]  }
0x39: {  	_ = 	snop;
	(pc) =	sbr.ind lr, $3  }
0x3a: {  	_ = 	snop  }
0x3b: {  	_ = 	snop  }
0x3c: {  	p2 =	seq.s32 s10, $0x1;
	s10 =	sld [smem:$0x3FA5]  }
0x3d: {  	_ =	shalt  }
0x3e: {  	_ =	shalt  }
0x3f: {  	_ =	shalt  }
0x40: {  	_ =	shalt  }
0x41: {  	_ =	shalt  }
0x42: {  	_ =	shalt  }
0x43: {  	_ =	shalt  }
0x44: {  	_ =	shalt  }
0x45: {  	_ =	shalt  }
0x46: {  	_ =	shalt  }
0x47: {  	_ =	shalt  }
0x48: {  	_ =	shalt  }
0x49: {  	_ =	shalt  }
0x4a: {  	_ =	shalt  }
0x4b: {  	_ =	shalt  }
0x4c: {  	_ =	shalt  }
0x4d: {  	_ =	shalt  }
0x4e: {  	_ =	shalt  }
0x4f: {  	_ =	shalt  }
0x50: {  	_ =	shalt  }
0x51: {  	_ =	shalt  }
0x52: {  	_ =	shalt  }
0x53: {  	_ =	shalt  }
0x54: {  	_ =	shalt  }
0x55: {  	_ =	shalt  }
0x56: {  	_ =	shalt  }
0x57: {  	_ =	shalt  }
0x58: {  	_ =	shalt  }
0x59: {  	_ =	shalt  }
0x5a: {  	_ =	shalt  }
0x5b: {  	_ =	shalt  }
0x5c: {  	_ =	shalt  }
0x5d: {  	_ =	shalt  }
0x5e: {  	_ =	shalt  }
0x5f: {  	_ =	shalt  }
0x60: {  	_ =	shalt  }
0x61: {  	_ =	shalt  }
0x62: {  	_ =	shalt  }
0x63: {  	_ =	shalt  }
0x64: {  	_ =	shalt  }
0x65: {  	_ =	shalt  }
0x66: {  	_ =	shalt  }
0x67: {  	_ =	shalt  }
0x68: {  	_ =	shalt  }
0x69: {  	_ =	shalt  }
0x6a: {  	_ =	shalt  }
0x6b: {  	_ =	shalt  }
0x6c: {  	_ =	shalt  }
0x6d: {  	_ =	shalt  }
0x6e: {  	_ =	shalt  }
0x6f: {  	_ =	shalt  }
0x70: {  	_ =	shalt  }
0x71: {  	_ =	shalt  }
0x72: {  	_ =	shalt  }
0x73: {  	_ =	shalt  }
0x74: {  	_ =	shalt  }
0x75: {  	_ =	shalt  }
0x76: {  	_ =	shalt  }
0x77: {  	_ =	shalt  }
0x78: {  	_ =	shalt  }
0x79: {  	_ =	shalt  }
0x7a: {  	_ =	shalt  }
0x7b: {  	_ =	shalt  }
0x7c: {  	_ =	shalt  }
0x7d: {  	_ =	shalt  }
0x7e: {  	_ =	shalt  }
0x7f: {  	_ =	shalt  }
0x80: {  	_ =	shalt  }
0x81: {  	_ =	shalt  }
0x82: {  	_ =	shalt  }
0x83: {  	_ =	shalt  }
0x84: {  	_ =	shalt  }
0x85: {  	_ =	shalt  }
0x86: {  	_ =	shalt  }
0x87: {  	_ =	shalt  }
.Lfunc_end0:
.L_simem_size_0:
called_computation.2_lowered:
.L_overlay_start_0:
0x88: {  	s2 =	sld [smem:$0x3FD9]  }
0x89: {  	s3 =	sld [smem:$0x3FFE];
	_ =	sdelay $0x1  }
0x8a: {  	s1 =	srdreg.scid  }
0x8b: {  	s0 =	sand.u32 $0x1, s1  }
0x8c: {  	s16 =	sshll.u32 s0, $0xA;
	s2 =	sadd.s32 s3, s2  }
0x8d: {  	s2 =	sadd.s32 s2, s16  }
0x8e: {  	[smem:$0x3FB1] =	sst s2  }
0x8f: {  	_ = 	snop  }
0x90: {  	(tm) =	ssettm $0x1  }
0x91: {  	s17 =	sld [smem:$0x3FFB];
	_ =	sdelay $0x3  }
0x92: {  	_ =	strace s17  }
0x93: {  	s2 =	sld [smem:$0x3FFC];
	_ =	sdelay $0x3  }
0x94: {  	_ =	strace s2  }
0x95: {  	s2 =	sld [smem:$0x3FFD];
	_ =	sdelay $0x3  }
0x96: {  	_ =	strace s2  }
0x97: {  	_ =	strace $0x8FFFFFFF  }
0x98: {  	s18 =	sld [smem:$0x3FDB];
	_ =	sdelay $0x1  }
0x99: {  	s19 =	simm.s32 $_scs_section_size  }
0x9a: {  	s4 =	simm.s32 $_size__tile_overlayer_lowered;
	s5 =	simm.s32 $_tile_overlayer_lowered  }
0x9b: {  	s22 =	simm.s32 $0x1BFF;
	s21 =	sshll.u32 s5, $0x1;
	s2 =	sadd.s32 s19, s18  }
0x9c: {  	s6 =	simm.s32 $0x0;
	s20 =	sshll.u32 s4, $0x1;
	s4 =	sadd.s32 s21, s2  }
0x9d: {  	[timem:s6], [sflag:s22] =	dma.local [hbm:s4], s20  }
0x9e: {  	_ =	swait.ge [sflag:s22], s20  }
0x9f: {  	s3 =	ssub.s32 $0x0, s20;
	[sflag:s22] =	ssyncset.done $0x0  }
0xa0: {  	[sflag:s22] =	ssyncadd.s32 s3;
	_ =	sdelay $0x1  }
0xa1: {  	s23 =	simm.s32 $0x1B8B  }
0xa2: {  	_ =	swait.ge [sflag:s23], $0x1  }
0xa3: {  	[sflag:s23] =	ssyncset.done $0x0  }
0xa4: {  	s25 =	simm.s32 $0x1B8E;
	s24 =	sld [smem:$0x3FFE];
	[sflag:s23] =	ssyncadd.s32 $0xFFFFFFFF  }
0xa5: {  	s26 =	simm.s32 $execute0_lowered;
	[smem:$0x3FD2] =	sst s25  }
0xa6: {  	s4 =	sshll.u32 s26, $0x1;
	_ =	strace $0x8000004C;
	[dreg:$0x1] =	wrdreg $0xFFFFFFFF  }
0xa7: {  	s28 =	simm.s32 $_size_execute0_lowered;
	s2 =	sadd.s32 s2, s4;
	[dreg:$0x0] =	wrdreg $0x0  }
0xa8: {  	s4 =	sshll.u32 s28, $0x1;
	[dreg:$0x2] =	wrdreg s2  }
0xa9: {  	[dreg:$0x3] =	wrdreg s4  }
0xaa: {  	[dreg:$0x4] =	wrdreg $0xC0  }
0xab: {  	_ =	task [dreg:s6], $0x5FFFF  }
0xac: {  	[dreg:$0x1] =	wrdreg $0xFFFFFFFF  }
0xad: {  	[dreg:$0x0] =	wrdreg $0x60  }
0xae: {  	[dreg:$0x2] =	wrdreg s24  }
0xaf: {  	[dreg:$0x3] =	wrdreg $0x9  }
0xb0: {  	_ =	task.clear_ibuf [dreg:s6], $0x4FFFF;
	_ =	strace $0x9000004C  }
0xb1: {  	s29 =	simm.s32 $0x9;
	_ =	strace $0x8000004E  }
0xb2: {  	_ =	swait.ge [sflag:s29], $0x1  }
0xb3: {  	[sflag:s29] =	ssyncadd.s32 $0xFFFFFFFF  }
0xb4: {  	_ =	strace $0x9000004E  }
0xb5: {  	_ =	sfence  }
0xb6: {  	s30 =	sld [smem:$0x0];
	_ =	sdelay $0x2  }
0xb7: {  	s31 =	sshll.u32 s1, $0xD;
	s1 =	sshrl.u32 s1, $0x2  }
0xb8: {  	s3 =	sand.u32 $0x4000, s31;
	s1 =	sadd.s32 s1, s30  }
0xb9: {  	s0 =	sor.u32 s3, s0;
	s1 =	sshll.u32 s1, $0x11  }
0xba: {  	s0 =	sor.u32 s1, s0  }
0xbb: {  	s0 =	sadd.s32 $0x8F2B, s0  }
0xbc: {  	[sflag:s0] =	ssyncadd.remote.s32 $0x1  }
0xbd: {  	_ =	sfence.sel $0xFFFF  }
0xbe: {  	[dreg:$0x0] =	wrdreg $0xFFFFFFFF;
	(pc) =	sbr.abs _section_cstart, $3  }
0xbf: {  	[dreg:$0x1] =	wrdreg $0xFFFFFFFF  }
0xc0: {  	_ =	task.clear_ibuf [dreg:s6], $0x2FFFF;
	_ =	strace $0x9FFFFFFF  }
0xc1: {  	(tm) =	ssettm $0x7FFFFFFF  }
tec
execute0_lowered:
.L_overlay_start_1:
0x0: {  	(tag) =	ssettag $0x1  }
0x1: {  	s0 =	rddreg [dreg:$0x0]  }
0x2: {  	s2 =	simm.s32 $0x0;
	s1 =	srdreg.scid;
	s10 =	stileid.u32  }
0x3: {  	s13 =	simm.s32 $0x9;
	s15 =	simm.s32 $0x50;
	s16 =	simm.s32 $0x8000  }
0x4: {  	s17 =	simm.s32 $0x12000;
	s19 =	simm.s32 $0xA800;
	s21 =	simm.s32 $0x14800  }
0x5: {  	s28 =	simm.s32 $0xF800;
	s30 =	simm.s32 $0x19800;
	s31 =	simm.s32 $0x1  }
0x6: {  	s18 =	simm.s32 $0x4;
	s20 =	simm.s32 $0x5;
	[smem:$0x7FF] =	sst s2  }
0x7: {  	s1 =	sand.u32 $0x1, s1;
	s3 =	sadd.s32 $0xA6FC00, s0;
	s4 =	sadd.s32 $0xAC2600, s0  }
0x8: {  	s5 =	sshll.u32 s10, $0x1;
	s7 =	sadd.s32 $0xAE9800, s0;
	s24 =	smul.u32 $0x4E200, s10  }
0x9: {  	_ =	strace $0x8000004D;
	s5 =	sor.u32 s1, s5;
	s8 =	ssub.s32 $0x2, s1  }
0xa: {  	s10 =	smul.u32 $0x27100, s1;
	s1 =	simm.s32 $0x3;
	s6 =	sshll.u32 s5, $0xB  }
0xb: {  	s5 =	smul.u32 $0x138800, s5;
	s9 =	sshrl.u32 s8, $0x1;
	s26 =	sadd.s32 s24, s7  }
0xc: {  	s6 =	sadd.s32 s6, s0;
	s0 =	sadd.s32 $0x35A00, s0;
	s9 =	ssub.s32 s8, s9  }
0xd: {  	[dreg:$0x7] =	wrdreg s26;
	s26 =	simm.s32 $0x0;
	s5 =	sshrl.u32 s5, $0x3  }
0xe: {  	s22 =	sadd.s32 $0x1EA00, s6;
	s6 =	sadd.s32 $0xEA00, s6;
	s25 =	smax.u32 s9, $0x1  }
.Ltmp0:
0xf: {  	s29 =	sadd.s32 s24, s0;
	[dreg:$0x2] =	wrdreg s22;
	(pc) =	sbr.rel .LBB2_1-.Ltmp0, $4  }
0x10: {  	s24 =	simm.s32 $0x8;
	s5 =	sadd.s32 $0x26C00, s5;
	[dreg:$0x3] =	wrdreg s6  }
0x11: {  	[dreg:$0x6] =	wrdreg s25;
	s25 =	simm.s32 $0x17000;
	s23 =	sadd.s32 s7, s5  }
0x12: {  	s22 =	simm.s32 $0x6;
	s5 =	sadd.s32 s0, s5;
	[dreg:$0x4] =	wrdreg s23  }
0x13: {  	s0 =	simm.s32 $0x2;
	[dreg:$0x5] =	wrdreg s5;
	s23 =	simm.s32 $0xD000  }
.LBB2_4:
0x14: {  	_ =	swait.ge [sflag:s31], $0x2800  }
0x15: {  	[sflag:s31] =	ssyncset.done $0x0  }
0x16: {  	[sflag:s31] =	ssyncadd.s32 $0xFFFFD800  }
0x17: {  	_ =	swait.ge [sflag:s31], $0x2800  }
0x18: {  	[sflag:s31] =	ssyncset.done $0x0  }
0x19: {  	s5 =	rddreg [dreg:$0x4];
	[sflag:s31] =	ssyncadd.s32 $0xFFFFD800  }
0x1a: {  	[hbm4b:s5+s2] =	stream.linear.scatter [tilespmem:s16], [sflag:$0x9], $0x2800, $0x38;
	[tilespmem:$0x1C000] =	vst v63  }
0x1b: {  	_ =	swait.ge [sflag:s13], $0x2800  }
0x1c: {  	[sflag:s13] =	ssyncset.done $0x0  }
0x1d: {  	s12 =	rddreg [dreg:$0x5];
	[sflag:s13] =	ssyncadd.s32 $0xFFFFD800  }
0x1e: {  	[hbm4b:s12+s2] =	stream.linear.scatter [tilespmem:s17], [sflag:$0x9], $0x2800, $0x38;
	[tilespmem:$0x1C000] =	vst v63  }
0x1f: {  	_ =	swait.ge [sflag:s13], $0x2800  }
0x20: {  	s26 =	sadd.s32 $0x1, s26;
	s14 =	rddreg [dreg:$0x6]  }
0x21: {  	p0 =	sne.s32 s26, s14  }
.Ltmp1:
0x22: {  	_ = 	snop;
	(pc) =	sbr.rel @!p0 .LBB2_5-.Ltmp1, $3  }
0x23: {  	_ =	sdelay $0x1  }
0x24: {  	[sflag:s13] =	ssyncset.done $0x0  }
0x25: {  	[sflag:s13] =	ssyncadd.s32 $0xFFFFD800  }
.LBB2_1:
0x26: {  	s5 =	rddreg [dreg:$0x2]  }
0x27: {  	[tilespmem:s2], [sflag:$0x9] =	stream.linear.gather [hbm4b:s5+s2], $0x3E80, $0x38;
	[tilespmem:$0x1C000] =	vst v63  }
0x28: {  	_ =	swait.ge [sflag:s13], $0x3E80  }
0x29: {  	[sflag:s13] =	ssyncset.done $0x0  }
0x2a: {  	s6 =	simm.s32 $0x4000;
	s14 =	rddreg [dreg:$0x3];
	[sflag:s13] =	ssyncadd.s32 $0xFFFFC180  }
0x2b: {  	[tilespmem:s6], [sflag:$0x9] =	stream.linear.gather [hbm4b:s14+s2], $0x3E80, $0x38;
	[tilespmem:$0x1C000] =	vst v63  }
0x2c: {  	_ =	swait.ge [sflag:s13], $0x3E80  }
0x2d: {  	[sflag:s13] =	ssyncset.done $0x0  }
0x2e: {  	[sflag:s13] =	ssyncadd.s32 $0xFFFFC180  }
0x2f: {  	[tilespmem:s16], [sflag:$0x1] =	stream.indirect.gather [hbm4b:s3+s15], $0x80, s2, s15, $0xb8;
	[tilespmem:$0x1C000] =	vst v63  }
0x30: {  	_ = 	snop  }
0x31: {  	[tilespmem:s17], [sflag:$0x1] =	stream.indirect.gather [hbm4b:s4+s15], $0x80, s6, s15, $0xb8;
	[tilespmem:$0x1C000] =	vst v63  }
0x32: {  	s7 =	simm.s32 $0x80  }
0x33: {  	[tilespmem:s19], [sflag:$0x2] =	stream.indirect.gather [hbm4b:s3+s15], $0x80, s7, s15, $0xb8;
	[tilespmem:$0x1C000] =	vst v63  }
0x34: {  	s8 =	simm.s32 $0x4080  }
0x35: {  	[tilespmem:s21], [sflag:$0x2] =	stream.indirect.gather [hbm4b:s4+s15], $0x80, s8, s15, $0xb8;
	[tilespmem:$0x1C000] =	vst v63  }
0x36: {  	s9 =	simm.s32 $0x100  }
0x37: {  	[tilespmem:s23], [sflag:$0x3] =	stream.indirect.gather [hbm4b:s3+s15], $0x80, s9, s15, $0xb8;
	[tilespmem:$0x1C000] =	vst v63  }
0x38: {  	s11 =	simm.s32 $0x4100  }
0x39: {  	[tilespmem:s25], [sflag:$0x3] =	stream.indirect.gather [hbm4b:s4+s15], $0x80, s11, s15, $0xb8;
	[tilespmem:$0x1C000] =	vst v63  }
0x3a: {  	s12 =	simm.s32 $0x180;
	s14 =	simm.s32 $0x4180  }
0x3b: {  	[tilespmem:s28], [sflag:$0x4] =	stream.indirect.gather [hbm4b:s3+s15], $0x80, s12, s15, $0xb8;
	[tilespmem:$0x1C000] =	vst v63  }
0x3c: {  	s6 =	simm.s32 $0x0;
	s11 =	rddreg [dreg:$0x7];
	s12 =	smov.u32 s29  }
0x3d: {  	[tilespmem:s30], [sflag:$0x4] =	stream.indirect.gather [hbm4b:s4+s15], $0x80, s14, s15, $0xb8;
	[tilespmem:$0x1C000] =	vst v63  }
.LBB2_2:
0x3e: {  	_ =	swait.ge [sflag:s31], $0x2800  }
0x3f: {  	[sflag:s31] =	ssyncset.done $0x0  }
0x40: {  	[sflag:s31] =	ssyncadd.s32 $0xFFFFD800  }
0x41: {  	_ =	swait.ge [sflag:s31], $0x2800  }
0x42: {  	[sflag:s31] =	ssyncset.done $0x0  }
0x43: {  	s7 =	sadd.s32 s11, s10;
	[sflag:s31] =	ssyncadd.s32 $0xFFFFD800  }
0x44: {  	[hbm4b:s7+s2] =	stream.linear.scatter [tilespmem:s16], [sflag:$0x5], $0x2800, $0x38;
	[tilespmem:$0x1C000] =	vst v63  }
0x45: {  	s8 =	sadd.s32 s12, s10  }
0x46: {  	[hbm4b:s8+s2] =	stream.linear.scatter [tilespmem:s17], [sflag:$0x5], $0x2800, $0x38;
	[tilespmem:$0x1C000] =	vst v63  }
0x47: {  	_ =	swait.ge [sflag:s0], $0x2800  }
0x48: {  	[sflag:s0] =	ssyncset.done $0x0  }
0x49: {  	[sflag:s0] =	ssyncadd.s32 $0xFFFFD800  }
0x4a: {  	_ =	swait.ge [sflag:s0], $0x2800  }
0x4b: {  	[sflag:s0] =	ssyncset.done $0x0  }
0x4c: {  	s9 =	sadd.s32 $0x500, s7;
	[sflag:s0] =	ssyncadd.s32 $0xFFFFD800  }
0x4d: {  	[hbm4b:s9+s2] =	stream.linear.scatter [tilespmem:s19], [sflag:$0x6], $0x2800, $0x38;
	[tilespmem:$0x1C000] =	vst v63  }
0x4e: {  	s5 =	sadd.s32 $0x500, s8  }
0x4f: {  	[hbm4b:s5+s2] =	stream.linear.scatter [tilespmem:s21], [sflag:$0x6], $0x2800, $0x38;
	[tilespmem:$0x1C000] =	vst v63  }
0x50: {  	_ =	swait.ge [sflag:s1], $0x2800  }
0x51: {  	[sflag:s1] =	ssyncset.done $0x0  }
0x52: {  	[sflag:s1] =	ssyncadd.s32 $0xFFFFD800  }
0x53: {  	_ =	swait.ge [sflag:s1], $0x2800  }
0x54: {  	[sflag:s1] =	ssyncset.done $0x0  }
0x55: {  	s14 =	sadd.s32 $0xA00, s7;
	[sflag:s1] =	ssyncadd.s32 $0xFFFFD800  }
0x56: {  	[hbm4b:s14+s2] =	stream.linear.scatter [tilespmem:s23], [sflag:$0x7], $0x2800, $0x38;
	[tilespmem:$0x1C000] =	vst v63  }
0x57: {  	s5 =	sadd.s32 $0xA00, s8  }
0x58: {  	[hbm4b:s5+s2] =	stream.linear.scatter [tilespmem:s25], [sflag:$0x7], $0x2800, $0x38;
	[tilespmem:$0x1C000] =	vst v63  }
0x59: {  	_ =	swait.ge [sflag:s18], $0x2800  }
0x5a: {  	[sflag:s18] =	ssyncset.done $0x0  }
0x5b: {  	[sflag:s18] =	ssyncadd.s32 $0xFFFFD800  }
0x5c: {  	_ =	swait.ge [sflag:s18], $0x2800  }
0x5d: {  	[sflag:s18] =	ssyncset.done $0x0  }
0x5e: {  	s7 =	sadd.s32 $0xF00, s7;
	[sflag:s18] =	ssyncadd.s32 $0xFFFFD800  }
0x5f: {  	[hbm4b:s7+s2] =	stream.linear.scatter [tilespmem:s28], [sflag:$0x8], $0x2800, $0x38;
	[tilespmem:$0x1C000] =	vst v63  }
0x60: {  	s8 =	sadd.s32 $0xF00, s8  }
0x61: {  	[hbm4b:s8+s2] =	stream.linear.scatter [tilespmem:s30], [sflag:$0x8], $0x2800, $0x38;
	[tilespmem:$0x1C000] =	vst v63  }
0x62: {  	_ =	swait.ge [sflag:s20], $0x2800  }
0x63: {  	[sflag:s20] =	ssyncset.done $0x0  }
0x64: {  	[sflag:s20] =	ssyncadd.s32 $0xFFFFD800  }
0x65: {  	_ =	swait.ge [sflag:s20], $0x2800  }
0x66: {  	s7 =	sshra.s32 s6, $0x2;
	[sflag:s20] =	ssyncset.done $0x0  }
0x67: {  	s9 =	sadd.s32 $0x200, s7;
	[sflag:s20] =	ssyncadd.s32 $0xFFFFD800  }
0x68: {  	[tilespmem:s16], [sflag:$0x1] =	stream.indirect.gather [hbm4b:s3+s15], $0x80, s9, s15, $0xb8;
	[tilespmem:$0x1C000] =	vst v63  }
0x69: {  	s14 =	sadd.s32 $0x4200, s7  }
0x6a: {  	[tilespmem:s17], [sflag:$0x1] =	stream.indirect.gather [hbm4b:s4+s15], $0x80, s14, s15, $0xb8;
	[tilespmem:$0x1C000] =	vst v63  }
0x6b: {  	_ =	swait.ge [sflag:s22], $0x2800  }
0x6c: {  	[sflag:s22] =	ssyncset.done $0x0  }
0x6d: {  	[sflag:s22] =	ssyncadd.s32 $0xFFFFD800  }
0x6e: {  	_ =	swait.ge [sflag:s22], $0x2800  }
0x6f: {  	p0 =	seq.s32 s6, $0xF000;
	[sflag:s22] =	ssyncset.done $0x0  }
0x70: {  	s8 =	simm.s32 @p0 $0x7;
	[sflag:s22] =	ssyncadd.s32 $0xFFFFD800  }
0x71: {  	_ =	swait.ge @p0 [sflag:s8], $0x2800  }
0x72: {  	[sflag:s8] =	ssyncset.done @p0 $0x0  }
0x73: {  	[sflag:s8] =	ssyncadd.s32 @p0 $0xFFFFD800  }
0x74: {  	_ =	swait.ge @p0 [sflag:s8], $0x2800  }
0x75: {  	[sflag:s8] =	ssyncset.done @p0 $0x0  }
0x76: {  	[sflag:s8] =	ssyncadd.s32 @p0 $0xFFFFD800;
	s8 =	sshra.s32 @!p0 s6, $0x2  }
0x77: {  	s5 =	simm.s32 @!p0 $0xA800;
	s14 =	simm.s32 @!p0 $0x50;
	s9 =	sadd.s32 @!p0 $0x280, s8  }
0x78: {  	[tilespmem:s5], [sflag:$0x2] =	stream.indirect.gather @!p0 [hbm4b:s3+s14], $0x80, s9, s14, $0xb8;
	[tilespmem:$0x1C000] =	vst v63  }
0x79: {  	s5 =	sadd.s32 @!p0 $0x4280, s8;
	s9 =	simm.s32 @!p0 $0x14800  }
0x7a: {  	[tilespmem:s9], [sflag:$0x2] =	stream.indirect.gather @!p0 [hbm4b:s4+s14], $0x80, s5, s14, $0xb8;
	[tilespmem:$0x1C000] =	vst v63  }
0x7b: {  	s5 =	simm.s32 @!p0 $0x7  }
0x7c: {  	_ =	swait.ge @!p0 [sflag:s5], $0x2800  }
0x7d: {  	[sflag:s5] =	ssyncset.done @!p0 $0x0  }
0x7e: {  	[sflag:s5] =	ssyncadd.s32 @!p0 $0xFFFFD800  }
0x7f: {  	_ =	swait.ge @!p0 [sflag:s5], $0x2800  }
0x80: {  	[sflag:s5] =	ssyncset.done @!p0 $0x0  }
0x81: {  	s9 =	simm.s32 @!p0 $0xD000;
	[sflag:s5] =	ssyncadd.s32 @!p0 $0xFFFFD800;
	s5 =	sadd.s32 @!p0 $0x300, s8  }
0x82: {  	[tilespmem:s9], [sflag:$0x3] =	stream.indirect.gather @!p0 [hbm4b:s3+s14], $0x80, s5, s14, $0xb8;
	[tilespmem:$0x1C000] =	vst v63  }
0x83: {  	s5 =	sadd.s32 @!p0 $0x4300, s8;
	s8 =	simm.s32 @!p0 $0x17000  }
0x84: {  	[tilespmem:s8], [sflag:$0x3] =	stream.indirect.gather @!p0 [hbm4b:s4+s14], $0x80, s5, s14, $0xb8;
	[tilespmem:$0x1C000] =	vst v63  }
0x85: {  	_ =	swait.ge [sflag:s24], $0x2800  }
.Ltmp2:
0x86: {  	[sflag:s24] =	ssyncset.done $0x0;
	(pc) =	sbr.rel @p0 .LBB2_4-.Ltmp2, $4  }
0x87: {  	[sflag:s24] =	ssyncadd.s32 $0xFFFFD800  }
0x88: {  	_ =	swait.ge [sflag:s24], $0x2800  }
0x89: {  	[sflag:s24] =	ssyncset.done $0x0  }
0x8a: {  	[sflag:s24] =	ssyncadd.s32 $0xFFFFD800  }
.Ltmp3:
0x8b: {  	(pc) =	sbr.rel .LBB2_2-.Ltmp3, $4  }
0x8c: {  	s5 =	sadd.s32 $0x380, s7;
	s14 =	sadd.s32 $0x4380, s7  }
0x8d: {  	[tilespmem:s28], [sflag:$0x4] =	stream.indirect.gather [hbm4b:s3+s15], $0x80, s5, s15, $0xb8;
	[tilespmem:$0x1C000] =	vst v63  }
0x8e: {  	s6 =	sadd.s32 $0x800, s6;
	s11 =	sadd.s32 $0x1400, s11;
	s12 =	sadd.s32 $0x1400, s12  }
0x8f: {  	[tilespmem:s30], [sflag:$0x4] =	stream.indirect.gather [hbm4b:s4+s15], $0x80, s14, s15, $0xb8;
	[tilespmem:$0x1C000] =	vst v63  }
.LBB2_5:
0x90: {  	_ =	sfence.sel $0x180000  }
0x91: {  	[bflag:$0x0] =	sbarrier.arrive $0xFFFF  }
0x92: {  	_ =	strace $0x9000004D  }
0x93: {  	s0 =	stileid.u32;
	[bflag:$0x2] =	sbarrier.arrive $0xFFFF  }
0x94: {  	p0 =	sne.s32 s0, $0x0;
	s0 =	rddreg [dreg:$0x1]  }
0x95: {  	s0 =	sadd.s32 @!p0 $0x100000, s0  }
0x96: {  	[sflag:s0] =	ssyncadd.tile.s32 @!p0 $0x1;
	_ =	shalt  }
.Lfunc_end2:
_tile_overlayer_lowered:
.L_overlay_start_2:
0x97: {  	(tag) =	ssettag $0x2  }
0x98: {  	s0 =	rddreg [dreg:$0x0];
	s2 =	stileid.u32  }
0x99: {  	s1 =	rddreg [dreg:$0x1];
	p0 =	sne.s32 s2, $0x0  }
0x9a: {  	s3 =	rddreg [dreg:$0x2];
	[bflag:$0x3] =	sbarrier.arrive $0xFFFF;
	s2 =	simm.s32 @!p0 $0x1C09  }
0x9b: {  	[timem:s3], [sflag:s2] =	dma.local @!p0 [hbm:s0], s1  }
0x9c: {  	s0 =	simm.s32 @!p0 $0x9  }
0x9d: {  	_ =	swait.ge @!p0 [sflag:s0], s1  }
0x9e: {  	s1 =	ssub.s32 @!p0 $0x0, s1;
	[sflag:s0] =	ssyncset.done @!p0 $0x0  }
0x9f: {  	[sflag:s0] =	ssyncadd.s32 @!p0 s1  }
0xa0: {  	[bflag:$0x3] =	sbarrier.arrive $0xFFFF  }
0xa1: {  	_ =	shalt  }

// kernel: kernel.34.cloned.1.call-start
scs
__scs_entry_jumppad:
0x0: {  	(pc) =	sbr.rel $0x88, $3  }
0x1: {  	(tag) =	ssettag $0x0;
	lr =	simm.s32 $0x1  }
0x2: {  	[smem:$0x3F8A] =	sst lr;
	_ =	strace $0xD0000000  }
0x3: {  	_ = 	snop  }
0x4: {  	_ = 	snop  }
0x5: {  	_ = 	snop  }
0x6: {  	_ = 	snop  }
0x7: {  	_ = 	snop  }
__scs_overlays_trampoline_lowered:
0x8: {  	[smem:$0x3F99] =	sst s0  }
0x9: {  	[smem:$0x3F9A] =	sst s1  }
0xa: {  	[smem:$0x3F9B] =	sst s2  }
0xb: {  	[smem:$0x3F9C] =	sst s3  }
0xc: {  	[smem:$0x3F9D] =	sst s4  }
0xd: {  	[smem:$0x3F9E] =	sst s5  }
0xe: {  	[smem:$0x3F9F] =	sst s6  }
0xf: {  	[smem:$0x3FA0] =	sst s7  }
0x10: {  	[smem:$0x3FA1] =	sst s8  }
0x11: {  	[smem:$0x3FA2] =	sst s9;
	s0 =	simm.s32 @!p0 $0x0  }
0x12: {  	s1 =	sld [smem:$0x3F88];
	s0 =	simm.s32 @p0 $0x1  }
0x13: {  	[smem:$0x3FA3] =	sst s0;
	s0 =	simm.s32 @!p1 $0x0  }
0x14: {  	s2 =	sld [smem:$0x3F87];
	s0 =	simm.s32 @p1 $0x1  }
0x15: {  	[smem:$0x3FA4] =	sst s0;
	s0 =	simm.s32 @!p2 $0x0  }
0x16: {  	s3 =	sld [smem:$0x3FDB];
	s0 =	simm.s32 @p2 $0x1  }
0x17: {  	s4 =	simm.s32 $0x1BF5;
	[smem:$0x3FA6] =	sst s0  }
0x18: {  	s0 =	sld [smem:$0x3F89];
	_ =	swait.ge [sflag:s4], $0x0  }
0x19: {  	s7 =	sld [smem:$0x3F8A]  }
0x1a: {  	s8 =	sadd.s32 $0xFFFFE003, lr  }
0x1b: {  	s9 =	sadd.s32 $0xFFFFFEF7, lr;
	s5 =	simm.s32 $0xFFFFFFFF;
	p2 =	slt.u32 s8, $0xFFFFF086  }
0x1c: {  	p1 =	slt.u32 s9, $0xF7A;
	s5 =	simm.s32 @!p2 $0x0  }
0x1d: {  	s5 =	simm.s32 @p1 $0x1;
	p0 =	seq.s32 s7, s2  }
0x1e: {  	s7 =	smul.u32 @!p0 $0xF7A, s2;
	p2 =	seq.s32 @!p0 s5, $0x0  }
0x1f: {  	s9 =	smul.u32 $0xF7A, s1;
	s8 =	simm.s32 @!p0 $0x1BF5;
	p2 =	por !p2, p0  }
0x20: {  	[sflag:s8] =	ssyncset.s32 @!p0 $0xFFFFF086;
	s6 =	sadd.s32 @!p0 s3, s7;
	s7 =	simm.s32 @!p0 $0x108  }
0x21: {  	s3 =	sadd.s32 s3, s9;
	s6 =	sadd.s32 @!p0 $0x88, s6;
	s7 =	simm.s32 @p2 $0x1082  }
0x22: {  	[simem:s7], [sflag:s8] =	dma.local @!p0 [hbm:s6], $0xF7A  }
0x23: {  	s9 =	sor.u32 $0xD0000000, s2;
	s6 =	simm.s32 $0x108;
	_ =	swait.ge @!p0 [sflag:s8], $0x0  }
0x24: {  	s3 =	sadd.s32 $0x88, s3;
	s6 =	simm.s32 @!p1 $0x1082;
	[sflag:s4] =	ssyncset.s32 $0xFFFFF086  }
0x25: {  	[simem:s6], [sflag:s4] =	dma.local [hbm:s3], $0xF7A  }
0x26: {  	[smem:$0x3F8A] =	sst s1;
	(tag) =	ssettag s2;
	_ =	strace s9  }
0x27: {  	s1 =	sld [smem:$0x3F9A]  }
0x28: {  	s2 =	sld [smem:$0x3F9B]  }
0x29: {  	s4 =	sld [smem:$0x3F9D]  }
0x2a: {  	p0 =	seq.s32 s5, $0x0;
	s5 =	sld [smem:$0x3F9E]  }
0x2b: {  	s6 =	sld [smem:$0x3F9F]  }
0x2c: {  	s7 =	sld [smem:$0x3FA0]  }
0x2d: {  	s3 =	simm.s32 $0x108;
	s8 =	sld [smem:$0x3FA1]  }
0x2e: {  	s3 =	simm.s32 @!p0 $0x1082;
	s9 =	sld [smem:$0x3FA2]  }
0x2f: {  	lr =	sadd.s32 s0, s3;
	s0 =	sld [smem:$0x3F99]  }
0x30: {  	s3 =	sld [smem:$0x3F9C]  }
0x31: {  	[smem:$0x3FA5] =	sst s10  }
0x32: {  	s10 =	sld [smem:$0x3FA3];
	_ =	sdelay $0x3  }
0x33: {  	p0 =	seq.s32 s10, $0x1;
	s10 =	sld [smem:$0x3FA5];
	_ =	sdelay $0x3  }
0x34: {  	[smem:$0x3FA5] =	sst s10  }
0x35: {  	s10 =	sld [smem:$0x3FA4];
	_ =	sdelay $0x3  }
0x36: {  	p1 =	seq.s32 s10, $0x1;
	s10 =	sld [smem:$0x3FA5];
	_ =	sdelay $0x3  }
0x37: {  	[smem:$0x3FA5] =	sst s10  }
0x38: {  	s10 =	sld [smem:$0x3FA6]  }
0x39: {  	_ = 	snop;
	(pc) =	sbr.ind lr, $3  }
0x3a: {  	_ = 	snop  }
0x3b: {  	_ = 	snop  }
0x3c: {  	p2 =	seq.s32 s10, $0x1;
	s10 =	sld [smem:$0x3FA5]  }
0x3d: {  	_ =	shalt  }
0x3e: {  	_ =	shalt  }
0x3f: {  	_ =	shalt  }
0x40: {  	_ =	shalt  }
0x41: {  	_ =	shalt  }
0x42: {  	_ =	shalt  }
0x43: {  	_ =	shalt  }
0x44: {  	_ =	shalt  }
0x45: {  	_ =	shalt  }
0x46: {  	_ =	shalt  }
0x47: {  	_ =	shalt  }
0x48: {  	_ =	shalt  }
0x49: {  	_ =	shalt  }
0x4a: {  	_ =	shalt  }
0x4b: {  	_ =	shalt  }
0x4c: {  	_ =	shalt  }
0x4d: {  	_ =	shalt  }
0x4e: {  	_ =	shalt  }
0x4f: {  	_ =	shalt  }
0x50: {  	_ =	shalt  }
0x51: {  	_ =	shalt  }
0x52: {  	_ =	shalt  }
0x53: {  	_ =	shalt  }
0x54: {  	_ =	shalt  }
0x55: {  	_ =	shalt  }
0x56: {  	_ =	shalt  }
0x57: {  	_ =	shalt  }
0x58: {  	_ =	shalt  }
0x59: {  	_ =	shalt  }
0x5a: {  	_ =	shalt  }
0x5b: {  	_ =	shalt  }
0x5c: {  	_ =	shalt  }
0x5d: {  	_ =	shalt  }
0x5e: {  	_ =	shalt  }
0x5f: {  	_ =	shalt  }
0x60: {  	_ =	shalt  }
0x61: {  	_ =	shalt  }
0x62: {  	_ =	shalt  }
0x63: {  	_ =	shalt  }
0x64: {  	_ =	shalt  }
0x65: {  	_ =	shalt  }
0x66: {  	_ =	shalt  }
0x67: {  	_ =	shalt  }
0x68: {  	_ =	shalt  }
0x69: {  	_ =	shalt  }
0x6a: {  	_ =	shalt  }
0x6b: {  	_ =	shalt  }
0x6c: {  	_ =	shalt  }
0x6d: {  	_ =	shalt  }
0x6e: {  	_ =	shalt  }
0x6f: {  	_ =	shalt  }
0x70: {  	_ =	shalt  }
0x71: {  	_ =	shalt  }
0x72: {  	_ =	shalt  }
0x73: {  	_ =	shalt  }
0x74: {  	_ =	shalt  }
0x75: {  	_ =	shalt  }
0x76: {  	_ =	shalt  }
0x77: {  	_ =	shalt  }
0x78: {  	_ =	shalt  }
0x79: {  	_ =	shalt  }
0x7a: {  	_ =	shalt  }
0x7b: {  	_ =	shalt  }
0x7c: {  	_ =	shalt  }
0x7d: {  	_ =	shalt  }
0x7e: {  	_ =	shalt  }
0x7f: {  	_ =	shalt  }
0x80: {  	_ =	shalt  }
0x81: {  	_ =	shalt  }
0x82: {  	_ =	shalt  }
0x83: {  	_ =	shalt  }
0x84: {  	_ =	shalt  }
0x85: {  	_ =	shalt  }
0x86: {  	_ =	shalt  }
0x87: {  	_ =	shalt  }
.Lfunc_end0:
.L_simem_size_0:
called_computation.3_lowered:
.L_overlay_start_0:
0x88: {  	s2 =	sld [smem:$0x3FD9]  }
0x89: {  	s3 =	sld [smem:$0x3FFE];
	_ =	sdelay $0x1  }
0x8a: {  	s1 =	srdreg.scid  }
0x8b: {  	s0 =	sand.u32 $0x1, s1  }
0x8c: {  	s16 =	sshll.u32 s0, $0xA;
	s2 =	sadd.s32 s3, s2  }
0x8d: {  	s2 =	sadd.s32 s2, s16  }
0x8e: {  	[smem:$0x3FB1] =	sst s2  }
0x8f: {  	_ = 	snop  }
0x90: {  	(tm) =	ssettm $0x1  }
0x91: {  	s17 =	sld [smem:$0x3FFB];
	_ =	sdelay $0x3  }
0x92: {  	_ =	strace s17  }
0x93: {  	s2 =	sld [smem:$0x3FFC];
	_ =	sdelay $0x3  }
0x94: {  	_ =	strace s2  }
0x95: {  	s2 =	sld [smem:$0x3FFD];
	_ =	sdelay $0x3  }
0x96: {  	_ =	strace s2  }
0x97: {  	_ =	strace $0x8FFFFFFF  }
0x98: {  	s18 =	sld [smem:$0x3FDB];
	_ =	sdelay $0x1  }
0x99: {  	s19 =	simm.s32 $_scs_section_size  }
0x9a: {  	s4 =	simm.s32 $_size__tile_overlayer_lowered;
	s5 =	simm.s32 $_tile_overlayer_lowered  }
0x9b: {  	s22 =	simm.s32 $0x1BFF;
	s21 =	sshll.u32 s5, $0x1;
	s2 =	sadd.s32 s19, s18  }
0x9c: {  	s6 =	simm.s32 $0x0;
	s20 =	sshll.u32 s4, $0x1;
	s4 =	sadd.s32 s21, s2  }
0x9d: {  	[timem:s6], [sflag:s22] =	dma.local [hbm:s4], s20  }
0x9e: {  	_ =	swait.ge [sflag:s22], s20  }
0x9f: {  	s3 =	ssub.s32 $0x0, s20;
	[sflag:s22] =	ssyncset.done $0x0  }
0xa0: {  	[sflag:s22] =	ssyncadd.s32 s3;
	_ =	sdelay $0x1  }
0xa1: {  	s23 =	simm.s32 $0x1B8B  }
0xa2: {  	_ =	swait.ge [sflag:s23], $0x1  }
0xa3: {  	[sflag:s23] =	ssyncset.done $0x0  }
0xa4: {  	s25 =	simm.s32 $0x1B8E;
	s24 =	sld [smem:$0x3FFE];
	[sflag:s23] =	ssyncadd.s32 $0xFFFFFFFF  }
0xa5: {  	s26 =	simm.s32 $execute0_lowered;
	[smem:$0x3FD2] =	sst s25  }
0xa6: {  	s4 =	sshll.u32 s26, $0x1;
	_ =	strace $0x8000004F;
	[dreg:$0x1] =	wrdreg $0xFFFFFFFF  }
0xa7: {  	s28 =	simm.s32 $_size_execute0_lowered;
	s2 =	sadd.s32 s2, s4;
	[dreg:$0x0] =	wrdreg $0x0  }
0xa8: {  	s4 =	sshll.u32 s28, $0x1;
	[dreg:$0x2] =	wrdreg s2  }
0xa9: {  	[dreg:$0x3] =	wrdreg s4  }
0xaa: {  	[dreg:$0x4] =	wrdreg $0xC0  }
0xab: {  	_ =	task [dreg:s6], $0x5FFFF  }
0xac: {  	[dreg:$0x1] =	wrdreg $0xFFFFFFFF  }
0xad: {  	[dreg:$0x0] =	wrdreg $0x60  }
0xae: {  	[dreg:$0x2] =	wrdreg s24  }
0xaf: {  	[dreg:$0x3] =	wrdreg $0x90000  }
0xb0: {  	[dreg:$0x4] =	wrdreg $0x9  }
0xb1: {  	_ =	task.clear_ibuf [dreg:s6], $0x5FFFF;
	_ =	strace $0x9000004F  }
0xb2: {  	s29 =	simm.s32 $0x9;
	_ =	strace $0x80000051  }
0xb3: {  	_ =	swait.ge [sflag:s29], $0x1  }
0xb4: {  	[sflag:s29] =	ssyncadd.s32 $0xFFFFFFFF  }
0xb5: {  	_ =	strace $0x90000051  }
0xb6: {  	_ =	sfence  }
0xb7: {  	s30 =	sld [smem:$0x0];
	_ =	sdelay $0x2  }
0xb8: {  	s31 =	sshll.u32 s1, $0xD;
	s1 =	sshrl.u32 s1, $0x2  }
0xb9: {  	s3 =	sand.u32 $0x4000, s31;
	s1 =	sadd.s32 s1, s30  }
0xba: {  	s0 =	sor.u32 s3, s0;
	s1 =	sshll.u32 s1, $0x11  }
0xbb: {  	s0 =	sor.u32 s1, s0  }
0xbc: {  	s0 =	sadd.s32 $0x8F2B, s0  }
0xbd: {  	[sflag:s0] =	ssyncadd.remote.s32 $0x1  }
0xbe: {  	_ =	sfence.sel $0xFFFF  }
0xbf: {  	[dreg:$0x0] =	wrdreg $0xFFFFFFFF;
	(pc) =	sbr.abs _section_cstart, $3  }
0xc0: {  	[dreg:$0x1] =	wrdreg $0xFFFFFFFF  }
0xc1: {  	_ =	task.clear_ibuf [dreg:s6], $0x2FFFF;
	_ =	strace $0x9FFFFFFF  }
0xc2: {  	(tm) =	ssettm $0x7FFFFFFF  }
0xc3: {  	_ =	shalt  }
tec
execute0_lowered:
.L_overlay_start_1:
0x0: {  	(tag) =	ssettag $0x1  }
0x1: {  	s5 =	rddreg [dreg:$0x0]  }
0x2: {  	s1 =	rddreg [dreg:$0x1]  }
0x3: {  	s0 =	rddreg [dreg:$0x2];
	s2 =	simm.s32 $0x0;
	s4 =	srdreg.scid  }
0x4: {  	s3 =	stileid.u32;
	s16 =	simm.s32 $0x6800;
	s17 =	simm.s32 $0x1  }
0x5: {  	s18 =	simm.s32 $0x50;
	s19 =	simm.s32 $0x2;
	s20 =	simm.s32 $0x3D00  }
0x6: {  	[smem:$0x7FF] =	sst s2;
	s6 =	sand.u32 $0x1, s4;
	s13 =	smul.u32 $0x4E000, s3  }
0x7: {  	s21 =	sshll.u32 s3, $0x1;
	s11 =	sadd.s32 $0x517A00, s5;
	s23 =	smul.u32 $0x2700, s3  }
0x8: {  	s14 =	sadd.s32 $0xA6FC00, s5;
	s30 =	smul.u32 $0x4E200, s3;
	p0 =	sne.s32 s3, $0x0  }
0x9: {  	p1 =	seq.s32 s3, $0xF;
	_ =	strace $0x80000050;
	s15 =	smul.u32 $0x27100, s6  }
0xa: {  	s4 =	sor.u32 s6, s21;
	s9 =	ssub.s32 $0x2, s6;
	s26 =	smul.u32 $0x138800, s6  }
0xb: {  	s21 =	simm.s32 $0x3D80;
	s7 =	sshll.u32 s4, $0xB;
	s8 =	smul.u32 $0x27100, s4  }
0xc: {  	s10 =	smul.u32 $0x138800, s4;
	s4 =	sadd.s32 $0xA48A00, s5;
	s12 =	sshrl.u32 s9, $0x1  }
0xd: {  	s25 =	sshrl.u32 s13, $0x2;
	s31 =	sadd.s32 s30, s11;
	s13 =	sshrl.u32 @!p0 s1, $0x3  }
0xe: {  	s7 =	sadd.s32 s7, s5;
	s12 =	ssub.s32 s9, s12;
	s24 =	sadd.s32 s25, s1  }
0xf: {  	s28 =	sadd.s32 s23, s15;
	s29 =	sshrl.u32 s26, $0x3;
	s23 =	sadd.s32 $0x124800, s1  }
0x10: {  	s25 =	simm.s32 $0x0;
	s5 =	sadd.s32 $0xEA00, s7;
	s22 =	sshrl.u32 s10, $0x3  }
0x11: {  	s6 =	sadd.s32 s11, s8;
	s8 =	sadd.s32 s14, s28;
	s9 =	sadd.s32 s14, s29  }
0x12: {  	s10 =	smax.u32 s12, $0x1;
	s12 =	sadd.s32 s15, s31;
	s14 =	simm.s32 $0x3  }
0x13: {  	s15 =	simm.s32 $0x4000;
	s23 =	sshrl.u32 @p1 s23, $0x3;
	s24 =	sshrl.u32 @!p1 s24, $0x3  }
0x14: {  	s7 =	sadd.s32 s11, s22;
	s9 =	sadd.s32 $0x24900, s9;
	s11 =	sadd.s32 $0x26C00, s6  }
0x15: {  	s12 =	sadd.s32 $0xF00, s12;
	s22 =	simm.s32 $0x3E00;
	s7 =	sadd.s32 $0x500, s7  }
.LBB2_1:
0x16: {  	s26 =	simm.s32 @!p0 $0x1C03  }
0x17: {  	[spmem:s13], [sflag:s26] =	dma.local @!p0 [hbm:s4], $0x27100  }
0x18: {  	s26 =	simm.s32 @!p0 $0x3  }
0x19: {  	_ =	swait.ge @!p0 [sflag:s26], $0x27100  }
0x1a: {  	[sflag:s26] =	ssyncset.done @!p0 $0x0  }
0x1b: {  	[sflag:s26] =	ssyncadd.s32 @!p0 $0xFFFD8F00  }
0x1c: {  	[tilespmem:s2], [sflag:$0x3] =	stream.linear.gather [hbm4b:s5+s2], $0x3E80, $0x38;
	[tilespmem:$0x1C880] =	vst v63  }
0x1d: {  	_ =	swait.ge [sflag:s14], $0x3E80  }
0x1e: {  	[sflag:s14] =	ssyncset.done $0x0  }
0x1f: {  	[sflag:s14] =	ssyncadd.s32 $0xFFFFC180  }
0x20: {  	[bflag:$0x0] =	sbarrier.arrive $0xFFFF  }
0x21: {  	[tilespmem:s15], [sflag:$0x1] =	stream.linear.gather [hbm4b:s6+s2], $0x2800, $0x38;
	[tilespmem:$0x1C880] =	vst v63  }
0x22: {  	_ = 	snop  }
0x23: {  	[tilespmem:s16], [sflag:$0x2] =	stream.linear.gather [hbm4b:s7+s2], $0x2800, $0x38;
	[tilespmem:$0x1C880] =	vst v63  }
0x24: {  	_ =	swait.ge [sflag:s17], $0x2800  }
0x25: {  	[sflag:s17] =	ssyncset.done $0x0  }
0x26: {  	s31 =	simm.s32 $0x0;
	[sflag:s17] =	ssyncadd.s32 $0xFFFFD800  }
0x27: {  	[spmem:s1] =	stream.indirect.scatter.add.f32 [tilespmem:s15], [sflag:$0x3], $0x80, s31, s18, $0xb8;
	[tilespmem:$0x1C880] =	vst v63  }
0x28: {  	_ =	swait.ge [sflag:s14], $0x2800  }
0x29: {  	[sflag:s14] =	ssyncset.done $0x0  }
0x2a: {  	s30 =	sadd.s32 $0xFFFFFB00, s12;
	[sflag:s14] =	ssyncadd.s32 $0xFFFFD800  }
0x2b: {  	[tilespmem:s15], [sflag:$0x1] =	stream.linear.gather [hbm4b:s30+s2], $0x2800, $0x38;
	[tilespmem:$0x1C880] =	vst v63  }
0x2c: {  	_ =	swait.ge [sflag:s19], $0x2800  }
0x2d: {  	[sflag:s19] =	ssyncset.done $0x0  }
0x2e: {  	s31 =	simm.s32 $0x80;
	[sflag:s19] =	ssyncadd.s32 $0xFFFFD800  }
0x2f: {  	[spmem:s1] =	stream.indirect.scatter.add.f32 [tilespmem:s16], [sflag:$0x3], $0x80, s31, s18, $0xb8;
	[tilespmem:$0x1C880] =	vst v63  }
0x30: {  	_ =	swait.ge [sflag:s14], $0x2800  }
0x31: {  	s28 =	sadd.s32 $0xA00, s12;
	[sflag:s14] =	ssyncset.done $0x0  }
0x32: {  	s29 =	smov.u32 s12;
	s26 =	simm.s32 $0x400;
	[sflag:s14] =	ssyncadd.s32 $0xFFFFD800  }
.LBB2_2:
0x33: {  	[tilespmem:s16], [sflag:$0x2] =	stream.linear.gather [hbm4b:s29+s2], $0x2800, $0x38;
	[tilespmem:$0x1C880] =	vst v63  }
0x34: {  	s30 =	smov.u32 s26;
	s29 =	smov.u32 s28  }
0x35: {  	p2 =	sne.s32 s26, $0xF000;
	s26 =	sadd.s32 $0x400, s26;
	_ =	swait.ge [sflag:s17], $0x2800  }
0x36: {  	[sflag:s17] =	ssyncset.done $0x0  }
0x37: {  	s30 =	sshra.s32 s30, $0x2;
	[sflag:s17] =	ssyncadd.s32 $0xFFFFD800  }
0x38: {  	[spmem:s1] =	stream.indirect.scatter.add.f32 [tilespmem:s15], [sflag:$0x3], $0x80, s30, s18, $0xb8;
	[tilespmem:$0x1C880] =	vst v63  }
0x39: {  	_ =	swait.ge [sflag:s14], $0x2800  }
0x3a: {  	[sflag:s14] =	ssyncset.done $0x0  }
0x3b: {  	s31 =	sadd.s32 $0xFFFFFB00, s28;
	[sflag:s14] =	ssyncadd.s32 $0xFFFFD800  }
0x3c: {  	[tilespmem:s15], [sflag:$0x1] =	stream.linear.gather [hbm4b:s31+s2], $0x2800, $0x38;
	[tilespmem:$0x1C880] =	vst v63  }
0x3d: {  	_ =	swait.ge [sflag:s19], $0x2800  }
0x3e: {  	[sflag:s19] =	ssyncset.done $0x0  }
.Ltmp0:
0x3f: {  	s30 =	sadd.s32 $0x80, s30;
	[sflag:s19] =	ssyncadd.s32 $0xFFFFD800;
	(pc) =	sbr.rel @p2 .LBB2_2-.Ltmp0, $4  }
0x40: {  	[spmem:s1] =	stream.indirect.scatter.add.f32 [tilespmem:s16], [sflag:$0x3], $0x80, s30, s18, $0xb8;
	[tilespmem:$0x1C880] =	vst v63  }
0x41: {  	_ =	swait.ge [sflag:s14], $0x2800  }
0x42: {  	[sflag:s14] =	ssyncset.done $0x0  }
0x43: {  	s28 =	sadd.s32 $0xA00, s28;
	[sflag:s14] =	ssyncadd.s32 $0xFFFFD800  }
0x44: {  	[tilespmem:s16], [sflag:$0x2] =	stream.linear.gather [hbm4b:s29+s2], $0x2800, $0x38;
	[tilespmem:$0x1C880] =	vst v63  }
0x45: {  	_ =	swait.ge [sflag:s17], $0x2800  }
0x46: {  	[sflag:s17] =	ssyncset.done $0x0  }
0x47: {  	[sflag:s17] =	ssyncadd.s32 $0xFFFFD800  }
0x48: {  	[spmem:s1] =	stream.indirect.scatter.add.f32 [tilespmem:s15], [sflag:$0x3], $0x80, s20, s18, $0xb8;
	[tilespmem:$0x1C880] =	vst v63  }
0x49: {  	_ =	swait.ge [sflag:s14], $0x2800  }
0x4a: {  	[sflag:s14] =	ssyncset.done $0x0  }
0x4b: {  	[sflag:s14] =	ssyncadd.s32 $0xFFFFD800  }
0x4c: {  	[tilespmem:s15], [sflag:$0x1] =	stream.linear.gather [hbm4b:s11+s2], $0x2800, $0x38;
	[tilespmem:$0x1C880] =	vst v63  }
0x4d: {  	_ =	swait.ge [sflag:s19], $0x2800  }
0x4e: {  	[sflag:s19] =	ssyncset.done $0x0  }
0x4f: {  	[sflag:s19] =	ssyncadd.s32 $0xFFFFD800  }
0x50: {  	[spmem:s1] =	stream.indirect.scatter.add.f32 [tilespmem:s16], [sflag:$0x3], $0x80, s21, s18, $0xb8;
	[tilespmem:$0x1C880] =	vst v63  }
0x51: {  	_ =	swait.ge [sflag:s14], $0x2800  }
0x52: {  	[sflag:s14] =	ssyncset.done $0x0  }
0x53: {  	[sflag:s14] =	ssyncadd.s32 $0xFFFFD800  }
0x54: {  	_ =	swait.ge [sflag:s17], $0x2800  }
0x55: {  	[sflag:s17] =	ssyncset.done $0x0  }
0x56: {  	[sflag:s17] =	ssyncadd.s32 $0xFFFFD800  }
0x57: {  	[spmem:s1] =	stream.indirect.scatter.add.f32 [tilespmem:s15], [sflag:$0x3], $0x80, s22, s18, $0xb8;
	[tilespmem:$0x1C880] =	vst v63  }
0x58: {  	_ =	swait.ge [sflag:s14], $0x2800  }
0x59: {  	[sflag:s14] =	ssyncset.done $0x0  }
0x5a: {  	[sflag:s14] =	ssyncadd.s32 $0xFFFFD800  }
0x5b: {  	s26 =	simm.s32 @p1 $0x1FC3;
	[bflag:$0x0] =	sbarrier.arrive $0xFFFF  }
0x5c: {  	[hbm:s9], [sflag:s26] =	dma.local @p1 [spmem:s23], $0x2800  }
0x5d: {  	s26 =	simm.s32 @p1 $0x3  }
0x5e: {  	_ =	swait.ge @p1 [sflag:s26], $0x2800  }
0x5f: {  	s28 =	sshll.u32 @!p1 s3, $0x6;
	s25 =	sadd.s32 $0x1, s25;
	[sflag:s26] =	ssyncset.done @p1 $0x0  }
0x60: {  	p2 =	sne.s32 s25, s10;
	[sflag:s26] =	ssyncadd.s32 @p1 $0xFFFFD800;
	s26 =	sor.u32 @!p1 $0x1C03, s28  }
0x61: {  	[hbm:s8], [sflag:s26] =	dma.local @!p1 [spmem:s24], $0x2700  }
.Ltmp1:
0x62: {  	_ = 	snop;
	(pc) =	sbr.rel @p2 .LBB2_1-.Ltmp1, $4  }
0x63: {  	s26 =	simm.s32 @!p1 $0x3  }
0x64: {  	_ =	swait.ge @!p1 [sflag:s26], $0x2700  }
0x65: {  	[sflag:s26] =	ssyncset.done @!p1 $0x0  }
0x66: {  	[sflag:s26] =	ssyncadd.s32 @!p1 $0xFFFFD900  }
0x67: {  	_ =	sfence.sel $0x180000  }
0x68: {  	[bflag:$0x0] =	sbarrier.arrive $0xFFFF  }
0x69: {  	_ =	strace $0x90000050  }
0x6a: {  	s0 =	sadd.s32 @!p0 $0x100000, s0;
	[bflag:$0x2] =	sbarrier.arrive $0xFFFF  }
0x6b: {  	[sflag:s0] =	ssyncadd.tile.s32 @!p0 $0x1;
	_ =	shalt  }
.Lfunc_end2:
_tile_overlayer_lowered:
.L_overlay_start_2:
0x6c: {  	(tag) =	ssettag $0x2  }
0x6d: {  	s0 =	rddreg [dreg:$0x0];
	s2 =	stileid.u32  }
0x6e: {  	s1 =	rddreg [dreg:$0x1];
	p0 =	sne.s32 s2, $0x0  }
0x6f: {  	s3 =	rddreg [dreg:$0x2];
	[bflag:$0x3] =	sbarrier.arrive $0xFFFF;
	s2 =	simm.s32 @!p0 $0x1C03  }
0x70: {  	[timem:s3], [sflag:s2] =	dma.local @!p0 [hbm:s0], s1  }
0x71: {  	s0 =	simm.s32 @!p0 $0x3  }
0x72: {  	_ =	swait.ge @!p0 [sflag:s0], s1  }
0x73: {  	s1 =	ssub.s32 @!p0 $0x0, s1;
	[sflag:s0] =	ssyncset.done @!p0 $0x0  }
0x74: {  	[sflag:s0] =	ssyncadd.s32 @!p0 s1  }
0x75: {  	[bflag:$0x3] =	sbarrier.arrive $0xFFFF  }
0x76: {  	_ =	shalt  }

// kernel: kernel.37.cloned.1.call-start
scs
__scs_entry_jumppad:
0x0: {  	(pc) =	sbr.rel $0x88, $3  }
0x1: {  	(tag) =	ssettag $0x0;
	lr =	simm.s32 $0x1  }
0x2: {  	[smem:$0x3F8A] =	sst lr;
	_ =	strace $0xD0000000  }
0x3: {  	_ = 	snop  }
0x4: {  	_ = 	snop  }
0x5: {  	_ = 	snop  }
0x6: {  	_ = 	snop  }
0x7: {  	_ = 	snop  }
__scs_overlays_trampoline_lowered:
0x8: {  	[smem:$0x3F99] =	sst s0  }
0x9: {  	[smem:$0x3F9A] =	sst s1  }
0xa: {  	[smem:$0x3F9B] =	sst s2  }
0xb: {  	[smem:$0x3F9C] =	sst s3  }
0xc: {  	[smem:$0x3F9D] =	sst s4  }
0xd: {  	[smem:$0x3F9E] =	sst s5  }
0xe: {  	[smem:$0x3F9F] =	sst s6  }
0xf: {  	[smem:$0x3FA0] =	sst s7  }
0x10: {  	[smem:$0x3FA1] =	sst s8  }
0x11: {  	[smem:$0x3FA2] =	sst s9;
	s0 =	simm.s32 @!p0 $0x0  }
0x12: {  	s1 =	sld [smem:$0x3F88];
	s0 =	simm.s32 @p0 $0x1  }
0x13: {  	[smem:$0x3FA3] =	sst s0;
	s0 =	simm.s32 @!p1 $0x0  }
0x14: {  	s2 =	sld [smem:$0x3F87];
	s0 =	simm.s32 @p1 $0x1  }
0x15: {  	[smem:$0x3FA4] =	sst s0;
	s0 =	simm.s32 @!p2 $0x0  }
0x16: {  	s3 =	sld [smem:$0x3FDB];
	s0 =	simm.s32 @p2 $0x1  }
0x17: {  	s4 =	simm.s32 $0x1BF5;
	[smem:$0x3FA6] =	sst s0  }
0x18: {  	s0 =	sld [smem:$0x3F89];
	_ =	swait.ge [sflag:s4], $0x0  }
0x19: {  	s7 =	sld [smem:$0x3F8A]  }
0x1a: {  	s8 =	sadd.s32 $0xFFFFE003, lr  }
0x1b: {  	s9 =	sadd.s32 $0xFFFFFEF7, lr;
	s5 =	simm.s32 $0xFFFFFFFF;
	p2 =	slt.u32 s8, $0xFFFFF086  }
0x1c: {  	p1 =	slt.u32 s9, $0xF7A;
	s5 =	simm.s32 @!p2 $0x0  }
0x1d: {  	s5 =	simm.s32 @p1 $0x1;
	p0 =	seq.s32 s7, s2  }
0x1e: {  	s7 =	smul.u32 @!p0 $0xF7A, s2;
	p2 =	seq.s32 @!p0 s5, $0x0  }
0x1f: {  	s9 =	smul.u32 $0xF7A, s1;
	s8 =	simm.s32 @!p0 $0x1BF5;
	p2 =	por !p2, p0  }
0x20: {  	[sflag:s8] =	ssyncset.s32 @!p0 $0xFFFFF086;
	s6 =	sadd.s32 @!p0 s3, s7;
	s7 =	simm.s32 @!p0 $0x108  }
0x21: {  	s3 =	sadd.s32 s3, s9;
	s6 =	sadd.s32 @!p0 $0x88, s6;
	s7 =	simm.s32 @p2 $0x1082  }
0x22: {  	[simem:s7], [sflag:s8] =	dma.local @!p0 [hbm:s6], $0xF7A  }
0x23: {  	s9 =	sor.u32 $0xD0000000, s2;
	s6 =	simm.s32 $0x108;
	_ =	swait.ge @!p0 [sflag:s8], $0x0  }
0x24: {  	s3 =	sadd.s32 $0x88, s3;
	s6 =	simm.s32 @!p1 $0x1082;
	[sflag:s4] =	ssyncset.s32 $0xFFFFF086  }
0x25: {  	[simem:s6], [sflag:s4] =	dma.local [hbm:s3], $0xF7A  }
0x26: {  	[smem:$0x3F8A] =	sst s1;
	(tag) =	ssettag s2;
	_ =	strace s9  }
0x27: {  	s1 =	sld [smem:$0x3F9A]  }
0x28: {  	s2 =	sld [smem:$0x3F9B]  }
0x29: {  	s4 =	sld [smem:$0x3F9D]  }
0x2a: {  	p0 =	seq.s32 s5, $0x0;
	s5 =	sld [smem:$0x3F9E]  }
0x2b: {  	s6 =	sld [smem:$0x3F9F]  }
0x2c: {  	s7 =	sld [smem:$0x3FA0]  }
0x2d: {  	s3 =	simm.s32 $0x108;
	s8 =	sld [smem:$0x3FA1]  }
0x2e: {  	s3 =	simm.s32 @!p0 $0x1082;
	s9 =	sld [smem:$0x3FA2]  }
0x2f: {  	lr =	sadd.s32 s0, s3;
	s0 =	sld [smem:$0x3F99]  }
0x30: {  	s3 =	sld [smem:$0x3F9C]  }
0x31: {  	[smem:$0x3FA5] =	sst s10  }
0x32: {  	s10 =	sld [smem:$0x3FA3];
	_ =	sdelay $0x3  }
0x33: {  	p0 =	seq.s32 s10, $0x1;
	s10 =	sld [smem:$0x3FA5];
	_ =	sdelay $0x3  }
0x34: {  	[smem:$0x3FA5] =	sst s10  }
0x35: {  	s10 =	sld [smem:$0x3FA4];
	_ =	sdelay $0x3  }
0x36: {  	p1 =	seq.s32 s10, $0x1;
	s10 =	sld [smem:$0x3FA5];
	_ =	sdelay $0x3  }
0x37: {  	[smem:$0x3FA5] =	sst s10  }
0x38: {  	s10 =	sld [smem:$0x3FA6]  }
0x39: {  	_ = 	snop;
	(pc) =	sbr.ind lr, $3  }
0x3a: {  	_ = 	snop  }
0x3b: {  	_ = 	snop  }
0x3c: {  	p2 =	seq.s32 s10, $0x1;
	s10 =	sld [smem:$0x3FA5]  }
0x3d: {  	_ =	shalt  }
0x3e: {  	_ =	shalt  }
0x3f: {  	_ =	shalt  }
0x40: {  	_ =	shalt  }
0x41: {  	_ =	shalt  }
0x42: {  	_ =	shalt  }
0x43: {  	_ =	shalt  }
0x44: {  	_ =	shalt  }
0x45: {  	_ =	shalt  }
0x46: {  	_ =	shalt  }
0x47: {  	_ =	shalt  }
0x48: {  	_ =	shalt  }
0x49: {  	_ =	shalt  }
0x4a: {  	_ =	shalt  }
0x4b: {  	_ =	shalt  }
0x4c: {  	_ =	shalt  }
0x4d: {  	_ =	shalt  }
0x4e: {  	_ =	shalt  }
0x4f: {  	_ =	shalt  }
0x50: {  	_ =	shalt  }
0x51: {  	_ =	shalt  }
0x52: {  	_ =	shalt  }
0x53: {  	_ =	shalt  }
0x54: {  	_ =	shalt  }
0x55: {  	_ =	shalt  }
0x56: {  	_ =	shalt  }
0x57: {  	_ =	shalt  }
0x58: {  	_ =	shalt  }
0x59: {  	_ =	shalt  }
0x5a: {  	_ =	shalt  }
0x5b: {  	_ =	shalt  }
0x5c: {  	_ =	shalt  }
0x5d: {  	_ =	shalt  }
0x5e: {  	_ =	shalt  }
0x5f: {  	_ =	shalt  }
0x60: {  	_ =	shalt  }
0x61: {  	_ =	shalt  }
0x62: {  	_ =	shalt  }
0x63: {  	_ =	shalt  }
0x64: {  	_ =	shalt  }
0x65: {  	_ =	shalt  }
0x66: {  	_ =	shalt  }
0x67: {  	_ =	shalt  }
0x68: {  	_ =	shalt  }
0x69: {  	_ =	shalt  }
0x6a: {  	_ =	shalt  }
0x6b: {  	_ =	shalt  }
0x6c: {  	_ =	shalt  }
0x6d: {  	_ =	shalt  }
0x6e: {  	_ =	shalt  }
0x6f: {  	_ =	shalt  }
0x70: {  	_ =	shalt  }
0x71: {  	_ =	shalt  }
0x72: {  	_ =	shalt  }
0x73: {  	_ =	shalt  }
0x74: {  	_ =	shalt  }
0x75: {  	_ =	shalt  }
0x76: {  	_ =	shalt  }
0x77: {  	_ =	shalt  }
0x78: {  	_ =	shalt  }
0x79: {  	_ =	shalt  }
0x7a: {  	_ =	shalt  }
0x7b: {  	_ =	shalt  }
0x7c: {  	_ =	shalt  }
0x7d: {  	_ =	shalt  }
0x7e: {  	_ =	shalt  }
0x7f: {  	_ =	shalt  }
0x80: {  	_ =	shalt  }
0x81: {  	_ =	shalt  }
0x82: {  	_ =	shalt  }
0x83: {  	_ =	shalt  }
0x84: {  	_ =	shalt  }
0x85: {  	_ =	shalt  }
0x86: {  	_ =	shalt  }
0x87: {  	_ =	shalt  }
.Lfunc_end0:
.L_simem_size_0:
called_computation.4_lowered:
.L_overlay_start_0:
0x88: {  	s2 =	sld [smem:$0x3FD9]  }
0x89: {  	s3 =	sld [smem:$0x3FFE];
	_ =	sdelay $0x1  }
0x8a: {  	s1 =	srdreg.scid  }
0x8b: {  	s0 =	sand.u32 $0x1, s1  }
0x8c: {  	s16 =	sshll.u32 s0, $0xA;
	s2 =	sadd.s32 s3, s2  }
0x8d: {  	s2 =	sadd.s32 s2, s16  }
0x8e: {  	[smem:$0x3FB1] =	sst s2  }
0x8f: {  	_ = 	snop  }
0x90: {  	(tm) =	ssettm $0x1  }
0x91: {  	s17 =	sld [smem:$0x3FFB];
	_ =	sdelay $0x3  }
0x92: {  	_ =	strace s17  }
0x93: {  	s2 =	sld [smem:$0x3FFC];
	_ =	sdelay $0x3  }
0x94: {  	_ =	strace s2  }
0x95: {  	s2 =	sld [smem:$0x3FFD];
	_ =	sdelay $0x3  }
0x96: {  	_ =	strace s2  }
0x97: {  	_ =	strace $0x8FFFFFFF  }
0x98: {  	s18 =	sld [smem:$0x3FDB];
	_ =	sdelay $0x1  }
0x99: {  	s19 =	simm.s32 $_scs_section_size  }
0x9a: {  	s4 =	simm.s32 $_size__tile_overlayer_lowered;
	s5 =	simm.s32 $_tile_overlayer_lowered  }
0x9b: {  	s22 =	simm.s32 $0x1BFF;
	s21 =	sshll.u32 s5, $0x1;
	s2 =	sadd.s32 s19, s18  }
0x9c: {  	s6 =	simm.s32 $0x0;
	s20 =	sshll.u32 s4, $0x1;
	s4 =	sadd.s32 s21, s2  }
0x9d: {  	[timem:s6], [sflag:s22] =	dma.local [hbm:s4], s20  }
0x9e: {  	_ =	swait.ge [sflag:s22], s20  }
0x9f: {  	s3 =	ssub.s32 $0x0, s20;
	[sflag:s22] =	ssyncset.done $0x0  }
0xa0: {  	[sflag:s22] =	ssyncadd.s32 s3;
	_ =	sdelay $0x1  }
0xa1: {  	s23 =	simm.s32 $0x1B8B  }
0xa2: {  	_ =	swait.ge [sflag:s23], $0x1  }
0xa3: {  	[sflag:s23] =	ssyncset.done $0x0  }
0xa4: {  	s25 =	simm.s32 $0x1B8E;
	s24 =	sld [smem:$0x3FFE];
	[sflag:s23] =	ssyncadd.s32 $0xFFFFFFFF  }
0xa5: {  	s26 =	simm.s32 $execute0_lowered;
	[smem:$0x3FD2] =	sst s25  }
0xa6: {  	s4 =	sshll.u32 s26, $0x1;
	_ =	strace $0x80000052;
	[dreg:$0x1] =	wrdreg $0xFFFFFFFF  }
0xa7: {  	s28 =	simm.s32 $_size_execute0_lowered;
	s2 =	sadd.s32 s2, s4;
	[dreg:$0x0] =	wrdreg $0x0  }
0xa8: {  	s4 =	sshll.u32 s28, $0x1;
	[dreg:$0x2] =	wrdreg s2  }
0xa9: {  	[dreg:$0x3] =	wrdreg s4  }
0xaa: {  	[dreg:$0x4] =	wrdreg $0xC0  }
0xab: {  	_ =	task [dreg:s6], $0x5FFFF  }
0xac: {  	[dreg:$0x1] =	wrdreg $0xFFFFFFFF  }
0xad: {  	[dreg:$0x0] =	wrdreg $0x60  }
0xae: {  	[dreg:$0x2] =	wrdreg s24  }
0xaf: {  	[dreg:$0x3] =	wrdreg $0x9  }
0xb0: {  	_ =	task.clear_ibuf [dreg:s6], $0x4FFFF;
	_ =	strace $0x90000052  }
0xb1: {  	s29 =	simm.s32 $0x9;
	_ =	strace $0x80000054  }
0xb2: {  	_ =	swait.ge [sflag:s29], $0x1  }
0xb3: {  	[sflag:s29] =	ssyncadd.s32 $0xFFFFFFFF  }
0xb4: {  	_ =	strace $0x90000054  }
0xb5: {  	_ =	sfence  }
0xb6: {  	s30 =	sld [smem:$0x0];
	_ =	sdelay $0x2  }
0xb7: {  	s31 =	sshll.u32 s1, $0xD;
	s1 =	sshrl.u32 s1, $0x2  }
0xb8: {  	s3 =	sand.u32 $0x4000, s31;
	s1 =	sadd.s32 s1, s30  }
0xb9: {  	s0 =	sor.u32 s3, s0;
	s1 =	sshll.u32 s1, $0x11  }
0xba: {  	s0 =	sor.u32 s1, s0  }
0xbb: {  	s0 =	sadd.s32 $0x8F2B, s0  }
0xbc: {  	[sflag:s0] =	ssyncadd.remote.s32 $0x1  }
0xbd: {  	_ =	sfence.sel $0xFFFF  }
0xbe: {  	[dreg:$0x0] =	wrdreg $0xFFFFFFFF;
	(pc) =	sbr.abs _section_cstart, $3  }
0xbf: {  	[dreg:$0x1] =	wrdreg $0xFFFFFFFF  }
0xc0: {  	_ =	task.clear_ibuf [dreg:s6], $0x2FFFF;
	_ =	strace $0x9FFFFFFF  }
0xc1: {  	(tm) =	ssettm $0x7FFFFFFF  }
tec
execute0_lowered:
.L_overlay_start_1:
0x0: {  	(tag) =	ssettag $0x1  }
0x1: {  	s0 =	rddreg [dreg:$0x0]  }
0x2: {  	s2 =	simm.s32 $0x0;
	s1 =	srdreg.scid;
	s10 =	stileid.u32  }
0x3: {  	s13 =	simm.s32 $0x9;
	s15 =	simm.s32 $0x50;
	s16 =	simm.s32 $0x8000  }
0x4: {  	s17 =	simm.s32 $0x12000;
	s19 =	simm.s32 $0xA800;
	s21 =	simm.s32 $0x14800  }
0x5: {  	s28 =	simm.s32 $0xF800;
	s30 =	simm.s32 $0x19800;
	s31 =	simm.s32 $0x1  }
0x6: {  	s18 =	simm.s32 $0x4;
	s20 =	simm.s32 $0x5;
	[smem:$0x7FF] =	sst s2  }
0x7: {  	s1 =	sand.u32 $0x1, s1;
	s5 =	sshll.u32 s10, $0x1;
	s3 =	sadd.s32 $0x9F9A00, s0  }
0x8: {  	s4 =	sadd.s32 $0xA20C00, s0;
	s7 =	sadd.s32 $0x35A00, s0;
	s24 =	smul.u32 $0x4E200, s10  }
0x9: {  	_ =	strace $0x80000053;
	s5 =	sor.u32 s1, s5;
	s8 =	ssub.s32 $0x2, s1  }
0xa: {  	s10 =	smul.u32 $0x27100, s1;
	s1 =	simm.s32 $0x3;
	s6 =	sshll.u32 s5, $0xB  }
0xb: {  	s5 =	smul.u32 $0x138800, s5;
	s9 =	sshrl.u32 s8, $0x1;
	s26 =	sadd.s32 s24, s7  }
0xc: {  	s6 =	sadd.s32 s6, s0;
	s0 =	sadd.s32 $0xAC2600, s0;
	s9 =	ssub.s32 s8, s9  }
0xd: {  	[dreg:$0x7] =	wrdreg s26;
	s26 =	simm.s32 $0x0;
	s5 =	sshrl.u32 s5, $0x3  }
0xe: {  	s22 =	sadd.s32 $0x1EA00, s6;
	s6 =	sadd.s32 $0xEA00, s6;
	s25 =	smax.u32 s9, $0x1  }
.Ltmp0:
0xf: {  	s29 =	sadd.s32 s24, s0;
	[dreg:$0x2] =	wrdreg s22;
	(pc) =	sbr.rel .LBB2_1-.Ltmp0, $4  }
0x10: {  	s24 =	simm.s32 $0x8;
	s5 =	sadd.s32 $0x26C00, s5;
	[dreg:$0x3] =	wrdreg s6  }
0x11: {  	[dreg:$0x6] =	wrdreg s25;
	s25 =	simm.s32 $0x17000;
	s23 =	sadd.s32 s7, s5  }
0x12: {  	s22 =	simm.s32 $0x6;
	s5 =	sadd.s32 s0, s5;
	[dreg:$0x4] =	wrdreg s23  }
0x13: {  	s0 =	simm.s32 $0x2;
	[dreg:$0x5] =	wrdreg s5;
	s23 =	simm.s32 $0xD000  }
.LBB2_4:
0x14: {  	_ =	swait.ge [sflag:s31], $0x2800  }
0x15: {  	[sflag:s31] =	ssyncset.done $0x0  }
0x16: {  	[sflag:s31] =	ssyncadd.s32 $0xFFFFD800  }
0x17: {  	_ =	swait.ge [sflag:s31], $0x2800  }
0x18: {  	[sflag:s31] =	ssyncset.done $0x0  }
0x19: {  	s5 =	rddreg [dreg:$0x4];
	[sflag:s31] =	ssyncadd.s32 $0xFFFFD800  }
0x1a: {  	[hbm4b:s5+s2] =	stream.linear.scatter [tilespmem:s16], [sflag:$0x9], $0x2800, $0x38;
	[tilespmem:$0x1C000] =	vst v63  }
0x1b: {  	_ =	swait.ge [sflag:s13], $0x2800  }
0x1c: {  	[sflag:s13] =	ssyncset.done $0x0  }
0x1d: {  	s12 =	rddreg [dreg:$0x5];
	[sflag:s13] =	ssyncadd.s32 $0xFFFFD800  }
0x1e: {  	[hbm4b:s12+s2] =	stream.linear.scatter [tilespmem:s17], [sflag:$0x9], $0x2800, $0x38;
	[tilespmem:$0x1C000] =	vst v63  }
0x1f: {  	_ =	swait.ge [sflag:s13], $0x2800  }
0x20: {  	s26 =	sadd.s32 $0x1, s26;
	s14 =	rddreg [dreg:$0x6]  }
0x21: {  	p0 =	sne.s32 s26, s14  }
.Ltmp1:
0x22: {  	_ = 	snop;
	(pc) =	sbr.rel @!p0 .LBB2_5-.Ltmp1, $3  }
0x23: {  	_ =	sdelay $0x1  }
0x24: {  	[sflag:s13] =	ssyncset.done $0x0  }
0x25: {  	[sflag:s13] =	ssyncadd.s32 $0xFFFFD800  }
.LBB2_1:
0x26: {  	s5 =	rddreg [dreg:$0x2]  }
0x27: {  	[tilespmem:s2], [sflag:$0x9] =	stream.linear.gather [hbm4b:s5+s2], $0x3E80, $0x38;
	[tilespmem:$0x1C000] =	vst v63  }
0x28: {  	_ =	swait.ge [sflag:s13], $0x3E80  }
0x29: {  	[sflag:s13] =	ssyncset.done $0x0  }
0x2a: {  	s6 =	simm.s32 $0x4000;
	s14 =	rddreg [dreg:$0x3];
	[sflag:s13] =	ssyncadd.s32 $0xFFFFC180  }
0x2b: {  	[tilespmem:s6], [sflag:$0x9] =	stream.linear.gather [hbm4b:s14+s2], $0x3E80, $0x38;
	[tilespmem:$0x1C000] =	vst v63  }
0x2c: {  	_ =	swait.ge [sflag:s13], $0x3E80  }
0x2d: {  	[sflag:s13] =	ssyncset.done $0x0  }
0x2e: {  	[sflag:s13] =	ssyncadd.s32 $0xFFFFC180  }
0x2f: {  	[tilespmem:s16], [sflag:$0x1] =	stream.indirect.gather [hbm4b:s3+s15], $0x80, s2, s15, $0xb8;
	[tilespmem:$0x1C000] =	vst v63  }
0x30: {  	_ = 	snop  }
0x31: {  	[tilespmem:s17], [sflag:$0x1] =	stream.indirect.gather [hbm4b:s4+s15], $0x80, s6, s15, $0xb8;
	[tilespmem:$0x1C000] =	vst v63  }
0x32: {  	s7 =	simm.s32 $0x80  }
0x33: {  	[tilespmem:s19], [sflag:$0x2] =	stream.indirect.gather [hbm4b:s3+s15], $0x80, s7, s15, $0xb8;
	[tilespmem:$0x1C000] =	vst v63  }
0x34: {  	s8 =	simm.s32 $0x4080  }
0x35: {  	[tilespmem:s21], [sflag:$0x2] =	stream.indirect.gather [hbm4b:s4+s15], $0x80, s8, s15, $0xb8;
	[tilespmem:$0x1C000] =	vst v63  }
0x36: {  	s9 =	simm.s32 $0x100  }
0x37: {  	[tilespmem:s23], [sflag:$0x3] =	stream.indirect.gather [hbm4b:s3+s15], $0x80, s9, s15, $0xb8;
	[tilespmem:$0x1C000] =	vst v63  }
0x38: {  	s11 =	simm.s32 $0x4100  }
0x39: {  	[tilespmem:s25], [sflag:$0x3] =	stream.indirect.gather [hbm4b:s4+s15], $0x80, s11, s15, $0xb8;
	[tilespmem:$0x1C000] =	vst v63  }
0x3a: {  	s12 =	simm.s32 $0x180;
	s14 =	simm.s32 $0x4180  }
0x3b: {  	[tilespmem:s28], [sflag:$0x4] =	stream.indirect.gather [hbm4b:s3+s15], $0x80, s12, s15, $0xb8;
	[tilespmem:$0x1C000] =	vst v63  }
0x3c: {  	s6 =	simm.s32 $0x0;
	s11 =	rddreg [dreg:$0x7];
	s12 =	smov.u32 s29  }
0x3d: {  	[tilespmem:s30], [sflag:$0x4] =	stream.indirect.gather [hbm4b:s4+s15], $0x80, s14, s15, $0xb8;
	[tilespmem:$0x1C000] =	vst v63  }
.LBB2_2:
0x3e: {  	_ =	swait.ge [sflag:s31], $0x2800  }
0x3f: {  	[sflag:s31] =	ssyncset.done $0x0  }
0x40: {  	[sflag:s31] =	ssyncadd.s32 $0xFFFFD800  }
0x41: {  	_ =	swait.ge [sflag:s31], $0x2800  }
0x42: {  	[sflag:s31] =	ssyncset.done $0x0  }
0x43: {  	s7 =	sadd.s32 s11, s10;
	[sflag:s31] =	ssyncadd.s32 $0xFFFFD800  }
0x44: {  	[hbm4b:s7+s2] =	stream.linear.scatter [tilespmem:s16], [sflag:$0x5], $0x2800, $0x38;
	[tilespmem:$0x1C000] =	vst v63  }
0x45: {  	s8 =	sadd.s32 s12, s10  }
0x46: {  	[hbm4b:s8+s2] =	stream.linear.scatter [tilespmem:s17], [sflag:$0x5], $0x2800, $0x38;
	[tilespmem:$0x1C000] =	vst v63  }
0x47: {  	_ =	swait.ge [sflag:s0], $0x2800  }
0x48: {  	[sflag:s0] =	ssyncset.done $0x0  }
0x49: {  	[sflag:s0] =	ssyncadd.s32 $0xFFFFD800  }
0x4a: {  	_ =	swait.ge [sflag:s0], $0x2800  }
0x4b: {  	[sflag:s0] =	ssyncset.done $0x0  }
0x4c: {  	s9 =	sadd.s32 $0x500, s7;
	[sflag:s0] =	ssyncadd.s32 $0xFFFFD800  }
0x4d: {  	[hbm4b:s9+s2] =	stream.linear.scatter [tilespmem:s19], [sflag:$0x6], $0x2800, $0x38;
	[tilespmem:$0x1C000] =	vst v63  }
0x4e: {  	s5 =	sadd.s32 $0x500, s8  }
0x4f: {  	[hbm4b:s5+s2] =	stream.linear.scatter [tilespmem:s21], [sflag:$0x6], $0x2800, $0x38;
	[tilespmem:$0x1C000] =	vst v63  }
0x50: {  	_ =	swait.ge [sflag:s1], $0x2800  }
0x51: {  	[sflag:s1] =	ssyncset.done $0x0  }
0x52: {  	[sflag:s1] =	ssyncadd.s32 $0xFFFFD800  }
0x53: {  	_ =	swait.ge [sflag:s1], $0x2800  }
0x54: {  	[sflag:s1] =	ssyncset.done $0x0  }
0x55: {  	s14 =	sadd.s32 $0xA00, s7;
	[sflag:s1] =	ssyncadd.s32 $0xFFFFD800  }
0x56: {  	[hbm4b:s14+s2] =	stream.linear.scatter [tilespmem:s23], [sflag:$0x7], $0x2800, $0x38;
	[tilespmem:$0x1C000] =	vst v63  }
0x57: {  	s5 =	sadd.s32 $0xA00, s8  }
0x58: {  	[hbm4b:s5+s2] =	stream.linear.scatter [tilespmem:s25], [sflag:$0x7], $0x2800, $0x38;
	[tilespmem:$0x1C000] =	vst v63  }
0x59: {  	_ =	swait.ge [sflag:s18], $0x2800  }
0x5a: {  	[sflag:s18] =	ssyncset.done $0x0  }
0x5b: {  	[sflag:s18] =	ssyncadd.s32 $0xFFFFD800  }
0x5c: {  	_ =	swait.ge [sflag:s18], $0x2800  }
0x5d: {  	[sflag:s18] =	ssyncset.done $0x0  }
0x5e: {  	s7 =	sadd.s32 $0xF00, s7;
	[sflag:s18] =	ssyncadd.s32 $0xFFFFD800  }
0x5f: {  	[hbm4b:s7+s2] =	stream.linear.scatter [tilespmem:s28], [sflag:$0x8], $0x2800, $0x38;
	[tilespmem:$0x1C000] =	vst v63  }
0x60: {  	s8 =	sadd.s32 $0xF00, s8  }
0x61: {  	[hbm4b:s8+s2] =	stream.linear.scatter [tilespmem:s30], [sflag:$0x8], $0x2800, $0x38;
	[tilespmem:$0x1C000] =	vst v63  }
0x62: {  	_ =	swait.ge [sflag:s20], $0x2800  }
0x63: {  	[sflag:s20] =	ssyncset.done $0x0  }
0x64: {  	[sflag:s20] =	ssyncadd.s32 $0xFFFFD800  }
0x65: {  	_ =	swait.ge [sflag:s20], $0x2800  }
0x66: {  	s7 =	sshra.s32 s6, $0x2;
	[sflag:s20] =	ssyncset.done $0x0  }
0x67: {  	s9 =	sadd.s32 $0x200, s7;
	[sflag:s20] =	ssyncadd.s32 $0xFFFFD800  }
0x68: {  	[tilespmem:s16], [sflag:$0x1] =	stream.indirect.gather [hbm4b:s3+s15], $0x80, s9, s15, $0xb8;
	[tilespmem:$0x1C000] =	vst v63  }
0x69: {  	s14 =	sadd.s32 $0x4200, s7  }
0x6a: {  	[tilespmem:s17], [sflag:$0x1] =	stream.indirect.gather [hbm4b:s4+s15], $0x80, s14, s15, $0xb8;
	[tilespmem:$0x1C000] =	vst v63  }
0x6b: {  	_ =	swait.ge [sflag:s22], $0x2800  }
0x6c: {  	[sflag:s22] =	ssyncset.done $0x0  }
0x6d: {  	[sflag:s22] =	ssyncadd.s32 $0xFFFFD800  }
0x6e: {  	_ =	swait.ge [sflag:s22], $0x2800  }
0x6f: {  	p0 =	seq.s32 s6, $0xF000;
	[sflag:s22] =	ssyncset.done $0x0  }
0x70: {  	s8 =	simm.s32 @p0 $0x7;
	[sflag:s22] =	ssyncadd.s32 $0xFFFFD800  }
0x71: {  	_ =	swait.ge @p0 [sflag:s8], $0x2800  }
0x72: {  	[sflag:s8] =	ssyncset.done @p0 $0x0  }
0x73: {  	[sflag:s8] =	ssyncadd.s32 @p0 $0xFFFFD800  }
0x74: {  	_ =	swait.ge @p0 [sflag:s8], $0x2800  }
0x75: {  	[sflag:s8] =	ssyncset.done @p0 $0x0  }
0x76: {  	[sflag:s8] =	ssyncadd.s32 @p0 $0xFFFFD800;
	s8 =	sshra.s32 @!p0 s6, $0x2  }
0x77: {  	s5 =	simm.s32 @!p0 $0xA800;
	s14 =	simm.s32 @!p0 $0x50;
	s9 =	sadd.s32 @!p0 $0x280, s8  }
0x78: {  	[tilespmem:s5], [sflag:$0x2] =	stream.indirect.gather @!p0 [hbm4b:s3+s14], $0x80, s9, s14, $0xb8;
	[tilespmem:$0x1C000] =	vst v63  }
0x79: {  	s5 =	sadd.s32 @!p0 $0x4280, s8;
	s9 =	simm.s32 @!p0 $0x14800  }
0x7a: {  	[tilespmem:s9], [sflag:$0x2] =	stream.indirect.gather @!p0 [hbm4b:s4+s14], $0x80, s5, s14, $0xb8;
	[tilespmem:$0x1C000] =	vst v63  }
0x7b: {  	s5 =	simm.s32 @!p0 $0x7  }
0x7c: {  	_ =	swait.ge @!p0 [sflag:s5], $0x2800  }
0x7d: {  	[sflag:s5] =	ssyncset.done @!p0 $0x0  }
0x7e: {  	[sflag:s5] =	ssyncadd.s32 @!p0 $0xFFFFD800  }
0x7f: {  	_ =	swait.ge @!p0 [sflag:s5], $0x2800  }
0x80: {  	[sflag:s5] =	ssyncset.done @!p0 $0x0  }
0x81: {  	s9 =	simm.s32 @!p0 $0xD000;
	[sflag:s5] =	ssyncadd.s32 @!p0 $0xFFFFD800;
	s5 =	sadd.s32 @!p0 $0x300, s8  }
0x82: {  	[tilespmem:s9], [sflag:$0x3] =	stream.indirect.gather @!p0 [hbm4b:s3+s14], $0x80, s5, s14, $0xb8;
	[tilespmem:$0x1C000] =	vst v63  }
0x83: {  	s5 =	sadd.s32 @!p0 $0x4300, s8;
	s8 =	simm.s32 @!p0 $0x17000  }
0x84: {  	[tilespmem:s8], [sflag:$0x3] =	stream.indirect.gather @!p0 [hbm4b:s4+s14], $0x80, s5, s14, $0xb8;
	[tilespmem:$0x1C000] =	vst v63  }
0x85: {  	_ =	swait.ge [sflag:s24], $0x2800  }
.Ltmp2:
0x86: {  	[sflag:s24] =	ssyncset.done $0x0;
	(pc) =	sbr.rel @p0 .LBB2_4-.Ltmp2, $4  }
0x87: {  	[sflag:s24] =	ssyncadd.s32 $0xFFFFD800  }
0x88: {  	_ =	swait.ge [sflag:s24], $0x2800  }
0x89: {  	[sflag:s24] =	ssyncset.done $0x0  }
0x8a: {  	[sflag:s24] =	ssyncadd.s32 $0xFFFFD800  }
.Ltmp3:
0x8b: {  	(pc) =	sbr.rel .LBB2_2-.Ltmp3, $4  }
0x8c: {  	s5 =	sadd.s32 $0x380, s7;
	s14 =	sadd.s32 $0x4380, s7  }
0x8d: {  	[tilespmem:s28], [sflag:$0x4] =	stream.indirect.gather [hbm4b:s3+s15], $0x80, s5, s15, $0xb8;
	[tilespmem:$0x1C000] =	vst v63  }
0x8e: {  	s6 =	sadd.s32 $0x800, s6;
	s11 =	sadd.s32 $0x1400, s11;
	s12 =	sadd.s32 $0x1400, s12  }
0x8f: {  	[tilespmem:s30], [sflag:$0x4] =	stream.indirect.gather [hbm4b:s4+s15], $0x80, s14, s15, $0xb8;
	[tilespmem:$0x1C000] =	vst v63  }
.LBB2_5:
0x90: {  	_ =	sfence.sel $0x180000  }
0x91: {  	[bflag:$0x0] =	sbarrier.arrive $0xFFFF  }
0x92: {  	_ =	strace $0x90000053  }
0x93: {  	s0 =	stileid.u32;
	[bflag:$0x2] =	sbarrier.arrive $0xFFFF  }
0x94: {  	p0 =	sne.s32 s0, $0x0;
	s0 =	rddreg [dreg:$0x1]  }
0x95: {  	s0 =	sadd.s32 @!p0 $0x100000, s0  }
0x96: {  	[sflag:s0] =	ssyncadd.tile.s32 @!p0 $0x1;
	_ =	shalt  }
.Lfunc_end2:
_tile_overlayer_lowered:
.L_overlay_start_2:
0x97: {  	(tag) =	ssettag $0x2  }
0x98: {  	s0 =	rddreg [dreg:$0x0];
	s2 =	stileid.u32  }
0x99: {  	s1 =	rddreg [dreg:$0x1];
	p0 =	sne.s32 s2, $0x0  }
0x9a: {  	s3 =	rddreg [dreg:$0x2];
	[bflag:$0x3] =	sbarrier.arrive $0xFFFF;
	s2 =	simm.s32 @!p0 $0x1C09  }
0x9b: {  	[timem:s3], [sflag:s2] =	dma.local @!p0 [hbm:s0], s1  }
0x9c: {  	s0 =	simm.s32 @!p0 $0x9  }
0x9d: {  	_ =	swait.ge @!p0 [sflag:s0], s1  }
0x9e: {  	s1 =	ssub.s32 @!p0 $0x0, s1;
	[sflag:s0] =	ssyncset.done @!p0 $0x0  }
0x9f: {  	[sflag:s0] =	ssyncadd.s32 @!p0 s1  }
0xa0: {  	[bflag:$0x3] =	sbarrier.arrive $0xFFFF  }
0xa1: {  	_ =	shalt  }

// kernel: kernel.40.cloned.1.call-start
scs
__scs_entry_jumppad:
0x0: {  	(pc) =	sbr.rel $0x88, $3  }
0x1: {  	(tag) =	ssettag $0x0;
	lr =	simm.s32 $0x1  }
0x2: {  	[smem:$0x3F8A] =	sst lr;
	_ =	strace $0xD0000000  }
0x3: {  	_ = 	snop  }
0x4: {  	_ = 	snop  }
0x5: {  	_ = 	snop  }
0x6: {  	_ = 	snop  }
0x7: {  	_ = 	snop  }
__scs_overlays_trampoline_lowered:
0x8: {  	[smem:$0x3F99] =	sst s0  }
0x9: {  	[smem:$0x3F9A] =	sst s1  }
0xa: {  	[smem:$0x3F9B] =	sst s2  }
0xb: {  	[smem:$0x3F9C] =	sst s3  }
0xc: {  	[smem:$0x3F9D] =	sst s4  }
0xd: {  	[smem:$0x3F9E] =	sst s5  }
0xe: {  	[smem:$0x3F9F] =	sst s6  }
0xf: {  	[smem:$0x3FA0] =	sst s7  }
0x10: {  	[smem:$0x3FA1] =	sst s8  }
0x11: {  	[smem:$0x3FA2] =	sst s9;
	s0 =	simm.s32 @!p0 $0x0  }
0x12: {  	s1 =	sld [smem:$0x3F88];
	s0 =	simm.s32 @p0 $0x1  }
0x13: {  	[smem:$0x3FA3] =	sst s0;
	s0 =	simm.s32 @!p1 $0x0  }
0x14: {  	s2 =	sld [smem:$0x3F87];
	s0 =	simm.s32 @p1 $0x1  }
0x15: {  	[smem:$0x3FA4] =	sst s0;
	s0 =	simm.s32 @!p2 $0x0  }
0x16: {  	s3 =	sld [smem:$0x3FDB];
	s0 =	simm.s32 @p2 $0x1  }
0x17: {  	s4 =	simm.s32 $0x1BF5;
	[smem:$0x3FA6] =	sst s0  }
0x18: {  	s0 =	sld [smem:$0x3F89];
	_ =	swait.ge [sflag:s4], $0x0  }
0x19: {  	s7 =	sld [smem:$0x3F8A]  }
0x1a: {  	s8 =	sadd.s32 $0xFFFFE003, lr  }
0x1b: {  	s9 =	sadd.s32 $0xFFFFFEF7, lr;
	s5 =	simm.s32 $0xFFFFFFFF;
	p2 =	slt.u32 s8, $0xFFFFF086  }
0x1c: {  	p1 =	slt.u32 s9, $0xF7A;
	s5 =	simm.s32 @!p2 $0x0  }
0x1d: {  	s5 =	simm.s32 @p1 $0x1;
	p0 =	seq.s32 s7, s2  }
0x1e: {  	s7 =	smul.u32 @!p0 $0xF7A, s2;
	p2 =	seq.s32 @!p0 s5, $0x0  }
0x1f: {  	s9 =	smul.u32 $0xF7A, s1;
	s8 =	simm.s32 @!p0 $0x1BF5;
	p2 =	por !p2, p0  }
0x20: {  	[sflag:s8] =	ssyncset.s32 @!p0 $0xFFFFF086;
	s6 =	sadd.s32 @!p0 s3, s7;
	s7 =	simm.s32 @!p0 $0x108  }
0x21: {  	s3 =	sadd.s32 s3, s9;
	s6 =	sadd.s32 @!p0 $0x88, s6;
	s7 =	simm.s32 @p2 $0x1082  }
0x22: {  	[simem:s7], [sflag:s8] =	dma.local @!p0 [hbm:s6], $0xF7A  }
0x23: {  	s9 =	sor.u32 $0xD0000000, s2;
	s6 =	simm.s32 $0x108;
	_ =	swait.ge @!p0 [sflag:s8], $0x0  }
0x24: {  	s3 =	sadd.s32 $0x88, s3;
	s6 =	simm.s32 @!p1 $0x1082;
	[sflag:s4] =	ssyncset.s32 $0xFFFFF086  }
0x25: {  	[simem:s6], [sflag:s4] =	dma.local [hbm:s3], $0xF7A  }
0x26: {  	[smem:$0x3F8A] =	sst s1;
	(tag) =	ssettag s2;
	_ =	strace s9  }
0x27: {  	s1 =	sld [smem:$0x3F9A]  }
0x28: {  	s2 =	sld [smem:$0x3F9B]  }
0x29: {  	s4 =	sld [smem:$0x3F9D]  }
0x2a: {  	p0 =	seq.s32 s5, $0x0;
	s5 =	sld [smem:$0x3F9E]  }
0x2b: {  	s6 =	sld [smem:$0x3F9F]  }
0x2c: {  	s7 =	sld [smem:$0x3FA0]  }
0x2d: {  	s3 =	simm.s32 $0x108;
	s8 =	sld [smem:$0x3FA1]  }
0x2e: {  	s3 =	simm.s32 @!p0 $0x1082;
	s9 =	sld [smem:$0x3FA2]  }
0x2f: {  	lr =	sadd.s32 s0, s3;
	s0 =	sld [smem:$0x3F99]  }
0x30: {  	s3 =	sld [smem:$0x3F9C]  }
0x31: {  	[smem:$0x3FA5] =	sst s10  }
0x32: {  	s10 =	sld [smem:$0x3FA3];
	_ =	sdelay $0x3  }
0x33: {  	p0 =	seq.s32 s10, $0x1;
	s10 =	sld [smem:$0x3FA5];
	_ =	sdelay $0x3  }
0x34: {  	[smem:$0x3FA5] =	sst s10  }
0x35: {  	s10 =	sld [smem:$0x3FA4];
	_ =	sdelay $0x3  }
0x36: {  	p1 =	seq.s32 s10, $0x1;
	s10 =	sld [smem:$0x3FA5];
	_ =	sdelay $0x3  }
0x37: {  	[smem:$0x3FA5] =	sst s10  }
0x38: {  	s10 =	sld [smem:$0x3FA6]  }
0x39: {  	_ = 	snop;
	(pc) =	sbr.ind lr, $3  }
0x3a: {  	_ = 	snop  }
0x3b: {  	_ = 	snop  }
0x3c: {  	p2 =	seq.s32 s10, $0x1;
	s10 =	sld [smem:$0x3FA5]  }
0x3d: {  	_ =	shalt  }
0x3e: {  	_ =	shalt  }
0x3f: {  	_ =	shalt  }
0x40: {  	_ =	shalt  }
0x41: {  	_ =	shalt  }
0x42: {  	_ =	shalt  }
0x43: {  	_ =	shalt  }
0x44: {  	_ =	shalt  }
0x45: {  	_ =	shalt  }
0x46: {  	_ =	shalt  }
0x47: {  	_ =	shalt  }
0x48: {  	_ =	shalt  }
0x49: {  	_ =	shalt  }
0x4a: {  	_ =	shalt  }
0x4b: {  	_ =	shalt  }
0x4c: {  	_ =	shalt  }
0x4d: {  	_ =	shalt  }
0x4e: {  	_ =	shalt  }
0x4f: {  	_ =	shalt  }
0x50: {  	_ =	shalt  }
0x51: {  	_ =	shalt  }
0x52: {  	_ =	shalt  }
0x53: {  	_ =	shalt  }
0x54: {  	_ =	shalt  }
0x55: {  	_ =	shalt  }
0x56: {  	_ =	shalt  }
0x57: {  	_ =	shalt  }
0x58: {  	_ =	shalt  }
0x59: {  	_ =	shalt  }
0x5a: {  	_ =	shalt  }
0x5b: {  	_ =	shalt  }
0x5c: {  	_ =	shalt  }
0x5d: {  	_ =	shalt  }
0x5e: {  	_ =	shalt  }
0x5f: {  	_ =	shalt  }
0x60: {  	_ =	shalt  }
0x61: {  	_ =	shalt  }
0x62: {  	_ =	shalt  }
0x63: {  	_ =	shalt  }
0x64: {  	_ =	shalt  }
0x65: {  	_ =	shalt  }
0x66: {  	_ =	shalt  }
0x67: {  	_ =	shalt  }
0x68: {  	_ =	shalt  }
0x69: {  	_ =	shalt  }
0x6a: {  	_ =	shalt  }
0x6b: {  	_ =	shalt  }
0x6c: {  	_ =	shalt  }
0x6d: {  	_ =	shalt  }
0x6e: {  	_ =	shalt  }
0x6f: {  	_ =	shalt  }
0x70: {  	_ =	shalt  }
0x71: {  	_ =	shalt  }
0x72: {  	_ =	shalt  }
0x73: {  	_ =	shalt  }
0x74: {  	_ =	shalt  }
0x75: {  	_ =	shalt  }
0x76: {  	_ =	shalt  }
0x77: {  	_ =	shalt  }
0x78: {  	_ =	shalt  }
0x79: {  	_ =	shalt  }
0x7a: {  	_ =	shalt  }
0x7b: {  	_ =	shalt  }
0x7c: {  	_ =	shalt  }
0x7d: {  	_ =	shalt  }
0x7e: {  	_ =	shalt  }
0x7f: {  	_ =	shalt  }
0x80: {  	_ =	shalt  }
0x81: {  	_ =	shalt  }
0x82: {  	_ =	shalt  }
0x83: {  	_ =	shalt  }
0x84: {  	_ =	shalt  }
0x85: {  	_ =	shalt  }
0x86: {  	_ =	shalt  }
0x87: {  	_ =	shalt  }
.Lfunc_end0:
.L_simem_size_0:
called_computation.5_lowered:
.L_overlay_start_0:
0x88: {  	s2 =	sld [smem:$0x3FD9]  }
0x89: {  	s3 =	sld [smem:$0x3FFE];
	_ =	sdelay $0x1  }
0x8a: {  	s1 =	srdreg.scid  }
0x8b: {  	s0 =	sand.u32 $0x1, s1  }
0x8c: {  	s16 =	sshll.u32 s0, $0xA;
	s2 =	sadd.s32 s3, s2  }
0x8d: {  	s2 =	sadd.s32 s2, s16  }
0x8e: {  	[smem:$0x3FB1] =	sst s2  }
0x8f: {  	_ = 	snop  }
0x90: {  	(tm) =	ssettm $0x1  }
0x91: {  	s17 =	sld [smem:$0x3FFB];
	_ =	sdelay $0x3  }
0x92: {  	_ =	strace s17  }
0x93: {  	s2 =	sld [smem:$0x3FFC];
	_ =	sdelay $0x3  }
0x94: {  	_ =	strace s2  }
0x95: {  	s2 =	sld [smem:$0x3FFD];
	_ =	sdelay $0x3  }
0x96: {  	_ =	strace s2  }
0x97: {  	_ =	strace $0x8FFFFFFF  }
0x98: {  	s18 =	sld [smem:$0x3FDB];
	_ =	sdelay $0x1  }
0x99: {  	s19 =	simm.s32 $_scs_section_size  }
0x9a: {  	s4 =	simm.s32 $_size__tile_overlayer_lowered;
	s5 =	simm.s32 $_tile_overlayer_lowered  }
0x9b: {  	s22 =	simm.s32 $0x1BFF;
	s21 =	sshll.u32 s5, $0x1;
	s2 =	sadd.s32 s19, s18  }
0x9c: {  	s6 =	simm.s32 $0x0;
	s20 =	sshll.u32 s4, $0x1;
	s4 =	sadd.s32 s21, s2  }
0x9d: {  	[timem:s6], [sflag:s22] =	dma.local [hbm:s4], s20  }
0x9e: {  	_ =	swait.ge [sflag:s22], s20  }
0x9f: {  	s3 =	ssub.s32 $0x0, s20;
	[sflag:s22] =	ssyncset.done $0x0  }
0xa0: {  	[sflag:s22] =	ssyncadd.s32 s3;
	_ =	sdelay $0x1  }
0xa1: {  	s23 =	simm.s32 $0x1B8B  }
0xa2: {  	_ =	swait.ge [sflag:s23], $0x1  }
0xa3: {  	[sflag:s23] =	ssyncset.done $0x0  }
0xa4: {  	s25 =	simm.s32 $0x1B8E;
	s24 =	sld [smem:$0x3FFE];
	[sflag:s23] =	ssyncadd.s32 $0xFFFFFFFF  }
0xa5: {  	s26 =	simm.s32 $execute0_lowered;
	[smem:$0x3FD2] =	sst s25  }
0xa6: {  	s4 =	sshll.u32 s26, $0x1;
	_ =	strace $0x80000055;
	[dreg:$0x1] =	wrdreg $0xFFFFFFFF  }
0xa7: {  	s28 =	simm.s32 $_size_execute0_lowered;
	s2 =	sadd.s32 s2, s4;
	[dreg:$0x0] =	wrdreg $0x0  }
0xa8: {  	s4 =	sshll.u32 s28, $0x1;
	[dreg:$0x2] =	wrdreg s2  }
0xa9: {  	[dreg:$0x3] =	wrdreg s4  }
0xaa: {  	[dreg:$0x4] =	wrdreg $0xC0  }
0xab: {  	_ =	task [dreg:s6], $0x5FFFF  }
0xac: {  	[dreg:$0x1] =	wrdreg $0xFFFFFFFF  }
0xad: {  	[dreg:$0x0] =	wrdreg $0x60  }
0xae: {  	[dreg:$0x2] =	wrdreg s24  }
0xaf: {  	[dreg:$0x3] =	wrdreg $0x90000  }
0xb0: {  	[dreg:$0x4] =	wrdreg $0x9  }
0xb1: {  	_ =	task.clear_ibuf [dreg:s6], $0x5FFFF;
	_ =	strace $0x90000055  }
0xb2: {  	s29 =	simm.s32 $0x9;
	_ =	strace $0x80000057  }
0xb3: {  	_ =	swait.ge [sflag:s29], $0x1  }
0xb4: {  	[sflag:s29] =	ssyncadd.s32 $0xFFFFFFFF  }
0xb5: {  	_ =	strace $0x90000057  }
0xb6: {  	_ =	sfence  }
0xb7: {  	s30 =	sld [smem:$0x0];
	_ =	sdelay $0x2  }
0xb8: {  	s31 =	sshll.u32 s1, $0xD;
	s1 =	sshrl.u32 s1, $0x2  }
0xb9: {  	s3 =	sand.u32 $0x4000, s31;
	s1 =	sadd.s32 s1, s30  }
0xba: {  	s0 =	sor.u32 s3, s0;
	s1 =	sshll.u32 s1, $0x11  }
0xbb: {  	s0 =	sor.u32 s1, s0  }
0xbc: {  	s0 =	sadd.s32 $0x8F2B, s0  }
0xbd: {  	[sflag:s0] =	ssyncadd.remote.s32 $0x1  }
0xbe: {  	_ =	sfence.sel $0xFFFF  }
0xbf: {  	[dreg:$0x0] =	wrdreg $0xFFFFFFFF;
	(pc) =	sbr.abs _section_cstart, $3  }
0xc0: {  	[dreg:$0x1] =	wrdreg $0xFFFFFFFF  }
0xc1: {  	_ =	task.clear_ibuf [dreg:s6], $0x2FFFF;
	_ =	strace $0x9FFFFFFF  }
0xc2: {  	(tm) =	ssettm $0x7FFFFFFF  }
0xc3: {  	_ =	shalt  }
tec
execute0_lowered:
.L_overlay_start_1:
0x0: {  	(tag) =	ssettag $0x1  }
0x1: {  	s5 =	rddreg [dreg:$0x0]  }
0x2: {  	s1 =	rddreg [dreg:$0x1]  }
0x3: {  	s0 =	rddreg [dreg:$0x2];
	s2 =	simm.s32 $0x0;
	s4 =	srdreg.scid  }
0x4: {  	s3 =	stileid.u32;
	s16 =	simm.s32 $0x6800;
	s17 =	simm.s32 $0x1  }
0x5: {  	s18 =	simm.s32 $0x50;
	s19 =	simm.s32 $0x2;
	s20 =	simm.s32 $0x3D00  }
0x6: {  	[smem:$0x7FF] =	sst s2;
	s6 =	sand.u32 $0x1, s4;
	s13 =	smul.u32 $0x4E000, s3  }
0x7: {  	s21 =	sshll.u32 s3, $0x1;
	s11 =	sadd.s32 $0xFA4600, s5;
	s23 =	smul.u32 $0x2700, s3  }
0x8: {  	s14 =	sadd.s32 $0xA6FC00, s5;
	s30 =	smul.u32 $0x4E200, s3;
	p0 =	sne.s32 s3, $0x0  }
0x9: {  	p1 =	seq.s32 s3, $0xF;
	_ =	strace $0x80000056;
	s15 =	smul.u32 $0x27100, s6  }
0xa: {  	s4 =	sor.u32 s6, s21;
	s9 =	ssub.s32 $0x2, s6;
	s26 =	smul.u32 $0x138800, s6  }
0xb: {  	s21 =	simm.s32 $0x3D80;
	s7 =	sshll.u32 s4, $0xB;
	s8 =	smul.u32 $0x27100, s4  }
0xc: {  	s10 =	smul.u32 $0x138800, s4;
	s4 =	sadd.s32 $0xA48A00, s5;
	s12 =	sshrl.u32 s9, $0x1  }
0xd: {  	s25 =	sshrl.u32 s13, $0x2;
	s31 =	sadd.s32 s30, s11;
	s13 =	sshrl.u32 @!p0 s1, $0x3  }
0xe: {  	s7 =	sadd.s32 s7, s5;
	s12 =	ssub.s32 s9, s12;
	s24 =	sadd.s32 s25, s1  }
0xf: {  	s28 =	sadd.s32 s23, s15;
	s29 =	sshrl.u32 s26, $0x3;
	s23 =	sadd.s32 $0x124800, s1  }
0x10: {  	s25 =	simm.s32 $0x0;
	s5 =	sadd.s32 $0xEA00, s7;
	s22 =	sshrl.u32 s10, $0x3  }
0x11: {  	s6 =	sadd.s32 s11, s8;
	s8 =	sadd.s32 s14, s28;
	s9 =	sadd.s32 s14, s29  }
0x12: {  	s10 =	smax.u32 s12, $0x1;
	s12 =	sadd.s32 s15, s31;
	s14 =	simm.s32 $0x3  }
0x13: {  	s15 =	simm.s32 $0x4000;
	s23 =	sshrl.u32 @p1 s23, $0x3;
	s24 =	sshrl.u32 @!p1 s24, $0x3  }
0x14: {  	s7 =	sadd.s32 s11, s22;
	s9 =	sadd.s32 $0x24900, s9;
	s11 =	sadd.s32 $0x26C00, s6  }
0x15: {  	s12 =	sadd.s32 $0xF00, s12;
	s22 =	simm.s32 $0x3E00;
	s7 =	sadd.s32 $0x500, s7  }
.LBB2_1:
0x16: {  	s26 =	simm.s32 @!p0 $0x1C03  }
0x17: {  	[spmem:s13], [sflag:s26] =	dma.local @!p0 [hbm:s4], $0x27100  }
0x18: {  	s26 =	simm.s32 @!p0 $0x3  }
0x19: {  	_ =	swait.ge @!p0 [sflag:s26], $0x27100  }
0x1a: {  	[sflag:s26] =	ssyncset.done @!p0 $0x0  }
0x1b: {  	[sflag:s26] =	ssyncadd.s32 @!p0 $0xFFFD8F00  }
0x1c: {  	[tilespmem:s2], [sflag:$0x3] =	stream.linear.gather [hbm4b:s5+s2], $0x3E80, $0x38;
	[tilespmem:$0x1C880] =	vst v63  }
0x1d: {  	_ =	swait.ge [sflag:s14], $0x3E80  }
0x1e: {  	[sflag:s14] =	ssyncset.done $0x0  }
0x1f: {  	[sflag:s14] =	ssyncadd.s32 $0xFFFFC180  }
0x20: {  	[bflag:$0x0] =	sbarrier.arrive $0xFFFF  }
0x21: {  	[tilespmem:s15], [sflag:$0x1] =	stream.linear.gather [hbm4b:s6+s2], $0x2800, $0x38;
	[tilespmem:$0x1C880] =	vst v63  }
0x22: {  	_ = 	snop  }
0x23: {  	[tilespmem:s16], [sflag:$0x2] =	stream.linear.gather [hbm4b:s7+s2], $0x2800, $0x38;
	[tilespmem:$0x1C880] =	vst v63  }
0x24: {  	_ =	swait.ge [sflag:s17], $0x2800  }
0x25: {  	[sflag:s17] =	ssyncset.done $0x0  }
0x26: {  	s31 =	simm.s32 $0x0;
	[sflag:s17] =	ssyncadd.s32 $0xFFFFD800  }
0x27: {  	[spmem:s1] =	stream.indirect.scatter.add.f32 [tilespmem:s15], [sflag:$0x3], $0x80, s31, s18, $0xb8;
	[tilespmem:$0x1C880] =	vst v63  }
0x28: {  	_ =	swait.ge [sflag:s14], $0x2800  }
0x29: {  	[sflag:s14] =	ssyncset.done $0x0  }
0x2a: {  	s30 =	sadd.s32 $0xFFFFFB00, s12;
	[sflag:s14] =	ssyncadd.s32 $0xFFFFD800  }
0x2b: {  	[tilespmem:s15], [sflag:$0x1] =	stream.linear.gather [hbm4b:s30+s2], $0x2800, $0x38;
	[tilespmem:$0x1C880] =	vst v63  }
0x2c: {  	_ =	swait.ge [sflag:s19], $0x2800  }
0x2d: {  	[sflag:s19] =	ssyncset.done $0x0  }
0x2e: {  	s31 =	simm.s32 $0x80;
	[sflag:s19] =	ssyncadd.s32 $0xFFFFD800  }
0x2f: {  	[spmem:s1] =	stream.indirect.scatter.add.f32 [tilespmem:s16], [sflag:$0x3], $0x80, s31, s18, $0xb8;
	[tilespmem:$0x1C880] =	vst v63  }
0x30: {  	_ =	swait.ge [sflag:s14], $0x2800  }
0x31: {  	s28 =	sadd.s32 $0xA00, s12;
	[sflag:s14] =	ssyncset.done $0x0  }
0x32: {  	s29 =	smov.u32 s12;
	s26 =	simm.s32 $0x400;
	[sflag:s14] =	ssyncadd.s32 $0xFFFFD800  }
.LBB2_2:
0x33: {  	[tilespmem:s16], [sflag:$0x2] =	stream.linear.gather [hbm4b:s29+s2], $0x2800, $0x38;
	[tilespmem:$0x1C880] =	vst v63  }
0x34: {  	s30 =	smov.u32 s26;
	s29 =	smov.u32 s28  }
0x35: {  	p2 =	sne.s32 s26, $0xF000;
	s26 =	sadd.s32 $0x400, s26;
	_ =	swait.ge [sflag:s17], $0x2800  }
0x36: {  	[sflag:s17] =	ssyncset.done $0x0  }
0x37: {  	s30 =	sshra.s32 s30, $0x2;
	[sflag:s17] =	ssyncadd.s32 $0xFFFFD800  }
0x38: {  	[spmem:s1] =	stream.indirect.scatter.add.f32 [tilespmem:s15], [sflag:$0x3], $0x80, s30, s18, $0xb8;
	[tilespmem:$0x1C880] =	vst v63  }
0x39: {  	_ =	swait.ge [sflag:s14], $0x2800  }
0x3a: {  	[sflag:s14] =	ssyncset.done $0x0  }
0x3b: {  	s31 =	sadd.s32 $0xFFFFFB00, s28;
	[sflag:s14] =	ssyncadd.s32 $0xFFFFD800  }
0x3c: {  	[tilespmem:s15], [sflag:$0x1] =	stream.linear.gather [hbm4b:s31+s2], $0x2800, $0x38;
	[tilespmem:$0x1C880] =	vst v63  }
0x3d: {  	_ =	swait.ge [sflag:s19], $0x2800  }
0x3e: {  	[sflag:s19] =	ssyncset.done $0x0  }
.Ltmp0:
0x3f: {  	s30 =	sadd.s32 $0x80, s30;
	[sflag:s19] =	ssyncadd.s32 $0xFFFFD800;
	(pc) =	sbr.rel @p2 .LBB2_2-.Ltmp0, $4  }
0x40: {  	[spmem:s1] =	stream.indirect.scatter.add.f32 [tilespmem:s16], [sflag:$0x3], $0x80, s30, s18, $0xb8;
	[tilespmem:$0x1C880] =	vst v63  }
0x41: {  	_ =	swait.ge [sflag:s14], $0x2800  }
0x42: {  	[sflag:s14] =	ssyncset.done $0x0  }
0x43: {  	s28 =	sadd.s32 $0xA00, s28;
	[sflag:s14] =	ssyncadd.s32 $0xFFFFD800  }
0x44: {  	[tilespmem:s16], [sflag:$0x2] =	stream.linear.gather [hbm4b:s29+s2], $0x2800, $0x38;
	[tilespmem:$0x1C880] =	vst v63  }
0x45: {  	_ =	swait.ge [sflag:s17], $0x2800  }
0x46: {  	[sflag:s17] =	ssyncset.done $0x0  }
0x47: {  	[sflag:s17] =	ssyncadd.s32 $0xFFFFD800  }
0x48: {  	[spmem:s1] =	stream.indirect.scatter.add.f32 [tilespmem:s15], [sflag:$0x3], $0x80, s20, s18, $0xb8;
	[tilespmem:$0x1C880] =	vst v63  }
0x49: {  	_ =	swait.ge [sflag:s14], $0x2800  }
0x4a: {  	[sflag:s14] =	ssyncset.done $0x0  }
0x4b: {  	[sflag:s14] =	ssyncadd.s32 $0xFFFFD800  }
0x4c: {  	[tilespmem:s15], [sflag:$0x1] =	stream.linear.gather [hbm4b:s11+s2], $0x2800, $0x38;
	[tilespmem:$0x1C880] =	vst v63  }
0x4d: {  	_ =	swait.ge [sflag:s19], $0x2800  }
0x4e: {  	[sflag:s19] =	ssyncset.done $0x0  }
0x4f: {  	[sflag:s19] =	ssyncadd.s32 $0xFFFFD800  }
0x50: {  	[spmem:s1] =	stream.indirect.scatter.add.f32 [tilespmem:s16], [sflag:$0x3], $0x80, s21, s18, $0xb8;
	[tilespmem:$0x1C880] =	vst v63  }
0x51: {  	_ =	swait.ge [sflag:s14], $0x2800  }
0x52: {  	[sflag:s14] =	ssyncset.done $0x0  }
0x53: {  	[sflag:s14] =	ssyncadd.s32 $0xFFFFD800  }
0x54: {  	_ =	swait.ge [sflag:s17], $0x2800  }
0x55: {  	[sflag:s17] =	ssyncset.done $0x0  }
0x56: {  	[sflag:s17] =	ssyncadd.s32 $0xFFFFD800  }
0x57: {  	[spmem:s1] =	stream.indirect.scatter.add.f32 [tilespmem:s15], [sflag:$0x3], $0x80, s22, s18, $0xb8;
	[tilespmem:$0x1C880] =	vst v63  }
0x58: {  	_ =	swait.ge [sflag:s14], $0x2800  }
0x59: {  	[sflag:s14] =	ssyncset.done $0x0  }
0x5a: {  	[sflag:s14] =	ssyncadd.s32 $0xFFFFD800  }
0x5b: {  	s26 =	simm.s32 @p1 $0x1FC3;
	[bflag:$0x0] =	sbarrier.arrive $0xFFFF  }
0x5c: {  	[hbm:s9], [sflag:s26] =	dma.local @p1 [spmem:s23], $0x2800  }
0x5d: {  	s26 =	simm.s32 @p1 $0x3  }
0x5e: {  	_ =	swait.ge @p1 [sflag:s26], $0x2800  }
0x5f: {  	s28 =	sshll.u32 @!p1 s3, $0x6;
	s25 =	sadd.s32 $0x1, s25;
	[sflag:s26] =	ssyncset.done @p1 $0x0  }
0x60: {  	p2 =	sne.s32 s25, s10;
	[sflag:s26] =	ssyncadd.s32 @p1 $0xFFFFD800;
	s26 =	sor.u32 @!p1 $0x1C03, s28  }
0x61: {  	[hbm:s8], [sflag:s26] =	dma.local @!p1 [spmem:s24], $0x2700  }
.Ltmp1:
0x62: {  	_ = 	snop;
	(pc) =	sbr.rel @p2 .LBB2_1-.Ltmp1, $4  }
0x63: {  	s26 =	simm.s32 @!p1 $0x3  }
0x64: {  	_ =	swait.ge @!p1 [sflag:s26], $0x2700  }
0x65: {  	[sflag:s26] =	ssyncset.done @!p1 $0x0  }
0x66: {  	[sflag:s26] =	ssyncadd.s32 @!p1 $0xFFFFD900  }
0x67: {  	_ =	sfence.sel $0x180000  }
0x68: {  	[bflag:$0x0] =	sbarrier.arrive $0xFFFF  }
0x69: {  	_ =	strace $0x90000056  }
0x6a: {  	s0 =	sadd.s32 @!p0 $0x100000, s0;
	[bflag:$0x2] =	sbarrier.arrive $0xFFFF  }
0x6b: {  	[sflag:s0] =	ssyncadd.tile.s32 @!p0 $0x1;
	_ =	shalt  }
.Lfunc_end2:
_tile_overlayer_lowered:
.L_overlay_start_2:
0x6c: {  	(tag) =	ssettag $0x2  }
0x6d: {  	s0 =	rddreg [dreg:$0x0];
	s2 =	stileid.u32  }
0x6e: {  	s1 =	rddreg [dreg:$0x1];
	p0 =	sne.s32 s2, $0x0  }
0x6f: {  	s3 =	rddreg [dreg:$0x2];
	[bflag:$0x3] =	sbarrier.arrive $0xFFFF;
	s2 =	simm.s32 @!p0 $0x1C03  }
0x70: {  	[timem:s3], [sflag:s2] =	dma.local @!p0 [hbm:s0], s1  }
0x71: {  	s0 =	simm.s32 @!p0 $0x3  }
0x72: {  	_ =	swait.ge @!p0 [sflag:s0], s1  }
0x73: {  	s1 =	ssub.s32 @!p0 $0x0, s1;
	[sflag:s0] =	ssyncset.done @!p0 $0x0  }
0x74: {  	[sflag:s0] =	ssyncadd.s32 @!p0 s1  }
0x75: {  	[bflag:$0x3] =	sbarrier.arrive $0xFFFF  }
0x76: {  	_ =	shalt  }

// kernel: kernel.43.cloned.1.call-start
scs
__scs_entry_jumppad:
0x0: {  	(pc) =	sbr.rel $0x88, $3  }
0x1: {  	(tag) =	ssettag $0x0;
	lr =	simm.s32 $0x1  }
0x2: {  	[smem:$0x3F8A] =	sst lr;
	_ =	strace $0xD0000000  }
0x3: {  	_ = 	snop  }
0x4: {  	_ = 	snop  }
0x5: {  	_ = 	snop  }
0x6: {  	_ = 	snop  }
0x7: {  	_ = 	snop  }
__scs_overlays_trampoline_lowered:
0x8: {  	[smem:$0x3F99] =	sst s0  }
0x9: {  	[smem:$0x3F9A] =	sst s1  }
0xa: {  	[smem:$0x3F9B] =	sst s2  }
0xb: {  	[smem:$0x3F9C] =	sst s3  }
0xc: {  	[smem:$0x3F9D] =	sst s4  }
0xd: {  	[smem:$0x3F9E] =	sst s5  }
0xe: {  	[smem:$0x3F9F] =	sst s6  }
0xf: {  	[smem:$0x3FA0] =	sst s7  }
0x10: {  	[smem:$0x3FA1] =	sst s8  }
0x11: {  	[smem:$0x3FA2] =	sst s9;
	s0 =	simm.s32 @!p0 $0x0  }
0x12: {  	s1 =	sld [smem:$0x3F88];
	s0 =	simm.s32 @p0 $0x1  }
0x13: {  	[smem:$0x3FA3] =	sst s0;
	s0 =	simm.s32 @!p1 $0x0  }
0x14: {  	s2 =	sld [smem:$0x3F87];
	s0 =	simm.s32 @p1 $0x1  }
0x15: {  	[smem:$0x3FA4] =	sst s0;
	s0 =	simm.s32 @!p2 $0x0  }
0x16: {  	s3 =	sld [smem:$0x3FDB];
	s0 =	simm.s32 @p2 $0x1  }
0x17: {  	s4 =	simm.s32 $0x1BF5;
	[smem:$0x3FA6] =	sst s0  }
0x18: {  	s0 =	sld [smem:$0x3F89];
	_ =	swait.ge [sflag:s4], $0x0  }
0x19: {  	s7 =	sld [smem:$0x3F8A]  }
0x1a: {  	s8 =	sadd.s32 $0xFFFFE003, lr  }
0x1b: {  	s9 =	sadd.s32 $0xFFFFFEF7, lr;
	s5 =	simm.s32 $0xFFFFFFFF;
	p2 =	slt.u32 s8, $0xFFFFF086  }
0x1c: {  	p1 =	slt.u32 s9, $0xF7A;
	s5 =	simm.s32 @!p2 $0x0  }
0x1d: {  	s5 =	simm.s32 @p1 $0x1;
	p0 =	seq.s32 s7, s2  }
0x1e: {  	s7 =	smul.u32 @!p0 $0xF7A, s2;
	p2 =	seq.s32 @!p0 s5, $0x0  }
0x1f: {  	s9 =	smul.u32 $0xF7A, s1;
	s8 =	simm.s32 @!p0 $0x1BF5;
	p2 =	por !p2, p0  }
0x20: {  	[sflag:s8] =	ssyncset.s32 @!p0 $0xFFFFF086;
	s6 =	sadd.s32 @!p0 s3, s7;
	s7 =	simm.s32 @!p0 $0x108  }
0x21: {  	s3 =	sadd.s32 s3, s9;
	s6 =	sadd.s32 @!p0 $0x88, s6;
	s7 =	simm.s32 @p2 $0x1082  }
0x22: {  	[simem:s7], [sflag:s8] =	dma.local @!p0 [hbm:s6], $0xF7A  }
0x23: {  	s9 =	sor.u32 $0xD0000000, s2;
	s6 =	simm.s32 $0x108;
	_ =	swait.ge @!p0 [sflag:s8], $0x0  }
0x24: {  	s3 =	sadd.s32 $0x88, s3;
	s6 =	simm.s32 @!p1 $0x1082;
	[sflag:s4] =	ssyncset.s32 $0xFFFFF086  }
0x25: {  	[simem:s6], [sflag:s4] =	dma.local [hbm:s3], $0xF7A  }
0x26: {  	[smem:$0x3F8A] =	sst s1;
	(tag) =	ssettag s2;
	_ =	strace s9  }
0x27: {  	s1 =	sld [smem:$0x3F9A]  }
0x28: {  	s2 =	sld [smem:$0x3F9B]  }
0x29: {  	s4 =	sld [smem:$0x3F9D]  }
0x2a: {  	p0 =	seq.s32 s5, $0x0;
	s5 =	sld [smem:$0x3F9E]  }
0x2b: {  	s6 =	sld [smem:$0x3F9F]  }
0x2c: {  	s7 =	sld [smem:$0x3FA0]  }
0x2d: {  	s3 =	simm.s32 $0x108;
	s8 =	sld [smem:$0x3FA1]  }
0x2e: {  	s3 =	simm.s32 @!p0 $0x1082;
	s9 =	sld [smem:$0x3FA2]  }
0x2f: {  	lr =	sadd.s32 s0, s3;
	s0 =	sld [smem:$0x3F99]  }
0x30: {  	s3 =	sld [smem:$0x3F9C]  }
0x31: {  	[smem:$0x3FA5] =	sst s10  }
0x32: {  	s10 =	sld [smem:$0x3FA3];
	_ =	sdelay $0x3  }
0x33: {  	p0 =	seq.s32 s10, $0x1;
	s10 =	sld [smem:$0x3FA5];
	_ =	sdelay $0x3  }
0x34: {  	[smem:$0x3FA5] =	sst s10  }
0x35: {  	s10 =	sld [smem:$0x3FA4];
	_ =	sdelay $0x3  }
0x36: {  	p1 =	seq.s32 s10, $0x1;
	s10 =	sld [smem:$0x3FA5];
	_ =	sdelay $0x3  }
0x37: {  	[smem:$0x3FA5] =	sst s10  }
0x38: {  	s10 =	sld [smem:$0x3FA6]  }
0x39: {  	_ = 	snop;
	(pc) =	sbr.ind lr, $3  }
0x3a: {  	_ = 	snop  }
0x3b: {  	_ = 	snop  }
0x3c: {  	p2 =	seq.s32 s10, $0x1;
	s10 =	sld [smem:$0x3FA5]  }
0x3d: {  	_ =	shalt  }
0x3e: {  	_ =	shalt  }
0x3f: {  	_ =	shalt  }
0x40: {  	_ =	shalt  }
0x41: {  	_ =	shalt  }
0x42: {  	_ =	shalt  }
0x43: {  	_ =	shalt  }
0x44: {  	_ =	shalt  }
0x45: {  	_ =	shalt  }
0x46: {  	_ =	shalt  }
0x47: {  	_ =	shalt  }
0x48: {  	_ =	shalt  }
0x49: {  	_ =	shalt  }
0x4a: {  	_ =	shalt  }
0x4b: {  	_ =	shalt  }
0x4c: {  	_ =	shalt  }
0x4d: {  	_ =	shalt  }
0x4e: {  	_ =	shalt  }
0x4f: {  	_ =	shalt  }
0x50: {  	_ =	shalt  }
0x51: {  	_ =	shalt  }
0x52: {  	_ =	shalt  }
0x53: {  	_ =	shalt  }
0x54: {  	_ =	shalt  }
0x55: {  	_ =	shalt  }
0x56: {  	_ =	shalt  }
0x57: {  	_ =	shalt  }
0x58: {  	_ =	shalt  }
0x59: {  	_ =	shalt  }
0x5a: {  	_ =	shalt  }
0x5b: {  	_ =	shalt  }
0x5c: {  	_ =	shalt  }
0x5d: {  	_ =	shalt  }
0x5e: {  	_ =	shalt  }
0x5f: {  	_ =	shalt  }
0x60: {  	_ =	shalt  }
0x61: {  	_ =	shalt  }
0x62: {  	_ =	shalt  }
0x63: {  	_ =	shalt  }
0x64: {  	_ =	shalt  }
0x65: {  	_ =	shalt  }
0x66: {  	_ =	shalt  }
0x67: {  	_ =	shalt  }
0x68: {  	_ =	shalt  }
0x69: {  	_ =	shalt  }
0x6a: {  	_ =	shalt  }
0x6b: {  	_ =	shalt  }
0x6c: {  	_ =	shalt  }
0x6d: {  	_ =	shalt  }
0x6e: {  	_ =	shalt  }
0x6f: {  	_ =	shalt  }
0x70: {  	_ =	shalt  }
0x71: {  	_ =	shalt  }
0x72: {  	_ =	shalt  }
0x73: {  	_ =	shalt  }
0x74: {  	_ =	shalt  }
0x75: {  	_ =	shalt  }
0x76: {  	_ =	shalt  }
0x77: {  	_ =	shalt  }
0x78: {  	_ =	shalt  }
0x79: {  	_ =	shalt  }
0x7a: {  	_ =	shalt  }
0x7b: {  	_ =	shalt  }
0x7c: {  	_ =	shalt  }
0x7d: {  	_ =	shalt  }
0x7e: {  	_ =	shalt  }
0x7f: {  	_ =	shalt  }
0x80: {  	_ =	shalt  }
0x81: {  	_ =	shalt  }
0x82: {  	_ =	shalt  }
0x83: {  	_ =	shalt  }
0x84: {  	_ =	shalt  }
0x85: {  	_ =	shalt  }
0x86: {  	_ =	shalt  }
0x87: {  	_ =	shalt  }
.Lfunc_end0:
.L_simem_size_0:
called_computation.6_lowered:
.L_overlay_start_0:
0x88: {  	s2 =	sld [smem:$0x3FD9]  }
0x89: {  	s3 =	sld [smem:$0x3FFE];
	_ =	sdelay $0x1  }
0x8a: {  	s1 =	srdreg.scid  }
0x8b: {  	s0 =	sand.u32 $0x1, s1  }
0x8c: {  	s16 =	sshll.u32 s0, $0xA;
	s2 =	sadd.s32 s3, s2  }
0x8d: {  	s2 =	sadd.s32 s2, s16  }
0x8e: {  	[smem:$0x3FB1] =	sst s2  }
0x8f: {  	_ = 	snop  }
0x90: {  	(tm) =	ssettm $0x1  }
0x91: {  	s17 =	sld [smem:$0x3FFB];
	_ =	sdelay $0x3  }
0x92: {  	_ =	strace s17  }
0x93: {  	s2 =	sld [smem:$0x3FFC];
	_ =	sdelay $0x3  }
0x94: {  	_ =	strace s2  }
0x95: {  	s2 =	sld [smem:$0x3FFD];
	_ =	sdelay $0x3  }
0x96: {  	_ =	strace s2  }
0x97: {  	_ =	strace $0x8FFFFFFF  }
0x98: {  	s18 =	sld [smem:$0x3FDB];
	_ =	sdelay $0x1  }
0x99: {  	s19 =	simm.s32 $_scs_section_size  }
0x9a: {  	s4 =	simm.s32 $_size__tile_overlayer_lowered;
	s5 =	simm.s32 $_tile_overlayer_lowered  }
0x9b: {  	s22 =	simm.s32 $0x1BFF;
	s21 =	sshll.u32 s5, $0x1;
	s2 =	sadd.s32 s19, s18  }
0x9c: {  	s6 =	simm.s32 $0x0;
	s20 =	sshll.u32 s4, $0x1;
	s4 =	sadd.s32 s21, s2  }
0x9d: {  	[timem:s6], [sflag:s22] =	dma.local [hbm:s4], s20  }
0x9e: {  	_ =	swait.ge [sflag:s22], s20  }
0x9f: {  	s3 =	ssub.s32 $0x0, s20;
	[sflag:s22] =	ssyncset.done $0x0  }
0xa0: {  	[sflag:s22] =	ssyncadd.s32 s3;
	_ =	sdelay $0x1  }
0xa1: {  	s23 =	simm.s32 $0x1B8B  }
0xa2: {  	_ =	swait.ge [sflag:s23], $0x1  }
0xa3: {  	[sflag:s23] =	ssyncset.done $0x0  }
0xa4: {  	s25 =	simm.s32 $0x1B8E;
	s24 =	sld [smem:$0x3FFE];
	[sflag:s23] =	ssyncadd.s32 $0xFFFFFFFF  }
0xa5: {  	s26 =	simm.s32 $execute0_lowered;
	[smem:$0x3FD2] =	sst s25  }
0xa6: {  	s4 =	sshll.u32 s26, $0x1;
	_ =	strace $0x80000058;
	[dreg:$0x1] =	wrdreg $0xFFFFFFFF  }
0xa7: {  	s28 =	simm.s32 $_size_execute0_lowered;
	s2 =	sadd.s32 s2, s4;
	[dreg:$0x0] =	wrdreg $0x0  }
0xa8: {  	s4 =	sshll.u32 s28, $0x1;
	[dreg:$0x2] =	wrdreg s2  }
0xa9: {  	[dreg:$0x3] =	wrdreg s4  }
0xaa: {  	[dreg:$0x4] =	wrdreg $0xC0  }
0xab: {  	_ =	task [dreg:s6], $0x5FFFF  }
0xac: {  	[dreg:$0x1] =	wrdreg $0xFFFFFFFF  }
0xad: {  	[dreg:$0x0] =	wrdreg $0x60  }
0xae: {  	[dreg:$0x2] =	wrdreg s24  }
0xaf: {  	[dreg:$0x3] =	wrdreg $0x9  }
0xb0: {  	_ =	task.clear_ibuf [dreg:s6], $0x4FFFF;
	_ =	strace $0x90000058  }
0xb1: {  	s29 =	simm.s32 $0x9;
	_ =	strace $0x8000005A  }
0xb2: {  	_ =	swait.ge [sflag:s29], $0x1  }
0xb3: {  	[sflag:s29] =	ssyncadd.s32 $0xFFFFFFFF  }
0xb4: {  	_ =	strace $0x9000005A  }
0xb5: {  	_ =	sfence  }
0xb6: {  	s30 =	sld [smem:$0x0];
	_ =	sdelay $0x2  }
0xb7: {  	s31 =	sshll.u32 s1, $0xD;
	s1 =	sshrl.u32 s1, $0x2  }
0xb8: {  	s3 =	sand.u32 $0x4000, s31;
	s1 =	sadd.s32 s1, s30  }
0xb9: {  	s0 =	sor.u32 s3, s0;
	s1 =	sshll.u32 s1, $0x11  }
0xba: {  	s0 =	sor.u32 s1, s0  }
0xbb: {  	s0 =	sadd.s32 $0x8F2B, s0  }
0xbc: {  	[sflag:s0] =	ssyncadd.remote.s32 $0x1  }
0xbd: {  	_ =	sfence.sel $0xFFFF  }
0xbe: {  	[dreg:$0x0] =	wrdreg $0xFFFFFFFF;
	(pc) =	sbr.abs _section_cstart, $3  }
0xbf: {  	[dreg:$0x1] =	wrdreg $0xFFFFFFFF  }
0xc0: {  	_ =	task.clear_ibuf [dreg:s6], $0x2FFFF;
	_ =	strace $0x9FFFFFFF  }
0xc1: {  	(tm) =	ssettm $0x7FFFFFFF  }
tec
execute0_lowered:
.L_overlay_start_1:
0x0: {  	(tag) =	ssettag $0x1  }
0x1: {  	s0 =	rddreg [dreg:$0x0]  }
0x2: {  	s2 =	simm.s32 $0x0;
	s1 =	srdreg.scid;
	s10 =	stileid.u32  }
0x3: {  	s13 =	simm.s32 $0x9;
	s15 =	simm.s32 $0x50;
	s16 =	simm.s32 $0x8000  }
0x4: {  	s17 =	simm.s32 $0x12000;
	s19 =	simm.s32 $0xA800;
	s21 =	simm.s32 $0x14800  }
0x5: {  	s28 =	simm.s32 $0xF800;
	s30 =	simm.s32 $0x19800;
	s31 =	simm.s32 $0x1  }
0x6: {  	s18 =	simm.s32 $0x4;
	s20 =	simm.s32 $0x5;
	[smem:$0x7FF] =	sst s2  }
0x7: {  	s1 =	sand.u32 $0x1, s1;
	s3 =	sadd.s32 $0xA6FC00, s0;
	s4 =	sadd.s32 $0xA96E00, s0  }
0x8: {  	s5 =	sshll.u32 s10, $0x1;
	s7 =	sadd.s32 $0xAC2600, s0;
	s24 =	smul.u32 $0x4E200, s10  }
0x9: {  	_ =	strace $0x80000059;
	s5 =	sor.u32 s1, s5;
	s8 =	ssub.s32 $0x2, s1  }
0xa: {  	s10 =	smul.u32 $0x27100, s1;
	s1 =	simm.s32 $0x3;
	s6 =	sshll.u32 s5, $0xB  }
0xb: {  	s5 =	smul.u32 $0x138800, s5;
	s9 =	sshrl.u32 s8, $0x1;
	s26 =	sadd.s32 s24, s7  }
0xc: {  	s6 =	sadd.s32 s6, s0;
	s0 =	sadd.s32 $0x35A00, s0;
	s9 =	ssub.s32 s8, s9  }
0xd: {  	[dreg:$0x7] =	wrdreg s26;
	s26 =	simm.s32 $0x0;
	s5 =	sshrl.u32 s5, $0x3  }
0xe: {  	s22 =	sadd.s32 $0x1EA00, s6;
	s6 =	sadd.s32 $0xEA00, s6;
	s25 =	smax.u32 s9, $0x1  }
.Ltmp0:
0xf: {  	s29 =	sadd.s32 s24, s0;
	[dreg:$0x2] =	wrdreg s22;
	(pc) =	sbr.rel .LBB2_1-.Ltmp0, $4  }
0x10: {  	s24 =	simm.s32 $0x8;
	s5 =	sadd.s32 $0x26C00, s5;
	[dreg:$0x3] =	wrdreg s6  }
0x11: {  	[dreg:$0x6] =	wrdreg s25;
	s25 =	simm.s32 $0x17000;
	s23 =	sadd.s32 s7, s5  }
0x12: {  	s22 =	simm.s32 $0x6;
	s5 =	sadd.s32 s0, s5;
	[dreg:$0x4] =	wrdreg s23  }
0x13: {  	s0 =	simm.s32 $0x2;
	[dreg:$0x5] =	wrdreg s5;
	s23 =	simm.s32 $0xD000  }
.LBB2_4:
0x14: {  	_ =	swait.ge [sflag:s31], $0x2800  }
0x15: {  	[sflag:s31] =	ssyncset.done $0x0  }
0x16: {  	[sflag:s31] =	ssyncadd.s32 $0xFFFFD800  }
0x17: {  	_ =	swait.ge [sflag:s31], $0x2800  }
0x18: {  	[sflag:s31] =	ssyncset.done $0x0  }
0x19: {  	s5 =	rddreg [dreg:$0x4];
	[sflag:s31] =	ssyncadd.s32 $0xFFFFD800  }
0x1a: {  	[hbm4b:s5+s2] =	stream.linear.scatter [tilespmem:s16], [sflag:$0x9], $0x2800, $0x38;
	[tilespmem:$0x1C000] =	vst v63  }
0x1b: {  	_ =	swait.ge [sflag:s13], $0x2800  }
0x1c: {  	[sflag:s13] =	ssyncset.done $0x0  }
0x1d: {  	s12 =	rddreg [dreg:$0x5];
	[sflag:s13] =	ssyncadd.s32 $0xFFFFD800  }
0x1e: {  	[hbm4b:s12+s2] =	stream.linear.scatter [tilespmem:s17], [sflag:$0x9], $0x2800, $0x38;
	[tilespmem:$0x1C000] =	vst v63  }
0x1f: {  	_ =	swait.ge [sflag:s13], $0x2800  }
0x20: {  	s26 =	sadd.s32 $0x1, s26;
	s14 =	rddreg [dreg:$0x6]  }
0x21: {  	p0 =	sne.s32 s26, s14  }
.Ltmp1:
0x22: {  	_ = 	snop;
	(pc) =	sbr.rel @!p0 .LBB2_5-.Ltmp1, $3  }
0x23: {  	_ =	sdelay $0x1  }
0x24: {  	[sflag:s13] =	ssyncset.done $0x0  }
0x25: {  	[sflag:s13] =	ssyncadd.s32 $0xFFFFD800  }
.LBB2_1:
0x26: {  	s5 =	rddreg [dreg:$0x2]  }
0x27: {  	[tilespmem:s2], [sflag:$0x9] =	stream.linear.gather [hbm4b:s5+s2], $0x3E80, $0x38;
	[tilespmem:$0x1C000] =	vst v63  }
0x28: {  	_ =	swait.ge [sflag:s13], $0x3E80  }
0x29: {  	[sflag:s13] =	ssyncset.done $0x0  }
0x2a: {  	s6 =	simm.s32 $0x4000;
	s14 =	rddreg [dreg:$0x3];
	[sflag:s13] =	ssyncadd.s32 $0xFFFFC180  }
0x2b: {  	[tilespmem:s6], [sflag:$0x9] =	stream.linear.gather [hbm4b:s14+s2], $0x3E80, $0x38;
	[tilespmem:$0x1C000] =	vst v63  }
0x2c: {  	_ =	swait.ge [sflag:s13], $0x3E80  }
0x2d: {  	[sflag:s13] =	ssyncset.done $0x0  }
0x2e: {  	[sflag:s13] =	ssyncadd.s32 $0xFFFFC180  }
0x2f: {  	[tilespmem:s16], [sflag:$0x1] =	stream.indirect.gather [hbm4b:s3+s15], $0x80, s2, s15, $0xb8;
	[tilespmem:$0x1C000] =	vst v63  }
0x30: {  	_ = 	snop  }
0x31: {  	[tilespmem:s17], [sflag:$0x1] =	stream.indirect.gather [hbm4b:s4+s15], $0x80, s6, s15, $0xb8;
	[tilespmem:$0x1C000] =	vst v63  }
0x32: {  	s7 =	simm.s32 $0x80  }
0x33: {  	[tilespmem:s19], [sflag:$0x2] =	stream.indirect.gather [hbm4b:s3+s15], $0x80, s7, s15, $0xb8;
	[tilespmem:$0x1C000] =	vst v63  }
0x34: {  	s8 =	simm.s32 $0x4080  }
0x35: {  	[tilespmem:s21], [sflag:$0x2] =	stream.indirect.gather [hbm4b:s4+s15], $0x80, s8, s15, $0xb8;
	[tilespmem:$0x1C000] =	vst v63  }
0x36: {  	s9 =	simm.s32 $0x100  }
0x37: {  	[tilespmem:s23], [sflag:$0x3] =	stream.indirect.gather [hbm4b:s3+s15], $0x80, s9, s15, $0xb8;
	[tilespmem:$0x1C000] =	vst v63  }
0x38: {  	s11 =	simm.s32 $0x4100  }
0x39: {  	[tilespmem:s25], [sflag:$0x3] =	stream.indirect.gather [hbm4b:s4+s15], $0x80, s11, s15, $0xb8;
	[tilespmem:$0x1C000] =	vst v63  }
0x3a: {  	s12 =	simm.s32 $0x180;
	s14 =	simm.s32 $0x4180  }
0x3b: {  	[tilespmem:s28], [sflag:$0x4] =	stream.indirect.gather [hbm4b:s3+s15], $0x80, s12, s15, $0xb8;
	[tilespmem:$0x1C000] =	vst v63  }
0x3c: {  	s6 =	simm.s32 $0x0;
	s11 =	rddreg [dreg:$0x7];
	s12 =	smov.u32 s29  }
0x3d: {  	[tilespmem:s30], [sflag:$0x4] =	stream.indirect.gather [hbm4b:s4+s15], $0x80, s14, s15, $0xb8;
	[tilespmem:$0x1C000] =	vst v63  }
.LBB2_2:
0x3e: {  	_ =	swait.ge [sflag:s31], $0x2800  }
0x3f: {  	[sflag:s31] =	ssyncset.done $0x0  }
0x40: {  	[sflag:s31] =	ssyncadd.s32 $0xFFFFD800  }
0x41: {  	_ =	swait.ge [sflag:s31], $0x2800  }
0x42: {  	[sflag:s31] =	ssyncset.done $0x0  }
0x43: {  	s7 =	sadd.s32 s11, s10;
	[sflag:s31] =	ssyncadd.s32 $0xFFFFD800  }
0x44: {  	[hbm4b:s7+s2] =	stream.linear.scatter [tilespmem:s16], [sflag:$0x5], $0x2800, $0x38;
	[tilespmem:$0x1C000] =	vst v63  }
0x45: {  	s8 =	sadd.s32 s12, s10  }
0x46: {  	[hbm4b:s8+s2] =	stream.linear.scatter [tilespmem:s17], [sflag:$0x5], $0x2800, $0x38;
	[tilespmem:$0x1C000] =	vst v63  }
0x47: {  	_ =	swait.ge [sflag:s0], $0x2800  }
0x48: {  	[sflag:s0] =	ssyncset.done $0x0  }
0x49: {  	[sflag:s0] =	ssyncadd.s32 $0xFFFFD800  }
0x4a: {  	_ =	swait.ge [sflag:s0], $0x2800  }
0x4b: {  	[sflag:s0] =	ssyncset.done $0x0  }
0x4c: {  	s9 =	sadd.s32 $0x500, s7;
	[sflag:s0] =	ssyncadd.s32 $0xFFFFD800  }
0x4d: {  	[hbm4b:s9+s2] =	stream.linear.scatter [tilespmem:s19], [sflag:$0x6], $0x2800, $0x38;
	[tilespmem:$0x1C000] =	vst v63  }
0x4e: {  	s5 =	sadd.s32 $0x500, s8  }
0x4f: {  	[hbm4b:s5+s2] =	stream.linear.scatter [tilespmem:s21], [sflag:$0x6], $0x2800, $0x38;
	[tilespmem:$0x1C000] =	vst v63  }
0x50: {  	_ =	swait.ge [sflag:s1], $0x2800  }
0x51: {  	[sflag:s1] =	ssyncset.done $0x0  }
0x52: {  	[sflag:s1] =	ssyncadd.s32 $0xFFFFD800  }
0x53: {  	_ =	swait.ge [sflag:s1], $0x2800  }
0x54: {  	[sflag:s1] =	ssyncset.done $0x0  }
0x55: {  	s14 =	sadd.s32 $0xA00, s7;
	[sflag:s1] =	ssyncadd.s32 $0xFFFFD800  }
0x56: {  	[hbm4b:s14+s2] =	stream.linear.scatter [tilespmem:s23], [sflag:$0x7], $0x2800, $0x38;
	[tilespmem:$0x1C000] =	vst v63  }
0x57: {  	s5 =	sadd.s32 $0xA00, s8  }
0x58: {  	[hbm4b:s5+s2] =	stream.linear.scatter [tilespmem:s25], [sflag:$0x7], $0x2800, $0x38;
	[tilespmem:$0x1C000] =	vst v63  }
0x59: {  	_ =	swait.ge [sflag:s18], $0x2800  }
0x5a: {  	[sflag:s18] =	ssyncset.done $0x0  }
0x5b: {  	[sflag:s18] =	ssyncadd.s32 $0xFFFFD800  }
0x5c: {  	_ =	swait.ge [sflag:s18], $0x2800  }
0x5d: {  	[sflag:s18] =	ssyncset.done $0x0  }
0x5e: {  	s7 =	sadd.s32 $0xF00, s7;
	[sflag:s18] =	ssyncadd.s32 $0xFFFFD800  }
0x5f: {  	[hbm4b:s7+s2] =	stream.linear.scatter [tilespmem:s28], [sflag:$0x8], $0x2800, $0x38;
	[tilespmem:$0x1C000] =	vst v63  }
0x60: {  	s8 =	sadd.s32 $0xF00, s8  }
0x61: {  	[hbm4b:s8+s2] =	stream.linear.scatter [tilespmem:s30], [sflag:$0x8], $0x2800, $0x38;
	[tilespmem:$0x1C000] =	vst v63  }
0x62: {  	_ =	swait.ge [sflag:s20], $0x2800  }
0x63: {  	[sflag:s20] =	ssyncset.done $0x0  }
0x64: {  	[sflag:s20] =	ssyncadd.s32 $0xFFFFD800  }
0x65: {  	_ =	swait.ge [sflag:s20], $0x2800  }
0x66: {  	s7 =	sshra.s32 s6, $0x2;
	[sflag:s20] =	ssyncset.done $0x0  }
0x67: {  	s9 =	sadd.s32 $0x200, s7;
	[sflag:s20] =	ssyncadd.s32 $0xFFFFD800  }
0x68: {  	[tilespmem:s16], [sflag:$0x1] =	stream.indirect.gather [hbm4b:s3+s15], $0x80, s9, s15, $0xb8;
	[tilespmem:$0x1C000] =	vst v63  }
0x69: {  	s14 =	sadd.s32 $0x4200, s7  }
0x6a: {  	[tilespmem:s17], [sflag:$0x1] =	stream.indirect.gather [hbm4b:s4+s15], $0x80, s14, s15, $0xb8;
	[tilespmem:$0x1C000] =	vst v63  }
0x6b: {  	_ =	swait.ge [sflag:s22], $0x2800  }
0x6c: {  	[sflag:s22] =	ssyncset.done $0x0  }
0x6d: {  	[sflag:s22] =	ssyncadd.s32 $0xFFFFD800  }
0x6e: {  	_ =	swait.ge [sflag:s22], $0x2800  }
0x6f: {  	p0 =	seq.s32 s6, $0xF000;
	[sflag:s22] =	ssyncset.done $0x0  }
0x70: {  	s8 =	simm.s32 @p0 $0x7;
	[sflag:s22] =	ssyncadd.s32 $0xFFFFD800  }
0x71: {  	_ =	swait.ge @p0 [sflag:s8], $0x2800  }
0x72: {  	[sflag:s8] =	ssyncset.done @p0 $0x0  }
0x73: {  	[sflag:s8] =	ssyncadd.s32 @p0 $0xFFFFD800  }
0x74: {  	_ =	swait.ge @p0 [sflag:s8], $0x2800  }
0x75: {  	[sflag:s8] =	ssyncset.done @p0 $0x0  }
0x76: {  	[sflag:s8] =	ssyncadd.s32 @p0 $0xFFFFD800;
	s8 =	sshra.s32 @!p0 s6, $0x2  }
0x77: {  	s5 =	simm.s32 @!p0 $0xA800;
	s14 =	simm.s32 @!p0 $0x50;
	s9 =	sadd.s32 @!p0 $0x280, s8  }
0x78: {  	[tilespmem:s5], [sflag:$0x2] =	stream.indirect.gather @!p0 [hbm4b:s3+s14], $0x80, s9, s14, $0xb8;
	[tilespmem:$0x1C000] =	vst v63  }
0x79: {  	s5 =	sadd.s32 @!p0 $0x4280, s8;
	s9 =	simm.s32 @!p0 $0x14800  }
0x7a: {  	[tilespmem:s9], [sflag:$0x2] =	stream.indirect.gather @!p0 [hbm4b:s4+s14], $0x80, s5, s14, $0xb8;
	[tilespmem:$0x1C000] =	vst v63  }
0x7b: {  	s5 =	simm.s32 @!p0 $0x7  }
0x7c: {  	_ =	swait.ge @!p0 [sflag:s5], $0x2800  }
0x7d: {  	[sflag:s5] =	ssyncset.done @!p0 $0x0  }
0x7e: {  	[sflag:s5] =	ssyncadd.s32 @!p0 $0xFFFFD800  }
0x7f: {  	_ =	swait.ge @!p0 [sflag:s5], $0x2800  }
0x80: {  	[sflag:s5] =	ssyncset.done @!p0 $0x0  }
0x81: {  	s9 =	simm.s32 @!p0 $0xD000;
	[sflag:s5] =	ssyncadd.s32 @!p0 $0xFFFFD800;
	s5 =	sadd.s32 @!p0 $0x300, s8  }
0x82: {  	[tilespmem:s9], [sflag:$0x3] =	stream.indirect.gather @!p0 [hbm4b:s3+s14], $0x80, s5, s14, $0xb8;
	[tilespmem:$0x1C000] =	vst v63  }
0x83: {  	s5 =	sadd.s32 @!p0 $0x4300, s8;
	s8 =	simm.s32 @!p0 $0x17000  }
0x84: {  	[tilespmem:s8], [sflag:$0x3] =	stream.indirect.gather @!p0 [hbm4b:s4+s14], $0x80, s5, s14, $0xb8;
	[tilespmem:$0x1C000] =	vst v63  }
0x85: {  	_ =	swait.ge [sflag:s24], $0x2800  }
.Ltmp2:
0x86: {  	[sflag:s24] =	ssyncset.done $0x0;
	(pc) =	sbr.rel @p0 .LBB2_4-.Ltmp2, $4  }
0x87: {  	[sflag:s24] =	ssyncadd.s32 $0xFFFFD800  }
0x88: {  	_ =	swait.ge [sflag:s24], $0x2800  }
0x89: {  	[sflag:s24] =	ssyncset.done $0x0  }
0x8a: {  	[sflag:s24] =	ssyncadd.s32 $0xFFFFD800  }
.Ltmp3:
0x8b: {  	(pc) =	sbr.rel .LBB2_2-.Ltmp3, $4  }
0x8c: {  	s5 =	sadd.s32 $0x380, s7;
	s14 =	sadd.s32 $0x4380, s7  }
0x8d: {  	[tilespmem:s28], [sflag:$0x4] =	stream.indirect.gather [hbm4b:s3+s15], $0x80, s5, s15, $0xb8;
	[tilespmem:$0x1C000] =	vst v63  }
0x8e: {  	s6 =	sadd.s32 $0x800, s6;
	s11 =	sadd.s32 $0x1400, s11;
	s12 =	sadd.s32 $0x1400, s12  }
0x8f: {  	[tilespmem:s30], [sflag:$0x4] =	stream.indirect.gather [hbm4b:s4+s15], $0x80, s14, s15, $0xb8;
	[tilespmem:$0x1C000] =	vst v63  }
.LBB2_5:
0x90: {  	_ =	sfence.sel $0x180000  }
0x91: {  	[bflag:$0x0] =	sbarrier.arrive $0xFFFF  }
0x92: {  	_ =	strace $0x90000059  }
0x93: {  	s0 =	stileid.u32;
	[bflag:$0x2] =	sbarrier.arrive $0xFFFF  }
0x94: {  	p0 =	sne.s32 s0, $0x0;
	s0 =	rddreg [dreg:$0x1]  }
0x95: {  	s0 =	sadd.s32 @!p0 $0x100000, s0  }
0x96: {  	[sflag:s0] =	ssyncadd.tile.s32 @!p0 $0x1;
	_ =	shalt  }
.Lfunc_end2:
_tile_overlayer_lowered:
.L_overlay_start_2:
0x97: {  	(tag) =	ssettag $0x2  }
0x98: {  	s0 =	rddreg [dreg:$0x0];
	s2 =	stileid.u32  }
0x99: {  	s1 =	rddreg [dreg:$0x1];
	p0 =	sne.s32 s2, $0x0  }
0x9a: {  	s3 =	rddreg [dreg:$0x2];
	[bflag:$0x3] =	sbarrier.arrive $0xFFFF;
	s2 =	simm.s32 @!p0 $0x1C09  }
0x9b: {  	[timem:s3], [sflag:s2] =	dma.local @!p0 [hbm:s0], s1  }
0x9c: {  	s0 =	simm.s32 @!p0 $0x9  }
0x9d: {  	_ =	swait.ge @!p0 [sflag:s0], s1  }
0x9e: {  	s1 =	ssub.s32 @!p0 $0x0, s1;
	[sflag:s0] =	ssyncset.done @!p0 $0x0  }
0x9f: {  	[sflag:s0] =	ssyncadd.s32 @!p0 s1  }
0xa0: {  	[bflag:$0x3] =	sbarrier.arrive $0xFFFF  }
0xa1: {  	_ =	shalt  }

// kernel: kernel.46.cloned.1.call-start
scs
__scs_entry_jumppad:
0x0: {  	(pc) =	sbr.rel $0x88, $3  }
0x1: {  	(tag) =	ssettag $0x0;
	lr =	simm.s32 $0x1  }
0x2: {  	[smem:$0x3F8A] =	sst lr;
	_ =	strace $0xD0000000  }
0x3: {  	_ = 	snop  }
0x4: {  	_ = 	snop  }
0x5: {  	_ = 	snop  }
0x6: {  	_ = 	snop  }
0x7: {  	_ = 	snop  }
__scs_overlays_trampoline_lowered:
0x8: {  	[smem:$0x3F99] =	sst s0  }
0x9: {  	[smem:$0x3F9A] =	sst s1  }
0xa: {  	[smem:$0x3F9B] =	sst s2  }
0xb: {  	[smem:$0x3F9C] =	sst s3  }
0xc: {  	[smem:$0x3F9D] =	sst s4  }
0xd: {  	[smem:$0x3F9E] =	sst s5  }
0xe: {  	[smem:$0x3F9F] =	sst s6  }
0xf: {  	[smem:$0x3FA0] =	sst s7  }
0x10: {  	[smem:$0x3FA1] =	sst s8  }
0x11: {  	[smem:$0x3FA2] =	sst s9;
	s0 =	simm.s32 @!p0 $0x0  }
0x12: {  	s1 =	sld [smem:$0x3F88];
	s0 =	simm.s32 @p0 $0x1  }
0x13: {  	[smem:$0x3FA3] =	sst s0;
	s0 =	simm.s32 @!p1 $0x0  }
0x14: {  	s2 =	sld [smem:$0x3F87];
	s0 =	simm.s32 @p1 $0x1  }
0x15: {  	[smem:$0x3FA4] =	sst s0;
	s0 =	simm.s32 @!p2 $0x0  }
0x16: {  	s3 =	sld [smem:$0x3FDB];
	s0 =	simm.s32 @p2 $0x1  }
0x17: {  	s4 =	simm.s32 $0x1BF5;
	[smem:$0x3FA6] =	sst s0  }
0x18: {  	s0 =	sld [smem:$0x3F89];
	_ =	swait.ge [sflag:s4], $0x0  }
0x19: {  	s7 =	sld [smem:$0x3F8A]  }
0x1a: {  	s8 =	sadd.s32 $0xFFFFE003, lr  }
0x1b: {  	s9 =	sadd.s32 $0xFFFFFEF7, lr;
	s5 =	simm.s32 $0xFFFFFFFF;
	p2 =	slt.u32 s8, $0xFFFFF086  }
0x1c: {  	p1 =	slt.u32 s9, $0xF7A;
	s5 =	simm.s32 @!p2 $0x0  }
0x1d: {  	s5 =	simm.s32 @p1 $0x1;
	p0 =	seq.s32 s7, s2  }
0x1e: {  	s7 =	smul.u32 @!p0 $0xF7A, s2;
	p2 =	seq.s32 @!p0 s5, $0x0  }
0x1f: {  	s9 =	smul.u32 $0xF7A, s1;
	s8 =	simm.s32 @!p0 $0x1BF5;
	p2 =	por !p2, p0  }
0x20: {  	[sflag:s8] =	ssyncset.s32 @!p0 $0xFFFFF086;
	s6 =	sadd.s32 @!p0 s3, s7;
	s7 =	simm.s32 @!p0 $0x108  }
0x21: {  	s3 =	sadd.s32 s3, s9;
	s6 =	sadd.s32 @!p0 $0x88, s6;
	s7 =	simm.s32 @p2 $0x1082  }
0x22: {  	[simem:s7], [sflag:s8] =	dma.local @!p0 [hbm:s6], $0xF7A  }
0x23: {  	s9 =	sor.u32 $0xD0000000, s2;
	s6 =	simm.s32 $0x108;
	_ =	swait.ge @!p0 [sflag:s8], $0x0  }
0x24: {  	s3 =	sadd.s32 $0x88, s3;
	s6 =	simm.s32 @!p1 $0x1082;
	[sflag:s4] =	ssyncset.s32 $0xFFFFF086  }
0x25: {  	[simem:s6], [sflag:s4] =	dma.local [hbm:s3], $0xF7A  }
0x26: {  	[smem:$0x3F8A] =	sst s1;
	(tag) =	ssettag s2;
	_ =	strace s9  }
0x27: {  	s1 =	sld [smem:$0x3F9A]  }
0x28: {  	s2 =	sld [smem:$0x3F9B]  }
0x29: {  	s4 =	sld [smem:$0x3F9D]  }
0x2a: {  	p0 =	seq.s32 s5, $0x0;
	s5 =	sld [smem:$0x3F9E]  }
0x2b: {  	s6 =	sld [smem:$0x3F9F]  }
0x2c: {  	s7 =	sld [smem:$0x3FA0]  }
0x2d: {  	s3 =	simm.s32 $0x108;
	s8 =	sld [smem:$0x3FA1]  }
0x2e: {  	s3 =	simm.s32 @!p0 $0x1082;
	s9 =	sld [smem:$0x3FA2]  }
0x2f: {  	lr =	sadd.s32 s0, s3;
	s0 =	sld [smem:$0x3F99]  }
0x30: {  	s3 =	sld [smem:$0x3F9C]  }
0x31: {  	[smem:$0x3FA5] =	sst s10  }
0x32: {  	s10 =	sld [smem:$0x3FA3];
	_ =	sdelay $0x3  }
0x33: {  	p0 =	seq.s32 s10, $0x1;
	s10 =	sld [smem:$0x3FA5];
	_ =	sdelay $0x3  }
0x34: {  	[smem:$0x3FA5] =	sst s10  }
0x35: {  	s10 =	sld [smem:$0x3FA4];
	_ =	sdelay $0x3  }
0x36: {  	p1 =	seq.s32 s10, $0x1;
	s10 =	sld [smem:$0x3FA5];
	_ =	sdelay $0x3  }
0x37: {  	[smem:$0x3FA5] =	sst s10  }
0x38: {  	s10 =	sld [smem:$0x3FA6]  }
0x39: {  	_ = 	snop;
	(pc) =	sbr.ind lr, $3  }
0x3a: {  	_ = 	snop  }
0x3b: {  	_ = 	snop  }
0x3c: {  	p2 =	seq.s32 s10, $0x1;
	s10 =	sld [smem:$0x3FA5]  }
0x3d: {  	_ =	shalt  }
0x3e: {  	_ =	shalt  }
0x3f: {  	_ =	shalt  }
0x40: {  	_ =	shalt  }
0x41: {  	_ =	shalt  }
0x42: {  	_ =	shalt  }
0x43: {  	_ =	shalt  }
0x44: {  	_ =	shalt  }
0x45: {  	_ =	shalt  }
0x46: {  	_ =	shalt  }
0x47: {  	_ =	shalt  }
0x48: {  	_ =	shalt  }
0x49: {  	_ =	shalt  }
0x4a: {  	_ =	shalt  }
0x4b: {  	_ =	shalt  }
0x4c: {  	_ =	shalt  }
0x4d: {  	_ =	shalt  }
0x4e: {  	_ =	shalt  }
0x4f: {  	_ =	shalt  }
0x50: {  	_ =	shalt  }
0x51: {  	_ =	shalt  }
0x52: {  	_ =	shalt  }
0x53: {  	_ =	shalt  }
0x54: {  	_ =	shalt  }
0x55: {  	_ =	shalt  }
0x56: {  	_ =	shalt  }
0x57: {  	_ =	shalt  }
0x58: {  	_ =	shalt  }
0x59: {  	_ =	shalt  }
0x5a: {  	_ =	shalt  }
0x5b: {  	_ =	shalt  }
0x5c: {  	_ =	shalt  }
0x5d: {  	_ =	shalt  }
0x5e: {  	_ =	shalt  }
0x5f: {  	_ =	shalt  }
0x60: {  	_ =	shalt  }
0x61: {  	_ =	shalt  }
0x62: {  	_ =	shalt  }
0x63: {  	_ =	shalt  }
0x64: {  	_ =	shalt  }
0x65: {  	_ =	shalt  }
0x66: {  	_ =	shalt  }
0x67: {  	_ =	shalt  }
0x68: {  	_ =	shalt  }
0x69: {  	_ =	shalt  }
0x6a: {  	_ =	shalt  }
0x6b: {  	_ =	shalt  }
0x6c: {  	_ =	shalt  }
0x6d: {  	_ =	shalt  }
0x6e: {  	_ =	shalt  }
0x6f: {  	_ =	shalt  }
0x70: {  	_ =	shalt  }
0x71: {  	_ =	shalt  }
0x72: {  	_ =	shalt  }
0x73: {  	_ =	shalt  }
0x74: {  	_ =	shalt  }
0x75: {  	_ =	shalt  }
0x76: {  	_ =	shalt  }
0x77: {  	_ =	shalt  }
0x78: {  	_ =	shalt  }
0x79: {  	_ =	shalt  }
0x7a: {  	_ =	shalt  }
0x7b: {  	_ =	shalt  }
0x7c: {  	_ =	shalt  }
0x7d: {  	_ =	shalt  }
0x7e: {  	_ =	shalt  }
0x7f: {  	_ =	shalt  }
0x80: {  	_ =	shalt  }
0x81: {  	_ =	shalt  }
0x82: {  	_ =	shalt  }
0x83: {  	_ =	shalt  }
0x84: {  	_ =	shalt  }
0x85: {  	_ =	shalt  }
0x86: {  	_ =	shalt  }
0x87: {  	_ =	shalt  }
.Lfunc_end0:
.L_simem_size_0:
called_computation.7_lowered:
.L_overlay_start_0:
0x88: {  	s2 =	sld [smem:$0x3FD9]  }
0x89: {  	s3 =	sld [smem:$0x3FFE];
	_ =	sdelay $0x1  }
0x8a: {  	s1 =	srdreg.scid  }
0x8b: {  	s0 =	sand.u32 $0x1, s1  }
0x8c: {  	s16 =	sshll.u32 s0, $0xA;
	s2 =	sadd.s32 s3, s2  }
0x8d: {  	s2 =	sadd.s32 s2, s16  }
0x8e: {  	[smem:$0x3FB1] =	sst s2  }
0x8f: {  	_ = 	snop  }
0x90: {  	(tm) =	ssettm $0x1  }
0x91: {  	s17 =	sld [smem:$0x3FFB];
	_ =	sdelay $0x3  }
0x92: {  	_ =	strace s17  }
0x93: {  	s2 =	sld [smem:$0x3FFC];
	_ =	sdelay $0x3  }
0x94: {  	_ =	strace s2  }
0x95: {  	s2 =	sld [smem:$0x3FFD];
	_ =	sdelay $0x3  }
0x96: {  	_ =	strace s2  }
0x97: {  	_ =	strace $0x8FFFFFFF  }
0x98: {  	s18 =	sld [smem:$0x3FDB];
	_ =	sdelay $0x1  }
0x99: {  	s19 =	simm.s32 $_scs_section_size  }
0x9a: {  	s4 =	simm.s32 $_size__tile_overlayer_lowered;
	s5 =	simm.s32 $_tile_overlayer_lowered  }
0x9b: {  	s22 =	simm.s32 $0x1BFF;
	s21 =	sshll.u32 s5, $0x1;
	s2 =	sadd.s32 s19, s18  }
0x9c: {  	s6 =	simm.s32 $0x0;
	s20 =	sshll.u32 s4, $0x1;
	s4 =	sadd.s32 s21, s2  }
0x9d: {  	[timem:s6], [sflag:s22] =	dma.local [hbm:s4], s20  }
0x9e: {  	_ =	swait.ge [sflag:s22], s20  }
0x9f: {  	s3 =	ssub.s32 $0x0, s20;
	[sflag:s22] =	ssyncset.done $0x0  }
0xa0: {  	[sflag:s22] =	ssyncadd.s32 s3;
	_ =	sdelay $0x1  }
0xa1: {  	s23 =	simm.s32 $0x1B8B  }
0xa2: {  	_ =	swait.ge [sflag:s23], $0x1  }
0xa3: {  	[sflag:s23] =	ssyncset.done $0x0  }
0xa4: {  	s25 =	simm.s32 $0x1B8E;
	s24 =	sld [smem:$0x3FFE];
	[sflag:s23] =	ssyncadd.s32 $0xFFFFFFFF  }
0xa5: {  	s26 =	simm.s32 $execute0_lowered;
	[smem:$0x3FD2] =	sst s25  }
0xa6: {  	s4 =	sshll.u32 s26, $0x1;
	_ =	strace $0x8000005B;
	[dreg:$0x1] =	wrdreg $0xFFFFFFFF  }
0xa7: {  	s28 =	simm.s32 $_size_execute0_lowered;
	s2 =	sadd.s32 s2, s4;
	[dreg:$0x0] =	wrdreg $0x0  }
0xa8: {  	s4 =	sshll.u32 s28, $0x1;
	[dreg:$0x2] =	wrdreg s2  }
0xa9: {  	[dreg:$0x3] =	wrdreg s4  }
0xaa: {  	[dreg:$0x4] =	wrdreg $0xC0  }
0xab: {  	_ =	task [dreg:s6], $0x5FFFF  }
0xac: {  	[dreg:$0x1] =	wrdreg $0xFFFFFFFF  }
0xad: {  	[dreg:$0x0] =	wrdreg $0x60  }
0xae: {  	[dreg:$0x2] =	wrdreg s24  }
0xaf: {  	[dreg:$0x3] =	wrdreg $0x90000  }
0xb0: {  	[dreg:$0x4] =	wrdreg $0x9  }
0xb1: {  	_ =	task.clear_ibuf [dreg:s6], $0x5FFFF;
	_ =	strace $0x9000005B  }
0xb2: {  	s29 =	simm.s32 $0x9;
	_ =	strace $0x8000005D  }
0xb3: {  	_ =	swait.ge [sflag:s29], $0x1  }
0xb4: {  	[sflag:s29] =	ssyncadd.s32 $0xFFFFFFFF  }
0xb5: {  	_ =	strace $0x9000005D  }
0xb6: {  	_ =	sfence  }
0xb7: {  	s30 =	sld [smem:$0x0];
	_ =	sdelay $0x2  }
0xb8: {  	s31 =	sshll.u32 s1, $0xD;
	s1 =	sshrl.u32 s1, $0x2  }
0xb9: {  	s3 =	sand.u32 $0x4000, s31;
	s1 =	sadd.s32 s1, s30  }
0xba: {  	s0 =	sor.u32 s3, s0;
	s1 =	sshll.u32 s1, $0x11  }
0xbb: {  	s0 =	sor.u32 s1, s0  }
0xbc: {  	s0 =	sadd.s32 $0x8F2B, s0  }
0xbd: {  	[sflag:s0] =	ssyncadd.remote.s32 $0x1  }
0xbe: {  	_ =	sfence.sel $0xFFFF  }
0xbf: {  	[dreg:$0x0] =	wrdreg $0xFFFFFFFF;
	(pc) =	sbr.abs _section_cstart, $3  }
0xc0: {  	[dreg:$0x1] =	wrdreg $0xFFFFFFFF  }
0xc1: {  	_ =	task.clear_ibuf [dreg:s6], $0x2FFFF;
	_ =	strace $0x9FFFFFFF  }
0xc2: {  	(tm) =	ssettm $0x7FFFFFFF  }
0xc3: {  	_ =	shalt  }
tec
execute0_lowered:
.L_overlay_start_1:
0x0: {  	(tag) =	ssettag $0x1  }
0x1: {  	s5 =	rddreg [dreg:$0x0]  }
0x2: {  	s1 =	rddreg [dreg:$0x1]  }
0x3: {  	s0 =	rddreg [dreg:$0x2];
	s2 =	simm.s32 $0x0;
	s4 =	srdreg.scid  }
0x4: {  	s3 =	stileid.u32;
	s16 =	simm.s32 $0x6800;
	s17 =	simm.s32 $0x1  }
0x5: {  	s18 =	simm.s32 $0x50;
	s19 =	simm.s32 $0x2;
	s20 =	simm.s32 $0x3D00  }
0x6: {  	[smem:$0x7FF] =	sst s2;
	s6 =	sand.u32 $0x1, s4;
	s13 =	smul.u32 $0x4E000, s3  }
0x7: {  	s21 =	sshll.u32 s3, $0x1;
	s11 =	sadd.s32 $0x517A00, s5;
	s23 =	smul.u32 $0x2700, s3  }
0x8: {  	s14 =	sadd.s32 $0x9F9A00, s5;
	s30 =	smul.u32 $0x4E200, s3;
	p0 =	sne.s32 s3, $0x0  }
0x9: {  	p1 =	seq.s32 s3, $0xF;
	_ =	strace $0x8000005C;
	s15 =	smul.u32 $0x27100, s6  }
0xa: {  	s4 =	sor.u32 s6, s21;
	s9 =	ssub.s32 $0x2, s6;
	s26 =	smul.u32 $0x138800, s6  }
0xb: {  	s21 =	simm.s32 $0x3D80;
	s7 =	sshll.u32 s4, $0xB;
	s8 =	smul.u32 $0x27100, s4  }
0xc: {  	s10 =	smul.u32 $0x138800, s4;
	s4 =	sadd.s32 $0xA48A00, s5;
	s12 =	sshrl.u32 s9, $0x1  }
0xd: {  	s25 =	sshrl.u32 s13, $0x2;
	s31 =	sadd.s32 s30, s11;
	s13 =	sshrl.u32 @!p0 s1, $0x3  }
0xe: {  	s7 =	sadd.s32 s7, s5;
	s12 =	ssub.s32 s9, s12;
	s24 =	sadd.s32 s25, s1  }
0xf: {  	s28 =	sadd.s32 s23, s15;
	s29 =	sshrl.u32 s26, $0x3;
	s23 =	sadd.s32 $0x124800, s1  }
0x10: {  	s25 =	simm.s32 $0x0;
	s5 =	sadd.s32 $0xEA00, s7;
	s22 =	sshrl.u32 s10, $0x3  }
0x11: {  	s6 =	sadd.s32 s11, s8;
	s8 =	sadd.s32 s14, s28;
	s9 =	sadd.s32 s14, s29  }
0x12: {  	s10 =	smax.u32 s12, $0x1;
	s12 =	sadd.s32 s15, s31;
	s14 =	simm.s32 $0x3  }
0x13: {  	s15 =	simm.s32 $0x4000;
	s23 =	sshrl.u32 @p1 s23, $0x3;
	s24 =	sshrl.u32 @!p1 s24, $0x3  }
0x14: {  	s7 =	sadd.s32 s11, s22;
	s9 =	sadd.s32 $0x24900, s9;
	s11 =	sadd.s32 $0x26C00, s6  }
0x15: {  	s12 =	sadd.s32 $0xF00, s12;
	s22 =	simm.s32 $0x3E00;
	s7 =	sadd.s32 $0x500, s7  }
.LBB2_1:
0x16: {  	s26 =	simm.s32 @!p0 $0x1C03  }
0x17: {  	[spmem:s13], [sflag:s26] =	dma.local @!p0 [hbm:s4], $0x27100  }
0x18: {  	s26 =	simm.s32 @!p0 $0x3  }
0x19: {  	_ =	swait.ge @!p0 [sflag:s26], $0x27100  }
0x1a: {  	[sflag:s26] =	ssyncset.done @!p0 $0x0  }
0x1b: {  	[sflag:s26] =	ssyncadd.s32 @!p0 $0xFFFD8F00  }
0x1c: {  	[tilespmem:s2], [sflag:$0x3] =	stream.linear.gather [hbm4b:s5+s2], $0x3E80, $0x38;
	[tilespmem:$0x1C880] =	vst v63  }
0x1d: {  	_ =	swait.ge [sflag:s14], $0x3E80  }
0x1e: {  	[sflag:s14] =	ssyncset.done $0x0  }
0x1f: {  	[sflag:s14] =	ssyncadd.s32 $0xFFFFC180  }
0x20: {  	[bflag:$0x0] =	sbarrier.arrive $0xFFFF  }
0x21: {  	[tilespmem:s15], [sflag:$0x1] =	stream.linear.gather [hbm4b:s6+s2], $0x2800, $0x38;
	[tilespmem:$0x1C880] =	vst v63  }
0x22: {  	_ = 	snop  }
0x23: {  	[tilespmem:s16], [sflag:$0x2] =	stream.linear.gather [hbm4b:s7+s2], $0x2800, $0x38;
	[tilespmem:$0x1C880] =	vst v63  }
0x24: {  	_ =	swait.ge [sflag:s17], $0x2800  }
0x25: {  	[sflag:s17] =	ssyncset.done $0x0  }
0x26: {  	s31 =	simm.s32 $0x0;
	[sflag:s17] =	ssyncadd.s32 $0xFFFFD800  }
0x27: {  	[spmem:s1] =	stream.indirect.scatter.add.f32 [tilespmem:s15], [sflag:$0x3], $0x80, s31, s18, $0xb8;
	[tilespmem:$0x1C880] =	vst v63  }
0x28: {  	_ =	swait.ge [sflag:s14], $0x2800  }
0x29: {  	[sflag:s14] =	ssyncset.done $0x0  }
0x2a: {  	s30 =	sadd.s32 $0xFFFFFB00, s12;
	[sflag:s14] =	ssyncadd.s32 $0xFFFFD800  }
0x2b: {  	[tilespmem:s15], [sflag:$0x1] =	stream.linear.gather [hbm4b:s30+s2], $0x2800, $0x38;
	[tilespmem:$0x1C880] =	vst v63  }
0x2c: {  	_ =	swait.ge [sflag:s19], $0x2800  }
0x2d: {  	[sflag:s19] =	ssyncset.done $0x0  }
0x2e: {  	s31 =	simm.s32 $0x80;
	[sflag:s19] =	ssyncadd.s32 $0xFFFFD800  }
0x2f: {  	[spmem:s1] =	stream.indirect.scatter.add.f32 [tilespmem:s16], [sflag:$0x3], $0x80, s31, s18, $0xb8;
	[tilespmem:$0x1C880] =	vst v63  }
0x30: {  	_ =	swait.ge [sflag:s14], $0x2800  }
0x31: {  	s28 =	sadd.s32 $0xA00, s12;
	[sflag:s14] =	ssyncset.done $0x0  }
0x32: {  	s29 =	smov.u32 s12;
	s26 =	simm.s32 $0x400;
	[sflag:s14] =	ssyncadd.s32 $0xFFFFD800  }
.LBB2_2:
0x33: {  	[tilespmem:s16], [sflag:$0x2] =	stream.linear.gather [hbm4b:s29+s2], $0x2800, $0x38;
	[tilespmem:$0x1C880] =	vst v63  }
0x34: {  	s30 =	smov.u32 s26;
	s29 =	smov.u32 s28  }
0x35: {  	p2 =	sne.s32 s26, $0xF000;
	s26 =	sadd.s32 $0x400, s26;
	_ =	swait.ge [sflag:s17], $0x2800  }
0x36: {  	[sflag:s17] =	ssyncset.done $0x0  }
0x37: {  	s30 =	sshra.s32 s30, $0x2;
	[sflag:s17] =	ssyncadd.s32 $0xFFFFD800  }
0x38: {  	[spmem:s1] =	stream.indirect.scatter.add.f32 [tilespmem:s15], [sflag:$0x3], $0x80, s30, s18, $0xb8;
	[tilespmem:$0x1C880] =	vst v63  }
0x39: {  	_ =	swait.ge [sflag:s14], $0x2800  }
0x3a: {  	[sflag:s14] =	ssyncset.done $0x0  }
0x3b: {  	s31 =	sadd.s32 $0xFFFFFB00, s28;
	[sflag:s14] =	ssyncadd.s32 $0xFFFFD800  }
0x3c: {  	[tilespmem:s15], [sflag:$0x1] =	stream.linear.gather [hbm4b:s31+s2], $0x2800, $0x38;
	[tilespmem:$0x1C880] =	vst v63  }
0x3d: {  	_ =	swait.ge [sflag:s19], $0x2800  }
0x3e: {  	[sflag:s19] =	ssyncset.done $0x0  }
.Ltmp0:
0x3f: {  	s30 =	sadd.s32 $0x80, s30;
	[sflag:s19] =	ssyncadd.s32 $0xFFFFD800;
	(pc) =	sbr.rel @p2 .LBB2_2-.Ltmp0, $4  }
0x40: {  	[spmem:s1] =	stream.indirect.scatter.add.f32 [tilespmem:s16], [sflag:$0x3], $0x80, s30, s18, $0xb8;
	[tilespmem:$0x1C880] =	vst v63  }
0x41: {  	_ =	swait.ge [sflag:s14], $0x2800  }
0x42: {  	[sflag:s14] =	ssyncset.done $0x0  }
0x43: {  	s28 =	sadd.s32 $0xA00, s28;
	[sflag:s14] =	ssyncadd.s32 $0xFFFFD800  }
0x44: {  	[tilespmem:s16], [sflag:$0x2] =	stream.linear.gather [hbm4b:s29+s2], $0x2800, $0x38;
	[tilespmem:$0x1C880] =	vst v63  }
0x45: {  	_ =	swait.ge [sflag:s17], $0x2800  }
0x46: {  	[sflag:s17] =	ssyncset.done $0x0  }
0x47: {  	[sflag:s17] =	ssyncadd.s32 $0xFFFFD800  }
0x48: {  	[spmem:s1] =	stream.indirect.scatter.add.f32 [tilespmem:s15], [sflag:$0x3], $0x80, s20, s18, $0xb8;
	[tilespmem:$0x1C880] =	vst v63  }
0x49: {  	_ =	swait.ge [sflag:s14], $0x2800  }
0x4a: {  	[sflag:s14] =	ssyncset.done $0x0  }
0x4b: {  	[sflag:s14] =	ssyncadd.s32 $0xFFFFD800  }
0x4c: {  	[tilespmem:s15], [sflag:$0x1] =	stream.linear.gather [hbm4b:s11+s2], $0x2800, $0x38;
	[tilespmem:$0x1C880] =	vst v63  }
0x4d: {  	_ =	swait.ge [sflag:s19], $0x2800  }
0x4e: {  	[sflag:s19] =	ssyncset.done $0x0  }
0x4f: {  	[sflag:s19] =	ssyncadd.s32 $0xFFFFD800  }
0x50: {  	[spmem:s1] =	stream.indirect.scatter.add.f32 [tilespmem:s16], [sflag:$0x3], $0x80, s21, s18, $0xb8;
	[tilespmem:$0x1C880] =	vst v63  }
0x51: {  	_ =	swait.ge [sflag:s14], $0x2800  }
0x52: {  	[sflag:s14] =	ssyncset.done $0x0  }
0x53: {  	[sflag:s14] =	ssyncadd.s32 $0xFFFFD800  }
0x54: {  	_ =	swait.ge [sflag:s17], $0x2800  }
0x55: {  	[sflag:s17] =	ssyncset.done $0x0  }
0x56: {  	[sflag:s17] =	ssyncadd.s32 $0xFFFFD800  }
0x57: {  	[spmem:s1] =	stream.indirect.scatter.add.f32 [tilespmem:s15], [sflag:$0x3], $0x80, s22, s18, $0xb8;
	[tilespmem:$0x1C880] =	vst v63  }
0x58: {  	_ =	swait.ge [sflag:s14], $0x2800  }
0x59: {  	[sflag:s14] =	ssyncset.done $0x0  }
0x5a: {  	[sflag:s14] =	ssyncadd.s32 $0xFFFFD800  }
0x5b: {  	s26 =	simm.s32 @p1 $0x1FC3;
	[bflag:$0x0] =	sbarrier.arrive $0xFFFF  }
0x5c: {  	[hbm:s9], [sflag:s26] =	dma.local @p1 [spmem:s23], $0x2800  }
0x5d: {  	s26 =	simm.s32 @p1 $0x3  }
0x5e: {  	_ =	swait.ge @p1 [sflag:s26], $0x2800  }
0x5f: {  	s28 =	sshll.u32 @!p1 s3, $0x6;
	s25 =	sadd.s32 $0x1, s25;
	[sflag:s26] =	ssyncset.done @p1 $0x0  }
0x60: {  	p2 =	sne.s32 s25, s10;
	[sflag:s26] =	ssyncadd.s32 @p1 $0xFFFFD800;
	s26 =	sor.u32 @!p1 $0x1C03, s28  }
0x61: {  	[hbm:s8], [sflag:s26] =	dma.local @!p1 [spmem:s24], $0x2700  }
.Ltmp1:
0x62: {  	_ = 	snop;
	(pc) =	sbr.rel @p2 .LBB2_1-.Ltmp1, $4  }
0x63: {  	s26 =	simm.s32 @!p1 $0x3  }
0x64: {  	_ =	swait.ge @!p1 [sflag:s26], $0x2700  }
0x65: {  	[sflag:s26] =	ssyncset.done @!p1 $0x0  }
0x66: {  	[sflag:s26] =	ssyncadd.s32 @!p1 $0xFFFFD900  }
0x67: {  	_ =	sfence.sel $0x180000  }
0x68: {  	[bflag:$0x0] =	sbarrier.arrive $0xFFFF  }
0x69: {  	_ =	strace $0x9000005C  }
0x6a: {  	s0 =	sadd.s32 @!p0 $0x100000, s0;
	[bflag:$0x2] =	sbarrier.arrive $0xFFFF  }
0x6b: {  	[sflag:s0] =	ssyncadd.tile.s32 @!p0 $0x1;
	_ =	shalt  }
.Lfunc_end2:
_tile_overlayer_lowered:
.L_overlay_start_2:
0x6c: {  	(tag) =	ssettag $0x2  }
0x6d: {  	s0 =	rddreg [dreg:$0x0];
	s2 =	stileid.u32  }
0x6e: {  	s1 =	rddreg [dreg:$0x1];
	p0 =	sne.s32 s2, $0x0  }
0x6f: {  	s3 =	rddreg [dreg:$0x2];
	[bflag:$0x3] =	sbarrier.arrive $0xFFFF;
	s2 =	simm.s32 @!p0 $0x1C03  }
0x70: {  	[timem:s3], [sflag:s2] =	dma.local @!p0 [hbm:s0], s1  }
0x71: {  	s0 =	simm.s32 @!p0 $0x3  }
0x72: {  	_ =	swait.ge @!p0 [sflag:s0], s1  }
0x73: {  	s1 =	ssub.s32 @!p0 $0x0, s1;
	[sflag:s0] =	ssyncset.done @!p0 $0x0  }
0x74: {  	[sflag:s0] =	ssyncadd.s32 @!p0 s1  }
0x75: {  	[bflag:$0x3] =	sbarrier.arrive $0xFFFF  }
0x76: {  	_ =	shalt  }

</sc_bundles>
